<compile_context>
chip_gen: v7x
topology: tpu7x:2x2x1
jax: 0.10.2.dev20260603
libtpu: 0.0.44.dev20260713+nightly
codegen_flags: <defaults>
</compile_context>

<pallas_src>
import functools

import jax
import jax.numpy as jnp
from jax import lax
from jax.experimental import pallas as pl
from jax.experimental.pallas import tpu as pltpu
from jax.experimental.pallas import tpu_sc as plsc

B = 16384
W = 1000
WP = 1024
NS = 16
CHUNK = B // NS
ROWS = CHUNK // 128
L = 16


def _sc_loss(inp_hbm, tgt_hbm, hneg_hbm, out_hbm,
             tgt_v, idx_v, picked_v, ones_v,
             zeros_v, hloc_v, sloc_v, nloc_v, out_v,
             h_s, s_s, sem_g, sem_a):
    wid = lax.axis_index("s")
    iota = lax.iota(jnp.int32, L)
    fzero = jnp.zeros((L,), jnp.float32)
    fone = jnp.ones((L,), jnp.float32)

    @pl.when(wid == 0)
    def _zero_shared():
        for j in range(WP // L):
            zeros_v[pl.ds(j * L, L)] = fzero
        pltpu.sync_copy(zeros_v, h_s)
        pltpu.sync_copy(zeros_v, s_s)
        pltpu.sync_copy(hneg_hbm, nloc_v)

    pltpu.sync_copy(tgt_hbm.at[wid], tgt_v)
    for r in range(ROWS):
        for c in range(128 // L):
            t16 = tgt_v[r, pl.ds(c * L, L)]
            row = wid * CHUNK + r * 128 + c * L + iota
            idx_v[r, pl.ds(c * L, L)] = (
                (t16 >> 3) * (128 * 8 * 128)
                + (row >> 7) * (8 * 128)
                + (t16 & 7) * 128
                + (row & 127)
            )
            ones_v[r, pl.ds(c * L, L)] = fone

    gathers = [
        pltpu.async_copy(inp_hbm.at[idx_v.at[r]], picked_v.at[r],
                         sem_g.at[r])
        for r in range(ROWS)
    ]

    plsc.subcore_barrier()

    adds = [
        pltpu.async_copy(ones_v.at[r], h_s.at[tgt_v.at[r]], sem_a, add=True)
        for r in range(ROWS)
    ]
    for r in range(ROWS):
        gathers[r].wait()
        adds.append(pltpu.async_copy(picked_v.at[r], s_s.at[tgt_v.at[r]],
                                     sem_a, add=True))
    for a in adds:
        a.wait()

    plsc.subcore_barrier()

    @pl.when(wid == 0)
    def _epilogue():
        cp_h = pltpu.async_copy(h_s, hloc_v, sem_g.at[0])
        cp_s = pltpu.async_copy(s_s, sloc_v, sem_a)
        cp_h.wait()
        cp_s.wait()
        num_acc = fzero
        den_acc = fzero
        for j in range(WP // L):
            hh = hloc_v[pl.ds(j * L, L)]
            ss = sloc_v[pl.ds(j * L, L)]
            cc = hh + nloc_v[pl.ds(j * L, L)]
            num_acc = num_acc + cc * ss
            den_acc = den_acc + cc * hh
        num = jnp.broadcast_to(jnp.sum(num_acc), (L,))
        den = jnp.broadcast_to(jnp.sum(den_acc), (L,))
        out_v[...] = -(num / den)
        pltpu.sync_copy(out_v, out_hbm)


@functools.partial(
    pl.kernel,
    out_type=jax.ShapeDtypeStruct((L,), jnp.float32),
    mesh=plsc.VectorSubcoreMesh(core_axis_name="c", subcore_axis_name="s",
                                num_cores=1),
    compiler_params=pltpu.CompilerParams(needs_layout_passes=False),
    scratch_types=[
        pltpu.VMEM((ROWS, 128), jnp.int32),
        pltpu.VMEM((ROWS, 128), jnp.int32),
        pltpu.VMEM((ROWS, 128), jnp.float32),
        pltpu.VMEM((ROWS, 128), jnp.float32),
        pltpu.VMEM((WP,), jnp.float32),
        pltpu.VMEM((WP,), jnp.float32),
        pltpu.VMEM((WP,), jnp.float32),
        pltpu.VMEM((WP,), jnp.float32),
        pltpu.VMEM((L,), jnp.float32),
        pltpu.VMEM_SHARED((WP,), jnp.float32),
        pltpu.VMEM_SHARED((WP,), jnp.float32),
        pltpu.SemaphoreType.DMA((ROWS,)),
        pltpu.SemaphoreType.DMA,
    ],
)
def _negloss_sc(inp_hbm, tgt_hbm, hneg_hbm, out_hbm, *scratch):
    _sc_loss(inp_hbm, tgt_hbm, hneg_hbm, out_hbm, *scratch)


def kernel(input, target, distr):
    num_words = distr.shape[0]
    neg = jax.random.categorical(jax.random.key(42), jnp.log(distr),
                                 shape=(5,))
    hneg = jnp.zeros((WP,), jnp.float32).at[neg].add(1.0)
    inp_flat = input.reshape(128, 128, 125, 8).transpose(2, 0, 3, 1).reshape(-1)
    tgt3 = target.astype(jnp.int32).reshape(NS, ROWS, 128)
    out = _negloss_sc(inp_flat, tgt3, hneg)
    del num_words
    return out[0]

# --- scband reference (transcript-rebuilt; emitter-appended) ---
"""Pipeline reference for scband-negloss-30614526886301 (READ-ONLY COPY).

The authoritative reference and input builder live on the scoring server;
editing this copy changes nothing except your own understanding.
"""

import jax, jax.numpy as jnp
import numpy as np

NUM_WORDS = 1000
BATCH = 16384
NUM_NEG = 5

def setup_inputs(seed: int = 0):
    key = jax.random.key(seed)
    k1, k2 = jax.random.split(key)
    inp = jax.random.normal(k1, (BATCH, NUM_WORDS), dtype=jnp.float32)
    target = jax.random.randint(k2, (BATCH,), 0, NUM_WORDS)
    # buffer from __init__: distr = L2-normalize(freqs ** 0.75); word_freqs are all ones -> uniform
    freqs = jnp.ones((NUM_WORDS,), dtype=jnp.float32)
    d = jnp.power(freqs, 0.75)
    distr = d / jnp.sqrt(jnp.sum(d * d))
    return {"input": inp, "target": target, "distr": distr}

def reference(input, target, distr):
    num_words = distr.shape[0]
    # sample(): weights[w] += 1 for every positive occurrence, then NUM_NEG multinomial draws from distr
    weights = jnp.zeros((num_words,), dtype=jnp.float32)
    weights = weights.at[target].add(1.0)
    skey = jax.random.key(42)
    neg = jax.random.categorical(skey, jnp.log(distr), shape=(NUM_NEG,))
    weights = weights.at[neg].add(1.0)
    # weighted nll_loss with reduction='mean': -sum(w[t_i] * input[i, t_i]) / sum(w[t_i])
    picked = jnp.take_along_axis(input, target[:, None], axis=1)[:, 0]
    w = jnp.take(weights, target, axis=0)
    loss = -jnp.sum(w * picked) / jnp.sum(w)
    return loss

if __name__ == "__main__":
    import jax
    _d = setup_inputs()
    print(jax.jit(kernel)(*tuple(_d.values())))

</pallas_src>

<mosaic_0001>
#map = affine_map<(d0, d1) -> (0)>
#map1 = affine_map<(d0, d1) -> (0, 0, 0)>
module attributes {stable_mosaic.version = 14 : i64} {
  func.func @_negloss_sc(%arg0: i32, %arg1: i32, %arg2: memref<16384000xf32, #tpu.memory_space<hbm>>, %arg3: memref<16x8x128xi32, #tpu.memory_space<hbm>>, %arg4: memref<1024xf32, #tpu.memory_space<hbm>>, %arg5: memref<16xf32, #tpu.memory_space<hbm>>, %arg6: memref<8x128xi32, #tpu.memory_space<vmem>>, %arg7: memref<8x128xi32, #tpu.memory_space<vmem>>, %arg8: memref<8x128xf32, #tpu.memory_space<vmem>>, %arg9: memref<8x128xf32, #tpu.memory_space<vmem>>, %arg10: memref<1024xf32, #tpu.memory_space<vmem>>, %arg11: memref<1024xf32, #tpu.memory_space<vmem>>, %arg12: memref<1024xf32, #tpu.memory_space<vmem>>, %arg13: memref<1024xf32, #tpu.memory_space<vmem>>, %arg14: memref<16xf32, #tpu.memory_space<vmem>>, %arg15: memref<1024xf32, #tpu.memory_space<vmem_shared>>, %arg16: memref<1024xf32, #tpu.memory_space<vmem_shared>>, %arg17: memref<8x!tpu.dma_semaphore, #tpu.memory_space<semaphore_mem>>, %arg18: memref<!tpu.dma_semaphore, #tpu.memory_space<semaphore_mem>>) attributes {dimension_semantics = [#tpu.dimension_semantics<core_parallel>, #tpu.dimension_semantics<subcore_parallel>], iteration_bounds = array<i64: 1, 16>, scalar_prefetch = 0 : i64, scratch_operands = 13 : i64, tpu.core_type = #tpu.core_type<sc_vector_subcore>, window_params = [{transform_indices = #map}, {transform_indices = #map1}, {transform_indices = #map}, {transform_indices = #map}]} {
    %iota3A = tpu.iota {dimensions = array<i32: 0>} : vector<16xi32>
    %broadcast_in_dim3A = arith.constant 0.000000e+00 : f32
    %broadcast_in_dim3A_0 = vector.broadcast %broadcast_in_dim3A : f32 to vector<16xf32>
    %broadcast_in_dim3A_1 = arith.constant 1.000000e+00 : f32
    %broadcast_in_dim3A_2 = vector.broadcast %broadcast_in_dim3A_1 : f32 to vector<16xf32>
    %eq3A = arith.constant 0 : i32
    %eq3A_3 = arith.cmpi eq, %arg1, %eq3A : i32
    %convert_element_type3A = arith.extui %eq3A_3 : i1 to i32
    %cond3A = arith.constant 0 : i32
    %cond3A_4 = arith.cmpi ne, %convert_element_type3A, %cond3A : i32
    scf.if %cond3A_4 {
      %swap3A_3347 = arith.constant 0 : index
      %swap3A_3348 = tpu.vector_load %arg10[%swap3A_3347] {strides = array<i32>} : memref<1024xf32, #tpu.memory_space<vmem>>, vector<16xf32>,
      tpu.vector_store %arg10[%swap3A_3347], %broadcast_in_dim3A_0 {strides = array<i32>} : memref<1024xf32, #tpu.memory_space<vmem>>, vector<16xf32>,
      %swap3A_3349 = arith.constant 16 : index
      %swap3A_3350 = tpu.vector_load %arg10[%swap3A_3349] {strides = array<i32>} : memref<1024xf32, #tpu.memory_space<vmem>>, vector<16xf32>,
      tpu.vector_store %arg10[%swap3A_3349], %broadcast_in_dim3A_0 {strides = array<i32>} : memref<1024xf32, #tpu.memory_space<vmem>>, vector<16xf32>,
      %swap3A_3351 = arith.constant 32 : index
      %swap3A_3352 = tpu.vector_load %arg10[%swap3A_3351] {strides = array<i32>} : memref<1024xf32, #tpu.memory_space<vmem>>, vector<16xf32>,
      tpu.vector_store %arg10[%swap3A_3351], %broadcast_in_dim3A_0 {strides = array<i32>} : memref<1024xf32, #tpu.memory_space<vmem>>, vector<16xf32>,
      %swap3A_3353 = arith.constant 48 : index
      %swap3A_3354 = tpu.vector_load %arg10[%swap3A_3353] {strides = array<i32>} : memref<1024xf32, #tpu.memory_space<vmem>>, vector<16xf32>,
      tpu.vector_store %arg10[%swap3A_3353], %broadcast_in_dim3A_0 {strides = array<i32>} : memref<1024xf32, #tpu.memory_space<vmem>>, vector<16xf32>,
      %swap3A_3355 = arith.constant 64 : index
      %swap3A_3356 = tpu.vector_load %arg10[%swap3A_3355] {strides = array<i32>} : memref<1024xf32, #tpu.memory_space<vmem>>, vector<16xf32>,
      tpu.vector_store %arg10[%swap3A_3355], %broadcast_in_dim3A_0 {strides = array<i32>} : memref<1024xf32, #tpu.memory_space<vmem>>, vector<16xf32>,
      %swap3A_3357 = arith.constant 80 : index
      %swap3A_3358 = tpu.vector_load %arg10[%swap3A_3357] {strides = array<i32>} : memref<1024xf32, #tpu.memory_space<vmem>>, vector<16xf32>,
      tpu.vector_store %arg10[%swap3A_3357], %broadcast_in_dim3A_0 {strides = array<i32>} : memref<1024xf32, #tpu.memory_space<vmem>>, vector<16xf32>,
      %swap3A_3359 = arith.constant 96 : index
      %swap3A_3360 = tpu.vector_load %arg10[%swap3A_3359] {strides = array<i32>} : memref<1024xf32, #tpu.memory_space<vmem>>, vector<16xf32>,
      tpu.vector_store %arg10[%swap3A_3359], %broadcast_in_dim3A_0 {strides = array<i32>} : memref<1024xf32, #tpu.memory_space<vmem>>, vector<16xf32>,
      %swap3A_3361 = arith.constant 112 : index
      %swap3A_3362 = tpu.vector_load %arg10[%swap3A_3361] {strides = array<i32>} : memref<1024xf32, #tpu.memory_space<vmem>>, vector<16xf32>,
      tpu.vector_store %arg10[%swap3A_3361], %broadcast_in_dim3A_0 {strides = array<i32>} : memref<1024xf32, #tpu.memory_space<vmem>>, vector<16xf32>,
      %swap3A_3363 = arith.constant 128 : index
      %swap3A_3364 = tpu.vector_load %arg10[%swap3A_3363] {strides = array<i32>} : memref<1024xf32, #tpu.memory_space<vmem>>, vector<16xf32>,
      tpu.vector_store %arg10[%swap3A_3363], %broadcast_in_dim3A_0 {strides = array<i32>} : memref<1024xf32, #tpu.memory_space<vmem>>, vector<16xf32>,
      %swap3A_3365 = arith.constant 144 : index
      %swap3A_3366 = tpu.vector_load %arg10[%swap3A_3365] {strides = array<i32>} : memref<1024xf32, #tpu.memory_space<vmem>>, vector<16xf32>,
      tpu.vector_store %arg10[%swap3A_3365], %broadcast_in_dim3A_0 {strides = array<i32>} : memref<1024xf32, #tpu.memory_space<vmem>>, vector<16xf32>,
      %swap3A_3367 = arith.constant 160 : index
      %swap3A_3368 = tpu.vector_load %arg10[%swap3A_3367] {strides = array<i32>} : memref<1024xf32, #tpu.memory_space<vmem>>, vector<16xf32>,
      tpu.vector_store %arg10[%swap3A_3367], %broadcast_in_dim3A_0 {strides = array<i32>} : memref<1024xf32, #tpu.memory_space<vmem>>, vector<16xf32>,
      %swap3A_3369 = arith.constant 176 : index
      %swap3A_3370 = tpu.vector_load %arg10[%swap3A_3369] {strides = array<i32>} : memref<1024xf32, #tpu.memory_space<vmem>>, vector<16xf32>,
      tpu.vector_store %arg10[%swap3A_3369], %broadcast_in_dim3A_0 {strides = array<i32>} : memref<1024xf32, #tpu.memory_space<vmem>>, vector<16xf32>,
      %swap3A_3371 = arith.constant 192 : index
      %swap3A_3372 = tpu.vector_load %arg10[%swap3A_3371] {strides = array<i32>} : memref<1024xf32, #tpu.memory_space<vmem>>, vector<16xf32>,
      tpu.vector_store %arg10[%swap3A_3371], %broadcast_in_dim3A_0 {strides = array<i32>} : memref<1024xf32, #tpu.memory_space<vmem>>, vector<16xf32>,
      %swap3A_3373 = arith.constant 208 : index
      %swap3A_3374 = tpu.vector_load %arg10[%swap3A_3373] {strides = array<i32>} : memref<1024xf32, #tpu.memory_space<vmem>>, vector<16xf32>,
      tpu.vector_store %arg10[%swap3A_3373], %broadcast_in_dim3A_0 {strides = array<i32>} : memref<1024xf32, #tpu.memory_space<vmem>>, vector<16xf32>,
      %swap3A_3375 = arith.constant 224 : index
      %swap3A_3376 = tpu.vector_load %arg10[%swap3A_3375] {strides = array<i32>} : memref<1024xf32, #tpu.memory_space<vmem>>, vector<16xf32>,
      tpu.vector_store %arg10[%swap3A_3375], %broadcast_in_dim3A_0 {strides = array<i32>} : memref<1024xf32, #tpu.memory_space<vmem>>, vector<16xf32>,
      %swap3A_3377 = arith.constant 240 : index
      %swap3A_3378 = tpu.vector_load %arg10[%swap3A_3377] {strides = array<i32>} : memref<1024xf32, #tpu.memory_space<vmem>>, vector<16xf32>,
      tpu.vector_store %arg10[%swap3A_3377], %broadcast_in_dim3A_0 {strides = array<i32>} : memref<1024xf32, #tpu.memory_space<vmem>>, vector<16xf32>,
      %swap3A_3379 = arith.constant 256 : index
      %swap3A_3380 = tpu.vector_load %arg10[%swap3A_3379] {strides = array<i32>} : memref<1024xf32, #tpu.memory_space<vmem>>, vector<16xf32>,
      tpu.vector_store %arg10[%swap3A_3379], %broadcast_in_dim3A_0 {strides = array<i32>} : memref<1024xf32, #tpu.memory_space<vmem>>, vector<16xf32>,
      %swap3A_3381 = arith.constant 272 : index
      %swap3A_3382 = tpu.vector_load %arg10[%swap3A_3381] {strides = array<i32>} : memref<1024xf32, #tpu.memory_space<vmem>>, vector<16xf32>,
      tpu.vector_store %arg10[%swap3A_3381], %broadcast_in_dim3A_0 {strides = array<i32>} : memref<1024xf32, #tpu.memory_space<vmem>>, vector<16xf32>,
      %swap3A_3383 = arith.constant 288 : index
      %swap3A_3384 = tpu.vector_load %arg10[%swap3A_3383] {strides = array<i32>} : memref<1024xf32, #tpu.memory_space<vmem>>, vector<16xf32>,
      tpu.vector_store %arg10[%swap3A_3383], %broadcast_in_dim3A_0 {strides = array<i32>} : memref<1024xf32, #tpu.memory_space<vmem>>, vector<16xf32>,
      %swap3A_3385 = arith.constant 304 : index
      %swap3A_3386 = tpu.vector_load %arg10[%swap3A_3385] {strides = array<i32>} : memref<1024xf32, #tpu.memory_space<vmem>>, vector<16xf32>,
      tpu.vector_store %arg10[%swap3A_3385], %broadcast_in_dim3A_0 {strides = array<i32>} : memref<1024xf32, #tpu.memory_space<vmem>>, vector<16xf32>,
      %swap3A_3387 = arith.constant 320 : index
      %swap3A_3388 = tpu.vector_load %arg10[%swap3A_3387] {strides = array<i32>} : memref<1024xf32, #tpu.memory_space<vmem>>, vector<16xf32>,
      tpu.vector_store %arg10[%swap3A_3387], %broadcast_in_dim3A_0 {strides = array<i32>} : memref<1024xf32, #tpu.memory_space<vmem>>, vector<16xf32>,
      %swap3A_3389 = arith.constant 336 : index
      %swap3A_3390 = tpu.vector_load %arg10[%swap3A_3389] {strides = array<i32>} : memref<1024xf32, #tpu.memory_space<vmem>>, vector<16xf32>,
      tpu.vector_store %arg10[%swap3A_3389], %broadcast_in_dim3A_0 {strides = array<i32>} : memref<1024xf32, #tpu.memory_space<vmem>>, vector<16xf32>,
      %swap3A_3391 = arith.constant 352 : index
      %swap3A_3392 = tpu.vector_load %arg10[%swap3A_3391] {strides = array<i32>} : memref<1024xf32, #tpu.memory_space<vmem>>, vector<16xf32>,
      tpu.vector_store %arg10[%swap3A_3391], %broadcast_in_dim3A_0 {strides = array<i32>} : memref<1024xf32, #tpu.memory_space<vmem>>, vector<16xf32>,
      %swap3A_3393 = arith.constant 368 : index
      %swap3A_3394 = tpu.vector_load %arg10[%swap3A_3393] {strides = array<i32>} : memref<1024xf32, #tpu.memory_space<vmem>>, vector<16xf32>,
      tpu.vector_store %arg10[%swap3A_3393], %broadcast_in_dim3A_0 {strides = array<i32>} : memref<1024xf32, #tpu.memory_space<vmem>>, vector<16xf32>,
      %swap3A_3395 = arith.constant 384 : index
      %swap3A_3396 = tpu.vector_load %arg10[%swap3A_3395] {strides = array<i32>} : memref<1024xf32, #tpu.memory_space<vmem>>, vector<16xf32>,
      tpu.vector_store %arg10[%swap3A_3395], %broadcast_in_dim3A_0 {strides = array<i32>} : memref<1024xf32, #tpu.memory_space<vmem>>, vector<16xf32>,
      %swap3A_3397 = arith.constant 400 : index
      %swap3A_3398 = tpu.vector_load %arg10[%swap3A_3397] {strides = array<i32>} : memref<1024xf32, #tpu.memory_space<vmem>>, vector<16xf32>,
      tpu.vector_store %arg10[%swap3A_3397], %broadcast_in_dim3A_0 {strides = array<i32>} : memref<1024xf32, #tpu.memory_space<vmem>>, vector<16xf32>,
      %swap3A_3399 = arith.constant 416 : index
      %swap3A_3400 = tpu.vector_load %arg10[%swap3A_3399] {strides = array<i32>} : memref<1024xf32, #tpu.memory_space<vmem>>, vector<16xf32>,
      tpu.vector_store %arg10[%swap3A_3399], %broadcast_in_dim3A_0 {strides = array<i32>} : memref<1024xf32, #tpu.memory_space<vmem>>, vector<16xf32>,
      %swap3A_3401 = arith.constant 432 : index
      %swap3A_3402 = tpu.vector_load %arg10[%swap3A_3401] {strides = array<i32>} : memref<1024xf32, #tpu.memory_space<vmem>>, vector<16xf32>,
      tpu.vector_store %arg10[%swap3A_3401], %broadcast_in_dim3A_0 {strides = array<i32>} : memref<1024xf32, #tpu.memory_space<vmem>>, vector<16xf32>,
      %swap3A_3403 = arith.constant 448 : index
      %swap3A_3404 = tpu.vector_load %arg10[%swap3A_3403] {strides = array<i32>} : memref<1024xf32, #tpu.memory_space<vmem>>, vector<16xf32>,
      tpu.vector_store %arg10[%swap3A_3403], %broadcast_in_dim3A_0 {strides = array<i32>} : memref<1024xf32, #tpu.memory_space<vmem>>, vector<16xf32>,
      %swap3A_3405 = arith.constant 464 : index
      %swap3A_3406 = tpu.vector_load %arg10[%swap3A_3405] {strides = array<i32>} : memref<1024xf32, #tpu.memory_space<vmem>>, vector<16xf32>,
      tpu.vector_store %arg10[%swap3A_3405], %broadcast_in_dim3A_0 {strides = array<i32>} : memref<1024xf32, #tpu.memory_space<vmem>>, vector<16xf32>,
      %swap3A_3407 = arith.constant 480 : index
      %swap3A_3408 = tpu.vector_load %arg10[%swap3A_3407] {strides = array<i32>} : memref<1024xf32, #tpu.memory_space<vmem>>, vector<16xf32>,
      tpu.vector_store %arg10[%swap3A_3407], %broadcast_in_dim3A_0 {strides = array<i32>} : memref<1024xf32, #tpu.memory_space<vmem>>, vector<16xf32>,
      %swap3A_3409 = arith.constant 496 : index
      %swap3A_3410 = tpu.vector_load %arg10[%swap3A_3409] {strides = array<i32>} : memref<1024xf32, #tpu.memory_space<vmem>>, vector<16xf32>,
      tpu.vector_store %arg10[%swap3A_3409], %broadcast_in_dim3A_0 {strides = array<i32>} : memref<1024xf32, #tpu.memory_space<vmem>>, vector<16xf32>,
      %swap3A_3411 = arith.constant 512 : index
      %swap3A_3412 = tpu.vector_load %arg10[%swap3A_3411] {strides = array<i32>} : memref<1024xf32, #tpu.memory_space<vmem>>, vector<16xf32>,
      tpu.vector_store %arg10[%swap3A_3411], %broadcast_in_dim3A_0 {strides = array<i32>} : memref<1024xf32, #tpu.memory_space<vmem>>, vector<16xf32>,
      %swap3A_3413 = arith.constant 528 : index
      %swap3A_3414 = tpu.vector_load %arg10[%swap3A_3413] {strides = array<i32>} : memref<1024xf32, #tpu.memory_space<vmem>>, vector<16xf32>,
      tpu.vector_store %arg10[%swap3A_3413], %broadcast_in_dim3A_0 {strides = array<i32>} : memref<1024xf32, #tpu.memory_space<vmem>>, vector<16xf32>,
      %swap3A_3415 = arith.constant 544 : index
      %swap3A_3416 = tpu.vector_load %arg10[%swap3A_3415] {strides = array<i32>} : memref<1024xf32, #tpu.memory_space<vmem>>, vector<16xf32>,
      tpu.vector_store %arg10[%swap3A_3415], %broadcast_in_dim3A_0 {strides = array<i32>} : memref<1024xf32, #tpu.memory_space<vmem>>, vector<16xf32>,
      %swap3A_3417 = arith.constant 560 : index
      %swap3A_3418 = tpu.vector_load %arg10[%swap3A_3417] {strides = array<i32>} : memref<1024xf32, #tpu.memory_space<vmem>>, vector<16xf32>,
      tpu.vector_store %arg10[%swap3A_3417], %broadcast_in_dim3A_0 {strides = array<i32>} : memref<1024xf32, #tpu.memory_space<vmem>>, vector<16xf32>,
      %swap3A_3419 = arith.constant 576 : index
      %swap3A_3420 = tpu.vector_load %arg10[%swap3A_3419] {strides = array<i32>} : memref<1024xf32, #tpu.memory_space<vmem>>, vector<16xf32>,
      tpu.vector_store %arg10[%swap3A_3419], %broadcast_in_dim3A_0 {strides = array<i32>} : memref<1024xf32, #tpu.memory_space<vmem>>, vector<16xf32>,
      %swap3A_3421 = arith.constant 592 : index
      %swap3A_3422 = tpu.vector_load %arg10[%swap3A_3421] {strides = array<i32>} : memref<1024xf32, #tpu.memory_space<vmem>>, vector<16xf32>,
      tpu.vector_store %arg10[%swap3A_3421], %broadcast_in_dim3A_0 {strides = array<i32>} : memref<1024xf32, #tpu.memory_space<vmem>>, vector<16xf32>,
      %swap3A_3423 = arith.constant 608 : index
      %swap3A_3424 = tpu.vector_load %arg10[%swap3A_3423] {strides = array<i32>} : memref<1024xf32, #tpu.memory_space<vmem>>, vector<16xf32>,
      tpu.vector_store %arg10[%swap3A_3423], %broadcast_in_dim3A_0 {strides = array<i32>} : memref<1024xf32, #tpu.memory_space<vmem>>, vector<16xf32>,
      %swap3A_3425 = arith.constant 624 : index
      %swap3A_3426 = tpu.vector_load %arg10[%swap3A_3425] {strides = array<i32>} : memref<1024xf32, #tpu.memory_space<vmem>>, vector<16xf32>,
      tpu.vector_store %arg10[%swap3A_3425], %broadcast_in_dim3A_0 {strides = array<i32>} : memref<1024xf32, #tpu.memory_space<vmem>>, vector<16xf32>,
      %swap3A_3427 = arith.constant 640 : index
      %swap3A_3428 = tpu.vector_load %arg10[%swap3A_3427] {strides = array<i32>} : memref<1024xf32, #tpu.memory_space<vmem>>, vector<16xf32>,
      tpu.vector_store %arg10[%swap3A_3427], %broadcast_in_dim3A_0 {strides = array<i32>} : memref<1024xf32, #tpu.memory_space<vmem>>, vector<16xf32>,
      %swap3A_3429 = arith.constant 656 : index
      %swap3A_3430 = tpu.vector_load %arg10[%swap3A_3429] {strides = array<i32>} : memref<1024xf32, #tpu.memory_space<vmem>>, vector<16xf32>,
      tpu.vector_store %arg10[%swap3A_3429], %broadcast_in_dim3A_0 {strides = array<i32>} : memref<1024xf32, #tpu.memory_space<vmem>>, vector<16xf32>,
      %swap3A_3431 = arith.constant 672 : index
      %swap3A_3432 = tpu.vector_load %arg10[%swap3A_3431] {strides = array<i32>} : memref<1024xf32, #tpu.memory_space<vmem>>, vector<16xf32>,
      tpu.vector_store %arg10[%swap3A_3431], %broadcast_in_dim3A_0 {strides = array<i32>} : memref<1024xf32, #tpu.memory_space<vmem>>, vector<16xf32>,
      %swap3A_3433 = arith.constant 688 : index
      %swap3A_3434 = tpu.vector_load %arg10[%swap3A_3433] {strides = array<i32>} : memref<1024xf32, #tpu.memory_space<vmem>>, vector<16xf32>,
      tpu.vector_store %arg10[%swap3A_3433], %broadcast_in_dim3A_0 {strides = array<i32>} : memref<1024xf32, #tpu.memory_space<vmem>>, vector<16xf32>,
      %swap3A_3435 = arith.constant 704 : index
      %swap3A_3436 = tpu.vector_load %arg10[%swap3A_3435] {strides = array<i32>} : memref<1024xf32, #tpu.memory_space<vmem>>, vector<16xf32>,
      tpu.vector_store %arg10[%swap3A_3435], %broadcast_in_dim3A_0 {strides = array<i32>} : memref<1024xf32, #tpu.memory_space<vmem>>, vector<16xf32>,
      %swap3A_3437 = arith.constant 720 : index
      %swap3A_3438 = tpu.vector_load %arg10[%swap3A_3437] {strides = array<i32>} : memref<1024xf32, #tpu.memory_space<vmem>>, vector<16xf32>,
      tpu.vector_store %arg10[%swap3A_3437], %broadcast_in_dim3A_0 {strides = array<i32>} : memref<1024xf32, #tpu.memory_space<vmem>>, vector<16xf32>,
      %swap3A_3439 = arith.constant 736 : index
      %swap3A_3440 = tpu.vector_load %arg10[%swap3A_3439] {strides = array<i32>} : memref<1024xf32, #tpu.memory_space<vmem>>, vector<16xf32>,
      tpu.vector_store %arg10[%swap3A_3439], %broadcast_in_dim3A_0 {strides = array<i32>} : memref<1024xf32, #tpu.memory_space<vmem>>, vector<16xf32>,
      %swap3A_3441 = arith.constant 752 : index
      %swap3A_3442 = tpu.vector_load %arg10[%swap3A_3441] {strides = array<i32>} : memref<1024xf32, #tpu.memory_space<vmem>>, vector<16xf32>,
      tpu.vector_store %arg10[%swap3A_3441], %broadcast_in_dim3A_0 {strides = array<i32>} : memref<1024xf32, #tpu.memory_space<vmem>>, vector<16xf32>,
      %swap3A_3443 = arith.constant 768 : index
      %swap3A_3444 = tpu.vector_load %arg10[%swap3A_3443] {strides = array<i32>} : memref<1024xf32, #tpu.memory_space<vmem>>, vector<16xf32>,
      tpu.vector_store %arg10[%swap3A_3443], %broadcast_in_dim3A_0 {strides = array<i32>} : memref<1024xf32, #tpu.memory_space<vmem>>, vector<16xf32>,
      %swap3A_3445 = arith.constant 784 : index
      %swap3A_3446 = tpu.vector_load %arg10[%swap3A_3445] {strides = array<i32>} : memref<1024xf32, #tpu.memory_space<vmem>>, vector<16xf32>,
      tpu.vector_store %arg10[%swap3A_3445], %broadcast_in_dim3A_0 {strides = array<i32>} : memref<1024xf32, #tpu.memory_space<vmem>>, vector<16xf32>,
      %swap3A_3447 = arith.constant 800 : index
      %swap3A_3448 = tpu.vector_load %arg10[%swap3A_3447] {strides = array<i32>} : memref<1024xf32, #tpu.memory_space<vmem>>, vector<16xf32>,
      tpu.vector_store %arg10[%swap3A_3447], %broadcast_in_dim3A_0 {strides = array<i32>} : memref<1024xf32, #tpu.memory_space<vmem>>, vector<16xf32>,
      %swap3A_3449 = arith.constant 816 : index
      %swap3A_3450 = tpu.vector_load %arg10[%swap3A_3449] {strides = array<i32>} : memref<1024xf32, #tpu.memory_space<vmem>>, vector<16xf32>,
      tpu.vector_store %arg10[%swap3A_3449], %broadcast_in_dim3A_0 {strides = array<i32>} : memref<1024xf32, #tpu.memory_space<vmem>>, vector<16xf32>,
      %swap3A_3451 = arith.constant 832 : index
      %swap3A_3452 = tpu.vector_load %arg10[%swap3A_3451] {strides = array<i32>} : memref<1024xf32, #tpu.memory_space<vmem>>, vector<16xf32>,
      tpu.vector_store %arg10[%swap3A_3451], %broadcast_in_dim3A_0 {strides = array<i32>} : memref<1024xf32, #tpu.memory_space<vmem>>, vector<16xf32>,
      %swap3A_3453 = arith.constant 848 : index
      %swap3A_3454 = tpu.vector_load %arg10[%swap3A_3453] {strides = array<i32>} : memref<1024xf32, #tpu.memory_space<vmem>>, vector<16xf32>,
      tpu.vector_store %arg10[%swap3A_3453], %broadcast_in_dim3A_0 {strides = array<i32>} : memref<1024xf32, #tpu.memory_space<vmem>>, vector<16xf32>,
      %swap3A_3455 = arith.constant 864 : index
      %swap3A_3456 = tpu.vector_load %arg10[%swap3A_3455] {strides = array<i32>} : memref<1024xf32, #tpu.memory_space<vmem>>, vector<16xf32>,
      tpu.vector_store %arg10[%swap3A_3455], %broadcast_in_dim3A_0 {strides = array<i32>} : memref<1024xf32, #tpu.memory_space<vmem>>, vector<16xf32>,
      %swap3A_3457 = arith.constant 880 : index
      %swap3A_3458 = tpu.vector_load %arg10[%swap3A_3457] {strides = array<i32>} : memref<1024xf32, #tpu.memory_space<vmem>>, vector<16xf32>,
      tpu.vector_store %arg10[%swap3A_3457], %broadcast_in_dim3A_0 {strides = array<i32>} : memref<1024xf32, #tpu.memory_space<vmem>>, vector<16xf32>,
      %swap3A_3459 = arith.constant 896 : index
      %swap3A_3460 = tpu.vector_load %arg10[%swap3A_3459] {strides = array<i32>} : memref<1024xf32, #tpu.memory_space<vmem>>, vector<16xf32>,
      tpu.vector_store %arg10[%swap3A_3459], %broadcast_in_dim3A_0 {strides = array<i32>} : memref<1024xf32, #tpu.memory_space<vmem>>, vector<16xf32>,
      %swap3A_3461 = arith.constant 912 : index
      %swap3A_3462 = tpu.vector_load %arg10[%swap3A_3461] {strides = array<i32>} : memref<1024xf32, #tpu.memory_space<vmem>>, vector<16xf32>,
      tpu.vector_store %arg10[%swap3A_3461], %broadcast_in_dim3A_0 {strides = array<i32>} : memref<1024xf32, #tpu.memory_space<vmem>>, vector<16xf32>,
      %swap3A_3463 = arith.constant 928 : index
      %swap3A_3464 = tpu.vector_load %arg10[%swap3A_3463] {strides = array<i32>} : memref<1024xf32, #tpu.memory_space<vmem>>, vector<16xf32>,
      tpu.vector_store %arg10[%swap3A_3463], %broadcast_in_dim3A_0 {strides = array<i32>} : memref<1024xf32, #tpu.memory_space<vmem>>, vector<16xf32>,
      %swap3A_3465 = arith.constant 944 : index
      %swap3A_3466 = tpu.vector_load %arg10[%swap3A_3465] {strides = array<i32>} : memref<1024xf32, #tpu.memory_space<vmem>>, vector<16xf32>,
      tpu.vector_store %arg10[%swap3A_3465], %broadcast_in_dim3A_0 {strides = array<i32>} : memref<1024xf32, #tpu.memory_space<vmem>>, vector<16xf32>,
      %swap3A_3467 = arith.constant 960 : index
      %swap3A_3468 = tpu.vector_load %arg10[%swap3A_3467] {strides = array<i32>} : memref<1024xf32, #tpu.memory_space<vmem>>, vector<16xf32>,
      tpu.vector_store %arg10[%swap3A_3467], %broadcast_in_dim3A_0 {strides = array<i32>} : memref<1024xf32, #tpu.memory_space<vmem>>, vector<16xf32>,
      %swap3A_3469 = arith.constant 976 : index
      %swap3A_3470 = tpu.vector_load %arg10[%swap3A_3469] {strides = array<i32>} : memref<1024xf32, #tpu.memory_space<vmem>>, vector<16xf32>,
      tpu.vector_store %arg10[%swap3A_3469], %broadcast_in_dim3A_0 {strides = array<i32>} : memref<1024xf32, #tpu.memory_space<vmem>>, vector<16xf32>,
      %swap3A_3471 = arith.constant 992 : index
      %swap3A_3472 = tpu.vector_load %arg10[%swap3A_3471] {strides = array<i32>} : memref<1024xf32, #tpu.memory_space<vmem>>, vector<16xf32>,
      tpu.vector_store %arg10[%swap3A_3471], %broadcast_in_dim3A_0 {strides = array<i32>} : memref<1024xf32, #tpu.memory_space<vmem>>, vector<16xf32>,
      %swap3A_3473 = arith.constant 1008 : index
      %swap3A_3474 = tpu.vector_load %arg10[%swap3A_3473] {strides = array<i32>} : memref<1024xf32, #tpu.memory_space<vmem>>, vector<16xf32>,
      tpu.vector_store %arg10[%swap3A_3473], %broadcast_in_dim3A_0 {strides = array<i32>} : memref<1024xf32, #tpu.memory_space<vmem>>, vector<16xf32>,
      "tpu.region"() ({
        %run_scoped3A = tpu.sem_alloc : memref<!tpu.dma_semaphore, #tpu.memory_space<semaphore_mem>>
        tpu.enqueue_dma source(%arg10 : memref<1024xf32, #tpu.memory_space<vmem>>) target(%arg15 : memref<1024xf32, #tpu.memory_space<vmem_shared>>) target_semaphore(%run_scoped3A : memref<!tpu.dma_semaphore, #tpu.memory_space<semaphore_mem>>)
        tpu.wait_dma2 semaphore(%run_scoped3A : memref<!tpu.dma_semaphore, #tpu.memory_space<semaphore_mem>>) src(%arg10 : memref<1024xf32, #tpu.memory_space<vmem>>) dst(%arg15 : memref<1024xf32, #tpu.memory_space<vmem_shared>>)
        tpu.yield
      }) : () -> ()
      "tpu.region"() ({
        %run_scoped3A = tpu.sem_alloc : memref<!tpu.dma_semaphore, #tpu.memory_space<semaphore_mem>>
        tpu.enqueue_dma source(%arg10 : memref<1024xf32, #tpu.memory_space<vmem>>) target(%arg16 : memref<1024xf32, #tpu.memory_space<vmem_shared>>) target_semaphore(%run_scoped3A : memref<!tpu.dma_semaphore, #tpu.memory_space<semaphore_mem>>)
        tpu.wait_dma2 semaphore(%run_scoped3A : memref<!tpu.dma_semaphore, #tpu.memory_space<semaphore_mem>>) src(%arg10 : memref<1024xf32, #tpu.memory_space<vmem>>) dst(%arg16 : memref<1024xf32, #tpu.memory_space<vmem_shared>>)
        tpu.yield
      }) : () -> ()
      "tpu.region"() ({
        %run_scoped3A = tpu.sem_alloc : memref<!tpu.dma_semaphore, #tpu.memory_space<semaphore_mem>>
        tpu.enqueue_dma source(%arg4 : memref<1024xf32, #tpu.memory_space<hbm>>) target(%arg13 : memref<1024xf32, #tpu.memory_space<vmem>>) target_semaphore(%run_scoped3A : memref<!tpu.dma_semaphore, #tpu.memory_space<semaphore_mem>>)
        tpu.wait_dma2 semaphore(%run_scoped3A : memref<!tpu.dma_semaphore, #tpu.memory_space<semaphore_mem>>) src(%arg4 : memref<1024xf32, #tpu.memory_space<hbm>>) dst(%arg13 : memref<1024xf32, #tpu.memory_space<vmem>>)
        tpu.yield
      }) : () -> ()
    } else {
    }
    "tpu.region"() ({
      %run_scoped3A = tpu.sem_alloc : memref<!tpu.dma_semaphore, #tpu.memory_space<semaphore_mem>>
      %dma_start3A_3347 = arith.constant 0 : i32
      %dma_start3A_3348 = arith.constant 0 : i32
      %dma_start3A_3349 = tpu.memref_slice %arg3[%arg1, %dma_start3A_3347, %dma_start3A_3348] : memref<16x8x128xi32, #tpu.memory_space<hbm>> -> memref<1x8x128xi32, #tpu.memory_space<hbm>>
      %dma_start3A_3350 = tpu.memref_squeeze %dma_start3A_3349 : memref<1x8x128xi32, #tpu.memory_space<hbm>> -> memref<8x128xi32, #tpu.memory_space<hbm>>
      %dma_start3A_3351 = arith.constant 0 : i32
      %dma_start3A_3352 = arith.constant 0 : i32
      %dma_start3A_3353 = tpu.memref_slice %arg3[%arg1, %dma_start3A_3351, %dma_start3A_3352] : memref<16x8x128xi32, #tpu.memory_space<hbm>> -> memref<1x8x128xi32, #tpu.memory_space<hbm>>
      %dma_start3A_3354 = tpu.memref_squeeze %dma_start3A_3353 : memref<1x8x128xi32, #tpu.memory_space<hbm>> -> memref<8x128xi32, #tpu.memory_space<hbm>>
      tpu.enqueue_dma source(%dma_start3A_3354 : memref<8x128xi32, #tpu.memory_space<hbm>>) target(%arg6 : memref<8x128xi32, #tpu.memory_space<vmem>>) target_semaphore(%run_scoped3A : memref<!tpu.dma_semaphore, #tpu.memory_space<semaphore_mem>>)
      %dma_wait3A_3355 = arith.constant 0 : i32
      %dma_wait3A_3356 = arith.constant 0 : i32
      %dma_wait3A_3357 = tpu.memref_slice %arg3[%arg1, %dma_wait3A_3355, %dma_wait3A_3356] : memref<16x8x128xi32, #tpu.memory_space<hbm>> -> memref<1x8x128xi32, #tpu.memory_space<hbm>>
      %dma_wait3A_3358 = tpu.memref_squeeze %dma_wait3A_3357 : memref<1x8x128xi32, #tpu.memory_space<hbm>> -> memref<8x128xi32, #tpu.memory_space<hbm>>
      %dma_wait3A_3359 = arith.constant 0 : i32
      %dma_wait3A_3360 = arith.constant 0 : i32
      %dma_wait3A_3361 = tpu.memref_slice %arg3[%arg1, %dma_wait3A_3359, %dma_wait3A_3360] : memref<16x8x128xi32, #tpu.memory_space<hbm>> -> memref<1x8x128xi32, #tpu.memory_space<hbm>>
      %dma_wait3A_3362 = tpu.memref_squeeze %dma_wait3A_3361 : memref<1x8x128xi32, #tpu.memory_space<hbm>> -> memref<8x128xi32, #tpu.memory_space<hbm>>
      tpu.wait_dma2 semaphore(%run_scoped3A : memref<!tpu.dma_semaphore, #tpu.memory_space<semaphore_mem>>) src(%dma_wait3A_3362 : memref<8x128xi32, #tpu.memory_space<hbm>>) dst(%arg6 : memref<8x128xi32, #tpu.memory_space<vmem>>)
      tpu.yield
    }) : () -> ()
    %get3A = arith.constant 0 : i32
    %get3A_5 = arith.index_cast %get3A : i32 to index
    %get3A_6 = arith.constant 0 : index
    %get3A_7 = tpu.vector_load %arg6[%get3A_5, %get3A_6] {strides = array<i32>} : memref<8x128xi32, #tpu.memory_space<vmem>>, vector<16xi32>,
    %mul3A = arith.constant 1024 : i32
    %mul3A_8 = arith.muli %arg1, %mul3A : i32
    %add3A = arith.constant 0 : i32
    %add3A_9 = arith.addi %mul3A_8, %add3A : i32
    %add3A_10 = arith.constant 0 : i32
    %add3A_11 = arith.addi %add3A_9, %add3A_10 : i32
    %add3A_12 = vector.broadcast %add3A_11 : i32 to vector<16xi32>
    %add3A_13 = arith.addi %add3A_12, %iota3A : vector<16xi32>
    %shift_right_arithmetic3A = arith.constant 3 : i32
    %shift_right_arithmetic3A_14 = vector.broadcast %shift_right_arithmetic3A : i32 to vector<16xi32>
    %shift_right_arithmetic3A_15 = arith.shrsi %get3A_7, %shift_right_arithmetic3A_14 : vector<16xi32>
    %mul3A_16 = arith.constant 131072 : i32
    %mul3A_17 = vector.broadcast %mul3A_16 : i32 to vector<16xi32>
    %mul3A_18 = arith.muli %shift_right_arithmetic3A_15, %mul3A_17 : vector<16xi32>
    %shift_right_arithmetic3A_19 = arith.constant 7 : i32
    %shift_right_arithmetic3A_20 = vector.broadcast %shift_right_arithmetic3A_19 : i32 to vector<16xi32>
    %shift_right_arithmetic3A_21 = arith.shrsi %add3A_13, %shift_right_arithmetic3A_20 : vector<16xi32>
    %mul3A_22 = arith.constant 1024 : i32
    %mul3A_23 = vector.broadcast %mul3A_22 : i32 to vector<16xi32>
    %mul3A_24 = arith.muli %shift_right_arithmetic3A_21, %mul3A_23 : vector<16xi32>
    %add3A_25 = arith.addi %mul3A_18, %mul3A_24 : vector<16xi32>
    %and3A = arith.constant 7 : i32
    %and3A_26 = vector.broadcast %and3A : i32 to vector<16xi32>
    %and3A_27 = arith.andi %get3A_7, %and3A_26 : vector<16xi32>
    %mul3A_28 = arith.constant 128 : i32
    %mul3A_29 = vector.broadcast %mul3A_28 : i32 to vector<16xi32>
    %mul3A_30 = arith.muli %and3A_27, %mul3A_29 : vector<16xi32>
    %add3A_31 = arith.addi %add3A_25, %mul3A_30 : vector<16xi32>
    %and3A_32 = arith.constant 127 : i32
    %and3A_33 = vector.broadcast %and3A_32 : i32 to vector<16xi32>
    %and3A_34 = arith.andi %add3A_13, %and3A_33 : vector<16xi32>
    %add3A_35 = arith.addi %add3A_31, %and3A_34 : vector<16xi32>
    %swap3A = arith.constant 0 : i32
    %swap3A_36 = arith.index_cast %swap3A : i32 to index
    %swap3A_37 = arith.constant 0 : index
    %swap3A_38 = tpu.vector_load %arg7[%swap3A_36, %swap3A_37] {strides = array<i32>} : memref<8x128xi32, #tpu.memory_space<vmem>>, vector<16xi32>,
    tpu.vector_store %arg7[%swap3A_36, %swap3A_37], %add3A_35 {strides = array<i32>} : memref<8x128xi32, #tpu.memory_space<vmem>>, vector<16xi32>,
    %swap3A_39 = arith.constant 0 : i32
    %swap3A_40 = arith.index_cast %swap3A_39 : i32 to index
    %swap3A_41 = arith.constant 0 : index
    %swap3A_42 = tpu.vector_load %arg9[%swap3A_40, %swap3A_41] {strides = array<i32>} : memref<8x128xf32, #tpu.memory_space<vmem>>, vector<16xf32>,
    tpu.vector_store %arg9[%swap3A_40, %swap3A_41], %broadcast_in_dim3A_2 {strides = array<i32>} : memref<8x128xf32, #tpu.memory_space<vmem>>, vector<16xf32>,
    %get3A_43 = arith.constant 0 : i32
    %get3A_44 = arith.index_cast %get3A_43 : i32 to index
    %get3A_45 = arith.constant 16 : index
    %get3A_46 = tpu.vector_load %arg6[%get3A_44, %get3A_45] {strides = array<i32>} : memref<8x128xi32, #tpu.memory_space<vmem>>, vector<16xi32>,
    %mul3A_47 = arith.constant 1024 : i32
    %mul3A_48 = arith.muli %arg1, %mul3A_47 : i32
    %add3A_49 = arith.constant 0 : i32
    %add3A_50 = arith.addi %mul3A_48, %add3A_49 : i32
    %add3A_51 = arith.constant 16 : i32
    %add3A_52 = arith.addi %add3A_50, %add3A_51 : i32
    %add3A_53 = vector.broadcast %add3A_52 : i32 to vector<16xi32>
    %add3A_54 = arith.addi %add3A_53, %iota3A : vector<16xi32>
    %shift_right_arithmetic3A_55 = arith.constant 3 : i32
    %shift_right_arithmetic3A_56 = vector.broadcast %shift_right_arithmetic3A_55 : i32 to vector<16xi32>
    %shift_right_arithmetic3A_57 = arith.shrsi %get3A_46, %shift_right_arithmetic3A_56 : vector<16xi32>
    %mul3A_58 = arith.constant 131072 : i32
    %mul3A_59 = vector.broadcast %mul3A_58 : i32 to vector<16xi32>
    %mul3A_60 = arith.muli %shift_right_arithmetic3A_57, %mul3A_59 : vector<16xi32>
    %shift_right_arithmetic3A_61 = arith.constant 7 : i32
    %shift_right_arithmetic3A_62 = vector.broadcast %shift_right_arithmetic3A_61 : i32 to vector<16xi32>
    %shift_right_arithmetic3A_63 = arith.shrsi %add3A_54, %shift_right_arithmetic3A_62 : vector<16xi32>
    %mul3A_64 = arith.constant 1024 : i32
    %mul3A_65 = vector.broadcast %mul3A_64 : i32 to vector<16xi32>
    %mul3A_66 = arith.muli %shift_right_arithmetic3A_63, %mul3A_65 : vector<16xi32>
    %add3A_67 = arith.addi %mul3A_60, %mul3A_66 : vector<16xi32>
    %and3A_68 = arith.constant 7 : i32
    %and3A_69 = vector.broadcast %and3A_68 : i32 to vector<16xi32>
    %and3A_70 = arith.andi %get3A_46, %and3A_69 : vector<16xi32>
    %mul3A_71 = arith.constant 128 : i32
    %mul3A_72 = vector.broadcast %mul3A_71 : i32 to vector<16xi32>
    %mul3A_73 = arith.muli %and3A_70, %mul3A_72 : vector<16xi32>
    %add3A_74 = arith.addi %add3A_67, %mul3A_73 : vector<16xi32>
    %and3A_75 = arith.constant 127 : i32
    %and3A_76 = vector.broadcast %and3A_75 : i32 to vector<16xi32>
    %and3A_77 = arith.andi %add3A_54, %and3A_76 : vector<16xi32>
    %add3A_78 = arith.addi %add3A_74, %and3A_77 : vector<16xi32>
    %swap3A_79 = arith.constant 0 : i32
    %swap3A_80 = arith.index_cast %swap3A_79 : i32 to index
    %swap3A_81 = arith.constant 16 : index
    %swap3A_82 = tpu.vector_load %arg7[%swap3A_80, %swap3A_81] {strides = array<i32>} : memref<8x128xi32, #tpu.memory_space<vmem>>, vector<16xi32>,
    tpu.vector_store %arg7[%swap3A_80, %swap3A_81], %add3A_78 {strides = array<i32>} : memref<8x128xi32, #tpu.memory_space<vmem>>, vector<16xi32>,
    %swap3A_83 = arith.constant 0 : i32
    %swap3A_84 = arith.index_cast %swap3A_83 : i32 to index
    %swap3A_85 = arith.constant 16 : index
    %swap3A_86 = tpu.vector_load %arg9[%swap3A_84, %swap3A_85] {strides = array<i32>} : memref<8x128xf32, #tpu.memory_space<vmem>>, vector<16xf32>,
    tpu.vector_store %arg9[%swap3A_84, %swap3A_85], %broadcast_in_dim3A_2 {strides = array<i32>} : memref<8x128xf32, #tpu.memory_space<vmem>>, vector<16xf32>,
    %get3A_87 = arith.constant 0 : i32
    %get3A_88 = arith.index_cast %get3A_87 : i32 to index
    %get3A_89 = arith.constant 32 : index
    %get3A_90 = tpu.vector_load %arg6[%get3A_88, %get3A_89] {strides = array<i32>} : memref<8x128xi32, #tpu.memory_space<vmem>>, vector<16xi32>,
    %mul3A_91 = arith.constant 1024 : i32
    %mul3A_92 = arith.muli %arg1, %mul3A_91 : i32
    %add3A_93 = arith.constant 0 : i32
    %add3A_94 = arith.addi %mul3A_92, %add3A_93 : i32
    %add3A_95 = arith.constant 32 : i32
    %add3A_96 = arith.addi %add3A_94, %add3A_95 : i32
    %add3A_97 = vector.broadcast %add3A_96 : i32 to vector<16xi32>
    %add3A_98 = arith.addi %add3A_97, %iota3A : vector<16xi32>
    %shift_right_arithmetic3A_99 = arith.constant 3 : i32
    %shift_right_arithmetic3A_100 = vector.broadcast %shift_right_arithmetic3A_99 : i32 to vector<16xi32>
    %shift_right_arithmetic3A_101 = arith.shrsi %get3A_90, %shift_right_arithmetic3A_100 : vector<16xi32>
    %mul3A_102 = arith.constant 131072 : i32
    %mul3A_103 = vector.broadcast %mul3A_102 : i32 to vector<16xi32>
    %mul3A_104 = arith.muli %shift_right_arithmetic3A_101, %mul3A_103 : vector<16xi32>
    %shift_right_arithmetic3A_105 = arith.constant 7 : i32
    %shift_right_arithmetic3A_106 = vector.broadcast %shift_right_arithmetic3A_105 : i32 to vector<16xi32>
    %shift_right_arithmetic3A_107 = arith.shrsi %add3A_98, %shift_right_arithmetic3A_106 : vector<16xi32>
    %mul3A_108 = arith.constant 1024 : i32
    %mul3A_109 = vector.broadcast %mul3A_108 : i32 to vector<16xi32>
    %mul3A_110 = arith.muli %shift_right_arithmetic3A_107, %mul3A_109 : vector<16xi32>
    %add3A_111 = arith.addi %mul3A_104, %mul3A_110 : vector<16xi32>
    %and3A_112 = arith.constant 7 : i32
    %and3A_113 = vector.broadcast %and3A_112 : i32 to vector<16xi32>
    %and3A_114 = arith.andi %get3A_90, %and3A_113 : vector<16xi32>
    %mul3A_115 = arith.constant 128 : i32
    %mul3A_116 = vector.broadcast %mul3A_115 : i32 to vector<16xi32>
    %mul3A_117 = arith.muli %and3A_114, %mul3A_116 : vector<16xi32>
    %add3A_118 = arith.addi %add3A_111, %mul3A_117 : vector<16xi32>
    %and3A_119 = arith.constant 127 : i32
    %and3A_120 = vector.broadcast %and3A_119 : i32 to vector<16xi32>
    %and3A_121 = arith.andi %add3A_98, %and3A_120 : vector<16xi32>
    %add3A_122 = arith.addi %add3A_118, %and3A_121 : vector<16xi32>
    %swap3A_123 = arith.constant 0 : i32
    %swap3A_124 = arith.index_cast %swap3A_123 : i32 to index
    %swap3A_125 = arith.constant 32 : index
    %swap3A_126 = tpu.vector_load %arg7[%swap3A_124, %swap3A_125] {strides = array<i32>} : memref<8x128xi32, #tpu.memory_space<vmem>>, vector<16xi32>,
    tpu.vector_store %arg7[%swap3A_124, %swap3A_125], %add3A_122 {strides = array<i32>} : memref<8x128xi32, #tpu.memory_space<vmem>>, vector<16xi32>,
    %swap3A_127 = arith.constant 0 : i32
    %swap3A_128 = arith.index_cast %swap3A_127 : i32 to index
    %swap3A_129 = arith.constant 32 : index
    %swap3A_130 = tpu.vector_load %arg9[%swap3A_128, %swap3A_129] {strides = array<i32>} : memref<8x128xf32, #tpu.memory_space<vmem>>, vector<16xf32>,
    tpu.vector_store %arg9[%swap3A_128, %swap3A_129], %broadcast_in_dim3A_2 {strides = array<i32>} : memref<8x128xf32, #tpu.memory_space<vmem>>, vector<16xf32>,
    %get3A_131 = arith.constant 0 : i32
    %get3A_132 = arith.index_cast %get3A_131 : i32 to index
    %get3A_133 = arith.constant 48 : index
    %get3A_134 = tpu.vector_load %arg6[%get3A_132, %get3A_133] {strides = array<i32>} : memref<8x128xi32, #tpu.memory_space<vmem>>, vector<16xi32>,
    %mul3A_135 = arith.constant 1024 : i32
    %mul3A_136 = arith.muli %arg1, %mul3A_135 : i32
    %add3A_137 = arith.constant 0 : i32
    %add3A_138 = arith.addi %mul3A_136, %add3A_137 : i32
    %add3A_139 = arith.constant 48 : i32
    %add3A_140 = arith.addi %add3A_138, %add3A_139 : i32
    %add3A_141 = vector.broadcast %add3A_140 : i32 to vector<16xi32>
    %add3A_142 = arith.addi %add3A_141, %iota3A : vector<16xi32>
    %shift_right_arithmetic3A_143 = arith.constant 3 : i32
    %shift_right_arithmetic3A_144 = vector.broadcast %shift_right_arithmetic3A_143 : i32 to vector<16xi32>
    %shift_right_arithmetic3A_145 = arith.shrsi %get3A_134, %shift_right_arithmetic3A_144 : vector<16xi32>
    %mul3A_146 = arith.constant 131072 : i32
    %mul3A_147 = vector.broadcast %mul3A_146 : i32 to vector<16xi32>
    %mul3A_148 = arith.muli %shift_right_arithmetic3A_145, %mul3A_147 : vector<16xi32>
    %shift_right_arithmetic3A_149 = arith.constant 7 : i32
    %shift_right_arithmetic3A_150 = vector.broadcast %shift_right_arithmetic3A_149 : i32 to vector<16xi32>
    %shift_right_arithmetic3A_151 = arith.shrsi %add3A_142, %shift_right_arithmetic3A_150 : vector<16xi32>
    %mul3A_152 = arith.constant 1024 : i32
    %mul3A_153 = vector.broadcast %mul3A_152 : i32 to vector<16xi32>
    %mul3A_154 = arith.muli %shift_right_arithmetic3A_151, %mul3A_153 : vector<16xi32>
    %add3A_155 = arith.addi %mul3A_148, %mul3A_154 : vector<16xi32>
    %and3A_156 = arith.constant 7 : i32
    %and3A_157 = vector.broadcast %and3A_156 : i32 to vector<16xi32>
    %and3A_158 = arith.andi %get3A_134, %and3A_157 : vector<16xi32>
    %mul3A_159 = arith.constant 128 : i32
    %mul3A_160 = vector.broadcast %mul3A_159 : i32 to vector<16xi32>
    %mul3A_161 = arith.muli %and3A_158, %mul3A_160 : vector<16xi32>
    %add3A_162 = arith.addi %add3A_155, %mul3A_161 : vector<16xi32>
    %and3A_163 = arith.constant 127 : i32
    %and3A_164 = vector.broadcast %and3A_163 : i32 to vector<16xi32>
    %and3A_165 = arith.andi %add3A_142, %and3A_164 : vector<16xi32>
    %add3A_166 = arith.addi %add3A_162, %and3A_165 : vector<16xi32>
    %swap3A_167 = arith.constant 0 : i32
    %swap3A_168 = arith.index_cast %swap3A_167 : i32 to index
    %swap3A_169 = arith.constant 48 : index
    %swap3A_170 = tpu.vector_load %arg7[%swap3A_168, %swap3A_169] {strides = array<i32>} : memref<8x128xi32, #tpu.memory_space<vmem>>, vector<16xi32>,
    tpu.vector_store %arg7[%swap3A_168, %swap3A_169], %add3A_166 {strides = array<i32>} : memref<8x128xi32, #tpu.memory_space<vmem>>, vector<16xi32>,
    %swap3A_171 = arith.constant 0 : i32
    %swap3A_172 = arith.index_cast %swap3A_171 : i32 to index
    %swap3A_173 = arith.constant 48 : index
    %swap3A_174 = tpu.vector_load %arg9[%swap3A_172, %swap3A_173] {strides = array<i32>} : memref<8x128xf32, #tpu.memory_space<vmem>>, vector<16xf32>,
    tpu.vector_store %arg9[%swap3A_172, %swap3A_173], %broadcast_in_dim3A_2 {strides = array<i32>} : memref<8x128xf32, #tpu.memory_space<vmem>>, vector<16xf32>,
    %get3A_175 = arith.constant 0 : i32
    %get3A_176 = arith.index_cast %get3A_175 : i32 to index
    %get3A_177 = arith.constant 64 : index
    %get3A_178 = tpu.vector_load %arg6[%get3A_176, %get3A_177] {strides = array<i32>} : memref<8x128xi32, #tpu.memory_space<vmem>>, vector<16xi32>,
    %mul3A_179 = arith.constant 1024 : i32
    %mul3A_180 = arith.muli %arg1, %mul3A_179 : i32
    %add3A_181 = arith.constant 0 : i32
    %add3A_182 = arith.addi %mul3A_180, %add3A_181 : i32
    %add3A_183 = arith.constant 64 : i32
    %add3A_184 = arith.addi %add3A_182, %add3A_183 : i32
    %add3A_185 = vector.broadcast %add3A_184 : i32 to vector<16xi32>
    %add3A_186 = arith.addi %add3A_185, %iota3A : vector<16xi32>
    %shift_right_arithmetic3A_187 = arith.constant 3 : i32
    %shift_right_arithmetic3A_188 = vector.broadcast %shift_right_arithmetic3A_187 : i32 to vector<16xi32>
    %shift_right_arithmetic3A_189 = arith.shrsi %get3A_178, %shift_right_arithmetic3A_188 : vector<16xi32>
    %mul3A_190 = arith.constant 131072 : i32
    %mul3A_191 = vector.broadcast %mul3A_190 : i32 to vector<16xi32>
    %mul3A_192 = arith.muli %shift_right_arithmetic3A_189, %mul3A_191 : vector<16xi32>
    %shift_right_arithmetic3A_193 = arith.constant 7 : i32
    %shift_right_arithmetic3A_194 = vector.broadcast %shift_right_arithmetic3A_193 : i32 to vector<16xi32>
    %shift_right_arithmetic3A_195 = arith.shrsi %add3A_186, %shift_right_arithmetic3A_194 : vector<16xi32>
    %mul3A_196 = arith.constant 1024 : i32
    %mul3A_197 = vector.broadcast %mul3A_196 : i32 to vector<16xi32>
    %mul3A_198 = arith.muli %shift_right_arithmetic3A_195, %mul3A_197 : vector<16xi32>
    %add3A_199 = arith.addi %mul3A_192, %mul3A_198 : vector<16xi32>
    %and3A_200 = arith.constant 7 : i32
    %and3A_201 = vector.broadcast %and3A_200 : i32 to vector<16xi32>
    %and3A_202 = arith.andi %get3A_178, %and3A_201 : vector<16xi32>
    %mul3A_203 = arith.constant 128 : i32
    %mul3A_204 = vector.broadcast %mul3A_203 : i32 to vector<16xi32>
    %mul3A_205 = arith.muli %and3A_202, %mul3A_204 : vector<16xi32>
    %add3A_206 = arith.addi %add3A_199, %mul3A_205 : vector<16xi32>
    %and3A_207 = arith.constant 127 : i32
    %and3A_208 = vector.broadcast %and3A_207 : i32 to vector<16xi32>
    %and3A_209 = arith.andi %add3A_186, %and3A_208 : vector<16xi32>
    %add3A_210 = arith.addi %add3A_206, %and3A_209 : vector<16xi32>
    %swap3A_211 = arith.constant 0 : i32
    %swap3A_212 = arith.index_cast %swap3A_211 : i32 to index
    %swap3A_213 = arith.constant 64 : index
    %swap3A_214 = tpu.vector_load %arg7[%swap3A_212, %swap3A_213] {strides = array<i32>} : memref<8x128xi32, #tpu.memory_space<vmem>>, vector<16xi32>,
    tpu.vector_store %arg7[%swap3A_212, %swap3A_213], %add3A_210 {strides = array<i32>} : memref<8x128xi32, #tpu.memory_space<vmem>>, vector<16xi32>,
    %swap3A_215 = arith.constant 0 : i32
    %swap3A_216 = arith.index_cast %swap3A_215 : i32 to index
    %swap3A_217 = arith.constant 64 : index
    %swap3A_218 = tpu.vector_load %arg9[%swap3A_216, %swap3A_217] {strides = array<i32>} : memref<8x128xf32, #tpu.memory_space<vmem>>, vector<16xf32>,
    tpu.vector_store %arg9[%swap3A_216, %swap3A_217], %broadcast_in_dim3A_2 {strides = array<i32>} : memref<8x128xf32, #tpu.memory_space<vmem>>, vector<16xf32>,
    %get3A_219 = arith.constant 0 : i32
    %get3A_220 = arith.index_cast %get3A_219 : i32 to index
    %get3A_221 = arith.constant 80 : index
    %get3A_222 = tpu.vector_load %arg6[%get3A_220, %get3A_221] {strides = array<i32>} : memref<8x128xi32, #tpu.memory_space<vmem>>, vector<16xi32>,
    %mul3A_223 = arith.constant 1024 : i32
    %mul3A_224 = arith.muli %arg1, %mul3A_223 : i32
    %add3A_225 = arith.constant 0 : i32
    %add3A_226 = arith.addi %mul3A_224, %add3A_225 : i32
    %add3A_227 = arith.constant 80 : i32
    %add3A_228 = arith.addi %add3A_226, %add3A_227 : i32
    %add3A_229 = vector.broadcast %add3A_228 : i32 to vector<16xi32>
    %add3A_230 = arith.addi %add3A_229, %iota3A : vector<16xi32>
    %shift_right_arithmetic3A_231 = arith.constant 3 : i32
    %shift_right_arithmetic3A_232 = vector.broadcast %shift_right_arithmetic3A_231 : i32 to vector<16xi32>
    %shift_right_arithmetic3A_233 = arith.shrsi %get3A_222, %shift_right_arithmetic3A_232 : vector<16xi32>
    %mul3A_234 = arith.constant 131072 : i32
    %mul3A_235 = vector.broadcast %mul3A_234 : i32 to vector<16xi32>
    %mul3A_236 = arith.muli %shift_right_arithmetic3A_233, %mul3A_235 : vector<16xi32>
    %shift_right_arithmetic3A_237 = arith.constant 7 : i32
    %shift_right_arithmetic3A_238 = vector.broadcast %shift_right_arithmetic3A_237 : i32 to vector<16xi32>
    %shift_right_arithmetic3A_239 = arith.shrsi %add3A_230, %shift_right_arithmetic3A_238 : vector<16xi32>
    %mul3A_240 = arith.constant 1024 : i32
    %mul3A_241 = vector.broadcast %mul3A_240 : i32 to vector<16xi32>
    %mul3A_242 = arith.muli %shift_right_arithmetic3A_239, %mul3A_241 : vector<16xi32>
    %add3A_243 = arith.addi %mul3A_236, %mul3A_242 : vector<16xi32>
    %and3A_244 = arith.constant 7 : i32
    %and3A_245 = vector.broadcast %and3A_244 : i32 to vector<16xi32>
    %and3A_246 = arith.andi %get3A_222, %and3A_245 : vector<16xi32>
    %mul3A_247 = arith.constant 128 : i32
    %mul3A_248 = vector.broadcast %mul3A_247 : i32 to vector<16xi32>
    %mul3A_249 = arith.muli %and3A_246, %mul3A_248 : vector<16xi32>
    %add3A_250 = arith.addi %add3A_243, %mul3A_249 : vector<16xi32>
    %and3A_251 = arith.constant 127 : i32
    %and3A_252 = vector.broadcast %and3A_251 : i32 to vector<16xi32>
    %and3A_253 = arith.andi %add3A_230, %and3A_252 : vector<16xi32>
    %add3A_254 = arith.addi %add3A_250, %and3A_253 : vector<16xi32>
    %swap3A_255 = arith.constant 0 : i32
    %swap3A_256 = arith.index_cast %swap3A_255 : i32 to index
    %swap3A_257 = arith.constant 80 : index
    %swap3A_258 = tpu.vector_load %arg7[%swap3A_256, %swap3A_257] {strides = array<i32>} : memref<8x128xi32, #tpu.memory_space<vmem>>, vector<16xi32>,
    tpu.vector_store %arg7[%swap3A_256, %swap3A_257], %add3A_254 {strides = array<i32>} : memref<8x128xi32, #tpu.memory_space<vmem>>, vector<16xi32>,
    %swap3A_259 = arith.constant 0 : i32
    %swap3A_260 = arith.index_cast %swap3A_259 : i32 to index
    %swap3A_261 = arith.constant 80 : index
    %swap3A_262 = tpu.vector_load %arg9[%swap3A_260, %swap3A_261] {strides = array<i32>} : memref<8x128xf32, #tpu.memory_space<vmem>>, vector<16xf32>,
    tpu.vector_store %arg9[%swap3A_260, %swap3A_261], %broadcast_in_dim3A_2 {strides = array<i32>} : memref<8x128xf32, #tpu.memory_space<vmem>>, vector<16xf32>,
    %get3A_263 = arith.constant 0 : i32
    %get3A_264 = arith.index_cast %get3A_263 : i32 to index
    %get3A_265 = arith.constant 96 : index
    %get3A_266 = tpu.vector_load %arg6[%get3A_264, %get3A_265] {strides = array<i32>} : memref<8x128xi32, #tpu.memory_space<vmem>>, vector<16xi32>,
    %mul3A_267 = arith.constant 1024 : i32
    %mul3A_268 = arith.muli %arg1, %mul3A_267 : i32
    %add3A_269 = arith.constant 0 : i32
    %add3A_270 = arith.addi %mul3A_268, %add3A_269 : i32
    %add3A_271 = arith.constant 96 : i32
    %add3A_272 = arith.addi %add3A_270, %add3A_271 : i32
    %add3A_273 = vector.broadcast %add3A_272 : i32 to vector<16xi32>
    %add3A_274 = arith.addi %add3A_273, %iota3A : vector<16xi32>
    %shift_right_arithmetic3A_275 = arith.constant 3 : i32
    %shift_right_arithmetic3A_276 = vector.broadcast %shift_right_arithmetic3A_275 : i32 to vector<16xi32>
    %shift_right_arithmetic3A_277 = arith.shrsi %get3A_266, %shift_right_arithmetic3A_276 : vector<16xi32>
    %mul3A_278 = arith.constant 131072 : i32
    %mul3A_279 = vector.broadcast %mul3A_278 : i32 to vector<16xi32>
    %mul3A_280 = arith.muli %shift_right_arithmetic3A_277, %mul3A_279 : vector<16xi32>
    %shift_right_arithmetic3A_281 = arith.constant 7 : i32
    %shift_right_arithmetic3A_282 = vector.broadcast %shift_right_arithmetic3A_281 : i32 to vector<16xi32>
    %shift_right_arithmetic3A_283 = arith.shrsi %add3A_274, %shift_right_arithmetic3A_282 : vector<16xi32>
    %mul3A_284 = arith.constant 1024 : i32
    %mul3A_285 = vector.broadcast %mul3A_284 : i32 to vector<16xi32>
    %mul3A_286 = arith.muli %shift_right_arithmetic3A_283, %mul3A_285 : vector<16xi32>
    %add3A_287 = arith.addi %mul3A_280, %mul3A_286 : vector<16xi32>
    %and3A_288 = arith.constant 7 : i32
    %and3A_289 = vector.broadcast %and3A_288 : i32 to vector<16xi32>
    %and3A_290 = arith.andi %get3A_266, %and3A_289 : vector<16xi32>
    %mul3A_291 = arith.constant 128 : i32
    %mul3A_292 = vector.broadcast %mul3A_291 : i32 to vector<16xi32>
    %mul3A_293 = arith.muli %and3A_290, %mul3A_292 : vector<16xi32>
    %add3A_294 = arith.addi %add3A_287, %mul3A_293 : vector<16xi32>
    %and3A_295 = arith.constant 127 : i32
    %and3A_296 = vector.broadcast %and3A_295 : i32 to vector<16xi32>
    %and3A_297 = arith.andi %add3A_274, %and3A_296 : vector<16xi32>
    %add3A_298 = arith.addi %add3A_294, %and3A_297 : vector<16xi32>
    %swap3A_299 = arith.constant 0 : i32
    %swap3A_300 = arith.index_cast %swap3A_299 : i32 to index
    %swap3A_301 = arith.constant 96 : index
    %swap3A_302 = tpu.vector_load %arg7[%swap3A_300, %swap3A_301] {strides = array<i32>} : memref<8x128xi32, #tpu.memory_space<vmem>>, vector<16xi32>,
    tpu.vector_store %arg7[%swap3A_300, %swap3A_301], %add3A_298 {strides = array<i32>} : memref<8x128xi32, #tpu.memory_space<vmem>>, vector<16xi32>,
    %swap3A_303 = arith.constant 0 : i32
    %swap3A_304 = arith.index_cast %swap3A_303 : i32 to index
    %swap3A_305 = arith.constant 96 : index
    %swap3A_306 = tpu.vector_load %arg9[%swap3A_304, %swap3A_305] {strides = array<i32>} : memref<8x128xf32, #tpu.memory_space<vmem>>, vector<16xf32>,
    tpu.vector_store %arg9[%swap3A_304, %swap3A_305], %broadcast_in_dim3A_2 {strides = array<i32>} : memref<8x128xf32, #tpu.memory_space<vmem>>, vector<16xf32>,
    %get3A_307 = arith.constant 0 : i32
    %get3A_308 = arith.index_cast %get3A_307 : i32 to index
    %get3A_309 = arith.constant 112 : index
    %get3A_310 = tpu.vector_load %arg6[%get3A_308, %get3A_309] {strides = array<i32>} : memref<8x128xi32, #tpu.memory_space<vmem>>, vector<16xi32>,
    %mul3A_311 = arith.constant 1024 : i32
    %mul3A_312 = arith.muli %arg1, %mul3A_311 : i32
    %add3A_313 = arith.constant 0 : i32
    %add3A_314 = arith.addi %mul3A_312, %add3A_313 : i32
    %add3A_315 = arith.constant 112 : i32
    %add3A_316 = arith.addi %add3A_314, %add3A_315 : i32
    %add3A_317 = vector.broadcast %add3A_316 : i32 to vector<16xi32>
    %add3A_318 = arith.addi %add3A_317, %iota3A : vector<16xi32>
    %shift_right_arithmetic3A_319 = arith.constant 3 : i32
    %shift_right_arithmetic3A_320 = vector.broadcast %shift_right_arithmetic3A_319 : i32 to vector<16xi32>
    %shift_right_arithmetic3A_321 = arith.shrsi %get3A_310, %shift_right_arithmetic3A_320 : vector<16xi32>
    %mul3A_322 = arith.constant 131072 : i32
    %mul3A_323 = vector.broadcast %mul3A_322 : i32 to vector<16xi32>
    %mul3A_324 = arith.muli %shift_right_arithmetic3A_321, %mul3A_323 : vector<16xi32>
    %shift_right_arithmetic3A_325 = arith.constant 7 : i32
    %shift_right_arithmetic3A_326 = vector.broadcast %shift_right_arithmetic3A_325 : i32 to vector<16xi32>
    %shift_right_arithmetic3A_327 = arith.shrsi %add3A_318, %shift_right_arithmetic3A_326 : vector<16xi32>
    %mul3A_328 = arith.constant 1024 : i32
    %mul3A_329 = vector.broadcast %mul3A_328 : i32 to vector<16xi32>
    %mul3A_330 = arith.muli %shift_right_arithmetic3A_327, %mul3A_329 : vector<16xi32>
    %add3A_331 = arith.addi %mul3A_324, %mul3A_330 : vector<16xi32>
    %and3A_332 = arith.constant 7 : i32
    %and3A_333 = vector.broadcast %and3A_332 : i32 to vector<16xi32>
    %and3A_334 = arith.andi %get3A_310, %and3A_333 : vector<16xi32>
    %mul3A_335 = arith.constant 128 : i32
    %mul3A_336 = vector.broadcast %mul3A_335 : i32 to vector<16xi32>
    %mul3A_337 = arith.muli %and3A_334, %mul3A_336 : vector<16xi32>
    %add3A_338 = arith.addi %add3A_331, %mul3A_337 : vector<16xi32>
    %and3A_339 = arith.constant 127 : i32
    %and3A_340 = vector.broadcast %and3A_339 : i32 to vector<16xi32>
    %and3A_341 = arith.andi %add3A_318, %and3A_340 : vector<16xi32>
    %add3A_342 = arith.addi %add3A_338, %and3A_341 : vector<16xi32>
    %swap3A_343 = arith.constant 0 : i32
    %swap3A_344 = arith.index_cast %swap3A_343 : i32 to index
    %swap3A_345 = arith.constant 112 : index
    %swap3A_346 = tpu.vector_load %arg7[%swap3A_344, %swap3A_345] {strides = array<i32>} : memref<8x128xi32, #tpu.memory_space<vmem>>, vector<16xi32>,
    tpu.vector_store %arg7[%swap3A_344, %swap3A_345], %add3A_342 {strides = array<i32>} : memref<8x128xi32, #tpu.memory_space<vmem>>, vector<16xi32>,
    %swap3A_347 = arith.constant 0 : i32
    %swap3A_348 = arith.index_cast %swap3A_347 : i32 to index
    %swap3A_349 = arith.constant 112 : index
    %swap3A_350 = tpu.vector_load %arg9[%swap3A_348, %swap3A_349] {strides = array<i32>} : memref<8x128xf32, #tpu.memory_space<vmem>>, vector<16xf32>,
    tpu.vector_store %arg9[%swap3A_348, %swap3A_349], %broadcast_in_dim3A_2 {strides = array<i32>} : memref<8x128xf32, #tpu.memory_space<vmem>>, vector<16xf32>,
    %get3A_351 = arith.constant 1 : i32
    %get3A_352 = arith.index_cast %get3A_351 : i32 to index
    %get3A_353 = arith.constant 0 : index
    %get3A_354 = tpu.vector_load %arg6[%get3A_352, %get3A_353] {strides = array<i32>} : memref<8x128xi32, #tpu.memory_space<vmem>>, vector<16xi32>,
    %mul3A_355 = arith.constant 1024 : i32
    %mul3A_356 = arith.muli %arg1, %mul3A_355 : i32
    %add3A_357 = arith.constant 128 : i32
    %add3A_358 = arith.addi %mul3A_356, %add3A_357 : i32
    %add3A_359 = arith.constant 0 : i32
    %add3A_360 = arith.addi %add3A_358, %add3A_359 : i32
    %add3A_361 = vector.broadcast %add3A_360 : i32 to vector<16xi32>
    %add3A_362 = arith.addi %add3A_361, %iota3A : vector<16xi32>
    %shift_right_arithmetic3A_363 = arith.constant 3 : i32
    %shift_right_arithmetic3A_364 = vector.broadcast %shift_right_arithmetic3A_363 : i32 to vector<16xi32>
    %shift_right_arithmetic3A_365 = arith.shrsi %get3A_354, %shift_right_arithmetic3A_364 : vector<16xi32>
    %mul3A_366 = arith.constant 131072 : i32
    %mul3A_367 = vector.broadcast %mul3A_366 : i32 to vector<16xi32>
    %mul3A_368 = arith.muli %shift_right_arithmetic3A_365, %mul3A_367 : vector<16xi32>
    %shift_right_arithmetic3A_369 = arith.constant 7 : i32
    %shift_right_arithmetic3A_370 = vector.broadcast %shift_right_arithmetic3A_369 : i32 to vector<16xi32>
    %shift_right_arithmetic3A_371 = arith.shrsi %add3A_362, %shift_right_arithmetic3A_370 : vector<16xi32>
    %mul3A_372 = arith.constant 1024 : i32
    %mul3A_373 = vector.broadcast %mul3A_372 : i32 to vector<16xi32>
    %mul3A_374 = arith.muli %shift_right_arithmetic3A_371, %mul3A_373 : vector<16xi32>
    %add3A_375 = arith.addi %mul3A_368, %mul3A_374 : vector<16xi32>
    %and3A_376 = arith.constant 7 : i32
    %and3A_377 = vector.broadcast %and3A_376 : i32 to vector<16xi32>
    %and3A_378 = arith.andi %get3A_354, %and3A_377 : vector<16xi32>
    %mul3A_379 = arith.constant 128 : i32
    %mul3A_380 = vector.broadcast %mul3A_379 : i32 to vector<16xi32>
    %mul3A_381 = arith.muli %and3A_378, %mul3A_380 : vector<16xi32>
    %add3A_382 = arith.addi %add3A_375, %mul3A_381 : vector<16xi32>
    %and3A_383 = arith.constant 127 : i32
    %and3A_384 = vector.broadcast %and3A_383 : i32 to vector<16xi32>
    %and3A_385 = arith.andi %add3A_362, %and3A_384 : vector<16xi32>
    %add3A_386 = arith.addi %add3A_382, %and3A_385 : vector<16xi32>
    %swap3A_387 = arith.constant 1 : i32
    %swap3A_388 = arith.index_cast %swap3A_387 : i32 to index
    %swap3A_389 = arith.constant 0 : index
    %swap3A_390 = tpu.vector_load %arg7[%swap3A_388, %swap3A_389] {strides = array<i32>} : memref<8x128xi32, #tpu.memory_space<vmem>>, vector<16xi32>,
    tpu.vector_store %arg7[%swap3A_388, %swap3A_389], %add3A_386 {strides = array<i32>} : memref<8x128xi32, #tpu.memory_space<vmem>>, vector<16xi32>,
    %swap3A_391 = arith.constant 1 : i32
    %swap3A_392 = arith.index_cast %swap3A_391 : i32 to index
    %swap3A_393 = arith.constant 0 : index
    %swap3A_394 = tpu.vector_load %arg9[%swap3A_392, %swap3A_393] {strides = array<i32>} : memref<8x128xf32, #tpu.memory_space<vmem>>, vector<16xf32>,
    tpu.vector_store %arg9[%swap3A_392, %swap3A_393], %broadcast_in_dim3A_2 {strides = array<i32>} : memref<8x128xf32, #tpu.memory_space<vmem>>, vector<16xf32>,
    %get3A_395 = arith.constant 1 : i32
    %get3A_396 = arith.index_cast %get3A_395 : i32 to index
    %get3A_397 = arith.constant 16 : index
    %get3A_398 = tpu.vector_load %arg6[%get3A_396, %get3A_397] {strides = array<i32>} : memref<8x128xi32, #tpu.memory_space<vmem>>, vector<16xi32>,
    %mul3A_399 = arith.constant 1024 : i32
    %mul3A_400 = arith.muli %arg1, %mul3A_399 : i32
    %add3A_401 = arith.constant 128 : i32
    %add3A_402 = arith.addi %mul3A_400, %add3A_401 : i32
    %add3A_403 = arith.constant 16 : i32
    %add3A_404 = arith.addi %add3A_402, %add3A_403 : i32
    %add3A_405 = vector.broadcast %add3A_404 : i32 to vector<16xi32>
    %add3A_406 = arith.addi %add3A_405, %iota3A : vector<16xi32>
    %shift_right_arithmetic3A_407 = arith.constant 3 : i32
    %shift_right_arithmetic3A_408 = vector.broadcast %shift_right_arithmetic3A_407 : i32 to vector<16xi32>
    %shift_right_arithmetic3A_409 = arith.shrsi %get3A_398, %shift_right_arithmetic3A_408 : vector<16xi32>
    %mul3A_410 = arith.constant 131072 : i32
    %mul3A_411 = vector.broadcast %mul3A_410 : i32 to vector<16xi32>
    %mul3A_412 = arith.muli %shift_right_arithmetic3A_409, %mul3A_411 : vector<16xi32>
    %shift_right_arithmetic3A_413 = arith.constant 7 : i32
    %shift_right_arithmetic3A_414 = vector.broadcast %shift_right_arithmetic3A_413 : i32 to vector<16xi32>
    %shift_right_arithmetic3A_415 = arith.shrsi %add3A_406, %shift_right_arithmetic3A_414 : vector<16xi32>
    %mul3A_416 = arith.constant 1024 : i32
    %mul3A_417 = vector.broadcast %mul3A_416 : i32 to vector<16xi32>
    %mul3A_418 = arith.muli %shift_right_arithmetic3A_415, %mul3A_417 : vector<16xi32>
    %add3A_419 = arith.addi %mul3A_412, %mul3A_418 : vector<16xi32>
    %and3A_420 = arith.constant 7 : i32
    %and3A_421 = vector.broadcast %and3A_420 : i32 to vector<16xi32>
    %and3A_422 = arith.andi %get3A_398, %and3A_421 : vector<16xi32>
    %mul3A_423 = arith.constant 128 : i32
    %mul3A_424 = vector.broadcast %mul3A_423 : i32 to vector<16xi32>
    %mul3A_425 = arith.muli %and3A_422, %mul3A_424 : vector<16xi32>
    %add3A_426 = arith.addi %add3A_419, %mul3A_425 : vector<16xi32>
    %and3A_427 = arith.constant 127 : i32
    %and3A_428 = vector.broadcast %and3A_427 : i32 to vector<16xi32>
    %and3A_429 = arith.andi %add3A_406, %and3A_428 : vector<16xi32>
    %add3A_430 = arith.addi %add3A_426, %and3A_429 : vector<16xi32>
    %swap3A_431 = arith.constant 1 : i32
    %swap3A_432 = arith.index_cast %swap3A_431 : i32 to index
    %swap3A_433 = arith.constant 16 : index
    %swap3A_434 = tpu.vector_load %arg7[%swap3A_432, %swap3A_433] {strides = array<i32>} : memref<8x128xi32, #tpu.memory_space<vmem>>, vector<16xi32>,
    tpu.vector_store %arg7[%swap3A_432, %swap3A_433], %add3A_430 {strides = array<i32>} : memref<8x128xi32, #tpu.memory_space<vmem>>, vector<16xi32>,
    %swap3A_435 = arith.constant 1 : i32
    %swap3A_436 = arith.index_cast %swap3A_435 : i32 to index
    %swap3A_437 = arith.constant 16 : index
    %swap3A_438 = tpu.vector_load %arg9[%swap3A_436, %swap3A_437] {strides = array<i32>} : memref<8x128xf32, #tpu.memory_space<vmem>>, vector<16xf32>,
    tpu.vector_store %arg9[%swap3A_436, %swap3A_437], %broadcast_in_dim3A_2 {strides = array<i32>} : memref<8x128xf32, #tpu.memory_space<vmem>>, vector<16xf32>,
    %get3A_439 = arith.constant 1 : i32
    %get3A_440 = arith.index_cast %get3A_439 : i32 to index
    %get3A_441 = arith.constant 32 : index
    %get3A_442 = tpu.vector_load %arg6[%get3A_440, %get3A_441] {strides = array<i32>} : memref<8x128xi32, #tpu.memory_space<vmem>>, vector<16xi32>,
    %mul3A_443 = arith.constant 1024 : i32
    %mul3A_444 = arith.muli %arg1, %mul3A_443 : i32
    %add3A_445 = arith.constant 128 : i32
    %add3A_446 = arith.addi %mul3A_444, %add3A_445 : i32
    %add3A_447 = arith.constant 32 : i32
    %add3A_448 = arith.addi %add3A_446, %add3A_447 : i32
    %add3A_449 = vector.broadcast %add3A_448 : i32 to vector<16xi32>
    %add3A_450 = arith.addi %add3A_449, %iota3A : vector<16xi32>
    %shift_right_arithmetic3A_451 = arith.constant 3 : i32
    %shift_right_arithmetic3A_452 = vector.broadcast %shift_right_arithmetic3A_451 : i32 to vector<16xi32>
    %shift_right_arithmetic3A_453 = arith.shrsi %get3A_442, %shift_right_arithmetic3A_452 : vector<16xi32>
    %mul3A_454 = arith.constant 131072 : i32
    %mul3A_455 = vector.broadcast %mul3A_454 : i32 to vector<16xi32>
    %mul3A_456 = arith.muli %shift_right_arithmetic3A_453, %mul3A_455 : vector<16xi32>
    %shift_right_arithmetic3A_457 = arith.constant 7 : i32
    %shift_right_arithmetic3A_458 = vector.broadcast %shift_right_arithmetic3A_457 : i32 to vector<16xi32>
    %shift_right_arithmetic3A_459 = arith.shrsi %add3A_450, %shift_right_arithmetic3A_458 : vector<16xi32>
    %mul3A_460 = arith.constant 1024 : i32
    %mul3A_461 = vector.broadcast %mul3A_460 : i32 to vector<16xi32>
    %mul3A_462 = arith.muli %shift_right_arithmetic3A_459, %mul3A_461 : vector<16xi32>
    %add3A_463 = arith.addi %mul3A_456, %mul3A_462 : vector<16xi32>
    %and3A_464 = arith.constant 7 : i32
    %and3A_465 = vector.broadcast %and3A_464 : i32 to vector<16xi32>
    %and3A_466 = arith.andi %get3A_442, %and3A_465 : vector<16xi32>
    %mul3A_467 = arith.constant 128 : i32
    %mul3A_468 = vector.broadcast %mul3A_467 : i32 to vector<16xi32>
    %mul3A_469 = arith.muli %and3A_466, %mul3A_468 : vector<16xi32>
    %add3A_470 = arith.addi %add3A_463, %mul3A_469 : vector<16xi32>
    %and3A_471 = arith.constant 127 : i32
    %and3A_472 = vector.broadcast %and3A_471 : i32 to vector<16xi32>
    %and3A_473 = arith.andi %add3A_450, %and3A_472 : vector<16xi32>
    %add3A_474 = arith.addi %add3A_470, %and3A_473 : vector<16xi32>
    %swap3A_475 = arith.constant 1 : i32
    %swap3A_476 = arith.index_cast %swap3A_475 : i32 to index
    %swap3A_477 = arith.constant 32 : index
    %swap3A_478 = tpu.vector_load %arg7[%swap3A_476, %swap3A_477] {strides = array<i32>} : memref<8x128xi32, #tpu.memory_space<vmem>>, vector<16xi32>,
    tpu.vector_store %arg7[%swap3A_476, %swap3A_477], %add3A_474 {strides = array<i32>} : memref<8x128xi32, #tpu.memory_space<vmem>>, vector<16xi32>,
    %swap3A_479 = arith.constant 1 : i32
    %swap3A_480 = arith.index_cast %swap3A_479 : i32 to index
    %swap3A_481 = arith.constant 32 : index
    %swap3A_482 = tpu.vector_load %arg9[%swap3A_480, %swap3A_481] {strides = array<i32>} : memref<8x128xf32, #tpu.memory_space<vmem>>, vector<16xf32>,
    tpu.vector_store %arg9[%swap3A_480, %swap3A_481], %broadcast_in_dim3A_2 {strides = array<i32>} : memref<8x128xf32, #tpu.memory_space<vmem>>, vector<16xf32>,
    %get3A_483 = arith.constant 1 : i32
    %get3A_484 = arith.index_cast %get3A_483 : i32 to index
    %get3A_485 = arith.constant 48 : index
    %get3A_486 = tpu.vector_load %arg6[%get3A_484, %get3A_485] {strides = array<i32>} : memref<8x128xi32, #tpu.memory_space<vmem>>, vector<16xi32>,
    %mul3A_487 = arith.constant 1024 : i32
    %mul3A_488 = arith.muli %arg1, %mul3A_487 : i32
    %add3A_489 = arith.constant 128 : i32
    %add3A_490 = arith.addi %mul3A_488, %add3A_489 : i32
    %add3A_491 = arith.constant 48 : i32
    %add3A_492 = arith.addi %add3A_490, %add3A_491 : i32
    %add3A_493 = vector.broadcast %add3A_492 : i32 to vector<16xi32>
    %add3A_494 = arith.addi %add3A_493, %iota3A : vector<16xi32>
    %shift_right_arithmetic3A_495 = arith.constant 3 : i32
    %shift_right_arithmetic3A_496 = vector.broadcast %shift_right_arithmetic3A_495 : i32 to vector<16xi32>
    %shift_right_arithmetic3A_497 = arith.shrsi %get3A_486, %shift_right_arithmetic3A_496 : vector<16xi32>
    %mul3A_498 = arith.constant 131072 : i32
    %mul3A_499 = vector.broadcast %mul3A_498 : i32 to vector<16xi32>
    %mul3A_500 = arith.muli %shift_right_arithmetic3A_497, %mul3A_499 : vector<16xi32>
    %shift_right_arithmetic3A_501 = arith.constant 7 : i32
    %shift_right_arithmetic3A_502 = vector.broadcast %shift_right_arithmetic3A_501 : i32 to vector<16xi32>
    %shift_right_arithmetic3A_503 = arith.shrsi %add3A_494, %shift_right_arithmetic3A_502 : vector<16xi32>
    %mul3A_504 = arith.constant 1024 : i32
    %mul3A_505 = vector.broadcast %mul3A_504 : i32 to vector<16xi32>
    %mul3A_506 = arith.muli %shift_right_arithmetic3A_503, %mul3A_505 : vector<16xi32>
    %add3A_507 = arith.addi %mul3A_500, %mul3A_506 : vector<16xi32>
    %and3A_508 = arith.constant 7 : i32
    %and3A_509 = vector.broadcast %and3A_508 : i32 to vector<16xi32>
    %and3A_510 = arith.andi %get3A_486, %and3A_509 : vector<16xi32>
    %mul3A_511 = arith.constant 128 : i32
    %mul3A_512 = vector.broadcast %mul3A_511 : i32 to vector<16xi32>
    %mul3A_513 = arith.muli %and3A_510, %mul3A_512 : vector<16xi32>
    %add3A_514 = arith.addi %add3A_507, %mul3A_513 : vector<16xi32>
    %and3A_515 = arith.constant 127 : i32
    %and3A_516 = vector.broadcast %and3A_515 : i32 to vector<16xi32>
    %and3A_517 = arith.andi %add3A_494, %and3A_516 : vector<16xi32>
    %add3A_518 = arith.addi %add3A_514, %and3A_517 : vector<16xi32>
    %swap3A_519 = arith.constant 1 : i32
    %swap3A_520 = arith.index_cast %swap3A_519 : i32 to index
    %swap3A_521 = arith.constant 48 : index
    %swap3A_522 = tpu.vector_load %arg7[%swap3A_520, %swap3A_521] {strides = array<i32>} : memref<8x128xi32, #tpu.memory_space<vmem>>, vector<16xi32>,
    tpu.vector_store %arg7[%swap3A_520, %swap3A_521], %add3A_518 {strides = array<i32>} : memref<8x128xi32, #tpu.memory_space<vmem>>, vector<16xi32>,
    %swap3A_523 = arith.constant 1 : i32
    %swap3A_524 = arith.index_cast %swap3A_523 : i32 to index
    %swap3A_525 = arith.constant 48 : index
    %swap3A_526 = tpu.vector_load %arg9[%swap3A_524, %swap3A_525] {strides = array<i32>} : memref<8x128xf32, #tpu.memory_space<vmem>>, vector<16xf32>,
    tpu.vector_store %arg9[%swap3A_524, %swap3A_525], %broadcast_in_dim3A_2 {strides = array<i32>} : memref<8x128xf32, #tpu.memory_space<vmem>>, vector<16xf32>,
    %get3A_527 = arith.constant 1 : i32
    %get3A_528 = arith.index_cast %get3A_527 : i32 to index
    %get3A_529 = arith.constant 64 : index
    %get3A_530 = tpu.vector_load %arg6[%get3A_528, %get3A_529] {strides = array<i32>} : memref<8x128xi32, #tpu.memory_space<vmem>>, vector<16xi32>,
    %mul3A_531 = arith.constant 1024 : i32
    %mul3A_532 = arith.muli %arg1, %mul3A_531 : i32
    %add3A_533 = arith.constant 128 : i32
    %add3A_534 = arith.addi %mul3A_532, %add3A_533 : i32
    %add3A_535 = arith.constant 64 : i32
    %add3A_536 = arith.addi %add3A_534, %add3A_535 : i32
    %add3A_537 = vector.broadcast %add3A_536 : i32 to vector<16xi32>
    %add3A_538 = arith.addi %add3A_537, %iota3A : vector<16xi32>
    %shift_right_arithmetic3A_539 = arith.constant 3 : i32
    %shift_right_arithmetic3A_540 = vector.broadcast %shift_right_arithmetic3A_539 : i32 to vector<16xi32>
    %shift_right_arithmetic3A_541 = arith.shrsi %get3A_530, %shift_right_arithmetic3A_540 : vector<16xi32>
    %mul3A_542 = arith.constant 131072 : i32
    %mul3A_543 = vector.broadcast %mul3A_542 : i32 to vector<16xi32>
    %mul3A_544 = arith.muli %shift_right_arithmetic3A_541, %mul3A_543 : vector<16xi32>
    %shift_right_arithmetic3A_545 = arith.constant 7 : i32
    %shift_right_arithmetic3A_546 = vector.broadcast %shift_right_arithmetic3A_545 : i32 to vector<16xi32>
    %shift_right_arithmetic3A_547 = arith.shrsi %add3A_538, %shift_right_arithmetic3A_546 : vector<16xi32>
    %mul3A_548 = arith.constant 1024 : i32
    %mul3A_549 = vector.broadcast %mul3A_548 : i32 to vector<16xi32>
    %mul3A_550 = arith.muli %shift_right_arithmetic3A_547, %mul3A_549 : vector<16xi32>
    %add3A_551 = arith.addi %mul3A_544, %mul3A_550 : vector<16xi32>
    %and3A_552 = arith.constant 7 : i32
    %and3A_553 = vector.broadcast %and3A_552 : i32 to vector<16xi32>
    %and3A_554 = arith.andi %get3A_530, %and3A_553 : vector<16xi32>
    %mul3A_555 = arith.constant 128 : i32
    %mul3A_556 = vector.broadcast %mul3A_555 : i32 to vector<16xi32>
    %mul3A_557 = arith.muli %and3A_554, %mul3A_556 : vector<16xi32>
    %add3A_558 = arith.addi %add3A_551, %mul3A_557 : vector<16xi32>
    %and3A_559 = arith.constant 127 : i32
    %and3A_560 = vector.broadcast %and3A_559 : i32 to vector<16xi32>
    %and3A_561 = arith.andi %add3A_538, %and3A_560 : vector<16xi32>
    %add3A_562 = arith.addi %add3A_558, %and3A_561 : vector<16xi32>
    %swap3A_563 = arith.constant 1 : i32
    %swap3A_564 = arith.index_cast %swap3A_563 : i32 to index
    %swap3A_565 = arith.constant 64 : index
    %swap3A_566 = tpu.vector_load %arg7[%swap3A_564, %swap3A_565] {strides = array<i32>} : memref<8x128xi32, #tpu.memory_space<vmem>>, vector<16xi32>,
    tpu.vector_store %arg7[%swap3A_564, %swap3A_565], %add3A_562 {strides = array<i32>} : memref<8x128xi32, #tpu.memory_space<vmem>>, vector<16xi32>,
    %swap3A_567 = arith.constant 1 : i32
    %swap3A_568 = arith.index_cast %swap3A_567 : i32 to index
    %swap3A_569 = arith.constant 64 : index
    %swap3A_570 = tpu.vector_load %arg9[%swap3A_568, %swap3A_569] {strides = array<i32>} : memref<8x128xf32, #tpu.memory_space<vmem>>, vector<16xf32>,
    tpu.vector_store %arg9[%swap3A_568, %swap3A_569], %broadcast_in_dim3A_2 {strides = array<i32>} : memref<8x128xf32, #tpu.memory_space<vmem>>, vector<16xf32>,
    %get3A_571 = arith.constant 1 : i32
    %get3A_572 = arith.index_cast %get3A_571 : i32 to index
    %get3A_573 = arith.constant 80 : index
    %get3A_574 = tpu.vector_load %arg6[%get3A_572, %get3A_573] {strides = array<i32>} : memref<8x128xi32, #tpu.memory_space<vmem>>, vector<16xi32>,
    %mul3A_575 = arith.constant 1024 : i32
    %mul3A_576 = arith.muli %arg1, %mul3A_575 : i32
    %add3A_577 = arith.constant 128 : i32
    %add3A_578 = arith.addi %mul3A_576, %add3A_577 : i32
    %add3A_579 = arith.constant 80 : i32
    %add3A_580 = arith.addi %add3A_578, %add3A_579 : i32
    %add3A_581 = vector.broadcast %add3A_580 : i32 to vector<16xi32>
    %add3A_582 = arith.addi %add3A_581, %iota3A : vector<16xi32>
    %shift_right_arithmetic3A_583 = arith.constant 3 : i32
    %shift_right_arithmetic3A_584 = vector.broadcast %shift_right_arithmetic3A_583 : i32 to vector<16xi32>
    %shift_right_arithmetic3A_585 = arith.shrsi %get3A_574, %shift_right_arithmetic3A_584 : vector<16xi32>
    %mul3A_586 = arith.constant 131072 : i32
    %mul3A_587 = vector.broadcast %mul3A_586 : i32 to vector<16xi32>
    %mul3A_588 = arith.muli %shift_right_arithmetic3A_585, %mul3A_587 : vector<16xi32>
    %shift_right_arithmetic3A_589 = arith.constant 7 : i32
    %shift_right_arithmetic3A_590 = vector.broadcast %shift_right_arithmetic3A_589 : i32 to vector<16xi32>
    %shift_right_arithmetic3A_591 = arith.shrsi %add3A_582, %shift_right_arithmetic3A_590 : vector<16xi32>
    %mul3A_592 = arith.constant 1024 : i32
    %mul3A_593 = vector.broadcast %mul3A_592 : i32 to vector<16xi32>
    %mul3A_594 = arith.muli %shift_right_arithmetic3A_591, %mul3A_593 : vector<16xi32>
    %add3A_595 = arith.addi %mul3A_588, %mul3A_594 : vector<16xi32>
    %and3A_596 = arith.constant 7 : i32
    %and3A_597 = vector.broadcast %and3A_596 : i32 to vector<16xi32>
    %and3A_598 = arith.andi %get3A_574, %and3A_597 : vector<16xi32>
    %mul3A_599 = arith.constant 128 : i32
    %mul3A_600 = vector.broadcast %mul3A_599 : i32 to vector<16xi32>
    %mul3A_601 = arith.muli %and3A_598, %mul3A_600 : vector<16xi32>
    %add3A_602 = arith.addi %add3A_595, %mul3A_601 : vector<16xi32>
    %and3A_603 = arith.constant 127 : i32
    %and3A_604 = vector.broadcast %and3A_603 : i32 to vector<16xi32>
    %and3A_605 = arith.andi %add3A_582, %and3A_604 : vector<16xi32>
    %add3A_606 = arith.addi %add3A_602, %and3A_605 : vector<16xi32>
    %swap3A_607 = arith.constant 1 : i32
    %swap3A_608 = arith.index_cast %swap3A_607 : i32 to index
    %swap3A_609 = arith.constant 80 : index
    %swap3A_610 = tpu.vector_load %arg7[%swap3A_608, %swap3A_609] {strides = array<i32>} : memref<8x128xi32, #tpu.memory_space<vmem>>, vector<16xi32>,
    tpu.vector_store %arg7[%swap3A_608, %swap3A_609], %add3A_606 {strides = array<i32>} : memref<8x128xi32, #tpu.memory_space<vmem>>, vector<16xi32>,
    %swap3A_611 = arith.constant 1 : i32
    %swap3A_612 = arith.index_cast %swap3A_611 : i32 to index
    %swap3A_613 = arith.constant 80 : index
    %swap3A_614 = tpu.vector_load %arg9[%swap3A_612, %swap3A_613] {strides = array<i32>} : memref<8x128xf32, #tpu.memory_space<vmem>>, vector<16xf32>,
    tpu.vector_store %arg9[%swap3A_612, %swap3A_613], %broadcast_in_dim3A_2 {strides = array<i32>} : memref<8x128xf32, #tpu.memory_space<vmem>>, vector<16xf32>,
    %get3A_615 = arith.constant 1 : i32
    %get3A_616 = arith.index_cast %get3A_615 : i32 to index
    %get3A_617 = arith.constant 96 : index
    %get3A_618 = tpu.vector_load %arg6[%get3A_616, %get3A_617] {strides = array<i32>} : memref<8x128xi32, #tpu.memory_space<vmem>>, vector<16xi32>,
    %mul3A_619 = arith.constant 1024 : i32
    %mul3A_620 = arith.muli %arg1, %mul3A_619 : i32
    %add3A_621 = arith.constant 128 : i32
    %add3A_622 = arith.addi %mul3A_620, %add3A_621 : i32
    %add3A_623 = arith.constant 96 : i32
    %add3A_624 = arith.addi %add3A_622, %add3A_623 : i32
    %add3A_625 = vector.broadcast %add3A_624 : i32 to vector<16xi32>
    %add3A_626 = arith.addi %add3A_625, %iota3A : vector<16xi32>
    %shift_right_arithmetic3A_627 = arith.constant 3 : i32
    %shift_right_arithmetic3A_628 = vector.broadcast %shift_right_arithmetic3A_627 : i32 to vector<16xi32>
    %shift_right_arithmetic3A_629 = arith.shrsi %get3A_618, %shift_right_arithmetic3A_628 : vector<16xi32>
    %mul3A_630 = arith.constant 131072 : i32
    %mul3A_631 = vector.broadcast %mul3A_630 : i32 to vector<16xi32>
    %mul3A_632 = arith.muli %shift_right_arithmetic3A_629, %mul3A_631 : vector<16xi32>
    %shift_right_arithmetic3A_633 = arith.constant 7 : i32
    %shift_right_arithmetic3A_634 = vector.broadcast %shift_right_arithmetic3A_633 : i32 to vector<16xi32>
    %shift_right_arithmetic3A_635 = arith.shrsi %add3A_626, %shift_right_arithmetic3A_634 : vector<16xi32>
    %mul3A_636 = arith.constant 1024 : i32
    %mul3A_637 = vector.broadcast %mul3A_636 : i32 to vector<16xi32>
    %mul3A_638 = arith.muli %shift_right_arithmetic3A_635, %mul3A_637 : vector<16xi32>
    %add3A_639 = arith.addi %mul3A_632, %mul3A_638 : vector<16xi32>
    %and3A_640 = arith.constant 7 : i32
    %and3A_641 = vector.broadcast %and3A_640 : i32 to vector<16xi32>
    %and3A_642 = arith.andi %get3A_618, %and3A_641 : vector<16xi32>
    %mul3A_643 = arith.constant 128 : i32
    %mul3A_644 = vector.broadcast %mul3A_643 : i32 to vector<16xi32>
    %mul3A_645 = arith.muli %and3A_642, %mul3A_644 : vector<16xi32>
    %add3A_646 = arith.addi %add3A_639, %mul3A_645 : vector<16xi32>
    %and3A_647 = arith.constant 127 : i32
    %and3A_648 = vector.broadcast %and3A_647 : i32 to vector<16xi32>
    %and3A_649 = arith.andi %add3A_626, %and3A_648 : vector<16xi32>
    %add3A_650 = arith.addi %add3A_646, %and3A_649 : vector<16xi32>
    %swap3A_651 = arith.constant 1 : i32
    %swap3A_652 = arith.index_cast %swap3A_651 : i32 to index
    %swap3A_653 = arith.constant 96 : index
    %swap3A_654 = tpu.vector_load %arg7[%swap3A_652, %swap3A_653] {strides = array<i32>} : memref<8x128xi32, #tpu.memory_space<vmem>>, vector<16xi32>,
    tpu.vector_store %arg7[%swap3A_652, %swap3A_653], %add3A_650 {strides = array<i32>} : memref<8x128xi32, #tpu.memory_space<vmem>>, vector<16xi32>,
    %swap3A_655 = arith.constant 1 : i32
    %swap3A_656 = arith.index_cast %swap3A_655 : i32 to index
    %swap3A_657 = arith.constant 96 : index
    %swap3A_658 = tpu.vector_load %arg9[%swap3A_656, %swap3A_657] {strides = array<i32>} : memref<8x128xf32, #tpu.memory_space<vmem>>, vector<16xf32>,
    tpu.vector_store %arg9[%swap3A_656, %swap3A_657], %broadcast_in_dim3A_2 {strides = array<i32>} : memref<8x128xf32, #tpu.memory_space<vmem>>, vector<16xf32>,
    %get3A_659 = arith.constant 1 : i32
    %get3A_660 = arith.index_cast %get3A_659 : i32 to index
    %get3A_661 = arith.constant 112 : index
    %get3A_662 = tpu.vector_load %arg6[%get3A_660, %get3A_661] {strides = array<i32>} : memref<8x128xi32, #tpu.memory_space<vmem>>, vector<16xi32>,
    %mul3A_663 = arith.constant 1024 : i32
    %mul3A_664 = arith.muli %arg1, %mul3A_663 : i32
    %add3A_665 = arith.constant 128 : i32
    %add3A_666 = arith.addi %mul3A_664, %add3A_665 : i32
    %add3A_667 = arith.constant 112 : i32
    %add3A_668 = arith.addi %add3A_666, %add3A_667 : i32
    %add3A_669 = vector.broadcast %add3A_668 : i32 to vector<16xi32>
    %add3A_670 = arith.addi %add3A_669, %iota3A : vector<16xi32>
    %shift_right_arithmetic3A_671 = arith.constant 3 : i32
    %shift_right_arithmetic3A_672 = vector.broadcast %shift_right_arithmetic3A_671 : i32 to vector<16xi32>
    %shift_right_arithmetic3A_673 = arith.shrsi %get3A_662, %shift_right_arithmetic3A_672 : vector<16xi32>
    %mul3A_674 = arith.constant 131072 : i32
    %mul3A_675 = vector.broadcast %mul3A_674 : i32 to vector<16xi32>
    %mul3A_676 = arith.muli %shift_right_arithmetic3A_673, %mul3A_675 : vector<16xi32>
    %shift_right_arithmetic3A_677 = arith.constant 7 : i32
    %shift_right_arithmetic3A_678 = vector.broadcast %shift_right_arithmetic3A_677 : i32 to vector<16xi32>
    %shift_right_arithmetic3A_679 = arith.shrsi %add3A_670, %shift_right_arithmetic3A_678 : vector<16xi32>
    %mul3A_680 = arith.constant 1024 : i32
    %mul3A_681 = vector.broadcast %mul3A_680 : i32 to vector<16xi32>
    %mul3A_682 = arith.muli %shift_right_arithmetic3A_679, %mul3A_681 : vector<16xi32>
    %add3A_683 = arith.addi %mul3A_676, %mul3A_682 : vector<16xi32>
    %and3A_684 = arith.constant 7 : i32
    %and3A_685 = vector.broadcast %and3A_684 : i32 to vector<16xi32>
    %and3A_686 = arith.andi %get3A_662, %and3A_685 : vector<16xi32>
    %mul3A_687 = arith.constant 128 : i32
    %mul3A_688 = vector.broadcast %mul3A_687 : i32 to vector<16xi32>
    %mul3A_689 = arith.muli %and3A_686, %mul3A_688 : vector<16xi32>
    %add3A_690 = arith.addi %add3A_683, %mul3A_689 : vector<16xi32>
    %and3A_691 = arith.constant 127 : i32
    %and3A_692 = vector.broadcast %and3A_691 : i32 to vector<16xi32>
    %and3A_693 = arith.andi %add3A_670, %and3A_692 : vector<16xi32>
    %add3A_694 = arith.addi %add3A_690, %and3A_693 : vector<16xi32>
    %swap3A_695 = arith.constant 1 : i32
    %swap3A_696 = arith.index_cast %swap3A_695 : i32 to index
    %swap3A_697 = arith.constant 112 : index
    %swap3A_698 = tpu.vector_load %arg7[%swap3A_696, %swap3A_697] {strides = array<i32>} : memref<8x128xi32, #tpu.memory_space<vmem>>, vector<16xi32>,
    tpu.vector_store %arg7[%swap3A_696, %swap3A_697], %add3A_694 {strides = array<i32>} : memref<8x128xi32, #tpu.memory_space<vmem>>, vector<16xi32>,
    %swap3A_699 = arith.constant 1 : i32
    %swap3A_700 = arith.index_cast %swap3A_699 : i32 to index
    %swap3A_701 = arith.constant 112 : index
    %swap3A_702 = tpu.vector_load %arg9[%swap3A_700, %swap3A_701] {strides = array<i32>} : memref<8x128xf32, #tpu.memory_space<vmem>>, vector<16xf32>,
    tpu.vector_store %arg9[%swap3A_700, %swap3A_701], %broadcast_in_dim3A_2 {strides = array<i32>} : memref<8x128xf32, #tpu.memory_space<vmem>>, vector<16xf32>,
    %get3A_703 = arith.constant 2 : i32
    %get3A_704 = arith.index_cast %get3A_703 : i32 to index
    %get3A_705 = arith.constant 0 : index
    %get3A_706 = tpu.vector_load %arg6[%get3A_704, %get3A_705] {strides = array<i32>} : memref<8x128xi32, #tpu.memory_space<vmem>>, vector<16xi32>,
    %mul3A_707 = arith.constant 1024 : i32
    %mul3A_708 = arith.muli %arg1, %mul3A_707 : i32
    %add3A_709 = arith.constant 256 : i32
    %add3A_710 = arith.addi %mul3A_708, %add3A_709 : i32
    %add3A_711 = arith.constant 0 : i32
    %add3A_712 = arith.addi %add3A_710, %add3A_711 : i32
    %add3A_713 = vector.broadcast %add3A_712 : i32 to vector<16xi32>
    %add3A_714 = arith.addi %add3A_713, %iota3A : vector<16xi32>
    %shift_right_arithmetic3A_715 = arith.constant 3 : i32
    %shift_right_arithmetic3A_716 = vector.broadcast %shift_right_arithmetic3A_715 : i32 to vector<16xi32>
    %shift_right_arithmetic3A_717 = arith.shrsi %get3A_706, %shift_right_arithmetic3A_716 : vector<16xi32>
    %mul3A_718 = arith.constant 131072 : i32
    %mul3A_719 = vector.broadcast %mul3A_718 : i32 to vector<16xi32>
    %mul3A_720 = arith.muli %shift_right_arithmetic3A_717, %mul3A_719 : vector<16xi32>
    %shift_right_arithmetic3A_721 = arith.constant 7 : i32
    %shift_right_arithmetic3A_722 = vector.broadcast %shift_right_arithmetic3A_721 : i32 to vector<16xi32>
    %shift_right_arithmetic3A_723 = arith.shrsi %add3A_714, %shift_right_arithmetic3A_722 : vector<16xi32>
    %mul3A_724 = arith.constant 1024 : i32
    %mul3A_725 = vector.broadcast %mul3A_724 : i32 to vector<16xi32>
    %mul3A_726 = arith.muli %shift_right_arithmetic3A_723, %mul3A_725 : vector<16xi32>
    %add3A_727 = arith.addi %mul3A_720, %mul3A_726 : vector<16xi32>
    %and3A_728 = arith.constant 7 : i32
    %and3A_729 = vector.broadcast %and3A_728 : i32 to vector<16xi32>
    %and3A_730 = arith.andi %get3A_706, %and3A_729 : vector<16xi32>
    %mul3A_731 = arith.constant 128 : i32
    %mul3A_732 = vector.broadcast %mul3A_731 : i32 to vector<16xi32>
    %mul3A_733 = arith.muli %and3A_730, %mul3A_732 : vector<16xi32>
    %add3A_734 = arith.addi %add3A_727, %mul3A_733 : vector<16xi32>
    %and3A_735 = arith.constant 127 : i32
    %and3A_736 = vector.broadcast %and3A_735 : i32 to vector<16xi32>
    %and3A_737 = arith.andi %add3A_714, %and3A_736 : vector<16xi32>
    %add3A_738 = arith.addi %add3A_734, %and3A_737 : vector<16xi32>
    %swap3A_739 = arith.constant 2 : i32
    %swap3A_740 = arith.index_cast %swap3A_739 : i32 to index
    %swap3A_741 = arith.constant 0 : index
    %swap3A_742 = tpu.vector_load %arg7[%swap3A_740, %swap3A_741] {strides = array<i32>} : memref<8x128xi32, #tpu.memory_space<vmem>>, vector<16xi32>,
    tpu.vector_store %arg7[%swap3A_740, %swap3A_741], %add3A_738 {strides = array<i32>} : memref<8x128xi32, #tpu.memory_space<vmem>>, vector<16xi32>,
    %swap3A_743 = arith.constant 2 : i32
    %swap3A_744 = arith.index_cast %swap3A_743 : i32 to index
    %swap3A_745 = arith.constant 0 : index
    %swap3A_746 = tpu.vector_load %arg9[%swap3A_744, %swap3A_745] {strides = array<i32>} : memref<8x128xf32, #tpu.memory_space<vmem>>, vector<16xf32>,
    tpu.vector_store %arg9[%swap3A_744, %swap3A_745], %broadcast_in_dim3A_2 {strides = array<i32>} : memref<8x128xf32, #tpu.memory_space<vmem>>, vector<16xf32>,
    %get3A_747 = arith.constant 2 : i32
    %get3A_748 = arith.index_cast %get3A_747 : i32 to index
    %get3A_749 = arith.constant 16 : index
    %get3A_750 = tpu.vector_load %arg6[%get3A_748, %get3A_749] {strides = array<i32>} : memref<8x128xi32, #tpu.memory_space<vmem>>, vector<16xi32>,
    %mul3A_751 = arith.constant 1024 : i32
    %mul3A_752 = arith.muli %arg1, %mul3A_751 : i32
    %add3A_753 = arith.constant 256 : i32
    %add3A_754 = arith.addi %mul3A_752, %add3A_753 : i32
    %add3A_755 = arith.constant 16 : i32
    %add3A_756 = arith.addi %add3A_754, %add3A_755 : i32
    %add3A_757 = vector.broadcast %add3A_756 : i32 to vector<16xi32>
    %add3A_758 = arith.addi %add3A_757, %iota3A : vector<16xi32>
    %shift_right_arithmetic3A_759 = arith.constant 3 : i32
    %shift_right_arithmetic3A_760 = vector.broadcast %shift_right_arithmetic3A_759 : i32 to vector<16xi32>
    %shift_right_arithmetic3A_761 = arith.shrsi %get3A_750, %shift_right_arithmetic3A_760 : vector<16xi32>
    %mul3A_762 = arith.constant 131072 : i32
    %mul3A_763 = vector.broadcast %mul3A_762 : i32 to vector<16xi32>
    %mul3A_764 = arith.muli %shift_right_arithmetic3A_761, %mul3A_763 : vector<16xi32>
    %shift_right_arithmetic3A_765 = arith.constant 7 : i32
    %shift_right_arithmetic3A_766 = vector.broadcast %shift_right_arithmetic3A_765 : i32 to vector<16xi32>
    %shift_right_arithmetic3A_767 = arith.shrsi %add3A_758, %shift_right_arithmetic3A_766 : vector<16xi32>
    %mul3A_768 = arith.constant 1024 : i32
    %mul3A_769 = vector.broadcast %mul3A_768 : i32 to vector<16xi32>
    %mul3A_770 = arith.muli %shift_right_arithmetic3A_767, %mul3A_769 : vector<16xi32>
    %add3A_771 = arith.addi %mul3A_764, %mul3A_770 : vector<16xi32>
    %and3A_772 = arith.constant 7 : i32
    %and3A_773 = vector.broadcast %and3A_772 : i32 to vector<16xi32>
    %and3A_774 = arith.andi %get3A_750, %and3A_773 : vector<16xi32>
    %mul3A_775 = arith.constant 128 : i32
    %mul3A_776 = vector.broadcast %mul3A_775 : i32 to vector<16xi32>
    %mul3A_777 = arith.muli %and3A_774, %mul3A_776 : vector<16xi32>
    %add3A_778 = arith.addi %add3A_771, %mul3A_777 : vector<16xi32>
    %and3A_779 = arith.constant 127 : i32
    %and3A_780 = vector.broadcast %and3A_779 : i32 to vector<16xi32>
    %and3A_781 = arith.andi %add3A_758, %and3A_780 : vector<16xi32>
    %add3A_782 = arith.addi %add3A_778, %and3A_781 : vector<16xi32>
    %swap3A_783 = arith.constant 2 : i32
    %swap3A_784 = arith.index_cast %swap3A_783 : i32 to index
    %swap3A_785 = arith.constant 16 : index
    %swap3A_786 = tpu.vector_load %arg7[%swap3A_784, %swap3A_785] {strides = array<i32>} : memref<8x128xi32, #tpu.memory_space<vmem>>, vector<16xi32>,
    tpu.vector_store %arg7[%swap3A_784, %swap3A_785], %add3A_782 {strides = array<i32>} : memref<8x128xi32, #tpu.memory_space<vmem>>, vector<16xi32>,
    %swap3A_787 = arith.constant 2 : i32
    %swap3A_788 = arith.index_cast %swap3A_787 : i32 to index
    %swap3A_789 = arith.constant 16 : index
    %swap3A_790 = tpu.vector_load %arg9[%swap3A_788, %swap3A_789] {strides = array<i32>} : memref<8x128xf32, #tpu.memory_space<vmem>>, vector<16xf32>,
    tpu.vector_store %arg9[%swap3A_788, %swap3A_789], %broadcast_in_dim3A_2 {strides = array<i32>} : memref<8x128xf32, #tpu.memory_space<vmem>>, vector<16xf32>,
    %get3A_791 = arith.constant 2 : i32
    %get3A_792 = arith.index_cast %get3A_791 : i32 to index
    %get3A_793 = arith.constant 32 : index
    %get3A_794 = tpu.vector_load %arg6[%get3A_792, %get3A_793] {strides = array<i32>} : memref<8x128xi32, #tpu.memory_space<vmem>>, vector<16xi32>,
    %mul3A_795 = arith.constant 1024 : i32
    %mul3A_796 = arith.muli %arg1, %mul3A_795 : i32
    %add3A_797 = arith.constant 256 : i32
    %add3A_798 = arith.addi %mul3A_796, %add3A_797 : i32
    %add3A_799 = arith.constant 32 : i32
    %add3A_800 = arith.addi %add3A_798, %add3A_799 : i32
    %add3A_801 = vector.broadcast %add3A_800 : i32 to vector<16xi32>
    %add3A_802 = arith.addi %add3A_801, %iota3A : vector<16xi32>
    %shift_right_arithmetic3A_803 = arith.constant 3 : i32
    %shift_right_arithmetic3A_804 = vector.broadcast %shift_right_arithmetic3A_803 : i32 to vector<16xi32>
    %shift_right_arithmetic3A_805 = arith.shrsi %get3A_794, %shift_right_arithmetic3A_804 : vector<16xi32>
    %mul3A_806 = arith.constant 131072 : i32
    %mul3A_807 = vector.broadcast %mul3A_806 : i32 to vector<16xi32>
    %mul3A_808 = arith.muli %shift_right_arithmetic3A_805, %mul3A_807 : vector<16xi32>
    %shift_right_arithmetic3A_809 = arith.constant 7 : i32
    %shift_right_arithmetic3A_810 = vector.broadcast %shift_right_arithmetic3A_809 : i32 to vector<16xi32>
    %shift_right_arithmetic3A_811 = arith.shrsi %add3A_802, %shift_right_arithmetic3A_810 : vector<16xi32>
    %mul3A_812 = arith.constant 1024 : i32
    %mul3A_813 = vector.broadcast %mul3A_812 : i32 to vector<16xi32>
    %mul3A_814 = arith.muli %shift_right_arithmetic3A_811, %mul3A_813 : vector<16xi32>
    %add3A_815 = arith.addi %mul3A_808, %mul3A_814 : vector<16xi32>
    %and3A_816 = arith.constant 7 : i32
    %and3A_817 = vector.broadcast %and3A_816 : i32 to vector<16xi32>
    %and3A_818 = arith.andi %get3A_794, %and3A_817 : vector<16xi32>
    %mul3A_819 = arith.constant 128 : i32
    %mul3A_820 = vector.broadcast %mul3A_819 : i32 to vector<16xi32>
    %mul3A_821 = arith.muli %and3A_818, %mul3A_820 : vector<16xi32>
    %add3A_822 = arith.addi %add3A_815, %mul3A_821 : vector<16xi32>
    %and3A_823 = arith.constant 127 : i32
    %and3A_824 = vector.broadcast %and3A_823 : i32 to vector<16xi32>
    %and3A_825 = arith.andi %add3A_802, %and3A_824 : vector<16xi32>
    %add3A_826 = arith.addi %add3A_822, %and3A_825 : vector<16xi32>
    %swap3A_827 = arith.constant 2 : i32
    %swap3A_828 = arith.index_cast %swap3A_827 : i32 to index
    %swap3A_829 = arith.constant 32 : index
    %swap3A_830 = tpu.vector_load %arg7[%swap3A_828, %swap3A_829] {strides = array<i32>} : memref<8x128xi32, #tpu.memory_space<vmem>>, vector<16xi32>,
    tpu.vector_store %arg7[%swap3A_828, %swap3A_829], %add3A_826 {strides = array<i32>} : memref<8x128xi32, #tpu.memory_space<vmem>>, vector<16xi32>,
    %swap3A_831 = arith.constant 2 : i32
    %swap3A_832 = arith.index_cast %swap3A_831 : i32 to index
    %swap3A_833 = arith.constant 32 : index
    %swap3A_834 = tpu.vector_load %arg9[%swap3A_832, %swap3A_833] {strides = array<i32>} : memref<8x128xf32, #tpu.memory_space<vmem>>, vector<16xf32>,
    tpu.vector_store %arg9[%swap3A_832, %swap3A_833], %broadcast_in_dim3A_2 {strides = array<i32>} : memref<8x128xf32, #tpu.memory_space<vmem>>, vector<16xf32>,
    %get3A_835 = arith.constant 2 : i32
    %get3A_836 = arith.index_cast %get3A_835 : i32 to index
    %get3A_837 = arith.constant 48 : index
    %get3A_838 = tpu.vector_load %arg6[%get3A_836, %get3A_837] {strides = array<i32>} : memref<8x128xi32, #tpu.memory_space<vmem>>, vector<16xi32>,
    %mul3A_839 = arith.constant 1024 : i32
    %mul3A_840 = arith.muli %arg1, %mul3A_839 : i32
    %add3A_841 = arith.constant 256 : i32
    %add3A_842 = arith.addi %mul3A_840, %add3A_841 : i32
    %add3A_843 = arith.constant 48 : i32
    %add3A_844 = arith.addi %add3A_842, %add3A_843 : i32
    %add3A_845 = vector.broadcast %add3A_844 : i32 to vector<16xi32>
    %add3A_846 = arith.addi %add3A_845, %iota3A : vector<16xi32>
    %shift_right_arithmetic3A_847 = arith.constant 3 : i32
    %shift_right_arithmetic3A_848 = vector.broadcast %shift_right_arithmetic3A_847 : i32 to vector<16xi32>
    %shift_right_arithmetic3A_849 = arith.shrsi %get3A_838, %shift_right_arithmetic3A_848 : vector<16xi32>
    %mul3A_850 = arith.constant 131072 : i32
    %mul3A_851 = vector.broadcast %mul3A_850 : i32 to vector<16xi32>
    %mul3A_852 = arith.muli %shift_right_arithmetic3A_849, %mul3A_851 : vector<16xi32>
    %shift_right_arithmetic3A_853 = arith.constant 7 : i32
    %shift_right_arithmetic3A_854 = vector.broadcast %shift_right_arithmetic3A_853 : i32 to vector<16xi32>
    %shift_right_arithmetic3A_855 = arith.shrsi %add3A_846, %shift_right_arithmetic3A_854 : vector<16xi32>
    %mul3A_856 = arith.constant 1024 : i32
    %mul3A_857 = vector.broadcast %mul3A_856 : i32 to vector<16xi32>
    %mul3A_858 = arith.muli %shift_right_arithmetic3A_855, %mul3A_857 : vector<16xi32>
    %add3A_859 = arith.addi %mul3A_852, %mul3A_858 : vector<16xi32>
    %and3A_860 = arith.constant 7 : i32
    %and3A_861 = vector.broadcast %and3A_860 : i32 to vector<16xi32>
    %and3A_862 = arith.andi %get3A_838, %and3A_861 : vector<16xi32>
    %mul3A_863 = arith.constant 128 : i32
    %mul3A_864 = vector.broadcast %mul3A_863 : i32 to vector<16xi32>
    %mul3A_865 = arith.muli %and3A_862, %mul3A_864 : vector<16xi32>
    %add3A_866 = arith.addi %add3A_859, %mul3A_865 : vector<16xi32>
    %and3A_867 = arith.constant 127 : i32
    %and3A_868 = vector.broadcast %and3A_867 : i32 to vector<16xi32>
    %and3A_869 = arith.andi %add3A_846, %and3A_868 : vector<16xi32>
    %add3A_870 = arith.addi %add3A_866, %and3A_869 : vector<16xi32>
    %swap3A_871 = arith.constant 2 : i32
    %swap3A_872 = arith.index_cast %swap3A_871 : i32 to index
    %swap3A_873 = arith.constant 48 : index
    %swap3A_874 = tpu.vector_load %arg7[%swap3A_872, %swap3A_873] {strides = array<i32>} : memref<8x128xi32, #tpu.memory_space<vmem>>, vector<16xi32>,
    tpu.vector_store %arg7[%swap3A_872, %swap3A_873], %add3A_870 {strides = array<i32>} : memref<8x128xi32, #tpu.memory_space<vmem>>, vector<16xi32>,
    %swap3A_875 = arith.constant 2 : i32
    %swap3A_876 = arith.index_cast %swap3A_875 : i32 to index
    %swap3A_877 = arith.constant 48 : index
    %swap3A_878 = tpu.vector_load %arg9[%swap3A_876, %swap3A_877] {strides = array<i32>} : memref<8x128xf32, #tpu.memory_space<vmem>>, vector<16xf32>,
    tpu.vector_store %arg9[%swap3A_876, %swap3A_877], %broadcast_in_dim3A_2 {strides = array<i32>} : memref<8x128xf32, #tpu.memory_space<vmem>>, vector<16xf32>,
    %get3A_879 = arith.constant 2 : i32
    %get3A_880 = arith.index_cast %get3A_879 : i32 to index
    %get3A_881 = arith.constant 64 : index
    %get3A_882 = tpu.vector_load %arg6[%get3A_880, %get3A_881] {strides = array<i32>} : memref<8x128xi32, #tpu.memory_space<vmem>>, vector<16xi32>,
    %mul3A_883 = arith.constant 1024 : i32
    %mul3A_884 = arith.muli %arg1, %mul3A_883 : i32
    %add3A_885 = arith.constant 256 : i32
    %add3A_886 = arith.addi %mul3A_884, %add3A_885 : i32
    %add3A_887 = arith.constant 64 : i32
    %add3A_888 = arith.addi %add3A_886, %add3A_887 : i32
    %add3A_889 = vector.broadcast %add3A_888 : i32 to vector<16xi32>
    %add3A_890 = arith.addi %add3A_889, %iota3A : vector<16xi32>
    %shift_right_arithmetic3A_891 = arith.constant 3 : i32
    %shift_right_arithmetic3A_892 = vector.broadcast %shift_right_arithmetic3A_891 : i32 to vector<16xi32>
    %shift_right_arithmetic3A_893 = arith.shrsi %get3A_882, %shift_right_arithmetic3A_892 : vector<16xi32>
    %mul3A_894 = arith.constant 131072 : i32
    %mul3A_895 = vector.broadcast %mul3A_894 : i32 to vector<16xi32>
    %mul3A_896 = arith.muli %shift_right_arithmetic3A_893, %mul3A_895 : vector<16xi32>
    %shift_right_arithmetic3A_897 = arith.constant 7 : i32
    %shift_right_arithmetic3A_898 = vector.broadcast %shift_right_arithmetic3A_897 : i32 to vector<16xi32>
    %shift_right_arithmetic3A_899 = arith.shrsi %add3A_890, %shift_right_arithmetic3A_898 : vector<16xi32>
    %mul3A_900 = arith.constant 1024 : i32
    %mul3A_901 = vector.broadcast %mul3A_900 : i32 to vector<16xi32>
    %mul3A_902 = arith.muli %shift_right_arithmetic3A_899, %mul3A_901 : vector<16xi32>
    %add3A_903 = arith.addi %mul3A_896, %mul3A_902 : vector<16xi32>
    %and3A_904 = arith.constant 7 : i32
    %and3A_905 = vector.broadcast %and3A_904 : i32 to vector<16xi32>
    %and3A_906 = arith.andi %get3A_882, %and3A_905 : vector<16xi32>
    %mul3A_907 = arith.constant 128 : i32
    %mul3A_908 = vector.broadcast %mul3A_907 : i32 to vector<16xi32>
    %mul3A_909 = arith.muli %and3A_906, %mul3A_908 : vector<16xi32>
    %add3A_910 = arith.addi %add3A_903, %mul3A_909 : vector<16xi32>
    %and3A_911 = arith.constant 127 : i32
    %and3A_912 = vector.broadcast %and3A_911 : i32 to vector<16xi32>
    %and3A_913 = arith.andi %add3A_890, %and3A_912 : vector<16xi32>
    %add3A_914 = arith.addi %add3A_910, %and3A_913 : vector<16xi32>
    %swap3A_915 = arith.constant 2 : i32
    %swap3A_916 = arith.index_cast %swap3A_915 : i32 to index
    %swap3A_917 = arith.constant 64 : index
    %swap3A_918 = tpu.vector_load %arg7[%swap3A_916, %swap3A_917] {strides = array<i32>} : memref<8x128xi32, #tpu.memory_space<vmem>>, vector<16xi32>,
    tpu.vector_store %arg7[%swap3A_916, %swap3A_917], %add3A_914 {strides = array<i32>} : memref<8x128xi32, #tpu.memory_space<vmem>>, vector<16xi32>,
    %swap3A_919 = arith.constant 2 : i32
    %swap3A_920 = arith.index_cast %swap3A_919 : i32 to index
    %swap3A_921 = arith.constant 64 : index
    %swap3A_922 = tpu.vector_load %arg9[%swap3A_920, %swap3A_921] {strides = array<i32>} : memref<8x128xf32, #tpu.memory_space<vmem>>, vector<16xf32>,
    tpu.vector_store %arg9[%swap3A_920, %swap3A_921], %broadcast_in_dim3A_2 {strides = array<i32>} : memref<8x128xf32, #tpu.memory_space<vmem>>, vector<16xf32>,
    %get3A_923 = arith.constant 2 : i32
    %get3A_924 = arith.index_cast %get3A_923 : i32 to index
    %get3A_925 = arith.constant 80 : index
    %get3A_926 = tpu.vector_load %arg6[%get3A_924, %get3A_925] {strides = array<i32>} : memref<8x128xi32, #tpu.memory_space<vmem>>, vector<16xi32>,
    %mul3A_927 = arith.constant 1024 : i32
    %mul3A_928 = arith.muli %arg1, %mul3A_927 : i32
    %add3A_929 = arith.constant 256 : i32
    %add3A_930 = arith.addi %mul3A_928, %add3A_929 : i32
    %add3A_931 = arith.constant 80 : i32
    %add3A_932 = arith.addi %add3A_930, %add3A_931 : i32
    %add3A_933 = vector.broadcast %add3A_932 : i32 to vector<16xi32>
    %add3A_934 = arith.addi %add3A_933, %iota3A : vector<16xi32>
    %shift_right_arithmetic3A_935 = arith.constant 3 : i32
    %shift_right_arithmetic3A_936 = vector.broadcast %shift_right_arithmetic3A_935 : i32 to vector<16xi32>
    %shift_right_arithmetic3A_937 = arith.shrsi %get3A_926, %shift_right_arithmetic3A_936 : vector<16xi32>
    %mul3A_938 = arith.constant 131072 : i32
    %mul3A_939 = vector.broadcast %mul3A_938 : i32 to vector<16xi32>
    %mul3A_940 = arith.muli %shift_right_arithmetic3A_937, %mul3A_939 : vector<16xi32>
    %shift_right_arithmetic3A_941 = arith.constant 7 : i32
    %shift_right_arithmetic3A_942 = vector.broadcast %shift_right_arithmetic3A_941 : i32 to vector<16xi32>
    %shift_right_arithmetic3A_943 = arith.shrsi %add3A_934, %shift_right_arithmetic3A_942 : vector<16xi32>
    %mul3A_944 = arith.constant 1024 : i32
    %mul3A_945 = vector.broadcast %mul3A_944 : i32 to vector<16xi32>
    %mul3A_946 = arith.muli %shift_right_arithmetic3A_943, %mul3A_945 : vector<16xi32>
    %add3A_947 = arith.addi %mul3A_940, %mul3A_946 : vector<16xi32>
    %and3A_948 = arith.constant 7 : i32
    %and3A_949 = vector.broadcast %and3A_948 : i32 to vector<16xi32>
    %and3A_950 = arith.andi %get3A_926, %and3A_949 : vector<16xi32>
    %mul3A_951 = arith.constant 128 : i32
    %mul3A_952 = vector.broadcast %mul3A_951 : i32 to vector<16xi32>
    %mul3A_953 = arith.muli %and3A_950, %mul3A_952 : vector<16xi32>
    %add3A_954 = arith.addi %add3A_947, %mul3A_953 : vector<16xi32>
    %and3A_955 = arith.constant 127 : i32
    %and3A_956 = vector.broadcast %and3A_955 : i32 to vector<16xi32>
    %and3A_957 = arith.andi %add3A_934, %and3A_956 : vector<16xi32>
    %add3A_958 = arith.addi %add3A_954, %and3A_957 : vector<16xi32>
    %swap3A_959 = arith.constant 2 : i32
    %swap3A_960 = arith.index_cast %swap3A_959 : i32 to index
    %swap3A_961 = arith.constant 80 : index
    %swap3A_962 = tpu.vector_load %arg7[%swap3A_960, %swap3A_961] {strides = array<i32>} : memref<8x128xi32, #tpu.memory_space<vmem>>, vector<16xi32>,
    tpu.vector_store %arg7[%swap3A_960, %swap3A_961], %add3A_958 {strides = array<i32>} : memref<8x128xi32, #tpu.memory_space<vmem>>, vector<16xi32>,
    %swap3A_963 = arith.constant 2 : i32
    %swap3A_964 = arith.index_cast %swap3A_963 : i32 to index
    %swap3A_965 = arith.constant 80 : index
    %swap3A_966 = tpu.vector_load %arg9[%swap3A_964, %swap3A_965] {strides = array<i32>} : memref<8x128xf32, #tpu.memory_space<vmem>>, vector<16xf32>,
    tpu.vector_store %arg9[%swap3A_964, %swap3A_965], %broadcast_in_dim3A_2 {strides = array<i32>} : memref<8x128xf32, #tpu.memory_space<vmem>>, vector<16xf32>,
    %get3A_967 = arith.constant 2 : i32
    %get3A_968 = arith.index_cast %get3A_967 : i32 to index
    %get3A_969 = arith.constant 96 : index
    %get3A_970 = tpu.vector_load %arg6[%get3A_968, %get3A_969] {strides = array<i32>} : memref<8x128xi32, #tpu.memory_space<vmem>>, vector<16xi32>,
    %mul3A_971 = arith.constant 1024 : i32
    %mul3A_972 = arith.muli %arg1, %mul3A_971 : i32
    %add3A_973 = arith.constant 256 : i32
    %add3A_974 = arith.addi %mul3A_972, %add3A_973 : i32
    %add3A_975 = arith.constant 96 : i32
    %add3A_976 = arith.addi %add3A_974, %add3A_975 : i32
    %add3A_977 = vector.broadcast %add3A_976 : i32 to vector<16xi32>
    %add3A_978 = arith.addi %add3A_977, %iota3A : vector<16xi32>
    %shift_right_arithmetic3A_979 = arith.constant 3 : i32
    %shift_right_arithmetic3A_980 = vector.broadcast %shift_right_arithmetic3A_979 : i32 to vector<16xi32>
    %shift_right_arithmetic3A_981 = arith.shrsi %get3A_970, %shift_right_arithmetic3A_980 : vector<16xi32>
    %mul3A_982 = arith.constant 131072 : i32
    %mul3A_983 = vector.broadcast %mul3A_982 : i32 to vector<16xi32>
    %mul3A_984 = arith.muli %shift_right_arithmetic3A_981, %mul3A_983 : vector<16xi32>
    %shift_right_arithmetic3A_985 = arith.constant 7 : i32
    %shift_right_arithmetic3A_986 = vector.broadcast %shift_right_arithmetic3A_985 : i32 to vector<16xi32>
    %shift_right_arithmetic3A_987 = arith.shrsi %add3A_978, %shift_right_arithmetic3A_986 : vector<16xi32>
    %mul3A_988 = arith.constant 1024 : i32
    %mul3A_989 = vector.broadcast %mul3A_988 : i32 to vector<16xi32>
    %mul3A_990 = arith.muli %shift_right_arithmetic3A_987, %mul3A_989 : vector<16xi32>
    %add3A_991 = arith.addi %mul3A_984, %mul3A_990 : vector<16xi32>
    %and3A_992 = arith.constant 7 : i32
    %and3A_993 = vector.broadcast %and3A_992 : i32 to vector<16xi32>
    %and3A_994 = arith.andi %get3A_970, %and3A_993 : vector<16xi32>
    %mul3A_995 = arith.constant 128 : i32
    %mul3A_996 = vector.broadcast %mul3A_995 : i32 to vector<16xi32>
    %mul3A_997 = arith.muli %and3A_994, %mul3A_996 : vector<16xi32>
    %add3A_998 = arith.addi %add3A_991, %mul3A_997 : vector<16xi32>
    %and3A_999 = arith.constant 127 : i32
    %and3A_1000 = vector.broadcast %and3A_999 : i32 to vector<16xi32>
    %and3A_1001 = arith.andi %add3A_978, %and3A_1000 : vector<16xi32>
    %add3A_1002 = arith.addi %add3A_998, %and3A_1001 : vector<16xi32>
    %swap3A_1003 = arith.constant 2 : i32
    %swap3A_1004 = arith.index_cast %swap3A_1003 : i32 to index
    %swap3A_1005 = arith.constant 96 : index
    %swap3A_1006 = tpu.vector_load %arg7[%swap3A_1004, %swap3A_1005] {strides = array<i32>} : memref<8x128xi32, #tpu.memory_space<vmem>>, vector<16xi32>,
    tpu.vector_store %arg7[%swap3A_1004, %swap3A_1005], %add3A_1002 {strides = array<i32>} : memref<8x128xi32, #tpu.memory_space<vmem>>, vector<16xi32>,
    %swap3A_1007 = arith.constant 2 : i32
    %swap3A_1008 = arith.index_cast %swap3A_1007 : i32 to index
    %swap3A_1009 = arith.constant 96 : index
    %swap3A_1010 = tpu.vector_load %arg9[%swap3A_1008, %swap3A_1009] {strides = array<i32>} : memref<8x128xf32, #tpu.memory_space<vmem>>, vector<16xf32>,
    tpu.vector_store %arg9[%swap3A_1008, %swap3A_1009], %broadcast_in_dim3A_2 {strides = array<i32>} : memref<8x128xf32, #tpu.memory_space<vmem>>, vector<16xf32>,
    %get3A_1011 = arith.constant 2 : i32
    %get3A_1012 = arith.index_cast %get3A_1011 : i32 to index
    %get3A_1013 = arith.constant 112 : index
    %get3A_1014 = tpu.vector_load %arg6[%get3A_1012, %get3A_1013] {strides = array<i32>} : memref<8x128xi32, #tpu.memory_space<vmem>>, vector<16xi32>,
    %mul3A_1015 = arith.constant 1024 : i32
    %mul3A_1016 = arith.muli %arg1, %mul3A_1015 : i32
    %add3A_1017 = arith.constant 256 : i32
    %add3A_1018 = arith.addi %mul3A_1016, %add3A_1017 : i32
    %add3A_1019 = arith.constant 112 : i32
    %add3A_1020 = arith.addi %add3A_1018, %add3A_1019 : i32
    %add3A_1021 = vector.broadcast %add3A_1020 : i32 to vector<16xi32>
    %add3A_1022 = arith.addi %add3A_1021, %iota3A : vector<16xi32>
    %shift_right_arithmetic3A_1023 = arith.constant 3 : i32
    %shift_right_arithmetic3A_1024 = vector.broadcast %shift_right_arithmetic3A_1023 : i32 to vector<16xi32>
    %shift_right_arithmetic3A_1025 = arith.shrsi %get3A_1014, %shift_right_arithmetic3A_1024 : vector<16xi32>
    %mul3A_1026 = arith.constant 131072 : i32
    %mul3A_1027 = vector.broadcast %mul3A_1026 : i32 to vector<16xi32>
    %mul3A_1028 = arith.muli %shift_right_arithmetic3A_1025, %mul3A_1027 : vector<16xi32>
    %shift_right_arithmetic3A_1029 = arith.constant 7 : i32
    %shift_right_arithmetic3A_1030 = vector.broadcast %shift_right_arithmetic3A_1029 : i32 to vector<16xi32>
    %shift_right_arithmetic3A_1031 = arith.shrsi %add3A_1022, %shift_right_arithmetic3A_1030 : vector<16xi32>
    %mul3A_1032 = arith.constant 1024 : i32
    %mul3A_1033 = vector.broadcast %mul3A_1032 : i32 to vector<16xi32>
    %mul3A_1034 = arith.muli %shift_right_arithmetic3A_1031, %mul3A_1033 : vector<16xi32>
    %add3A_1035 = arith.addi %mul3A_1028, %mul3A_1034 : vector<16xi32>
    %and3A_1036 = arith.constant 7 : i32
    %and3A_1037 = vector.broadcast %and3A_1036 : i32 to vector<16xi32>
    %and3A_1038 = arith.andi %get3A_1014, %and3A_1037 : vector<16xi32>
    %mul3A_1039 = arith.constant 128 : i32
    %mul3A_1040 = vector.broadcast %mul3A_1039 : i32 to vector<16xi32>
    %mul3A_1041 = arith.muli %and3A_1038, %mul3A_1040 : vector<16xi32>
    %add3A_1042 = arith.addi %add3A_1035, %mul3A_1041 : vector<16xi32>
    %and3A_1043 = arith.constant 127 : i32
    %and3A_1044 = vector.broadcast %and3A_1043 : i32 to vector<16xi32>
    %and3A_1045 = arith.andi %add3A_1022, %and3A_1044 : vector<16xi32>
    %add3A_1046 = arith.addi %add3A_1042, %and3A_1045 : vector<16xi32>
    %swap3A_1047 = arith.constant 2 : i32
    %swap3A_1048 = arith.index_cast %swap3A_1047 : i32 to index
    %swap3A_1049 = arith.constant 112 : index
    %swap3A_1050 = tpu.vector_load %arg7[%swap3A_1048, %swap3A_1049] {strides = array<i32>} : memref<8x128xi32, #tpu.memory_space<vmem>>, vector<16xi32>,
    tpu.vector_store %arg7[%swap3A_1048, %swap3A_1049], %add3A_1046 {strides = array<i32>} : memref<8x128xi32, #tpu.memory_space<vmem>>, vector<16xi32>,
    %swap3A_1051 = arith.constant 2 : i32
    %swap3A_1052 = arith.index_cast %swap3A_1051 : i32 to index
    %swap3A_1053 = arith.constant 112 : index
    %swap3A_1054 = tpu.vector_load %arg9[%swap3A_1052, %swap3A_1053] {strides = array<i32>} : memref<8x128xf32, #tpu.memory_space<vmem>>, vector<16xf32>,
    tpu.vector_store %arg9[%swap3A_1052, %swap3A_1053], %broadcast_in_dim3A_2 {strides = array<i32>} : memref<8x128xf32, #tpu.memory_space<vmem>>, vector<16xf32>,
    %get3A_1055 = arith.constant 3 : i32
    %get3A_1056 = arith.index_cast %get3A_1055 : i32 to index
    %get3A_1057 = arith.constant 0 : index
    %get3A_1058 = tpu.vector_load %arg6[%get3A_1056, %get3A_1057] {strides = array<i32>} : memref<8x128xi32, #tpu.memory_space<vmem>>, vector<16xi32>,
    %mul3A_1059 = arith.constant 1024 : i32
    %mul3A_1060 = arith.muli %arg1, %mul3A_1059 : i32
    %add3A_1061 = arith.constant 384 : i32
    %add3A_1062 = arith.addi %mul3A_1060, %add3A_1061 : i32
    %add3A_1063 = arith.constant 0 : i32
    %add3A_1064 = arith.addi %add3A_1062, %add3A_1063 : i32
    %add3A_1065 = vector.broadcast %add3A_1064 : i32 to vector<16xi32>
    %add3A_1066 = arith.addi %add3A_1065, %iota3A : vector<16xi32>
    %shift_right_arithmetic3A_1067 = arith.constant 3 : i32
    %shift_right_arithmetic3A_1068 = vector.broadcast %shift_right_arithmetic3A_1067 : i32 to vector<16xi32>
    %shift_right_arithmetic3A_1069 = arith.shrsi %get3A_1058, %shift_right_arithmetic3A_1068 : vector<16xi32>
    %mul3A_1070 = arith.constant 131072 : i32
    %mul3A_1071 = vector.broadcast %mul3A_1070 : i32 to vector<16xi32>
    %mul3A_1072 = arith.muli %shift_right_arithmetic3A_1069, %mul3A_1071 : vector<16xi32>
    %shift_right_arithmetic3A_1073 = arith.constant 7 : i32
    %shift_right_arithmetic3A_1074 = vector.broadcast %shift_right_arithmetic3A_1073 : i32 to vector<16xi32>
    %shift_right_arithmetic3A_1075 = arith.shrsi %add3A_1066, %shift_right_arithmetic3A_1074 : vector<16xi32>
    %mul3A_1076 = arith.constant 1024 : i32
    %mul3A_1077 = vector.broadcast %mul3A_1076 : i32 to vector<16xi32>
    %mul3A_1078 = arith.muli %shift_right_arithmetic3A_1075, %mul3A_1077 : vector<16xi32>
    %add3A_1079 = arith.addi %mul3A_1072, %mul3A_1078 : vector<16xi32>
    %and3A_1080 = arith.constant 7 : i32
    %and3A_1081 = vector.broadcast %and3A_1080 : i32 to vector<16xi32>
    %and3A_1082 = arith.andi %get3A_1058, %and3A_1081 : vector<16xi32>
    %mul3A_1083 = arith.constant 128 : i32
    %mul3A_1084 = vector.broadcast %mul3A_1083 : i32 to vector<16xi32>
    %mul3A_1085 = arith.muli %and3A_1082, %mul3A_1084 : vector<16xi32>
    %add3A_1086 = arith.addi %add3A_1079, %mul3A_1085 : vector<16xi32>
    %and3A_1087 = arith.constant 127 : i32
    %and3A_1088 = vector.broadcast %and3A_1087 : i32 to vector<16xi32>
    %and3A_1089 = arith.andi %add3A_1066, %and3A_1088 : vector<16xi32>
    %add3A_1090 = arith.addi %add3A_1086, %and3A_1089 : vector<16xi32>
    %swap3A_1091 = arith.constant 3 : i32
    %swap3A_1092 = arith.index_cast %swap3A_1091 : i32 to index
    %swap3A_1093 = arith.constant 0 : index
    %swap3A_1094 = tpu.vector_load %arg7[%swap3A_1092, %swap3A_1093] {strides = array<i32>} : memref<8x128xi32, #tpu.memory_space<vmem>>, vector<16xi32>,
    tpu.vector_store %arg7[%swap3A_1092, %swap3A_1093], %add3A_1090 {strides = array<i32>} : memref<8x128xi32, #tpu.memory_space<vmem>>, vector<16xi32>,
    %swap3A_1095 = arith.constant 3 : i32
    %swap3A_1096 = arith.index_cast %swap3A_1095 : i32 to index
    %swap3A_1097 = arith.constant 0 : index
    %swap3A_1098 = tpu.vector_load %arg9[%swap3A_1096, %swap3A_1097] {strides = array<i32>} : memref<8x128xf32, #tpu.memory_space<vmem>>, vector<16xf32>,
    tpu.vector_store %arg9[%swap3A_1096, %swap3A_1097], %broadcast_in_dim3A_2 {strides = array<i32>} : memref<8x128xf32, #tpu.memory_space<vmem>>, vector<16xf32>,
    %get3A_1099 = arith.constant 3 : i32
    %get3A_1100 = arith.index_cast %get3A_1099 : i32 to index
    %get3A_1101 = arith.constant 16 : index
    %get3A_1102 = tpu.vector_load %arg6[%get3A_1100, %get3A_1101] {strides = array<i32>} : memref<8x128xi32, #tpu.memory_space<vmem>>, vector<16xi32>,
    %mul3A_1103 = arith.constant 1024 : i32
    %mul3A_1104 = arith.muli %arg1, %mul3A_1103 : i32
    %add3A_1105 = arith.constant 384 : i32
    %add3A_1106 = arith.addi %mul3A_1104, %add3A_1105 : i32
    %add3A_1107 = arith.constant 16 : i32
    %add3A_1108 = arith.addi %add3A_1106, %add3A_1107 : i32
    %add3A_1109 = vector.broadcast %add3A_1108 : i32 to vector<16xi32>
    %add3A_1110 = arith.addi %add3A_1109, %iota3A : vector<16xi32>
    %shift_right_arithmetic3A_1111 = arith.constant 3 : i32
    %shift_right_arithmetic3A_1112 = vector.broadcast %shift_right_arithmetic3A_1111 : i32 to vector<16xi32>
    %shift_right_arithmetic3A_1113 = arith.shrsi %get3A_1102, %shift_right_arithmetic3A_1112 : vector<16xi32>
    %mul3A_1114 = arith.constant 131072 : i32
    %mul3A_1115 = vector.broadcast %mul3A_1114 : i32 to vector<16xi32>
    %mul3A_1116 = arith.muli %shift_right_arithmetic3A_1113, %mul3A_1115 : vector<16xi32>
    %shift_right_arithmetic3A_1117 = arith.constant 7 : i32
    %shift_right_arithmetic3A_1118 = vector.broadcast %shift_right_arithmetic3A_1117 : i32 to vector<16xi32>
    %shift_right_arithmetic3A_1119 = arith.shrsi %add3A_1110, %shift_right_arithmetic3A_1118 : vector<16xi32>
    %mul3A_1120 = arith.constant 1024 : i32
    %mul3A_1121 = vector.broadcast %mul3A_1120 : i32 to vector<16xi32>
    %mul3A_1122 = arith.muli %shift_right_arithmetic3A_1119, %mul3A_1121 : vector<16xi32>
    %add3A_1123 = arith.addi %mul3A_1116, %mul3A_1122 : vector<16xi32>
    %and3A_1124 = arith.constant 7 : i32
    %and3A_1125 = vector.broadcast %and3A_1124 : i32 to vector<16xi32>
    %and3A_1126 = arith.andi %get3A_1102, %and3A_1125 : vector<16xi32>
    %mul3A_1127 = arith.constant 128 : i32
    %mul3A_1128 = vector.broadcast %mul3A_1127 : i32 to vector<16xi32>
    %mul3A_1129 = arith.muli %and3A_1126, %mul3A_1128 : vector<16xi32>
    %add3A_1130 = arith.addi %add3A_1123, %mul3A_1129 : vector<16xi32>
    %and3A_1131 = arith.constant 127 : i32
    %and3A_1132 = vector.broadcast %and3A_1131 : i32 to vector<16xi32>
    %and3A_1133 = arith.andi %add3A_1110, %and3A_1132 : vector<16xi32>
    %add3A_1134 = arith.addi %add3A_1130, %and3A_1133 : vector<16xi32>
    %swap3A_1135 = arith.constant 3 : i32
    %swap3A_1136 = arith.index_cast %swap3A_1135 : i32 to index
    %swap3A_1137 = arith.constant 16 : index
    %swap3A_1138 = tpu.vector_load %arg7[%swap3A_1136, %swap3A_1137] {strides = array<i32>} : memref<8x128xi32, #tpu.memory_space<vmem>>, vector<16xi32>,
    tpu.vector_store %arg7[%swap3A_1136, %swap3A_1137], %add3A_1134 {strides = array<i32>} : memref<8x128xi32, #tpu.memory_space<vmem>>, vector<16xi32>,
    %swap3A_1139 = arith.constant 3 : i32
    %swap3A_1140 = arith.index_cast %swap3A_1139 : i32 to index
    %swap3A_1141 = arith.constant 16 : index
    %swap3A_1142 = tpu.vector_load %arg9[%swap3A_1140, %swap3A_1141] {strides = array<i32>} : memref<8x128xf32, #tpu.memory_space<vmem>>, vector<16xf32>,
    tpu.vector_store %arg9[%swap3A_1140, %swap3A_1141], %broadcast_in_dim3A_2 {strides = array<i32>} : memref<8x128xf32, #tpu.memory_space<vmem>>, vector<16xf32>,
    %get3A_1143 = arith.constant 3 : i32
    %get3A_1144 = arith.index_cast %get3A_1143 : i32 to index
    %get3A_1145 = arith.constant 32 : index
    %get3A_1146 = tpu.vector_load %arg6[%get3A_1144, %get3A_1145] {strides = array<i32>} : memref<8x128xi32, #tpu.memory_space<vmem>>, vector<16xi32>,
    %mul3A_1147 = arith.constant 1024 : i32
    %mul3A_1148 = arith.muli %arg1, %mul3A_1147 : i32
    %add3A_1149 = arith.constant 384 : i32
    %add3A_1150 = arith.addi %mul3A_1148, %add3A_1149 : i32
    %add3A_1151 = arith.constant 32 : i32
    %add3A_1152 = arith.addi %add3A_1150, %add3A_1151 : i32
    %add3A_1153 = vector.broadcast %add3A_1152 : i32 to vector<16xi32>
    %add3A_1154 = arith.addi %add3A_1153, %iota3A : vector<16xi32>
    %shift_right_arithmetic3A_1155 = arith.constant 3 : i32
    %shift_right_arithmetic3A_1156 = vector.broadcast %shift_right_arithmetic3A_1155 : i32 to vector<16xi32>
    %shift_right_arithmetic3A_1157 = arith.shrsi %get3A_1146, %shift_right_arithmetic3A_1156 : vector<16xi32>
    %mul3A_1158 = arith.constant 131072 : i32
    %mul3A_1159 = vector.broadcast %mul3A_1158 : i32 to vector<16xi32>
    %mul3A_1160 = arith.muli %shift_right_arithmetic3A_1157, %mul3A_1159 : vector<16xi32>
    %shift_right_arithmetic3A_1161 = arith.constant 7 : i32
    %shift_right_arithmetic3A_1162 = vector.broadcast %shift_right_arithmetic3A_1161 : i32 to vector<16xi32>
    %shift_right_arithmetic3A_1163 = arith.shrsi %add3A_1154, %shift_right_arithmetic3A_1162 : vector<16xi32>
    %mul3A_1164 = arith.constant 1024 : i32
    %mul3A_1165 = vector.broadcast %mul3A_1164 : i32 to vector<16xi32>
    %mul3A_1166 = arith.muli %shift_right_arithmetic3A_1163, %mul3A_1165 : vector<16xi32>
    %add3A_1167 = arith.addi %mul3A_1160, %mul3A_1166 : vector<16xi32>
    %and3A_1168 = arith.constant 7 : i32
    %and3A_1169 = vector.broadcast %and3A_1168 : i32 to vector<16xi32>
    %and3A_1170 = arith.andi %get3A_1146, %and3A_1169 : vector<16xi32>
    %mul3A_1171 = arith.constant 128 : i32
    %mul3A_1172 = vector.broadcast %mul3A_1171 : i32 to vector<16xi32>
    %mul3A_1173 = arith.muli %and3A_1170, %mul3A_1172 : vector<16xi32>
    %add3A_1174 = arith.addi %add3A_1167, %mul3A_1173 : vector<16xi32>
    %and3A_1175 = arith.constant 127 : i32
    %and3A_1176 = vector.broadcast %and3A_1175 : i32 to vector<16xi32>
    %and3A_1177 = arith.andi %add3A_1154, %and3A_1176 : vector<16xi32>
    %add3A_1178 = arith.addi %add3A_1174, %and3A_1177 : vector<16xi32>
    %swap3A_1179 = arith.constant 3 : i32
    %swap3A_1180 = arith.index_cast %swap3A_1179 : i32 to index
    %swap3A_1181 = arith.constant 32 : index
    %swap3A_1182 = tpu.vector_load %arg7[%swap3A_1180, %swap3A_1181] {strides = array<i32>} : memref<8x128xi32, #tpu.memory_space<vmem>>, vector<16xi32>,
    tpu.vector_store %arg7[%swap3A_1180, %swap3A_1181], %add3A_1178 {strides = array<i32>} : memref<8x128xi32, #tpu.memory_space<vmem>>, vector<16xi32>,
    %swap3A_1183 = arith.constant 3 : i32
    %swap3A_1184 = arith.index_cast %swap3A_1183 : i32 to index
    %swap3A_1185 = arith.constant 32 : index
    %swap3A_1186 = tpu.vector_load %arg9[%swap3A_1184, %swap3A_1185] {strides = array<i32>} : memref<8x128xf32, #tpu.memory_space<vmem>>, vector<16xf32>,
    tpu.vector_store %arg9[%swap3A_1184, %swap3A_1185], %broadcast_in_dim3A_2 {strides = array<i32>} : memref<8x128xf32, #tpu.memory_space<vmem>>, vector<16xf32>,
    %get3A_1187 = arith.constant 3 : i32
    %get3A_1188 = arith.index_cast %get3A_1187 : i32 to index
    %get3A_1189 = arith.constant 48 : index
    %get3A_1190 = tpu.vector_load %arg6[%get3A_1188, %get3A_1189] {strides = array<i32>} : memref<8x128xi32, #tpu.memory_space<vmem>>, vector<16xi32>,
    %mul3A_1191 = arith.constant 1024 : i32
    %mul3A_1192 = arith.muli %arg1, %mul3A_1191 : i32
    %add3A_1193 = arith.constant 384 : i32
    %add3A_1194 = arith.addi %mul3A_1192, %add3A_1193 : i32
    %add3A_1195 = arith.constant 48 : i32
    %add3A_1196 = arith.addi %add3A_1194, %add3A_1195 : i32
    %add3A_1197 = vector.broadcast %add3A_1196 : i32 to vector<16xi32>
    %add3A_1198 = arith.addi %add3A_1197, %iota3A : vector<16xi32>
    %shift_right_arithmetic3A_1199 = arith.constant 3 : i32
    %shift_right_arithmetic3A_1200 = vector.broadcast %shift_right_arithmetic3A_1199 : i32 to vector<16xi32>
    %shift_right_arithmetic3A_1201 = arith.shrsi %get3A_1190, %shift_right_arithmetic3A_1200 : vector<16xi32>
    %mul3A_1202 = arith.constant 131072 : i32
    %mul3A_1203 = vector.broadcast %mul3A_1202 : i32 to vector<16xi32>
    %mul3A_1204 = arith.muli %shift_right_arithmetic3A_1201, %mul3A_1203 : vector<16xi32>
    %shift_right_arithmetic3A_1205 = arith.constant 7 : i32
    %shift_right_arithmetic3A_1206 = vector.broadcast %shift_right_arithmetic3A_1205 : i32 to vector<16xi32>
    %shift_right_arithmetic3A_1207 = arith.shrsi %add3A_1198, %shift_right_arithmetic3A_1206 : vector<16xi32>
    %mul3A_1208 = arith.constant 1024 : i32
    %mul3A_1209 = vector.broadcast %mul3A_1208 : i32 to vector<16xi32>
    %mul3A_1210 = arith.muli %shift_right_arithmetic3A_1207, %mul3A_1209 : vector<16xi32>
    %add3A_1211 = arith.addi %mul3A_1204, %mul3A_1210 : vector<16xi32>
    %and3A_1212 = arith.constant 7 : i32
    %and3A_1213 = vector.broadcast %and3A_1212 : i32 to vector<16xi32>
    %and3A_1214 = arith.andi %get3A_1190, %and3A_1213 : vector<16xi32>
    %mul3A_1215 = arith.constant 128 : i32
    %mul3A_1216 = vector.broadcast %mul3A_1215 : i32 to vector<16xi32>
    %mul3A_1217 = arith.muli %and3A_1214, %mul3A_1216 : vector<16xi32>
    %add3A_1218 = arith.addi %add3A_1211, %mul3A_1217 : vector<16xi32>
    %and3A_1219 = arith.constant 127 : i32
    %and3A_1220 = vector.broadcast %and3A_1219 : i32 to vector<16xi32>
    %and3A_1221 = arith.andi %add3A_1198, %and3A_1220 : vector<16xi32>
    %add3A_1222 = arith.addi %add3A_1218, %and3A_1221 : vector<16xi32>
    %swap3A_1223 = arith.constant 3 : i32
    %swap3A_1224 = arith.index_cast %swap3A_1223 : i32 to index
    %swap3A_1225 = arith.constant 48 : index
    %swap3A_1226 = tpu.vector_load %arg7[%swap3A_1224, %swap3A_1225] {strides = array<i32>} : memref<8x128xi32, #tpu.memory_space<vmem>>, vector<16xi32>,
    tpu.vector_store %arg7[%swap3A_1224, %swap3A_1225], %add3A_1222 {strides = array<i32>} : memref<8x128xi32, #tpu.memory_space<vmem>>, vector<16xi32>,
    %swap3A_1227 = arith.constant 3 : i32
    %swap3A_1228 = arith.index_cast %swap3A_1227 : i32 to index
    %swap3A_1229 = arith.constant 48 : index
    %swap3A_1230 = tpu.vector_load %arg9[%swap3A_1228, %swap3A_1229] {strides = array<i32>} : memref<8x128xf32, #tpu.memory_space<vmem>>, vector<16xf32>,
    tpu.vector_store %arg9[%swap3A_1228, %swap3A_1229], %broadcast_in_dim3A_2 {strides = array<i32>} : memref<8x128xf32, #tpu.memory_space<vmem>>, vector<16xf32>,
    %get3A_1231 = arith.constant 3 : i32
    %get3A_1232 = arith.index_cast %get3A_1231 : i32 to index
    %get3A_1233 = arith.constant 64 : index
    %get3A_1234 = tpu.vector_load %arg6[%get3A_1232, %get3A_1233] {strides = array<i32>} : memref<8x128xi32, #tpu.memory_space<vmem>>, vector<16xi32>,
    %mul3A_1235 = arith.constant 1024 : i32
    %mul3A_1236 = arith.muli %arg1, %mul3A_1235 : i32
    %add3A_1237 = arith.constant 384 : i32
    %add3A_1238 = arith.addi %mul3A_1236, %add3A_1237 : i32
    %add3A_1239 = arith.constant 64 : i32
    %add3A_1240 = arith.addi %add3A_1238, %add3A_1239 : i32
    %add3A_1241 = vector.broadcast %add3A_1240 : i32 to vector<16xi32>
    %add3A_1242 = arith.addi %add3A_1241, %iota3A : vector<16xi32>
    %shift_right_arithmetic3A_1243 = arith.constant 3 : i32
    %shift_right_arithmetic3A_1244 = vector.broadcast %shift_right_arithmetic3A_1243 : i32 to vector<16xi32>
    %shift_right_arithmetic3A_1245 = arith.shrsi %get3A_1234, %shift_right_arithmetic3A_1244 : vector<16xi32>
    %mul3A_1246 = arith.constant 131072 : i32
    %mul3A_1247 = vector.broadcast %mul3A_1246 : i32 to vector<16xi32>
    %mul3A_1248 = arith.muli %shift_right_arithmetic3A_1245, %mul3A_1247 : vector<16xi32>
    %shift_right_arithmetic3A_1249 = arith.constant 7 : i32
    %shift_right_arithmetic3A_1250 = vector.broadcast %shift_right_arithmetic3A_1249 : i32 to vector<16xi32>
    %shift_right_arithmetic3A_1251 = arith.shrsi %add3A_1242, %shift_right_arithmetic3A_1250 : vector<16xi32>
    %mul3A_1252 = arith.constant 1024 : i32
    %mul3A_1253 = vector.broadcast %mul3A_1252 : i32 to vector<16xi32>
    %mul3A_1254 = arith.muli %shift_right_arithmetic3A_1251, %mul3A_1253 : vector<16xi32>
    %add3A_1255 = arith.addi %mul3A_1248, %mul3A_1254 : vector<16xi32>
    %and3A_1256 = arith.constant 7 : i32
    %and3A_1257 = vector.broadcast %and3A_1256 : i32 to vector<16xi32>
    %and3A_1258 = arith.andi %get3A_1234, %and3A_1257 : vector<16xi32>
    %mul3A_1259 = arith.constant 128 : i32
    %mul3A_1260 = vector.broadcast %mul3A_1259 : i32 to vector<16xi32>
    %mul3A_1261 = arith.muli %and3A_1258, %mul3A_1260 : vector<16xi32>
    %add3A_1262 = arith.addi %add3A_1255, %mul3A_1261 : vector<16xi32>
    %and3A_1263 = arith.constant 127 : i32
    %and3A_1264 = vector.broadcast %and3A_1263 : i32 to vector<16xi32>
    %and3A_1265 = arith.andi %add3A_1242, %and3A_1264 : vector<16xi32>
    %add3A_1266 = arith.addi %add3A_1262, %and3A_1265 : vector<16xi32>
    %swap3A_1267 = arith.constant 3 : i32
    %swap3A_1268 = arith.index_cast %swap3A_1267 : i32 to index
    %swap3A_1269 = arith.constant 64 : index
    %swap3A_1270 = tpu.vector_load %arg7[%swap3A_1268, %swap3A_1269] {strides = array<i32>} : memref<8x128xi32, #tpu.memory_space<vmem>>, vector<16xi32>,
    tpu.vector_store %arg7[%swap3A_1268, %swap3A_1269], %add3A_1266 {strides = array<i32>} : memref<8x128xi32, #tpu.memory_space<vmem>>, vector<16xi32>,
    %swap3A_1271 = arith.constant 3 : i32
    %swap3A_1272 = arith.index_cast %swap3A_1271 : i32 to index
    %swap3A_1273 = arith.constant 64 : index
    %swap3A_1274 = tpu.vector_load %arg9[%swap3A_1272, %swap3A_1273] {strides = array<i32>} : memref<8x128xf32, #tpu.memory_space<vmem>>, vector<16xf32>,
    tpu.vector_store %arg9[%swap3A_1272, %swap3A_1273], %broadcast_in_dim3A_2 {strides = array<i32>} : memref<8x128xf32, #tpu.memory_space<vmem>>, vector<16xf32>,
    %get3A_1275 = arith.constant 3 : i32
    %get3A_1276 = arith.index_cast %get3A_1275 : i32 to index
    %get3A_1277 = arith.constant 80 : index
    %get3A_1278 = tpu.vector_load %arg6[%get3A_1276, %get3A_1277] {strides = array<i32>} : memref<8x128xi32, #tpu.memory_space<vmem>>, vector<16xi32>,
    %mul3A_1279 = arith.constant 1024 : i32
    %mul3A_1280 = arith.muli %arg1, %mul3A_1279 : i32
    %add3A_1281 = arith.constant 384 : i32
    %add3A_1282 = arith.addi %mul3A_1280, %add3A_1281 : i32
    %add3A_1283 = arith.constant 80 : i32
    %add3A_1284 = arith.addi %add3A_1282, %add3A_1283 : i32
    %add3A_1285 = vector.broadcast %add3A_1284 : i32 to vector<16xi32>
    %add3A_1286 = arith.addi %add3A_1285, %iota3A : vector<16xi32>
    %shift_right_arithmetic3A_1287 = arith.constant 3 : i32
    %shift_right_arithmetic3A_1288 = vector.broadcast %shift_right_arithmetic3A_1287 : i32 to vector<16xi32>
    %shift_right_arithmetic3A_1289 = arith.shrsi %get3A_1278, %shift_right_arithmetic3A_1288 : vector<16xi32>
    %mul3A_1290 = arith.constant 131072 : i32
    %mul3A_1291 = vector.broadcast %mul3A_1290 : i32 to vector<16xi32>
    %mul3A_1292 = arith.muli %shift_right_arithmetic3A_1289, %mul3A_1291 : vector<16xi32>
    %shift_right_arithmetic3A_1293 = arith.constant 7 : i32
    %shift_right_arithmetic3A_1294 = vector.broadcast %shift_right_arithmetic3A_1293 : i32 to vector<16xi32>
    %shift_right_arithmetic3A_1295 = arith.shrsi %add3A_1286, %shift_right_arithmetic3A_1294 : vector<16xi32>
    %mul3A_1296 = arith.constant 1024 : i32
    %mul3A_1297 = vector.broadcast %mul3A_1296 : i32 to vector<16xi32>
    %mul3A_1298 = arith.muli %shift_right_arithmetic3A_1295, %mul3A_1297 : vector<16xi32>
    %add3A_1299 = arith.addi %mul3A_1292, %mul3A_1298 : vector<16xi32>
    %and3A_1300 = arith.constant 7 : i32
    %and3A_1301 = vector.broadcast %and3A_1300 : i32 to vector<16xi32>
    %and3A_1302 = arith.andi %get3A_1278, %and3A_1301 : vector<16xi32>
    %mul3A_1303 = arith.constant 128 : i32
    %mul3A_1304 = vector.broadcast %mul3A_1303 : i32 to vector<16xi32>
    %mul3A_1305 = arith.muli %and3A_1302, %mul3A_1304 : vector<16xi32>
    %add3A_1306 = arith.addi %add3A_1299, %mul3A_1305 : vector<16xi32>
    %and3A_1307 = arith.constant 127 : i32
    %and3A_1308 = vector.broadcast %and3A_1307 : i32 to vector<16xi32>
    %and3A_1309 = arith.andi %add3A_1286, %and3A_1308 : vector<16xi32>
    %add3A_1310 = arith.addi %add3A_1306, %and3A_1309 : vector<16xi32>
    %swap3A_1311 = arith.constant 3 : i32
    %swap3A_1312 = arith.index_cast %swap3A_1311 : i32 to index
    %swap3A_1313 = arith.constant 80 : index
    %swap3A_1314 = tpu.vector_load %arg7[%swap3A_1312, %swap3A_1313] {strides = array<i32>} : memref<8x128xi32, #tpu.memory_space<vmem>>, vector<16xi32>,
    tpu.vector_store %arg7[%swap3A_1312, %swap3A_1313], %add3A_1310 {strides = array<i32>} : memref<8x128xi32, #tpu.memory_space<vmem>>, vector<16xi32>,
    %swap3A_1315 = arith.constant 3 : i32
    %swap3A_1316 = arith.index_cast %swap3A_1315 : i32 to index
    %swap3A_1317 = arith.constant 80 : index
    %swap3A_1318 = tpu.vector_load %arg9[%swap3A_1316, %swap3A_1317] {strides = array<i32>} : memref<8x128xf32, #tpu.memory_space<vmem>>, vector<16xf32>,
    tpu.vector_store %arg9[%swap3A_1316, %swap3A_1317], %broadcast_in_dim3A_2 {strides = array<i32>} : memref<8x128xf32, #tpu.memory_space<vmem>>, vector<16xf32>,
    %get3A_1319 = arith.constant 3 : i32
    %get3A_1320 = arith.index_cast %get3A_1319 : i32 to index
    %get3A_1321 = arith.constant 96 : index
    %get3A_1322 = tpu.vector_load %arg6[%get3A_1320, %get3A_1321] {strides = array<i32>} : memref<8x128xi32, #tpu.memory_space<vmem>>, vector<16xi32>,
    %mul3A_1323 = arith.constant 1024 : i32
    %mul3A_1324 = arith.muli %arg1, %mul3A_1323 : i32
    %add3A_1325 = arith.constant 384 : i32
    %add3A_1326 = arith.addi %mul3A_1324, %add3A_1325 : i32
    %add3A_1327 = arith.constant 96 : i32
    %add3A_1328 = arith.addi %add3A_1326, %add3A_1327 : i32
    %add3A_1329 = vector.broadcast %add3A_1328 : i32 to vector<16xi32>
    %add3A_1330 = arith.addi %add3A_1329, %iota3A : vector<16xi32>
    %shift_right_arithmetic3A_1331 = arith.constant 3 : i32
    %shift_right_arithmetic3A_1332 = vector.broadcast %shift_right_arithmetic3A_1331 : i32 to vector<16xi32>
    %shift_right_arithmetic3A_1333 = arith.shrsi %get3A_1322, %shift_right_arithmetic3A_1332 : vector<16xi32>
    %mul3A_1334 = arith.constant 131072 : i32
    %mul3A_1335 = vector.broadcast %mul3A_1334 : i32 to vector<16xi32>
    %mul3A_1336 = arith.muli %shift_right_arithmetic3A_1333, %mul3A_1335 : vector<16xi32>
    %shift_right_arithmetic3A_1337 = arith.constant 7 : i32
    %shift_right_arithmetic3A_1338 = vector.broadcast %shift_right_arithmetic3A_1337 : i32 to vector<16xi32>
    %shift_right_arithmetic3A_1339 = arith.shrsi %add3A_1330, %shift_right_arithmetic3A_1338 : vector<16xi32>
    %mul3A_1340 = arith.constant 1024 : i32
    %mul3A_1341 = vector.broadcast %mul3A_1340 : i32 to vector<16xi32>
    %mul3A_1342 = arith.muli %shift_right_arithmetic3A_1339, %mul3A_1341 : vector<16xi32>
    %add3A_1343 = arith.addi %mul3A_1336, %mul3A_1342 : vector<16xi32>
    %and3A_1344 = arith.constant 7 : i32
    %and3A_1345 = vector.broadcast %and3A_1344 : i32 to vector<16xi32>
    %and3A_1346 = arith.andi %get3A_1322, %and3A_1345 : vector<16xi32>
    %mul3A_1347 = arith.constant 128 : i32
    %mul3A_1348 = vector.broadcast %mul3A_1347 : i32 to vector<16xi32>
    %mul3A_1349 = arith.muli %and3A_1346, %mul3A_1348 : vector<16xi32>
    %add3A_1350 = arith.addi %add3A_1343, %mul3A_1349 : vector<16xi32>
    %and3A_1351 = arith.constant 127 : i32
    %and3A_1352 = vector.broadcast %and3A_1351 : i32 to vector<16xi32>
    %and3A_1353 = arith.andi %add3A_1330, %and3A_1352 : vector<16xi32>
    %add3A_1354 = arith.addi %add3A_1350, %and3A_1353 : vector<16xi32>
    %swap3A_1355 = arith.constant 3 : i32
    %swap3A_1356 = arith.index_cast %swap3A_1355 : i32 to index
    %swap3A_1357 = arith.constant 96 : index
    %swap3A_1358 = tpu.vector_load %arg7[%swap3A_1356, %swap3A_1357] {strides = array<i32>} : memref<8x128xi32, #tpu.memory_space<vmem>>, vector<16xi32>,
    tpu.vector_store %arg7[%swap3A_1356, %swap3A_1357], %add3A_1354 {strides = array<i32>} : memref<8x128xi32, #tpu.memory_space<vmem>>, vector<16xi32>,
    %swap3A_1359 = arith.constant 3 : i32
    %swap3A_1360 = arith.index_cast %swap3A_1359 : i32 to index
    %swap3A_1361 = arith.constant 96 : index
    %swap3A_1362 = tpu.vector_load %arg9[%swap3A_1360, %swap3A_1361] {strides = array<i32>} : memref<8x128xf32, #tpu.memory_space<vmem>>, vector<16xf32>,
    tpu.vector_store %arg9[%swap3A_1360, %swap3A_1361], %broadcast_in_dim3A_2 {strides = array<i32>} : memref<8x128xf32, #tpu.memory_space<vmem>>, vector<16xf32>,
    %get3A_1363 = arith.constant 3 : i32
    %get3A_1364 = arith.index_cast %get3A_1363 : i32 to index
    %get3A_1365 = arith.constant 112 : index
    %get3A_1366 = tpu.vector_load %arg6[%get3A_1364, %get3A_1365] {strides = array<i32>} : memref<8x128xi32, #tpu.memory_space<vmem>>, vector<16xi32>,
    %mul3A_1367 = arith.constant 1024 : i32
    %mul3A_1368 = arith.muli %arg1, %mul3A_1367 : i32
    %add3A_1369 = arith.constant 384 : i32
    %add3A_1370 = arith.addi %mul3A_1368, %add3A_1369 : i32
    %add3A_1371 = arith.constant 112 : i32
    %add3A_1372 = arith.addi %add3A_1370, %add3A_1371 : i32
    %add3A_1373 = vector.broadcast %add3A_1372 : i32 to vector<16xi32>
    %add3A_1374 = arith.addi %add3A_1373, %iota3A : vector<16xi32>
    %shift_right_arithmetic3A_1375 = arith.constant 3 : i32
    %shift_right_arithmetic3A_1376 = vector.broadcast %shift_right_arithmetic3A_1375 : i32 to vector<16xi32>
    %shift_right_arithmetic3A_1377 = arith.shrsi %get3A_1366, %shift_right_arithmetic3A_1376 : vector<16xi32>
    %mul3A_1378 = arith.constant 131072 : i32
    %mul3A_1379 = vector.broadcast %mul3A_1378 : i32 to vector<16xi32>
    %mul3A_1380 = arith.muli %shift_right_arithmetic3A_1377, %mul3A_1379 : vector<16xi32>
    %shift_right_arithmetic3A_1381 = arith.constant 7 : i32
    %shift_right_arithmetic3A_1382 = vector.broadcast %shift_right_arithmetic3A_1381 : i32 to vector<16xi32>
    %shift_right_arithmetic3A_1383 = arith.shrsi %add3A_1374, %shift_right_arithmetic3A_1382 : vector<16xi32>
    %mul3A_1384 = arith.constant 1024 : i32
    %mul3A_1385 = vector.broadcast %mul3A_1384 : i32 to vector<16xi32>
    %mul3A_1386 = arith.muli %shift_right_arithmetic3A_1383, %mul3A_1385 : vector<16xi32>
    %add3A_1387 = arith.addi %mul3A_1380, %mul3A_1386 : vector<16xi32>
    %and3A_1388 = arith.constant 7 : i32
    %and3A_1389 = vector.broadcast %and3A_1388 : i32 to vector<16xi32>
    %and3A_1390 = arith.andi %get3A_1366, %and3A_1389 : vector<16xi32>
    %mul3A_1391 = arith.constant 128 : i32
    %mul3A_1392 = vector.broadcast %mul3A_1391 : i32 to vector<16xi32>
    %mul3A_1393 = arith.muli %and3A_1390, %mul3A_1392 : vector<16xi32>
    %add3A_1394 = arith.addi %add3A_1387, %mul3A_1393 : vector<16xi32>
    %and3A_1395 = arith.constant 127 : i32
    %and3A_1396 = vector.broadcast %and3A_1395 : i32 to vector<16xi32>
    %and3A_1397 = arith.andi %add3A_1374, %and3A_1396 : vector<16xi32>
    %add3A_1398 = arith.addi %add3A_1394, %and3A_1397 : vector<16xi32>
    %swap3A_1399 = arith.constant 3 : i32
    %swap3A_1400 = arith.index_cast %swap3A_1399 : i32 to index
    %swap3A_1401 = arith.constant 112 : index
    %swap3A_1402 = tpu.vector_load %arg7[%swap3A_1400, %swap3A_1401] {strides = array<i32>} : memref<8x128xi32, #tpu.memory_space<vmem>>, vector<16xi32>,
    tpu.vector_store %arg7[%swap3A_1400, %swap3A_1401], %add3A_1398 {strides = array<i32>} : memref<8x128xi32, #tpu.memory_space<vmem>>, vector<16xi32>,
    %swap3A_1403 = arith.constant 3 : i32
    %swap3A_1404 = arith.index_cast %swap3A_1403 : i32 to index
    %swap3A_1405 = arith.constant 112 : index
    %swap3A_1406 = tpu.vector_load %arg9[%swap3A_1404, %swap3A_1405] {strides = array<i32>} : memref<8x128xf32, #tpu.memory_space<vmem>>, vector<16xf32>,
    tpu.vector_store %arg9[%swap3A_1404, %swap3A_1405], %broadcast_in_dim3A_2 {strides = array<i32>} : memref<8x128xf32, #tpu.memory_space<vmem>>, vector<16xf32>,
    %get3A_1407 = arith.constant 4 : i32
    %get3A_1408 = arith.index_cast %get3A_1407 : i32 to index
    %get3A_1409 = arith.constant 0 : index
    %get3A_1410 = tpu.vector_load %arg6[%get3A_1408, %get3A_1409] {strides = array<i32>} : memref<8x128xi32, #tpu.memory_space<vmem>>, vector<16xi32>,
    %mul3A_1411 = arith.constant 1024 : i32
    %mul3A_1412 = arith.muli %arg1, %mul3A_1411 : i32
    %add3A_1413 = arith.constant 512 : i32
    %add3A_1414 = arith.addi %mul3A_1412, %add3A_1413 : i32
    %add3A_1415 = arith.constant 0 : i32
    %add3A_1416 = arith.addi %add3A_1414, %add3A_1415 : i32
    %add3A_1417 = vector.broadcast %add3A_1416 : i32 to vector<16xi32>
    %add3A_1418 = arith.addi %add3A_1417, %iota3A : vector<16xi32>
    %shift_right_arithmetic3A_1419 = arith.constant 3 : i32
    %shift_right_arithmetic3A_1420 = vector.broadcast %shift_right_arithmetic3A_1419 : i32 to vector<16xi32>
    %shift_right_arithmetic3A_1421 = arith.shrsi %get3A_1410, %shift_right_arithmetic3A_1420 : vector<16xi32>
    %mul3A_1422 = arith.constant 131072 : i32
    %mul3A_1423 = vector.broadcast %mul3A_1422 : i32 to vector<16xi32>
    %mul3A_1424 = arith.muli %shift_right_arithmetic3A_1421, %mul3A_1423 : vector<16xi32>
    %shift_right_arithmetic3A_1425 = arith.constant 7 : i32
    %shift_right_arithmetic3A_1426 = vector.broadcast %shift_right_arithmetic3A_1425 : i32 to vector<16xi32>
    %shift_right_arithmetic3A_1427 = arith.shrsi %add3A_1418, %shift_right_arithmetic3A_1426 : vector<16xi32>
    %mul3A_1428 = arith.constant 1024 : i32
    %mul3A_1429 = vector.broadcast %mul3A_1428 : i32 to vector<16xi32>
    %mul3A_1430 = arith.muli %shift_right_arithmetic3A_1427, %mul3A_1429 : vector<16xi32>
    %add3A_1431 = arith.addi %mul3A_1424, %mul3A_1430 : vector<16xi32>
    %and3A_1432 = arith.constant 7 : i32
    %and3A_1433 = vector.broadcast %and3A_1432 : i32 to vector<16xi32>
    %and3A_1434 = arith.andi %get3A_1410, %and3A_1433 : vector<16xi32>
    %mul3A_1435 = arith.constant 128 : i32
    %mul3A_1436 = vector.broadcast %mul3A_1435 : i32 to vector<16xi32>
    %mul3A_1437 = arith.muli %and3A_1434, %mul3A_1436 : vector<16xi32>
    %add3A_1438 = arith.addi %add3A_1431, %mul3A_1437 : vector<16xi32>
    %and3A_1439 = arith.constant 127 : i32
    %and3A_1440 = vector.broadcast %and3A_1439 : i32 to vector<16xi32>
    %and3A_1441 = arith.andi %add3A_1418, %and3A_1440 : vector<16xi32>
    %add3A_1442 = arith.addi %add3A_1438, %and3A_1441 : vector<16xi32>
    %swap3A_1443 = arith.constant 4 : i32
    %swap3A_1444 = arith.index_cast %swap3A_1443 : i32 to index
    %swap3A_1445 = arith.constant 0 : index
    %swap3A_1446 = tpu.vector_load %arg7[%swap3A_1444, %swap3A_1445] {strides = array<i32>} : memref<8x128xi32, #tpu.memory_space<vmem>>, vector<16xi32>,
    tpu.vector_store %arg7[%swap3A_1444, %swap3A_1445], %add3A_1442 {strides = array<i32>} : memref<8x128xi32, #tpu.memory_space<vmem>>, vector<16xi32>,
    %swap3A_1447 = arith.constant 4 : i32
    %swap3A_1448 = arith.index_cast %swap3A_1447 : i32 to index
    %swap3A_1449 = arith.constant 0 : index
    %swap3A_1450 = tpu.vector_load %arg9[%swap3A_1448, %swap3A_1449] {strides = array<i32>} : memref<8x128xf32, #tpu.memory_space<vmem>>, vector<16xf32>,
    tpu.vector_store %arg9[%swap3A_1448, %swap3A_1449], %broadcast_in_dim3A_2 {strides = array<i32>} : memref<8x128xf32, #tpu.memory_space<vmem>>, vector<16xf32>,
    %get3A_1451 = arith.constant 4 : i32
    %get3A_1452 = arith.index_cast %get3A_1451 : i32 to index
    %get3A_1453 = arith.constant 16 : index
    %get3A_1454 = tpu.vector_load %arg6[%get3A_1452, %get3A_1453] {strides = array<i32>} : memref<8x128xi32, #tpu.memory_space<vmem>>, vector<16xi32>,
    %mul3A_1455 = arith.constant 1024 : i32
    %mul3A_1456 = arith.muli %arg1, %mul3A_1455 : i32
    %add3A_1457 = arith.constant 512 : i32
    %add3A_1458 = arith.addi %mul3A_1456, %add3A_1457 : i32
    %add3A_1459 = arith.constant 16 : i32
    %add3A_1460 = arith.addi %add3A_1458, %add3A_1459 : i32
    %add3A_1461 = vector.broadcast %add3A_1460 : i32 to vector<16xi32>
    %add3A_1462 = arith.addi %add3A_1461, %iota3A : vector<16xi32>
    %shift_right_arithmetic3A_1463 = arith.constant 3 : i32
    %shift_right_arithmetic3A_1464 = vector.broadcast %shift_right_arithmetic3A_1463 : i32 to vector<16xi32>
    %shift_right_arithmetic3A_1465 = arith.shrsi %get3A_1454, %shift_right_arithmetic3A_1464 : vector<16xi32>
    %mul3A_1466 = arith.constant 131072 : i32
    %mul3A_1467 = vector.broadcast %mul3A_1466 : i32 to vector<16xi32>
    %mul3A_1468 = arith.muli %shift_right_arithmetic3A_1465, %mul3A_1467 : vector<16xi32>
    %shift_right_arithmetic3A_1469 = arith.constant 7 : i32
    %shift_right_arithmetic3A_1470 = vector.broadcast %shift_right_arithmetic3A_1469 : i32 to vector<16xi32>
    %shift_right_arithmetic3A_1471 = arith.shrsi %add3A_1462, %shift_right_arithmetic3A_1470 : vector<16xi32>
    %mul3A_1472 = arith.constant 1024 : i32
    %mul3A_1473 = vector.broadcast %mul3A_1472 : i32 to vector<16xi32>
    %mul3A_1474 = arith.muli %shift_right_arithmetic3A_1471, %mul3A_1473 : vector<16xi32>
    %add3A_1475 = arith.addi %mul3A_1468, %mul3A_1474 : vector<16xi32>
    %and3A_1476 = arith.constant 7 : i32
    %and3A_1477 = vector.broadcast %and3A_1476 : i32 to vector<16xi32>
    %and3A_1478 = arith.andi %get3A_1454, %and3A_1477 : vector<16xi32>
    %mul3A_1479 = arith.constant 128 : i32
    %mul3A_1480 = vector.broadcast %mul3A_1479 : i32 to vector<16xi32>
    %mul3A_1481 = arith.muli %and3A_1478, %mul3A_1480 : vector<16xi32>
    %add3A_1482 = arith.addi %add3A_1475, %mul3A_1481 : vector<16xi32>
    %and3A_1483 = arith.constant 127 : i32
    %and3A_1484 = vector.broadcast %and3A_1483 : i32 to vector<16xi32>
    %and3A_1485 = arith.andi %add3A_1462, %and3A_1484 : vector<16xi32>
    %add3A_1486 = arith.addi %add3A_1482, %and3A_1485 : vector<16xi32>
    %swap3A_1487 = arith.constant 4 : i32
    %swap3A_1488 = arith.index_cast %swap3A_1487 : i32 to index
    %swap3A_1489 = arith.constant 16 : index
    %swap3A_1490 = tpu.vector_load %arg7[%swap3A_1488, %swap3A_1489] {strides = array<i32>} : memref<8x128xi32, #tpu.memory_space<vmem>>, vector<16xi32>,
    tpu.vector_store %arg7[%swap3A_1488, %swap3A_1489], %add3A_1486 {strides = array<i32>} : memref<8x128xi32, #tpu.memory_space<vmem>>, vector<16xi32>,
    %swap3A_1491 = arith.constant 4 : i32
    %swap3A_1492 = arith.index_cast %swap3A_1491 : i32 to index
    %swap3A_1493 = arith.constant 16 : index
    %swap3A_1494 = tpu.vector_load %arg9[%swap3A_1492, %swap3A_1493] {strides = array<i32>} : memref<8x128xf32, #tpu.memory_space<vmem>>, vector<16xf32>,
    tpu.vector_store %arg9[%swap3A_1492, %swap3A_1493], %broadcast_in_dim3A_2 {strides = array<i32>} : memref<8x128xf32, #tpu.memory_space<vmem>>, vector<16xf32>,
    %get3A_1495 = arith.constant 4 : i32
    %get3A_1496 = arith.index_cast %get3A_1495 : i32 to index
    %get3A_1497 = arith.constant 32 : index
    %get3A_1498 = tpu.vector_load %arg6[%get3A_1496, %get3A_1497] {strides = array<i32>} : memref<8x128xi32, #tpu.memory_space<vmem>>, vector<16xi32>,
    %mul3A_1499 = arith.constant 1024 : i32
    %mul3A_1500 = arith.muli %arg1, %mul3A_1499 : i32
    %add3A_1501 = arith.constant 512 : i32
    %add3A_1502 = arith.addi %mul3A_1500, %add3A_1501 : i32
    %add3A_1503 = arith.constant 32 : i32
    %add3A_1504 = arith.addi %add3A_1502, %add3A_1503 : i32
    %add3A_1505 = vector.broadcast %add3A_1504 : i32 to vector<16xi32>
    %add3A_1506 = arith.addi %add3A_1505, %iota3A : vector<16xi32>
    %shift_right_arithmetic3A_1507 = arith.constant 3 : i32
    %shift_right_arithmetic3A_1508 = vector.broadcast %shift_right_arithmetic3A_1507 : i32 to vector<16xi32>
    %shift_right_arithmetic3A_1509 = arith.shrsi %get3A_1498, %shift_right_arithmetic3A_1508 : vector<16xi32>
    %mul3A_1510 = arith.constant 131072 : i32
    %mul3A_1511 = vector.broadcast %mul3A_1510 : i32 to vector<16xi32>
    %mul3A_1512 = arith.muli %shift_right_arithmetic3A_1509, %mul3A_1511 : vector<16xi32>
    %shift_right_arithmetic3A_1513 = arith.constant 7 : i32
    %shift_right_arithmetic3A_1514 = vector.broadcast %shift_right_arithmetic3A_1513 : i32 to vector<16xi32>
    %shift_right_arithmetic3A_1515 = arith.shrsi %add3A_1506, %shift_right_arithmetic3A_1514 : vector<16xi32>
    %mul3A_1516 = arith.constant 1024 : i32
    %mul3A_1517 = vector.broadcast %mul3A_1516 : i32 to vector<16xi32>
    %mul3A_1518 = arith.muli %shift_right_arithmetic3A_1515, %mul3A_1517 : vector<16xi32>
    %add3A_1519 = arith.addi %mul3A_1512, %mul3A_1518 : vector<16xi32>
    %and3A_1520 = arith.constant 7 : i32
    %and3A_1521 = vector.broadcast %and3A_1520 : i32 to vector<16xi32>
    %and3A_1522 = arith.andi %get3A_1498, %and3A_1521 : vector<16xi32>
    %mul3A_1523 = arith.constant 128 : i32
    %mul3A_1524 = vector.broadcast %mul3A_1523 : i32 to vector<16xi32>
    %mul3A_1525 = arith.muli %and3A_1522, %mul3A_1524 : vector<16xi32>
    %add3A_1526 = arith.addi %add3A_1519, %mul3A_1525 : vector<16xi32>
    %and3A_1527 = arith.constant 127 : i32
    %and3A_1528 = vector.broadcast %and3A_1527 : i32 to vector<16xi32>
    %and3A_1529 = arith.andi %add3A_1506, %and3A_1528 : vector<16xi32>
    %add3A_1530 = arith.addi %add3A_1526, %and3A_1529 : vector<16xi32>
    %swap3A_1531 = arith.constant 4 : i32
    %swap3A_1532 = arith.index_cast %swap3A_1531 : i32 to index
    %swap3A_1533 = arith.constant 32 : index
    %swap3A_1534 = tpu.vector_load %arg7[%swap3A_1532, %swap3A_1533] {strides = array<i32>} : memref<8x128xi32, #tpu.memory_space<vmem>>, vector<16xi32>,
    tpu.vector_store %arg7[%swap3A_1532, %swap3A_1533], %add3A_1530 {strides = array<i32>} : memref<8x128xi32, #tpu.memory_space<vmem>>, vector<16xi32>,
    %swap3A_1535 = arith.constant 4 : i32
    %swap3A_1536 = arith.index_cast %swap3A_1535 : i32 to index
    %swap3A_1537 = arith.constant 32 : index
    %swap3A_1538 = tpu.vector_load %arg9[%swap3A_1536, %swap3A_1537] {strides = array<i32>} : memref<8x128xf32, #tpu.memory_space<vmem>>, vector<16xf32>,
    tpu.vector_store %arg9[%swap3A_1536, %swap3A_1537], %broadcast_in_dim3A_2 {strides = array<i32>} : memref<8x128xf32, #tpu.memory_space<vmem>>, vector<16xf32>,
    %get3A_1539 = arith.constant 4 : i32
    %get3A_1540 = arith.index_cast %get3A_1539 : i32 to index
    %get3A_1541 = arith.constant 48 : index
    %get3A_1542 = tpu.vector_load %arg6[%get3A_1540, %get3A_1541] {strides = array<i32>} : memref<8x128xi32, #tpu.memory_space<vmem>>, vector<16xi32>,
    %mul3A_1543 = arith.constant 1024 : i32
    %mul3A_1544 = arith.muli %arg1, %mul3A_1543 : i32
    %add3A_1545 = arith.constant 512 : i32
    %add3A_1546 = arith.addi %mul3A_1544, %add3A_1545 : i32
    %add3A_1547 = arith.constant 48 : i32
    %add3A_1548 = arith.addi %add3A_1546, %add3A_1547 : i32
    %add3A_1549 = vector.broadcast %add3A_1548 : i32 to vector<16xi32>
    %add3A_1550 = arith.addi %add3A_1549, %iota3A : vector<16xi32>
    %shift_right_arithmetic3A_1551 = arith.constant 3 : i32
    %shift_right_arithmetic3A_1552 = vector.broadcast %shift_right_arithmetic3A_1551 : i32 to vector<16xi32>
    %shift_right_arithmetic3A_1553 = arith.shrsi %get3A_1542, %shift_right_arithmetic3A_1552 : vector<16xi32>
    %mul3A_1554 = arith.constant 131072 : i32
    %mul3A_1555 = vector.broadcast %mul3A_1554 : i32 to vector<16xi32>
    %mul3A_1556 = arith.muli %shift_right_arithmetic3A_1553, %mul3A_1555 : vector<16xi32>
    %shift_right_arithmetic3A_1557 = arith.constant 7 : i32
    %shift_right_arithmetic3A_1558 = vector.broadcast %shift_right_arithmetic3A_1557 : i32 to vector<16xi32>
    %shift_right_arithmetic3A_1559 = arith.shrsi %add3A_1550, %shift_right_arithmetic3A_1558 : vector<16xi32>
    %mul3A_1560 = arith.constant 1024 : i32
    %mul3A_1561 = vector.broadcast %mul3A_1560 : i32 to vector<16xi32>
    %mul3A_1562 = arith.muli %shift_right_arithmetic3A_1559, %mul3A_1561 : vector<16xi32>
    %add3A_1563 = arith.addi %mul3A_1556, %mul3A_1562 : vector<16xi32>
    %and3A_1564 = arith.constant 7 : i32
    %and3A_1565 = vector.broadcast %and3A_1564 : i32 to vector<16xi32>
    %and3A_1566 = arith.andi %get3A_1542, %and3A_1565 : vector<16xi32>
    %mul3A_1567 = arith.constant 128 : i32
    %mul3A_1568 = vector.broadcast %mul3A_1567 : i32 to vector<16xi32>
    %mul3A_1569 = arith.muli %and3A_1566, %mul3A_1568 : vector<16xi32>
    %add3A_1570 = arith.addi %add3A_1563, %mul3A_1569 : vector<16xi32>
    %and3A_1571 = arith.constant 127 : i32
    %and3A_1572 = vector.broadcast %and3A_1571 : i32 to vector<16xi32>
    %and3A_1573 = arith.andi %add3A_1550, %and3A_1572 : vector<16xi32>
    %add3A_1574 = arith.addi %add3A_1570, %and3A_1573 : vector<16xi32>
    %swap3A_1575 = arith.constant 4 : i32
    %swap3A_1576 = arith.index_cast %swap3A_1575 : i32 to index
    %swap3A_1577 = arith.constant 48 : index
    %swap3A_1578 = tpu.vector_load %arg7[%swap3A_1576, %swap3A_1577] {strides = array<i32>} : memref<8x128xi32, #tpu.memory_space<vmem>>, vector<16xi32>,
    tpu.vector_store %arg7[%swap3A_1576, %swap3A_1577], %add3A_1574 {strides = array<i32>} : memref<8x128xi32, #tpu.memory_space<vmem>>, vector<16xi32>,
    %swap3A_1579 = arith.constant 4 : i32
    %swap3A_1580 = arith.index_cast %swap3A_1579 : i32 to index
    %swap3A_1581 = arith.constant 48 : index
    %swap3A_1582 = tpu.vector_load %arg9[%swap3A_1580, %swap3A_1581] {strides = array<i32>} : memref<8x128xf32, #tpu.memory_space<vmem>>, vector<16xf32>,
    tpu.vector_store %arg9[%swap3A_1580, %swap3A_1581], %broadcast_in_dim3A_2 {strides = array<i32>} : memref<8x128xf32, #tpu.memory_space<vmem>>, vector<16xf32>,
    %get3A_1583 = arith.constant 4 : i32
    %get3A_1584 = arith.index_cast %get3A_1583 : i32 to index
    %get3A_1585 = arith.constant 64 : index
    %get3A_1586 = tpu.vector_load %arg6[%get3A_1584, %get3A_1585] {strides = array<i32>} : memref<8x128xi32, #tpu.memory_space<vmem>>, vector<16xi32>,
    %mul3A_1587 = arith.constant 1024 : i32
    %mul3A_1588 = arith.muli %arg1, %mul3A_1587 : i32
    %add3A_1589 = arith.constant 512 : i32
    %add3A_1590 = arith.addi %mul3A_1588, %add3A_1589 : i32
    %add3A_1591 = arith.constant 64 : i32
    %add3A_1592 = arith.addi %add3A_1590, %add3A_1591 : i32
    %add3A_1593 = vector.broadcast %add3A_1592 : i32 to vector<16xi32>
    %add3A_1594 = arith.addi %add3A_1593, %iota3A : vector<16xi32>
    %shift_right_arithmetic3A_1595 = arith.constant 3 : i32
    %shift_right_arithmetic3A_1596 = vector.broadcast %shift_right_arithmetic3A_1595 : i32 to vector<16xi32>
    %shift_right_arithmetic3A_1597 = arith.shrsi %get3A_1586, %shift_right_arithmetic3A_1596 : vector<16xi32>
    %mul3A_1598 = arith.constant 131072 : i32
    %mul3A_1599 = vector.broadcast %mul3A_1598 : i32 to vector<16xi32>
    %mul3A_1600 = arith.muli %shift_right_arithmetic3A_1597, %mul3A_1599 : vector<16xi32>
    %shift_right_arithmetic3A_1601 = arith.constant 7 : i32
    %shift_right_arithmetic3A_1602 = vector.broadcast %shift_right_arithmetic3A_1601 : i32 to vector<16xi32>
    %shift_right_arithmetic3A_1603 = arith.shrsi %add3A_1594, %shift_right_arithmetic3A_1602 : vector<16xi32>
    %mul3A_1604 = arith.constant 1024 : i32
    %mul3A_1605 = vector.broadcast %mul3A_1604 : i32 to vector<16xi32>
    %mul3A_1606 = arith.muli %shift_right_arithmetic3A_1603, %mul3A_1605 : vector<16xi32>
    %add3A_1607 = arith.addi %mul3A_1600, %mul3A_1606 : vector<16xi32>
    %and3A_1608 = arith.constant 7 : i32
    %and3A_1609 = vector.broadcast %and3A_1608 : i32 to vector<16xi32>
    %and3A_1610 = arith.andi %get3A_1586, %and3A_1609 : vector<16xi32>
    %mul3A_1611 = arith.constant 128 : i32
    %mul3A_1612 = vector.broadcast %mul3A_1611 : i32 to vector<16xi32>
    %mul3A_1613 = arith.muli %and3A_1610, %mul3A_1612 : vector<16xi32>
    %add3A_1614 = arith.addi %add3A_1607, %mul3A_1613 : vector<16xi32>
    %and3A_1615 = arith.constant 127 : i32
    %and3A_1616 = vector.broadcast %and3A_1615 : i32 to vector<16xi32>
    %and3A_1617 = arith.andi %add3A_1594, %and3A_1616 : vector<16xi32>
    %add3A_1618 = arith.addi %add3A_1614, %and3A_1617 : vector<16xi32>
    %swap3A_1619 = arith.constant 4 : i32
    %swap3A_1620 = arith.index_cast %swap3A_1619 : i32 to index
    %swap3A_1621 = arith.constant 64 : index
    %swap3A_1622 = tpu.vector_load %arg7[%swap3A_1620, %swap3A_1621] {strides = array<i32>} : memref<8x128xi32, #tpu.memory_space<vmem>>, vector<16xi32>,
    tpu.vector_store %arg7[%swap3A_1620, %swap3A_1621], %add3A_1618 {strides = array<i32>} : memref<8x128xi32, #tpu.memory_space<vmem>>, vector<16xi32>,
    %swap3A_1623 = arith.constant 4 : i32
    %swap3A_1624 = arith.index_cast %swap3A_1623 : i32 to index
    %swap3A_1625 = arith.constant 64 : index
    %swap3A_1626 = tpu.vector_load %arg9[%swap3A_1624, %swap3A_1625] {strides = array<i32>} : memref<8x128xf32, #tpu.memory_space<vmem>>, vector<16xf32>,
    tpu.vector_store %arg9[%swap3A_1624, %swap3A_1625], %broadcast_in_dim3A_2 {strides = array<i32>} : memref<8x128xf32, #tpu.memory_space<vmem>>, vector<16xf32>,
    %get3A_1627 = arith.constant 4 : i32
    %get3A_1628 = arith.index_cast %get3A_1627 : i32 to index
    %get3A_1629 = arith.constant 80 : index
    %get3A_1630 = tpu.vector_load %arg6[%get3A_1628, %get3A_1629] {strides = array<i32>} : memref<8x128xi32, #tpu.memory_space<vmem>>, vector<16xi32>,
    %mul3A_1631 = arith.constant 1024 : i32
    %mul3A_1632 = arith.muli %arg1, %mul3A_1631 : i32
    %add3A_1633 = arith.constant 512 : i32
    %add3A_1634 = arith.addi %mul3A_1632, %add3A_1633 : i32
    %add3A_1635 = arith.constant 80 : i32
    %add3A_1636 = arith.addi %add3A_1634, %add3A_1635 : i32
    %add3A_1637 = vector.broadcast %add3A_1636 : i32 to vector<16xi32>
    %add3A_1638 = arith.addi %add3A_1637, %iota3A : vector<16xi32>
    %shift_right_arithmetic3A_1639 = arith.constant 3 : i32
    %shift_right_arithmetic3A_1640 = vector.broadcast %shift_right_arithmetic3A_1639 : i32 to vector<16xi32>
    %shift_right_arithmetic3A_1641 = arith.shrsi %get3A_1630, %shift_right_arithmetic3A_1640 : vector<16xi32>
    %mul3A_1642 = arith.constant 131072 : i32
    %mul3A_1643 = vector.broadcast %mul3A_1642 : i32 to vector<16xi32>
    %mul3A_1644 = arith.muli %shift_right_arithmetic3A_1641, %mul3A_1643 : vector<16xi32>
    %shift_right_arithmetic3A_1645 = arith.constant 7 : i32
    %shift_right_arithmetic3A_1646 = vector.broadcast %shift_right_arithmetic3A_1645 : i32 to vector<16xi32>
    %shift_right_arithmetic3A_1647 = arith.shrsi %add3A_1638, %shift_right_arithmetic3A_1646 : vector<16xi32>
    %mul3A_1648 = arith.constant 1024 : i32
    %mul3A_1649 = vector.broadcast %mul3A_1648 : i32 to vector<16xi32>
    %mul3A_1650 = arith.muli %shift_right_arithmetic3A_1647, %mul3A_1649 : vector<16xi32>
    %add3A_1651 = arith.addi %mul3A_1644, %mul3A_1650 : vector<16xi32>
    %and3A_1652 = arith.constant 7 : i32
    %and3A_1653 = vector.broadcast %and3A_1652 : i32 to vector<16xi32>
    %and3A_1654 = arith.andi %get3A_1630, %and3A_1653 : vector<16xi32>
    %mul3A_1655 = arith.constant 128 : i32
    %mul3A_1656 = vector.broadcast %mul3A_1655 : i32 to vector<16xi32>
    %mul3A_1657 = arith.muli %and3A_1654, %mul3A_1656 : vector<16xi32>
    %add3A_1658 = arith.addi %add3A_1651, %mul3A_1657 : vector<16xi32>
    %and3A_1659 = arith.constant 127 : i32
    %and3A_1660 = vector.broadcast %and3A_1659 : i32 to vector<16xi32>
    %and3A_1661 = arith.andi %add3A_1638, %and3A_1660 : vector<16xi32>
    %add3A_1662 = arith.addi %add3A_1658, %and3A_1661 : vector<16xi32>
    %swap3A_1663 = arith.constant 4 : i32
    %swap3A_1664 = arith.index_cast %swap3A_1663 : i32 to index
    %swap3A_1665 = arith.constant 80 : index
    %swap3A_1666 = tpu.vector_load %arg7[%swap3A_1664, %swap3A_1665] {strides = array<i32>} : memref<8x128xi32, #tpu.memory_space<vmem>>, vector<16xi32>,
    tpu.vector_store %arg7[%swap3A_1664, %swap3A_1665], %add3A_1662 {strides = array<i32>} : memref<8x128xi32, #tpu.memory_space<vmem>>, vector<16xi32>,
    %swap3A_1667 = arith.constant 4 : i32
    %swap3A_1668 = arith.index_cast %swap3A_1667 : i32 to index
    %swap3A_1669 = arith.constant 80 : index
    %swap3A_1670 = tpu.vector_load %arg9[%swap3A_1668, %swap3A_1669] {strides = array<i32>} : memref<8x128xf32, #tpu.memory_space<vmem>>, vector<16xf32>,
    tpu.vector_store %arg9[%swap3A_1668, %swap3A_1669], %broadcast_in_dim3A_2 {strides = array<i32>} : memref<8x128xf32, #tpu.memory_space<vmem>>, vector<16xf32>,
    %get3A_1671 = arith.constant 4 : i32
    %get3A_1672 = arith.index_cast %get3A_1671 : i32 to index
    %get3A_1673 = arith.constant 96 : index
    %get3A_1674 = tpu.vector_load %arg6[%get3A_1672, %get3A_1673] {strides = array<i32>} : memref<8x128xi32, #tpu.memory_space<vmem>>, vector<16xi32>,
    %mul3A_1675 = arith.constant 1024 : i32
    %mul3A_1676 = arith.muli %arg1, %mul3A_1675 : i32
    %add3A_1677 = arith.constant 512 : i32
    %add3A_1678 = arith.addi %mul3A_1676, %add3A_1677 : i32
    %add3A_1679 = arith.constant 96 : i32
    %add3A_1680 = arith.addi %add3A_1678, %add3A_1679 : i32
    %add3A_1681 = vector.broadcast %add3A_1680 : i32 to vector<16xi32>
    %add3A_1682 = arith.addi %add3A_1681, %iota3A : vector<16xi32>
    %shift_right_arithmetic3A_1683 = arith.constant 3 : i32
    %shift_right_arithmetic3A_1684 = vector.broadcast %shift_right_arithmetic3A_1683 : i32 to vector<16xi32>
    %shift_right_arithmetic3A_1685 = arith.shrsi %get3A_1674, %shift_right_arithmetic3A_1684 : vector<16xi32>
    %mul3A_1686 = arith.constant 131072 : i32
    %mul3A_1687 = vector.broadcast %mul3A_1686 : i32 to vector<16xi32>
    %mul3A_1688 = arith.muli %shift_right_arithmetic3A_1685, %mul3A_1687 : vector<16xi32>
    %shift_right_arithmetic3A_1689 = arith.constant 7 : i32
    %shift_right_arithmetic3A_1690 = vector.broadcast %shift_right_arithmetic3A_1689 : i32 to vector<16xi32>
    %shift_right_arithmetic3A_1691 = arith.shrsi %add3A_1682, %shift_right_arithmetic3A_1690 : vector<16xi32>
    %mul3A_1692 = arith.constant 1024 : i32
    %mul3A_1693 = vector.broadcast %mul3A_1692 : i32 to vector<16xi32>
    %mul3A_1694 = arith.muli %shift_right_arithmetic3A_1691, %mul3A_1693 : vector<16xi32>
    %add3A_1695 = arith.addi %mul3A_1688, %mul3A_1694 : vector<16xi32>
    %and3A_1696 = arith.constant 7 : i32
    %and3A_1697 = vector.broadcast %and3A_1696 : i32 to vector<16xi32>
    %and3A_1698 = arith.andi %get3A_1674, %and3A_1697 : vector<16xi32>
    %mul3A_1699 = arith.constant 128 : i32
    %mul3A_1700 = vector.broadcast %mul3A_1699 : i32 to vector<16xi32>
    %mul3A_1701 = arith.muli %and3A_1698, %mul3A_1700 : vector<16xi32>
    %add3A_1702 = arith.addi %add3A_1695, %mul3A_1701 : vector<16xi32>
    %and3A_1703 = arith.constant 127 : i32
    %and3A_1704 = vector.broadcast %and3A_1703 : i32 to vector<16xi32>
    %and3A_1705 = arith.andi %add3A_1682, %and3A_1704 : vector<16xi32>
    %add3A_1706 = arith.addi %add3A_1702, %and3A_1705 : vector<16xi32>
    %swap3A_1707 = arith.constant 4 : i32
    %swap3A_1708 = arith.index_cast %swap3A_1707 : i32 to index
    %swap3A_1709 = arith.constant 96 : index
    %swap3A_1710 = tpu.vector_load %arg7[%swap3A_1708, %swap3A_1709] {strides = array<i32>} : memref<8x128xi32, #tpu.memory_space<vmem>>, vector<16xi32>,
    tpu.vector_store %arg7[%swap3A_1708, %swap3A_1709], %add3A_1706 {strides = array<i32>} : memref<8x128xi32, #tpu.memory_space<vmem>>, vector<16xi32>,
    %swap3A_1711 = arith.constant 4 : i32
    %swap3A_1712 = arith.index_cast %swap3A_1711 : i32 to index
    %swap3A_1713 = arith.constant 96 : index
    %swap3A_1714 = tpu.vector_load %arg9[%swap3A_1712, %swap3A_1713] {strides = array<i32>} : memref<8x128xf32, #tpu.memory_space<vmem>>, vector<16xf32>,
    tpu.vector_store %arg9[%swap3A_1712, %swap3A_1713], %broadcast_in_dim3A_2 {strides = array<i32>} : memref<8x128xf32, #tpu.memory_space<vmem>>, vector<16xf32>,
    %get3A_1715 = arith.constant 4 : i32
    %get3A_1716 = arith.index_cast %get3A_1715 : i32 to index
    %get3A_1717 = arith.constant 112 : index
    %get3A_1718 = tpu.vector_load %arg6[%get3A_1716, %get3A_1717] {strides = array<i32>} : memref<8x128xi32, #tpu.memory_space<vmem>>, vector<16xi32>,
    %mul3A_1719 = arith.constant 1024 : i32
    %mul3A_1720 = arith.muli %arg1, %mul3A_1719 : i32
    %add3A_1721 = arith.constant 512 : i32
    %add3A_1722 = arith.addi %mul3A_1720, %add3A_1721 : i32
    %add3A_1723 = arith.constant 112 : i32
    %add3A_1724 = arith.addi %add3A_1722, %add3A_1723 : i32
    %add3A_1725 = vector.broadcast %add3A_1724 : i32 to vector<16xi32>
    %add3A_1726 = arith.addi %add3A_1725, %iota3A : vector<16xi32>
    %shift_right_arithmetic3A_1727 = arith.constant 3 : i32
    %shift_right_arithmetic3A_1728 = vector.broadcast %shift_right_arithmetic3A_1727 : i32 to vector<16xi32>
    %shift_right_arithmetic3A_1729 = arith.shrsi %get3A_1718, %shift_right_arithmetic3A_1728 : vector<16xi32>
    %mul3A_1730 = arith.constant 131072 : i32
    %mul3A_1731 = vector.broadcast %mul3A_1730 : i32 to vector<16xi32>
    %mul3A_1732 = arith.muli %shift_right_arithmetic3A_1729, %mul3A_1731 : vector<16xi32>
    %shift_right_arithmetic3A_1733 = arith.constant 7 : i32
    %shift_right_arithmetic3A_1734 = vector.broadcast %shift_right_arithmetic3A_1733 : i32 to vector<16xi32>
    %shift_right_arithmetic3A_1735 = arith.shrsi %add3A_1726, %shift_right_arithmetic3A_1734 : vector<16xi32>
    %mul3A_1736 = arith.constant 1024 : i32
    %mul3A_1737 = vector.broadcast %mul3A_1736 : i32 to vector<16xi32>
    %mul3A_1738 = arith.muli %shift_right_arithmetic3A_1735, %mul3A_1737 : vector<16xi32>
    %add3A_1739 = arith.addi %mul3A_1732, %mul3A_1738 : vector<16xi32>
    %and3A_1740 = arith.constant 7 : i32
    %and3A_1741 = vector.broadcast %and3A_1740 : i32 to vector<16xi32>
    %and3A_1742 = arith.andi %get3A_1718, %and3A_1741 : vector<16xi32>
    %mul3A_1743 = arith.constant 128 : i32
    %mul3A_1744 = vector.broadcast %mul3A_1743 : i32 to vector<16xi32>
    %mul3A_1745 = arith.muli %and3A_1742, %mul3A_1744 : vector<16xi32>
    %add3A_1746 = arith.addi %add3A_1739, %mul3A_1745 : vector<16xi32>
    %and3A_1747 = arith.constant 127 : i32
    %and3A_1748 = vector.broadcast %and3A_1747 : i32 to vector<16xi32>
    %and3A_1749 = arith.andi %add3A_1726, %and3A_1748 : vector<16xi32>
    %add3A_1750 = arith.addi %add3A_1746, %and3A_1749 : vector<16xi32>
    %swap3A_1751 = arith.constant 4 : i32
    %swap3A_1752 = arith.index_cast %swap3A_1751 : i32 to index
    %swap3A_1753 = arith.constant 112 : index
    %swap3A_1754 = tpu.vector_load %arg7[%swap3A_1752, %swap3A_1753] {strides = array<i32>} : memref<8x128xi32, #tpu.memory_space<vmem>>, vector<16xi32>,
    tpu.vector_store %arg7[%swap3A_1752, %swap3A_1753], %add3A_1750 {strides = array<i32>} : memref<8x128xi32, #tpu.memory_space<vmem>>, vector<16xi32>,
    %swap3A_1755 = arith.constant 4 : i32
    %swap3A_1756 = arith.index_cast %swap3A_1755 : i32 to index
    %swap3A_1757 = arith.constant 112 : index
    %swap3A_1758 = tpu.vector_load %arg9[%swap3A_1756, %swap3A_1757] {strides = array<i32>} : memref<8x128xf32, #tpu.memory_space<vmem>>, vector<16xf32>,
    tpu.vector_store %arg9[%swap3A_1756, %swap3A_1757], %broadcast_in_dim3A_2 {strides = array<i32>} : memref<8x128xf32, #tpu.memory_space<vmem>>, vector<16xf32>,
    %get3A_1759 = arith.constant 5 : i32
    %get3A_1760 = arith.index_cast %get3A_1759 : i32 to index
    %get3A_1761 = arith.constant 0 : index
    %get3A_1762 = tpu.vector_load %arg6[%get3A_1760, %get3A_1761] {strides = array<i32>} : memref<8x128xi32, #tpu.memory_space<vmem>>, vector<16xi32>,
    %mul3A_1763 = arith.constant 1024 : i32
    %mul3A_1764 = arith.muli %arg1, %mul3A_1763 : i32
    %add3A_1765 = arith.constant 640 : i32
    %add3A_1766 = arith.addi %mul3A_1764, %add3A_1765 : i32
    %add3A_1767 = arith.constant 0 : i32
    %add3A_1768 = arith.addi %add3A_1766, %add3A_1767 : i32
    %add3A_1769 = vector.broadcast %add3A_1768 : i32 to vector<16xi32>
    %add3A_1770 = arith.addi %add3A_1769, %iota3A : vector<16xi32>
    %shift_right_arithmetic3A_1771 = arith.constant 3 : i32
    %shift_right_arithmetic3A_1772 = vector.broadcast %shift_right_arithmetic3A_1771 : i32 to vector<16xi32>
    %shift_right_arithmetic3A_1773 = arith.shrsi %get3A_1762, %shift_right_arithmetic3A_1772 : vector<16xi32>
    %mul3A_1774 = arith.constant 131072 : i32
    %mul3A_1775 = vector.broadcast %mul3A_1774 : i32 to vector<16xi32>
    %mul3A_1776 = arith.muli %shift_right_arithmetic3A_1773, %mul3A_1775 : vector<16xi32>
    %shift_right_arithmetic3A_1777 = arith.constant 7 : i32
    %shift_right_arithmetic3A_1778 = vector.broadcast %shift_right_arithmetic3A_1777 : i32 to vector<16xi32>
    %shift_right_arithmetic3A_1779 = arith.shrsi %add3A_1770, %shift_right_arithmetic3A_1778 : vector<16xi32>
    %mul3A_1780 = arith.constant 1024 : i32
    %mul3A_1781 = vector.broadcast %mul3A_1780 : i32 to vector<16xi32>
    %mul3A_1782 = arith.muli %shift_right_arithmetic3A_1779, %mul3A_1781 : vector<16xi32>
    %add3A_1783 = arith.addi %mul3A_1776, %mul3A_1782 : vector<16xi32>
    %and3A_1784 = arith.constant 7 : i32
    %and3A_1785 = vector.broadcast %and3A_1784 : i32 to vector<16xi32>
    %and3A_1786 = arith.andi %get3A_1762, %and3A_1785 : vector<16xi32>
    %mul3A_1787 = arith.constant 128 : i32
    %mul3A_1788 = vector.broadcast %mul3A_1787 : i32 to vector<16xi32>
    %mul3A_1789 = arith.muli %and3A_1786, %mul3A_1788 : vector<16xi32>
    %add3A_1790 = arith.addi %add3A_1783, %mul3A_1789 : vector<16xi32>
    %and3A_1791 = arith.constant 127 : i32
    %and3A_1792 = vector.broadcast %and3A_1791 : i32 to vector<16xi32>
    %and3A_1793 = arith.andi %add3A_1770, %and3A_1792 : vector<16xi32>
    %add3A_1794 = arith.addi %add3A_1790, %and3A_1793 : vector<16xi32>
    %swap3A_1795 = arith.constant 5 : i32
    %swap3A_1796 = arith.index_cast %swap3A_1795 : i32 to index
    %swap3A_1797 = arith.constant 0 : index
    %swap3A_1798 = tpu.vector_load %arg7[%swap3A_1796, %swap3A_1797] {strides = array<i32>} : memref<8x128xi32, #tpu.memory_space<vmem>>, vector<16xi32>,
    tpu.vector_store %arg7[%swap3A_1796, %swap3A_1797], %add3A_1794 {strides = array<i32>} : memref<8x128xi32, #tpu.memory_space<vmem>>, vector<16xi32>,
    %swap3A_1799 = arith.constant 5 : i32
    %swap3A_1800 = arith.index_cast %swap3A_1799 : i32 to index
    %swap3A_1801 = arith.constant 0 : index
    %swap3A_1802 = tpu.vector_load %arg9[%swap3A_1800, %swap3A_1801] {strides = array<i32>} : memref<8x128xf32, #tpu.memory_space<vmem>>, vector<16xf32>,
    tpu.vector_store %arg9[%swap3A_1800, %swap3A_1801], %broadcast_in_dim3A_2 {strides = array<i32>} : memref<8x128xf32, #tpu.memory_space<vmem>>, vector<16xf32>,
    %get3A_1803 = arith.constant 5 : i32
    %get3A_1804 = arith.index_cast %get3A_1803 : i32 to index
    %get3A_1805 = arith.constant 16 : index
    %get3A_1806 = tpu.vector_load %arg6[%get3A_1804, %get3A_1805] {strides = array<i32>} : memref<8x128xi32, #tpu.memory_space<vmem>>, vector<16xi32>,
    %mul3A_1807 = arith.constant 1024 : i32
    %mul3A_1808 = arith.muli %arg1, %mul3A_1807 : i32
    %add3A_1809 = arith.constant 640 : i32
    %add3A_1810 = arith.addi %mul3A_1808, %add3A_1809 : i32
    %add3A_1811 = arith.constant 16 : i32
    %add3A_1812 = arith.addi %add3A_1810, %add3A_1811 : i32
    %add3A_1813 = vector.broadcast %add3A_1812 : i32 to vector<16xi32>
    %add3A_1814 = arith.addi %add3A_1813, %iota3A : vector<16xi32>
    %shift_right_arithmetic3A_1815 = arith.constant 3 : i32
    %shift_right_arithmetic3A_1816 = vector.broadcast %shift_right_arithmetic3A_1815 : i32 to vector<16xi32>
    %shift_right_arithmetic3A_1817 = arith.shrsi %get3A_1806, %shift_right_arithmetic3A_1816 : vector<16xi32>
    %mul3A_1818 = arith.constant 131072 : i32
    %mul3A_1819 = vector.broadcast %mul3A_1818 : i32 to vector<16xi32>
    %mul3A_1820 = arith.muli %shift_right_arithmetic3A_1817, %mul3A_1819 : vector<16xi32>
    %shift_right_arithmetic3A_1821 = arith.constant 7 : i32
    %shift_right_arithmetic3A_1822 = vector.broadcast %shift_right_arithmetic3A_1821 : i32 to vector<16xi32>
    %shift_right_arithmetic3A_1823 = arith.shrsi %add3A_1814, %shift_right_arithmetic3A_1822 : vector<16xi32>
    %mul3A_1824 = arith.constant 1024 : i32
    %mul3A_1825 = vector.broadcast %mul3A_1824 : i32 to vector<16xi32>
    %mul3A_1826 = arith.muli %shift_right_arithmetic3A_1823, %mul3A_1825 : vector<16xi32>
    %add3A_1827 = arith.addi %mul3A_1820, %mul3A_1826 : vector<16xi32>
    %and3A_1828 = arith.constant 7 : i32
    %and3A_1829 = vector.broadcast %and3A_1828 : i32 to vector<16xi32>
    %and3A_1830 = arith.andi %get3A_1806, %and3A_1829 : vector<16xi32>
    %mul3A_1831 = arith.constant 128 : i32
    %mul3A_1832 = vector.broadcast %mul3A_1831 : i32 to vector<16xi32>
    %mul3A_1833 = arith.muli %and3A_1830, %mul3A_1832 : vector<16xi32>
    %add3A_1834 = arith.addi %add3A_1827, %mul3A_1833 : vector<16xi32>
    %and3A_1835 = arith.constant 127 : i32
    %and3A_1836 = vector.broadcast %and3A_1835 : i32 to vector<16xi32>
    %and3A_1837 = arith.andi %add3A_1814, %and3A_1836 : vector<16xi32>
    %add3A_1838 = arith.addi %add3A_1834, %and3A_1837 : vector<16xi32>
    %swap3A_1839 = arith.constant 5 : i32
    %swap3A_1840 = arith.index_cast %swap3A_1839 : i32 to index
    %swap3A_1841 = arith.constant 16 : index
    %swap3A_1842 = tpu.vector_load %arg7[%swap3A_1840, %swap3A_1841] {strides = array<i32>} : memref<8x128xi32, #tpu.memory_space<vmem>>, vector<16xi32>,
    tpu.vector_store %arg7[%swap3A_1840, %swap3A_1841], %add3A_1838 {strides = array<i32>} : memref<8x128xi32, #tpu.memory_space<vmem>>, vector<16xi32>,
    %swap3A_1843 = arith.constant 5 : i32
    %swap3A_1844 = arith.index_cast %swap3A_1843 : i32 to index
    %swap3A_1845 = arith.constant 16 : index
    %swap3A_1846 = tpu.vector_load %arg9[%swap3A_1844, %swap3A_1845] {strides = array<i32>} : memref<8x128xf32, #tpu.memory_space<vmem>>, vector<16xf32>,
    tpu.vector_store %arg9[%swap3A_1844, %swap3A_1845], %broadcast_in_dim3A_2 {strides = array<i32>} : memref<8x128xf32, #tpu.memory_space<vmem>>, vector<16xf32>,
    %get3A_1847 = arith.constant 5 : i32
    %get3A_1848 = arith.index_cast %get3A_1847 : i32 to index
    %get3A_1849 = arith.constant 32 : index
    %get3A_1850 = tpu.vector_load %arg6[%get3A_1848, %get3A_1849] {strides = array<i32>} : memref<8x128xi32, #tpu.memory_space<vmem>>, vector<16xi32>,
    %mul3A_1851 = arith.constant 1024 : i32
    %mul3A_1852 = arith.muli %arg1, %mul3A_1851 : i32
    %add3A_1853 = arith.constant 640 : i32
    %add3A_1854 = arith.addi %mul3A_1852, %add3A_1853 : i32
    %add3A_1855 = arith.constant 32 : i32
    %add3A_1856 = arith.addi %add3A_1854, %add3A_1855 : i32
    %add3A_1857 = vector.broadcast %add3A_1856 : i32 to vector<16xi32>
    %add3A_1858 = arith.addi %add3A_1857, %iota3A : vector<16xi32>
    %shift_right_arithmetic3A_1859 = arith.constant 3 : i32
    %shift_right_arithmetic3A_1860 = vector.broadcast %shift_right_arithmetic3A_1859 : i32 to vector<16xi32>
    %shift_right_arithmetic3A_1861 = arith.shrsi %get3A_1850, %shift_right_arithmetic3A_1860 : vector<16xi32>
    %mul3A_1862 = arith.constant 131072 : i32
    %mul3A_1863 = vector.broadcast %mul3A_1862 : i32 to vector<16xi32>
    %mul3A_1864 = arith.muli %shift_right_arithmetic3A_1861, %mul3A_1863 : vector<16xi32>
    %shift_right_arithmetic3A_1865 = arith.constant 7 : i32
    %shift_right_arithmetic3A_1866 = vector.broadcast %shift_right_arithmetic3A_1865 : i32 to vector<16xi32>
    %shift_right_arithmetic3A_1867 = arith.shrsi %add3A_1858, %shift_right_arithmetic3A_1866 : vector<16xi32>
    %mul3A_1868 = arith.constant 1024 : i32
    %mul3A_1869 = vector.broadcast %mul3A_1868 : i32 to vector<16xi32>
    %mul3A_1870 = arith.muli %shift_right_arithmetic3A_1867, %mul3A_1869 : vector<16xi32>
    %add3A_1871 = arith.addi %mul3A_1864, %mul3A_1870 : vector<16xi32>
    %and3A_1872 = arith.constant 7 : i32
    %and3A_1873 = vector.broadcast %and3A_1872 : i32 to vector<16xi32>
    %and3A_1874 = arith.andi %get3A_1850, %and3A_1873 : vector<16xi32>
    %mul3A_1875 = arith.constant 128 : i32
    %mul3A_1876 = vector.broadcast %mul3A_1875 : i32 to vector<16xi32>
    %mul3A_1877 = arith.muli %and3A_1874, %mul3A_1876 : vector<16xi32>
    %add3A_1878 = arith.addi %add3A_1871, %mul3A_1877 : vector<16xi32>
    %and3A_1879 = arith.constant 127 : i32
    %and3A_1880 = vector.broadcast %and3A_1879 : i32 to vector<16xi32>
    %and3A_1881 = arith.andi %add3A_1858, %and3A_1880 : vector<16xi32>
    %add3A_1882 = arith.addi %add3A_1878, %and3A_1881 : vector<16xi32>
    %swap3A_1883 = arith.constant 5 : i32
    %swap3A_1884 = arith.index_cast %swap3A_1883 : i32 to index
    %swap3A_1885 = arith.constant 32 : index
    %swap3A_1886 = tpu.vector_load %arg7[%swap3A_1884, %swap3A_1885] {strides = array<i32>} : memref<8x128xi32, #tpu.memory_space<vmem>>, vector<16xi32>,
    tpu.vector_store %arg7[%swap3A_1884, %swap3A_1885], %add3A_1882 {strides = array<i32>} : memref<8x128xi32, #tpu.memory_space<vmem>>, vector<16xi32>,
    %swap3A_1887 = arith.constant 5 : i32
    %swap3A_1888 = arith.index_cast %swap3A_1887 : i32 to index
    %swap3A_1889 = arith.constant 32 : index
    %swap3A_1890 = tpu.vector_load %arg9[%swap3A_1888, %swap3A_1889] {strides = array<i32>} : memref<8x128xf32, #tpu.memory_space<vmem>>, vector<16xf32>,
    tpu.vector_store %arg9[%swap3A_1888, %swap3A_1889], %broadcast_in_dim3A_2 {strides = array<i32>} : memref<8x128xf32, #tpu.memory_space<vmem>>, vector<16xf32>,
    %get3A_1891 = arith.constant 5 : i32
    %get3A_1892 = arith.index_cast %get3A_1891 : i32 to index
    %get3A_1893 = arith.constant 48 : index
    %get3A_1894 = tpu.vector_load %arg6[%get3A_1892, %get3A_1893] {strides = array<i32>} : memref<8x128xi32, #tpu.memory_space<vmem>>, vector<16xi32>,
    %mul3A_1895 = arith.constant 1024 : i32
    %mul3A_1896 = arith.muli %arg1, %mul3A_1895 : i32
    %add3A_1897 = arith.constant 640 : i32
    %add3A_1898 = arith.addi %mul3A_1896, %add3A_1897 : i32
    %add3A_1899 = arith.constant 48 : i32
    %add3A_1900 = arith.addi %add3A_1898, %add3A_1899 : i32
    %add3A_1901 = vector.broadcast %add3A_1900 : i32 to vector<16xi32>
    %add3A_1902 = arith.addi %add3A_1901, %iota3A : vector<16xi32>
    %shift_right_arithmetic3A_1903 = arith.constant 3 : i32
    %shift_right_arithmetic3A_1904 = vector.broadcast %shift_right_arithmetic3A_1903 : i32 to vector<16xi32>
    %shift_right_arithmetic3A_1905 = arith.shrsi %get3A_1894, %shift_right_arithmetic3A_1904 : vector<16xi32>
    %mul3A_1906 = arith.constant 131072 : i32
    %mul3A_1907 = vector.broadcast %mul3A_1906 : i32 to vector<16xi32>
    %mul3A_1908 = arith.muli %shift_right_arithmetic3A_1905, %mul3A_1907 : vector<16xi32>
    %shift_right_arithmetic3A_1909 = arith.constant 7 : i32
    %shift_right_arithmetic3A_1910 = vector.broadcast %shift_right_arithmetic3A_1909 : i32 to vector<16xi32>
    %shift_right_arithmetic3A_1911 = arith.shrsi %add3A_1902, %shift_right_arithmetic3A_1910 : vector<16xi32>
    %mul3A_1912 = arith.constant 1024 : i32
    %mul3A_1913 = vector.broadcast %mul3A_1912 : i32 to vector<16xi32>
    %mul3A_1914 = arith.muli %shift_right_arithmetic3A_1911, %mul3A_1913 : vector<16xi32>
    %add3A_1915 = arith.addi %mul3A_1908, %mul3A_1914 : vector<16xi32>
    %and3A_1916 = arith.constant 7 : i32
    %and3A_1917 = vector.broadcast %and3A_1916 : i32 to vector<16xi32>
    %and3A_1918 = arith.andi %get3A_1894, %and3A_1917 : vector<16xi32>
    %mul3A_1919 = arith.constant 128 : i32
    %mul3A_1920 = vector.broadcast %mul3A_1919 : i32 to vector<16xi32>
    %mul3A_1921 = arith.muli %and3A_1918, %mul3A_1920 : vector<16xi32>
    %add3A_1922 = arith.addi %add3A_1915, %mul3A_1921 : vector<16xi32>
    %and3A_1923 = arith.constant 127 : i32
    %and3A_1924 = vector.broadcast %and3A_1923 : i32 to vector<16xi32>
    %and3A_1925 = arith.andi %add3A_1902, %and3A_1924 : vector<16xi32>
    %add3A_1926 = arith.addi %add3A_1922, %and3A_1925 : vector<16xi32>
    %swap3A_1927 = arith.constant 5 : i32
    %swap3A_1928 = arith.index_cast %swap3A_1927 : i32 to index
    %swap3A_1929 = arith.constant 48 : index
    %swap3A_1930 = tpu.vector_load %arg7[%swap3A_1928, %swap3A_1929] {strides = array<i32>} : memref<8x128xi32, #tpu.memory_space<vmem>>, vector<16xi32>,
    tpu.vector_store %arg7[%swap3A_1928, %swap3A_1929], %add3A_1926 {strides = array<i32>} : memref<8x128xi32, #tpu.memory_space<vmem>>, vector<16xi32>,
    %swap3A_1931 = arith.constant 5 : i32
    %swap3A_1932 = arith.index_cast %swap3A_1931 : i32 to index
    %swap3A_1933 = arith.constant 48 : index
    %swap3A_1934 = tpu.vector_load %arg9[%swap3A_1932, %swap3A_1933] {strides = array<i32>} : memref<8x128xf32, #tpu.memory_space<vmem>>, vector<16xf32>,
    tpu.vector_store %arg9[%swap3A_1932, %swap3A_1933], %broadcast_in_dim3A_2 {strides = array<i32>} : memref<8x128xf32, #tpu.memory_space<vmem>>, vector<16xf32>,
    %get3A_1935 = arith.constant 5 : i32
    %get3A_1936 = arith.index_cast %get3A_1935 : i32 to index
    %get3A_1937 = arith.constant 64 : index
    %get3A_1938 = tpu.vector_load %arg6[%get3A_1936, %get3A_1937] {strides = array<i32>} : memref<8x128xi32, #tpu.memory_space<vmem>>, vector<16xi32>,
    %mul3A_1939 = arith.constant 1024 : i32
    %mul3A_1940 = arith.muli %arg1, %mul3A_1939 : i32
    %add3A_1941 = arith.constant 640 : i32
    %add3A_1942 = arith.addi %mul3A_1940, %add3A_1941 : i32
    %add3A_1943 = arith.constant 64 : i32
    %add3A_1944 = arith.addi %add3A_1942, %add3A_1943 : i32
    %add3A_1945 = vector.broadcast %add3A_1944 : i32 to vector<16xi32>
    %add3A_1946 = arith.addi %add3A_1945, %iota3A : vector<16xi32>
    %shift_right_arithmetic3A_1947 = arith.constant 3 : i32
    %shift_right_arithmetic3A_1948 = vector.broadcast %shift_right_arithmetic3A_1947 : i32 to vector<16xi32>
    %shift_right_arithmetic3A_1949 = arith.shrsi %get3A_1938, %shift_right_arithmetic3A_1948 : vector<16xi32>
    %mul3A_1950 = arith.constant 131072 : i32
    %mul3A_1951 = vector.broadcast %mul3A_1950 : i32 to vector<16xi32>
    %mul3A_1952 = arith.muli %shift_right_arithmetic3A_1949, %mul3A_1951 : vector<16xi32>
    %shift_right_arithmetic3A_1953 = arith.constant 7 : i32
    %shift_right_arithmetic3A_1954 = vector.broadcast %shift_right_arithmetic3A_1953 : i32 to vector<16xi32>
    %shift_right_arithmetic3A_1955 = arith.shrsi %add3A_1946, %shift_right_arithmetic3A_1954 : vector<16xi32>
    %mul3A_1956 = arith.constant 1024 : i32
    %mul3A_1957 = vector.broadcast %mul3A_1956 : i32 to vector<16xi32>
    %mul3A_1958 = arith.muli %shift_right_arithmetic3A_1955, %mul3A_1957 : vector<16xi32>
    %add3A_1959 = arith.addi %mul3A_1952, %mul3A_1958 : vector<16xi32>
    %and3A_1960 = arith.constant 7 : i32
    %and3A_1961 = vector.broadcast %and3A_1960 : i32 to vector<16xi32>
    %and3A_1962 = arith.andi %get3A_1938, %and3A_1961 : vector<16xi32>
    %mul3A_1963 = arith.constant 128 : i32
    %mul3A_1964 = vector.broadcast %mul3A_1963 : i32 to vector<16xi32>
    %mul3A_1965 = arith.muli %and3A_1962, %mul3A_1964 : vector<16xi32>
    %add3A_1966 = arith.addi %add3A_1959, %mul3A_1965 : vector<16xi32>
    %and3A_1967 = arith.constant 127 : i32
    %and3A_1968 = vector.broadcast %and3A_1967 : i32 to vector<16xi32>
    %and3A_1969 = arith.andi %add3A_1946, %and3A_1968 : vector<16xi32>
    %add3A_1970 = arith.addi %add3A_1966, %and3A_1969 : vector<16xi32>
    %swap3A_1971 = arith.constant 5 : i32
    %swap3A_1972 = arith.index_cast %swap3A_1971 : i32 to index
    %swap3A_1973 = arith.constant 64 : index
    %swap3A_1974 = tpu.vector_load %arg7[%swap3A_1972, %swap3A_1973] {strides = array<i32>} : memref<8x128xi32, #tpu.memory_space<vmem>>, vector<16xi32>,
    tpu.vector_store %arg7[%swap3A_1972, %swap3A_1973], %add3A_1970 {strides = array<i32>} : memref<8x128xi32, #tpu.memory_space<vmem>>, vector<16xi32>,
    %swap3A_1975 = arith.constant 5 : i32
    %swap3A_1976 = arith.index_cast %swap3A_1975 : i32 to index
    %swap3A_1977 = arith.constant 64 : index
    %swap3A_1978 = tpu.vector_load %arg9[%swap3A_1976, %swap3A_1977] {strides = array<i32>} : memref<8x128xf32, #tpu.memory_space<vmem>>, vector<16xf32>,
    tpu.vector_store %arg9[%swap3A_1976, %swap3A_1977], %broadcast_in_dim3A_2 {strides = array<i32>} : memref<8x128xf32, #tpu.memory_space<vmem>>, vector<16xf32>,
    %get3A_1979 = arith.constant 5 : i32
    %get3A_1980 = arith.index_cast %get3A_1979 : i32 to index
    %get3A_1981 = arith.constant 80 : index
    %get3A_1982 = tpu.vector_load %arg6[%get3A_1980, %get3A_1981] {strides = array<i32>} : memref<8x128xi32, #tpu.memory_space<vmem>>, vector<16xi32>,
    %mul3A_1983 = arith.constant 1024 : i32
    %mul3A_1984 = arith.muli %arg1, %mul3A_1983 : i32
    %add3A_1985 = arith.constant 640 : i32
    %add3A_1986 = arith.addi %mul3A_1984, %add3A_1985 : i32
    %add3A_1987 = arith.constant 80 : i32
    %add3A_1988 = arith.addi %add3A_1986, %add3A_1987 : i32
    %add3A_1989 = vector.broadcast %add3A_1988 : i32 to vector<16xi32>
    %add3A_1990 = arith.addi %add3A_1989, %iota3A : vector<16xi32>
    %shift_right_arithmetic3A_1991 = arith.constant 3 : i32
    %shift_right_arithmetic3A_1992 = vector.broadcast %shift_right_arithmetic3A_1991 : i32 to vector<16xi32>
    %shift_right_arithmetic3A_1993 = arith.shrsi %get3A_1982, %shift_right_arithmetic3A_1992 : vector<16xi32>
    %mul3A_1994 = arith.constant 131072 : i32
    %mul3A_1995 = vector.broadcast %mul3A_1994 : i32 to vector<16xi32>
    %mul3A_1996 = arith.muli %shift_right_arithmetic3A_1993, %mul3A_1995 : vector<16xi32>
    %shift_right_arithmetic3A_1997 = arith.constant 7 : i32
    %shift_right_arithmetic3A_1998 = vector.broadcast %shift_right_arithmetic3A_1997 : i32 to vector<16xi32>
    %shift_right_arithmetic3A_1999 = arith.shrsi %add3A_1990, %shift_right_arithmetic3A_1998 : vector<16xi32>
    %mul3A_2000 = arith.constant 1024 : i32
    %mul3A_2001 = vector.broadcast %mul3A_2000 : i32 to vector<16xi32>
    %mul3A_2002 = arith.muli %shift_right_arithmetic3A_1999, %mul3A_2001 : vector<16xi32>
    %add3A_2003 = arith.addi %mul3A_1996, %mul3A_2002 : vector<16xi32>
    %and3A_2004 = arith.constant 7 : i32
    %and3A_2005 = vector.broadcast %and3A_2004 : i32 to vector<16xi32>
    %and3A_2006 = arith.andi %get3A_1982, %and3A_2005 : vector<16xi32>
    %mul3A_2007 = arith.constant 128 : i32
    %mul3A_2008 = vector.broadcast %mul3A_2007 : i32 to vector<16xi32>
    %mul3A_2009 = arith.muli %and3A_2006, %mul3A_2008 : vector<16xi32>
    %add3A_2010 = arith.addi %add3A_2003, %mul3A_2009 : vector<16xi32>
    %and3A_2011 = arith.constant 127 : i32
    %and3A_2012 = vector.broadcast %and3A_2011 : i32 to vector<16xi32>
    %and3A_2013 = arith.andi %add3A_1990, %and3A_2012 : vector<16xi32>
    %add3A_2014 = arith.addi %add3A_2010, %and3A_2013 : vector<16xi32>
    %swap3A_2015 = arith.constant 5 : i32
    %swap3A_2016 = arith.index_cast %swap3A_2015 : i32 to index
    %swap3A_2017 = arith.constant 80 : index
    %swap3A_2018 = tpu.vector_load %arg7[%swap3A_2016, %swap3A_2017] {strides = array<i32>} : memref<8x128xi32, #tpu.memory_space<vmem>>, vector<16xi32>,
    tpu.vector_store %arg7[%swap3A_2016, %swap3A_2017], %add3A_2014 {strides = array<i32>} : memref<8x128xi32, #tpu.memory_space<vmem>>, vector<16xi32>,
    %swap3A_2019 = arith.constant 5 : i32
    %swap3A_2020 = arith.index_cast %swap3A_2019 : i32 to index
    %swap3A_2021 = arith.constant 80 : index
    %swap3A_2022 = tpu.vector_load %arg9[%swap3A_2020, %swap3A_2021] {strides = array<i32>} : memref<8x128xf32, #tpu.memory_space<vmem>>, vector<16xf32>,
    tpu.vector_store %arg9[%swap3A_2020, %swap3A_2021], %broadcast_in_dim3A_2 {strides = array<i32>} : memref<8x128xf32, #tpu.memory_space<vmem>>, vector<16xf32>,
    %get3A_2023 = arith.constant 5 : i32
    %get3A_2024 = arith.index_cast %get3A_2023 : i32 to index
    %get3A_2025 = arith.constant 96 : index
    %get3A_2026 = tpu.vector_load %arg6[%get3A_2024, %get3A_2025] {strides = array<i32>} : memref<8x128xi32, #tpu.memory_space<vmem>>, vector<16xi32>,
    %mul3A_2027 = arith.constant 1024 : i32
    %mul3A_2028 = arith.muli %arg1, %mul3A_2027 : i32
    %add3A_2029 = arith.constant 640 : i32
    %add3A_2030 = arith.addi %mul3A_2028, %add3A_2029 : i32
    %add3A_2031 = arith.constant 96 : i32
    %add3A_2032 = arith.addi %add3A_2030, %add3A_2031 : i32
    %add3A_2033 = vector.broadcast %add3A_2032 : i32 to vector<16xi32>
    %add3A_2034 = arith.addi %add3A_2033, %iota3A : vector<16xi32>
    %shift_right_arithmetic3A_2035 = arith.constant 3 : i32
    %shift_right_arithmetic3A_2036 = vector.broadcast %shift_right_arithmetic3A_2035 : i32 to vector<16xi32>
    %shift_right_arithmetic3A_2037 = arith.shrsi %get3A_2026, %shift_right_arithmetic3A_2036 : vector<16xi32>
    %mul3A_2038 = arith.constant 131072 : i32
    %mul3A_2039 = vector.broadcast %mul3A_2038 : i32 to vector<16xi32>
    %mul3A_2040 = arith.muli %shift_right_arithmetic3A_2037, %mul3A_2039 : vector<16xi32>
    %shift_right_arithmetic3A_2041 = arith.constant 7 : i32
    %shift_right_arithmetic3A_2042 = vector.broadcast %shift_right_arithmetic3A_2041 : i32 to vector<16xi32>
    %shift_right_arithmetic3A_2043 = arith.shrsi %add3A_2034, %shift_right_arithmetic3A_2042 : vector<16xi32>
    %mul3A_2044 = arith.constant 1024 : i32
    %mul3A_2045 = vector.broadcast %mul3A_2044 : i32 to vector<16xi32>
    %mul3A_2046 = arith.muli %shift_right_arithmetic3A_2043, %mul3A_2045 : vector<16xi32>
    %add3A_2047 = arith.addi %mul3A_2040, %mul3A_2046 : vector<16xi32>
    %and3A_2048 = arith.constant 7 : i32
    %and3A_2049 = vector.broadcast %and3A_2048 : i32 to vector<16xi32>
    %and3A_2050 = arith.andi %get3A_2026, %and3A_2049 : vector<16xi32>
    %mul3A_2051 = arith.constant 128 : i32
    %mul3A_2052 = vector.broadcast %mul3A_2051 : i32 to vector<16xi32>
    %mul3A_2053 = arith.muli %and3A_2050, %mul3A_2052 : vector<16xi32>
    %add3A_2054 = arith.addi %add3A_2047, %mul3A_2053 : vector<16xi32>
    %and3A_2055 = arith.constant 127 : i32
    %and3A_2056 = vector.broadcast %and3A_2055 : i32 to vector<16xi32>
    %and3A_2057 = arith.andi %add3A_2034, %and3A_2056 : vector<16xi32>
    %add3A_2058 = arith.addi %add3A_2054, %and3A_2057 : vector<16xi32>
    %swap3A_2059 = arith.constant 5 : i32
    %swap3A_2060 = arith.index_cast %swap3A_2059 : i32 to index
    %swap3A_2061 = arith.constant 96 : index
    %swap3A_2062 = tpu.vector_load %arg7[%swap3A_2060, %swap3A_2061] {strides = array<i32>} : memref<8x128xi32, #tpu.memory_space<vmem>>, vector<16xi32>,
    tpu.vector_store %arg7[%swap3A_2060, %swap3A_2061], %add3A_2058 {strides = array<i32>} : memref<8x128xi32, #tpu.memory_space<vmem>>, vector<16xi32>,
    %swap3A_2063 = arith.constant 5 : i32
    %swap3A_2064 = arith.index_cast %swap3A_2063 : i32 to index
    %swap3A_2065 = arith.constant 96 : index
    %swap3A_2066 = tpu.vector_load %arg9[%swap3A_2064, %swap3A_2065] {strides = array<i32>} : memref<8x128xf32, #tpu.memory_space<vmem>>, vector<16xf32>,
    tpu.vector_store %arg9[%swap3A_2064, %swap3A_2065], %broadcast_in_dim3A_2 {strides = array<i32>} : memref<8x128xf32, #tpu.memory_space<vmem>>, vector<16xf32>,
    %get3A_2067 = arith.constant 5 : i32
    %get3A_2068 = arith.index_cast %get3A_2067 : i32 to index
    %get3A_2069 = arith.constant 112 : index
    %get3A_2070 = tpu.vector_load %arg6[%get3A_2068, %get3A_2069] {strides = array<i32>} : memref<8x128xi32, #tpu.memory_space<vmem>>, vector<16xi32>,
    %mul3A_2071 = arith.constant 1024 : i32
    %mul3A_2072 = arith.muli %arg1, %mul3A_2071 : i32
    %add3A_2073 = arith.constant 640 : i32
    %add3A_2074 = arith.addi %mul3A_2072, %add3A_2073 : i32
    %add3A_2075 = arith.constant 112 : i32
    %add3A_2076 = arith.addi %add3A_2074, %add3A_2075 : i32
    %add3A_2077 = vector.broadcast %add3A_2076 : i32 to vector<16xi32>
    %add3A_2078 = arith.addi %add3A_2077, %iota3A : vector<16xi32>
    %shift_right_arithmetic3A_2079 = arith.constant 3 : i32
    %shift_right_arithmetic3A_2080 = vector.broadcast %shift_right_arithmetic3A_2079 : i32 to vector<16xi32>
    %shift_right_arithmetic3A_2081 = arith.shrsi %get3A_2070, %shift_right_arithmetic3A_2080 : vector<16xi32>
    %mul3A_2082 = arith.constant 131072 : i32
    %mul3A_2083 = vector.broadcast %mul3A_2082 : i32 to vector<16xi32>
    %mul3A_2084 = arith.muli %shift_right_arithmetic3A_2081, %mul3A_2083 : vector<16xi32>
    %shift_right_arithmetic3A_2085 = arith.constant 7 : i32
    %shift_right_arithmetic3A_2086 = vector.broadcast %shift_right_arithmetic3A_2085 : i32 to vector<16xi32>
    %shift_right_arithmetic3A_2087 = arith.shrsi %add3A_2078, %shift_right_arithmetic3A_2086 : vector<16xi32>
    %mul3A_2088 = arith.constant 1024 : i32
    %mul3A_2089 = vector.broadcast %mul3A_2088 : i32 to vector<16xi32>
    %mul3A_2090 = arith.muli %shift_right_arithmetic3A_2087, %mul3A_2089 : vector<16xi32>
    %add3A_2091 = arith.addi %mul3A_2084, %mul3A_2090 : vector<16xi32>
    %and3A_2092 = arith.constant 7 : i32
    %and3A_2093 = vector.broadcast %and3A_2092 : i32 to vector<16xi32>
    %and3A_2094 = arith.andi %get3A_2070, %and3A_2093 : vector<16xi32>
    %mul3A_2095 = arith.constant 128 : i32
    %mul3A_2096 = vector.broadcast %mul3A_2095 : i32 to vector<16xi32>
    %mul3A_2097 = arith.muli %and3A_2094, %mul3A_2096 : vector<16xi32>
    %add3A_2098 = arith.addi %add3A_2091, %mul3A_2097 : vector<16xi32>
    %and3A_2099 = arith.constant 127 : i32
    %and3A_2100 = vector.broadcast %and3A_2099 : i32 to vector<16xi32>
    %and3A_2101 = arith.andi %add3A_2078, %and3A_2100 : vector<16xi32>
    %add3A_2102 = arith.addi %add3A_2098, %and3A_2101 : vector<16xi32>
    %swap3A_2103 = arith.constant 5 : i32
    %swap3A_2104 = arith.index_cast %swap3A_2103 : i32 to index
    %swap3A_2105 = arith.constant 112 : index
    %swap3A_2106 = tpu.vector_load %arg7[%swap3A_2104, %swap3A_2105] {strides = array<i32>} : memref<8x128xi32, #tpu.memory_space<vmem>>, vector<16xi32>,
    tpu.vector_store %arg7[%swap3A_2104, %swap3A_2105], %add3A_2102 {strides = array<i32>} : memref<8x128xi32, #tpu.memory_space<vmem>>, vector<16xi32>,
    %swap3A_2107 = arith.constant 5 : i32
    %swap3A_2108 = arith.index_cast %swap3A_2107 : i32 to index
    %swap3A_2109 = arith.constant 112 : index
    %swap3A_2110 = tpu.vector_load %arg9[%swap3A_2108, %swap3A_2109] {strides = array<i32>} : memref<8x128xf32, #tpu.memory_space<vmem>>, vector<16xf32>,
    tpu.vector_store %arg9[%swap3A_2108, %swap3A_2109], %broadcast_in_dim3A_2 {strides = array<i32>} : memref<8x128xf32, #tpu.memory_space<vmem>>, vector<16xf32>,
    %get3A_2111 = arith.constant 6 : i32
    %get3A_2112 = arith.index_cast %get3A_2111 : i32 to index
    %get3A_2113 = arith.constant 0 : index
    %get3A_2114 = tpu.vector_load %arg6[%get3A_2112, %get3A_2113] {strides = array<i32>} : memref<8x128xi32, #tpu.memory_space<vmem>>, vector<16xi32>,
    %mul3A_2115 = arith.constant 1024 : i32
    %mul3A_2116 = arith.muli %arg1, %mul3A_2115 : i32
    %add3A_2117 = arith.constant 768 : i32
    %add3A_2118 = arith.addi %mul3A_2116, %add3A_2117 : i32
    %add3A_2119 = arith.constant 0 : i32
    %add3A_2120 = arith.addi %add3A_2118, %add3A_2119 : i32
    %add3A_2121 = vector.broadcast %add3A_2120 : i32 to vector<16xi32>
    %add3A_2122 = arith.addi %add3A_2121, %iota3A : vector<16xi32>
    %shift_right_arithmetic3A_2123 = arith.constant 3 : i32
    %shift_right_arithmetic3A_2124 = vector.broadcast %shift_right_arithmetic3A_2123 : i32 to vector<16xi32>
    %shift_right_arithmetic3A_2125 = arith.shrsi %get3A_2114, %shift_right_arithmetic3A_2124 : vector<16xi32>
    %mul3A_2126 = arith.constant 131072 : i32
    %mul3A_2127 = vector.broadcast %mul3A_2126 : i32 to vector<16xi32>
    %mul3A_2128 = arith.muli %shift_right_arithmetic3A_2125, %mul3A_2127 : vector<16xi32>
    %shift_right_arithmetic3A_2129 = arith.constant 7 : i32
    %shift_right_arithmetic3A_2130 = vector.broadcast %shift_right_arithmetic3A_2129 : i32 to vector<16xi32>
    %shift_right_arithmetic3A_2131 = arith.shrsi %add3A_2122, %shift_right_arithmetic3A_2130 : vector<16xi32>
    %mul3A_2132 = arith.constant 1024 : i32
    %mul3A_2133 = vector.broadcast %mul3A_2132 : i32 to vector<16xi32>
    %mul3A_2134 = arith.muli %shift_right_arithmetic3A_2131, %mul3A_2133 : vector<16xi32>
    %add3A_2135 = arith.addi %mul3A_2128, %mul3A_2134 : vector<16xi32>
    %and3A_2136 = arith.constant 7 : i32
    %and3A_2137 = vector.broadcast %and3A_2136 : i32 to vector<16xi32>
    %and3A_2138 = arith.andi %get3A_2114, %and3A_2137 : vector<16xi32>
    %mul3A_2139 = arith.constant 128 : i32
    %mul3A_2140 = vector.broadcast %mul3A_2139 : i32 to vector<16xi32>
    %mul3A_2141 = arith.muli %and3A_2138, %mul3A_2140 : vector<16xi32>
    %add3A_2142 = arith.addi %add3A_2135, %mul3A_2141 : vector<16xi32>
    %and3A_2143 = arith.constant 127 : i32
    %and3A_2144 = vector.broadcast %and3A_2143 : i32 to vector<16xi32>
    %and3A_2145 = arith.andi %add3A_2122, %and3A_2144 : vector<16xi32>
    %add3A_2146 = arith.addi %add3A_2142, %and3A_2145 : vector<16xi32>
    %swap3A_2147 = arith.constant 6 : i32
    %swap3A_2148 = arith.index_cast %swap3A_2147 : i32 to index
    %swap3A_2149 = arith.constant 0 : index
    %swap3A_2150 = tpu.vector_load %arg7[%swap3A_2148, %swap3A_2149] {strides = array<i32>} : memref<8x128xi32, #tpu.memory_space<vmem>>, vector<16xi32>,
    tpu.vector_store %arg7[%swap3A_2148, %swap3A_2149], %add3A_2146 {strides = array<i32>} : memref<8x128xi32, #tpu.memory_space<vmem>>, vector<16xi32>,
    %swap3A_2151 = arith.constant 6 : i32
    %swap3A_2152 = arith.index_cast %swap3A_2151 : i32 to index
    %swap3A_2153 = arith.constant 0 : index
    %swap3A_2154 = tpu.vector_load %arg9[%swap3A_2152, %swap3A_2153] {strides = array<i32>} : memref<8x128xf32, #tpu.memory_space<vmem>>, vector<16xf32>,
    tpu.vector_store %arg9[%swap3A_2152, %swap3A_2153], %broadcast_in_dim3A_2 {strides = array<i32>} : memref<8x128xf32, #tpu.memory_space<vmem>>, vector<16xf32>,
    %get3A_2155 = arith.constant 6 : i32
    %get3A_2156 = arith.index_cast %get3A_2155 : i32 to index
    %get3A_2157 = arith.constant 16 : index
    %get3A_2158 = tpu.vector_load %arg6[%get3A_2156, %get3A_2157] {strides = array<i32>} : memref<8x128xi32, #tpu.memory_space<vmem>>, vector<16xi32>,
    %mul3A_2159 = arith.constant 1024 : i32
    %mul3A_2160 = arith.muli %arg1, %mul3A_2159 : i32
    %add3A_2161 = arith.constant 768 : i32
    %add3A_2162 = arith.addi %mul3A_2160, %add3A_2161 : i32
    %add3A_2163 = arith.constant 16 : i32
    %add3A_2164 = arith.addi %add3A_2162, %add3A_2163 : i32
    %add3A_2165 = vector.broadcast %add3A_2164 : i32 to vector<16xi32>
    %add3A_2166 = arith.addi %add3A_2165, %iota3A : vector<16xi32>
    %shift_right_arithmetic3A_2167 = arith.constant 3 : i32
    %shift_right_arithmetic3A_2168 = vector.broadcast %shift_right_arithmetic3A_2167 : i32 to vector<16xi32>
    %shift_right_arithmetic3A_2169 = arith.shrsi %get3A_2158, %shift_right_arithmetic3A_2168 : vector<16xi32>
    %mul3A_2170 = arith.constant 131072 : i32
    %mul3A_2171 = vector.broadcast %mul3A_2170 : i32 to vector<16xi32>
    %mul3A_2172 = arith.muli %shift_right_arithmetic3A_2169, %mul3A_2171 : vector<16xi32>
    %shift_right_arithmetic3A_2173 = arith.constant 7 : i32
    %shift_right_arithmetic3A_2174 = vector.broadcast %shift_right_arithmetic3A_2173 : i32 to vector<16xi32>
    %shift_right_arithmetic3A_2175 = arith.shrsi %add3A_2166, %shift_right_arithmetic3A_2174 : vector<16xi32>
    %mul3A_2176 = arith.constant 1024 : i32
    %mul3A_2177 = vector.broadcast %mul3A_2176 : i32 to vector<16xi32>
    %mul3A_2178 = arith.muli %shift_right_arithmetic3A_2175, %mul3A_2177 : vector<16xi32>
    %add3A_2179 = arith.addi %mul3A_2172, %mul3A_2178 : vector<16xi32>
    %and3A_2180 = arith.constant 7 : i32
    %and3A_2181 = vector.broadcast %and3A_2180 : i32 to vector<16xi32>
    %and3A_2182 = arith.andi %get3A_2158, %and3A_2181 : vector<16xi32>
    %mul3A_2183 = arith.constant 128 : i32
    %mul3A_2184 = vector.broadcast %mul3A_2183 : i32 to vector<16xi32>
    %mul3A_2185 = arith.muli %and3A_2182, %mul3A_2184 : vector<16xi32>
    %add3A_2186 = arith.addi %add3A_2179, %mul3A_2185 : vector<16xi32>
    %and3A_2187 = arith.constant 127 : i32
    %and3A_2188 = vector.broadcast %and3A_2187 : i32 to vector<16xi32>
    %and3A_2189 = arith.andi %add3A_2166, %and3A_2188 : vector<16xi32>
    %add3A_2190 = arith.addi %add3A_2186, %and3A_2189 : vector<16xi32>
    %swap3A_2191 = arith.constant 6 : i32
    %swap3A_2192 = arith.index_cast %swap3A_2191 : i32 to index
    %swap3A_2193 = arith.constant 16 : index
    %swap3A_2194 = tpu.vector_load %arg7[%swap3A_2192, %swap3A_2193] {strides = array<i32>} : memref<8x128xi32, #tpu.memory_space<vmem>>, vector<16xi32>,
    tpu.vector_store %arg7[%swap3A_2192, %swap3A_2193], %add3A_2190 {strides = array<i32>} : memref<8x128xi32, #tpu.memory_space<vmem>>, vector<16xi32>,
    %swap3A_2195 = arith.constant 6 : i32
    %swap3A_2196 = arith.index_cast %swap3A_2195 : i32 to index
    %swap3A_2197 = arith.constant 16 : index
    %swap3A_2198 = tpu.vector_load %arg9[%swap3A_2196, %swap3A_2197] {strides = array<i32>} : memref<8x128xf32, #tpu.memory_space<vmem>>, vector<16xf32>,
    tpu.vector_store %arg9[%swap3A_2196, %swap3A_2197], %broadcast_in_dim3A_2 {strides = array<i32>} : memref<8x128xf32, #tpu.memory_space<vmem>>, vector<16xf32>,
    %get3A_2199 = arith.constant 6 : i32
    %get3A_2200 = arith.index_cast %get3A_2199 : i32 to index
    %get3A_2201 = arith.constant 32 : index
    %get3A_2202 = tpu.vector_load %arg6[%get3A_2200, %get3A_2201] {strides = array<i32>} : memref<8x128xi32, #tpu.memory_space<vmem>>, vector<16xi32>,
    %mul3A_2203 = arith.constant 1024 : i32
    %mul3A_2204 = arith.muli %arg1, %mul3A_2203 : i32
    %add3A_2205 = arith.constant 768 : i32
    %add3A_2206 = arith.addi %mul3A_2204, %add3A_2205 : i32
    %add3A_2207 = arith.constant 32 : i32
    %add3A_2208 = arith.addi %add3A_2206, %add3A_2207 : i32
    %add3A_2209 = vector.broadcast %add3A_2208 : i32 to vector<16xi32>
    %add3A_2210 = arith.addi %add3A_2209, %iota3A : vector<16xi32>
    %shift_right_arithmetic3A_2211 = arith.constant 3 : i32
    %shift_right_arithmetic3A_2212 = vector.broadcast %shift_right_arithmetic3A_2211 : i32 to vector<16xi32>
    %shift_right_arithmetic3A_2213 = arith.shrsi %get3A_2202, %shift_right_arithmetic3A_2212 : vector<16xi32>
    %mul3A_2214 = arith.constant 131072 : i32
    %mul3A_2215 = vector.broadcast %mul3A_2214 : i32 to vector<16xi32>
    %mul3A_2216 = arith.muli %shift_right_arithmetic3A_2213, %mul3A_2215 : vector<16xi32>
    %shift_right_arithmetic3A_2217 = arith.constant 7 : i32
    %shift_right_arithmetic3A_2218 = vector.broadcast %shift_right_arithmetic3A_2217 : i32 to vector<16xi32>
    %shift_right_arithmetic3A_2219 = arith.shrsi %add3A_2210, %shift_right_arithmetic3A_2218 : vector<16xi32>
    %mul3A_2220 = arith.constant 1024 : i32
    %mul3A_2221 = vector.broadcast %mul3A_2220 : i32 to vector<16xi32>
    %mul3A_2222 = arith.muli %shift_right_arithmetic3A_2219, %mul3A_2221 : vector<16xi32>
    %add3A_2223 = arith.addi %mul3A_2216, %mul3A_2222 : vector<16xi32>
    %and3A_2224 = arith.constant 7 : i32
    %and3A_2225 = vector.broadcast %and3A_2224 : i32 to vector<16xi32>
    %and3A_2226 = arith.andi %get3A_2202, %and3A_2225 : vector<16xi32>
    %mul3A_2227 = arith.constant 128 : i32
    %mul3A_2228 = vector.broadcast %mul3A_2227 : i32 to vector<16xi32>
    %mul3A_2229 = arith.muli %and3A_2226, %mul3A_2228 : vector<16xi32>
    %add3A_2230 = arith.addi %add3A_2223, %mul3A_2229 : vector<16xi32>
    %and3A_2231 = arith.constant 127 : i32
    %and3A_2232 = vector.broadcast %and3A_2231 : i32 to vector<16xi32>
    %and3A_2233 = arith.andi %add3A_2210, %and3A_2232 : vector<16xi32>
    %add3A_2234 = arith.addi %add3A_2230, %and3A_2233 : vector<16xi32>
    %swap3A_2235 = arith.constant 6 : i32
    %swap3A_2236 = arith.index_cast %swap3A_2235 : i32 to index
    %swap3A_2237 = arith.constant 32 : index
    %swap3A_2238 = tpu.vector_load %arg7[%swap3A_2236, %swap3A_2237] {strides = array<i32>} : memref<8x128xi32, #tpu.memory_space<vmem>>, vector<16xi32>,
    tpu.vector_store %arg7[%swap3A_2236, %swap3A_2237], %add3A_2234 {strides = array<i32>} : memref<8x128xi32, #tpu.memory_space<vmem>>, vector<16xi32>,
    %swap3A_2239 = arith.constant 6 : i32
    %swap3A_2240 = arith.index_cast %swap3A_2239 : i32 to index
    %swap3A_2241 = arith.constant 32 : index
    %swap3A_2242 = tpu.vector_load %arg9[%swap3A_2240, %swap3A_2241] {strides = array<i32>} : memref<8x128xf32, #tpu.memory_space<vmem>>, vector<16xf32>,
    tpu.vector_store %arg9[%swap3A_2240, %swap3A_2241], %broadcast_in_dim3A_2 {strides = array<i32>} : memref<8x128xf32, #tpu.memory_space<vmem>>, vector<16xf32>,
    %get3A_2243 = arith.constant 6 : i32
    %get3A_2244 = arith.index_cast %get3A_2243 : i32 to index
    %get3A_2245 = arith.constant 48 : index
    %get3A_2246 = tpu.vector_load %arg6[%get3A_2244, %get3A_2245] {strides = array<i32>} : memref<8x128xi32, #tpu.memory_space<vmem>>, vector<16xi32>,
    %mul3A_2247 = arith.constant 1024 : i32
    %mul3A_2248 = arith.muli %arg1, %mul3A_2247 : i32
    %add3A_2249 = arith.constant 768 : i32
    %add3A_2250 = arith.addi %mul3A_2248, %add3A_2249 : i32
    %add3A_2251 = arith.constant 48 : i32
    %add3A_2252 = arith.addi %add3A_2250, %add3A_2251 : i32
    %add3A_2253 = vector.broadcast %add3A_2252 : i32 to vector<16xi32>
    %add3A_2254 = arith.addi %add3A_2253, %iota3A : vector<16xi32>
    %shift_right_arithmetic3A_2255 = arith.constant 3 : i32
    %shift_right_arithmetic3A_2256 = vector.broadcast %shift_right_arithmetic3A_2255 : i32 to vector<16xi32>
    %shift_right_arithmetic3A_2257 = arith.shrsi %get3A_2246, %shift_right_arithmetic3A_2256 : vector<16xi32>
    %mul3A_2258 = arith.constant 131072 : i32
    %mul3A_2259 = vector.broadcast %mul3A_2258 : i32 to vector<16xi32>
    %mul3A_2260 = arith.muli %shift_right_arithmetic3A_2257, %mul3A_2259 : vector<16xi32>
    %shift_right_arithmetic3A_2261 = arith.constant 7 : i32
    %shift_right_arithmetic3A_2262 = vector.broadcast %shift_right_arithmetic3A_2261 : i32 to vector<16xi32>
    %shift_right_arithmetic3A_2263 = arith.shrsi %add3A_2254, %shift_right_arithmetic3A_2262 : vector<16xi32>
    %mul3A_2264 = arith.constant 1024 : i32
    %mul3A_2265 = vector.broadcast %mul3A_2264 : i32 to vector<16xi32>
    %mul3A_2266 = arith.muli %shift_right_arithmetic3A_2263, %mul3A_2265 : vector<16xi32>
    %add3A_2267 = arith.addi %mul3A_2260, %mul3A_2266 : vector<16xi32>
    %and3A_2268 = arith.constant 7 : i32
    %and3A_2269 = vector.broadcast %and3A_2268 : i32 to vector<16xi32>
    %and3A_2270 = arith.andi %get3A_2246, %and3A_2269 : vector<16xi32>
    %mul3A_2271 = arith.constant 128 : i32
    %mul3A_2272 = vector.broadcast %mul3A_2271 : i32 to vector<16xi32>
    %mul3A_2273 = arith.muli %and3A_2270, %mul3A_2272 : vector<16xi32>
    %add3A_2274 = arith.addi %add3A_2267, %mul3A_2273 : vector<16xi32>
    %and3A_2275 = arith.constant 127 : i32
    %and3A_2276 = vector.broadcast %and3A_2275 : i32 to vector<16xi32>
    %and3A_2277 = arith.andi %add3A_2254, %and3A_2276 : vector<16xi32>
    %add3A_2278 = arith.addi %add3A_2274, %and3A_2277 : vector<16xi32>
    %swap3A_2279 = arith.constant 6 : i32
    %swap3A_2280 = arith.index_cast %swap3A_2279 : i32 to index
    %swap3A_2281 = arith.constant 48 : index
    %swap3A_2282 = tpu.vector_load %arg7[%swap3A_2280, %swap3A_2281] {strides = array<i32>} : memref<8x128xi32, #tpu.memory_space<vmem>>, vector<16xi32>,
    tpu.vector_store %arg7[%swap3A_2280, %swap3A_2281], %add3A_2278 {strides = array<i32>} : memref<8x128xi32, #tpu.memory_space<vmem>>, vector<16xi32>,
    %swap3A_2283 = arith.constant 6 : i32
    %swap3A_2284 = arith.index_cast %swap3A_2283 : i32 to index
    %swap3A_2285 = arith.constant 48 : index
    %swap3A_2286 = tpu.vector_load %arg9[%swap3A_2284, %swap3A_2285] {strides = array<i32>} : memref<8x128xf32, #tpu.memory_space<vmem>>, vector<16xf32>,
    tpu.vector_store %arg9[%swap3A_2284, %swap3A_2285], %broadcast_in_dim3A_2 {strides = array<i32>} : memref<8x128xf32, #tpu.memory_space<vmem>>, vector<16xf32>,
    %get3A_2287 = arith.constant 6 : i32
    %get3A_2288 = arith.index_cast %get3A_2287 : i32 to index
    %get3A_2289 = arith.constant 64 : index
    %get3A_2290 = tpu.vector_load %arg6[%get3A_2288, %get3A_2289] {strides = array<i32>} : memref<8x128xi32, #tpu.memory_space<vmem>>, vector<16xi32>,
    %mul3A_2291 = arith.constant 1024 : i32
    %mul3A_2292 = arith.muli %arg1, %mul3A_2291 : i32
    %add3A_2293 = arith.constant 768 : i32
    %add3A_2294 = arith.addi %mul3A_2292, %add3A_2293 : i32
    %add3A_2295 = arith.constant 64 : i32
    %add3A_2296 = arith.addi %add3A_2294, %add3A_2295 : i32
    %add3A_2297 = vector.broadcast %add3A_2296 : i32 to vector<16xi32>
    %add3A_2298 = arith.addi %add3A_2297, %iota3A : vector<16xi32>
    %shift_right_arithmetic3A_2299 = arith.constant 3 : i32
    %shift_right_arithmetic3A_2300 = vector.broadcast %shift_right_arithmetic3A_2299 : i32 to vector<16xi32>
    %shift_right_arithmetic3A_2301 = arith.shrsi %get3A_2290, %shift_right_arithmetic3A_2300 : vector<16xi32>
    %mul3A_2302 = arith.constant 131072 : i32
    %mul3A_2303 = vector.broadcast %mul3A_2302 : i32 to vector<16xi32>
    %mul3A_2304 = arith.muli %shift_right_arithmetic3A_2301, %mul3A_2303 : vector<16xi32>
    %shift_right_arithmetic3A_2305 = arith.constant 7 : i32
    %shift_right_arithmetic3A_2306 = vector.broadcast %shift_right_arithmetic3A_2305 : i32 to vector<16xi32>
    %shift_right_arithmetic3A_2307 = arith.shrsi %add3A_2298, %shift_right_arithmetic3A_2306 : vector<16xi32>
    %mul3A_2308 = arith.constant 1024 : i32
    %mul3A_2309 = vector.broadcast %mul3A_2308 : i32 to vector<16xi32>
    %mul3A_2310 = arith.muli %shift_right_arithmetic3A_2307, %mul3A_2309 : vector<16xi32>
    %add3A_2311 = arith.addi %mul3A_2304, %mul3A_2310 : vector<16xi32>
    %and3A_2312 = arith.constant 7 : i32
    %and3A_2313 = vector.broadcast %and3A_2312 : i32 to vector<16xi32>
    %and3A_2314 = arith.andi %get3A_2290, %and3A_2313 : vector<16xi32>
    %mul3A_2315 = arith.constant 128 : i32
    %mul3A_2316 = vector.broadcast %mul3A_2315 : i32 to vector<16xi32>
    %mul3A_2317 = arith.muli %and3A_2314, %mul3A_2316 : vector<16xi32>
    %add3A_2318 = arith.addi %add3A_2311, %mul3A_2317 : vector<16xi32>
    %and3A_2319 = arith.constant 127 : i32
    %and3A_2320 = vector.broadcast %and3A_2319 : i32 to vector<16xi32>
    %and3A_2321 = arith.andi %add3A_2298, %and3A_2320 : vector<16xi32>
    %add3A_2322 = arith.addi %add3A_2318, %and3A_2321 : vector<16xi32>
    %swap3A_2323 = arith.constant 6 : i32
    %swap3A_2324 = arith.index_cast %swap3A_2323 : i32 to index
    %swap3A_2325 = arith.constant 64 : index
    %swap3A_2326 = tpu.vector_load %arg7[%swap3A_2324, %swap3A_2325] {strides = array<i32>} : memref<8x128xi32, #tpu.memory_space<vmem>>, vector<16xi32>,
    tpu.vector_store %arg7[%swap3A_2324, %swap3A_2325], %add3A_2322 {strides = array<i32>} : memref<8x128xi32, #tpu.memory_space<vmem>>, vector<16xi32>,
    %swap3A_2327 = arith.constant 6 : i32
    %swap3A_2328 = arith.index_cast %swap3A_2327 : i32 to index
    %swap3A_2329 = arith.constant 64 : index
    %swap3A_2330 = tpu.vector_load %arg9[%swap3A_2328, %swap3A_2329] {strides = array<i32>} : memref<8x128xf32, #tpu.memory_space<vmem>>, vector<16xf32>,
    tpu.vector_store %arg9[%swap3A_2328, %swap3A_2329], %broadcast_in_dim3A_2 {strides = array<i32>} : memref<8x128xf32, #tpu.memory_space<vmem>>, vector<16xf32>,
    %get3A_2331 = arith.constant 6 : i32
    %get3A_2332 = arith.index_cast %get3A_2331 : i32 to index
    %get3A_2333 = arith.constant 80 : index
    %get3A_2334 = tpu.vector_load %arg6[%get3A_2332, %get3A_2333] {strides = array<i32>} : memref<8x128xi32, #tpu.memory_space<vmem>>, vector<16xi32>,
    %mul3A_2335 = arith.constant 1024 : i32
    %mul3A_2336 = arith.muli %arg1, %mul3A_2335 : i32
    %add3A_2337 = arith.constant 768 : i32
    %add3A_2338 = arith.addi %mul3A_2336, %add3A_2337 : i32
    %add3A_2339 = arith.constant 80 : i32
    %add3A_2340 = arith.addi %add3A_2338, %add3A_2339 : i32
    %add3A_2341 = vector.broadcast %add3A_2340 : i32 to vector<16xi32>
    %add3A_2342 = arith.addi %add3A_2341, %iota3A : vector<16xi32>
    %shift_right_arithmetic3A_2343 = arith.constant 3 : i32
    %shift_right_arithmetic3A_2344 = vector.broadcast %shift_right_arithmetic3A_2343 : i32 to vector<16xi32>
    %shift_right_arithmetic3A_2345 = arith.shrsi %get3A_2334, %shift_right_arithmetic3A_2344 : vector<16xi32>
    %mul3A_2346 = arith.constant 131072 : i32
    %mul3A_2347 = vector.broadcast %mul3A_2346 : i32 to vector<16xi32>
    %mul3A_2348 = arith.muli %shift_right_arithmetic3A_2345, %mul3A_2347 : vector<16xi32>
    %shift_right_arithmetic3A_2349 = arith.constant 7 : i32
    %shift_right_arithmetic3A_2350 = vector.broadcast %shift_right_arithmetic3A_2349 : i32 to vector<16xi32>
    %shift_right_arithmetic3A_2351 = arith.shrsi %add3A_2342, %shift_right_arithmetic3A_2350 : vector<16xi32>
    %mul3A_2352 = arith.constant 1024 : i32
    %mul3A_2353 = vector.broadcast %mul3A_2352 : i32 to vector<16xi32>
    %mul3A_2354 = arith.muli %shift_right_arithmetic3A_2351, %mul3A_2353 : vector<16xi32>
    %add3A_2355 = arith.addi %mul3A_2348, %mul3A_2354 : vector<16xi32>
    %and3A_2356 = arith.constant 7 : i32
    %and3A_2357 = vector.broadcast %and3A_2356 : i32 to vector<16xi32>
    %and3A_2358 = arith.andi %get3A_2334, %and3A_2357 : vector<16xi32>
    %mul3A_2359 = arith.constant 128 : i32
    %mul3A_2360 = vector.broadcast %mul3A_2359 : i32 to vector<16xi32>
    %mul3A_2361 = arith.muli %and3A_2358, %mul3A_2360 : vector<16xi32>
    %add3A_2362 = arith.addi %add3A_2355, %mul3A_2361 : vector<16xi32>
    %and3A_2363 = arith.constant 127 : i32
    %and3A_2364 = vector.broadcast %and3A_2363 : i32 to vector<16xi32>
    %and3A_2365 = arith.andi %add3A_2342, %and3A_2364 : vector<16xi32>
    %add3A_2366 = arith.addi %add3A_2362, %and3A_2365 : vector<16xi32>
    %swap3A_2367 = arith.constant 6 : i32
    %swap3A_2368 = arith.index_cast %swap3A_2367 : i32 to index
    %swap3A_2369 = arith.constant 80 : index
    %swap3A_2370 = tpu.vector_load %arg7[%swap3A_2368, %swap3A_2369] {strides = array<i32>} : memref<8x128xi32, #tpu.memory_space<vmem>>, vector<16xi32>,
    tpu.vector_store %arg7[%swap3A_2368, %swap3A_2369], %add3A_2366 {strides = array<i32>} : memref<8x128xi32, #tpu.memory_space<vmem>>, vector<16xi32>,
    %swap3A_2371 = arith.constant 6 : i32
    %swap3A_2372 = arith.index_cast %swap3A_2371 : i32 to index
    %swap3A_2373 = arith.constant 80 : index
    %swap3A_2374 = tpu.vector_load %arg9[%swap3A_2372, %swap3A_2373] {strides = array<i32>} : memref<8x128xf32, #tpu.memory_space<vmem>>, vector<16xf32>,
    tpu.vector_store %arg9[%swap3A_2372, %swap3A_2373], %broadcast_in_dim3A_2 {strides = array<i32>} : memref<8x128xf32, #tpu.memory_space<vmem>>, vector<16xf32>,
    %get3A_2375 = arith.constant 6 : i32
    %get3A_2376 = arith.index_cast %get3A_2375 : i32 to index
    %get3A_2377 = arith.constant 96 : index
    %get3A_2378 = tpu.vector_load %arg6[%get3A_2376, %get3A_2377] {strides = array<i32>} : memref<8x128xi32, #tpu.memory_space<vmem>>, vector<16xi32>,
    %mul3A_2379 = arith.constant 1024 : i32
    %mul3A_2380 = arith.muli %arg1, %mul3A_2379 : i32
    %add3A_2381 = arith.constant 768 : i32
    %add3A_2382 = arith.addi %mul3A_2380, %add3A_2381 : i32
    %add3A_2383 = arith.constant 96 : i32
    %add3A_2384 = arith.addi %add3A_2382, %add3A_2383 : i32
    %add3A_2385 = vector.broadcast %add3A_2384 : i32 to vector<16xi32>
    %add3A_2386 = arith.addi %add3A_2385, %iota3A : vector<16xi32>
    %shift_right_arithmetic3A_2387 = arith.constant 3 : i32
    %shift_right_arithmetic3A_2388 = vector.broadcast %shift_right_arithmetic3A_2387 : i32 to vector<16xi32>
    %shift_right_arithmetic3A_2389 = arith.shrsi %get3A_2378, %shift_right_arithmetic3A_2388 : vector<16xi32>
    %mul3A_2390 = arith.constant 131072 : i32
    %mul3A_2391 = vector.broadcast %mul3A_2390 : i32 to vector<16xi32>
    %mul3A_2392 = arith.muli %shift_right_arithmetic3A_2389, %mul3A_2391 : vector<16xi32>
    %shift_right_arithmetic3A_2393 = arith.constant 7 : i32
    %shift_right_arithmetic3A_2394 = vector.broadcast %shift_right_arithmetic3A_2393 : i32 to vector<16xi32>
    %shift_right_arithmetic3A_2395 = arith.shrsi %add3A_2386, %shift_right_arithmetic3A_2394 : vector<16xi32>
    %mul3A_2396 = arith.constant 1024 : i32
    %mul3A_2397 = vector.broadcast %mul3A_2396 : i32 to vector<16xi32>
    %mul3A_2398 = arith.muli %shift_right_arithmetic3A_2395, %mul3A_2397 : vector<16xi32>
    %add3A_2399 = arith.addi %mul3A_2392, %mul3A_2398 : vector<16xi32>
    %and3A_2400 = arith.constant 7 : i32
    %and3A_2401 = vector.broadcast %and3A_2400 : i32 to vector<16xi32>
    %and3A_2402 = arith.andi %get3A_2378, %and3A_2401 : vector<16xi32>
    %mul3A_2403 = arith.constant 128 : i32
    %mul3A_2404 = vector.broadcast %mul3A_2403 : i32 to vector<16xi32>
    %mul3A_2405 = arith.muli %and3A_2402, %mul3A_2404 : vector<16xi32>
    %add3A_2406 = arith.addi %add3A_2399, %mul3A_2405 : vector<16xi32>
    %and3A_2407 = arith.constant 127 : i32
    %and3A_2408 = vector.broadcast %and3A_2407 : i32 to vector<16xi32>
    %and3A_2409 = arith.andi %add3A_2386, %and3A_2408 : vector<16xi32>
    %add3A_2410 = arith.addi %add3A_2406, %and3A_2409 : vector<16xi32>
    %swap3A_2411 = arith.constant 6 : i32
    %swap3A_2412 = arith.index_cast %swap3A_2411 : i32 to index
    %swap3A_2413 = arith.constant 96 : index
    %swap3A_2414 = tpu.vector_load %arg7[%swap3A_2412, %swap3A_2413] {strides = array<i32>} : memref<8x128xi32, #tpu.memory_space<vmem>>, vector<16xi32>,
    tpu.vector_store %arg7[%swap3A_2412, %swap3A_2413], %add3A_2410 {strides = array<i32>} : memref<8x128xi32, #tpu.memory_space<vmem>>, vector<16xi32>,
    %swap3A_2415 = arith.constant 6 : i32
    %swap3A_2416 = arith.index_cast %swap3A_2415 : i32 to index
    %swap3A_2417 = arith.constant 96 : index
    %swap3A_2418 = tpu.vector_load %arg9[%swap3A_2416, %swap3A_2417] {strides = array<i32>} : memref<8x128xf32, #tpu.memory_space<vmem>>, vector<16xf32>,
    tpu.vector_store %arg9[%swap3A_2416, %swap3A_2417], %broadcast_in_dim3A_2 {strides = array<i32>} : memref<8x128xf32, #tpu.memory_space<vmem>>, vector<16xf32>,
    %get3A_2419 = arith.constant 6 : i32
    %get3A_2420 = arith.index_cast %get3A_2419 : i32 to index
    %get3A_2421 = arith.constant 112 : index
    %get3A_2422 = tpu.vector_load %arg6[%get3A_2420, %get3A_2421] {strides = array<i32>} : memref<8x128xi32, #tpu.memory_space<vmem>>, vector<16xi32>,
    %mul3A_2423 = arith.constant 1024 : i32
    %mul3A_2424 = arith.muli %arg1, %mul3A_2423 : i32
    %add3A_2425 = arith.constant 768 : i32
    %add3A_2426 = arith.addi %mul3A_2424, %add3A_2425 : i32
    %add3A_2427 = arith.constant 112 : i32
    %add3A_2428 = arith.addi %add3A_2426, %add3A_2427 : i32
    %add3A_2429 = vector.broadcast %add3A_2428 : i32 to vector<16xi32>
    %add3A_2430 = arith.addi %add3A_2429, %iota3A : vector<16xi32>
    %shift_right_arithmetic3A_2431 = arith.constant 3 : i32
    %shift_right_arithmetic3A_2432 = vector.broadcast %shift_right_arithmetic3A_2431 : i32 to vector<16xi32>
    %shift_right_arithmetic3A_2433 = arith.shrsi %get3A_2422, %shift_right_arithmetic3A_2432 : vector<16xi32>
    %mul3A_2434 = arith.constant 131072 : i32
    %mul3A_2435 = vector.broadcast %mul3A_2434 : i32 to vector<16xi32>
    %mul3A_2436 = arith.muli %shift_right_arithmetic3A_2433, %mul3A_2435 : vector<16xi32>
    %shift_right_arithmetic3A_2437 = arith.constant 7 : i32
    %shift_right_arithmetic3A_2438 = vector.broadcast %shift_right_arithmetic3A_2437 : i32 to vector<16xi32>
    %shift_right_arithmetic3A_2439 = arith.shrsi %add3A_2430, %shift_right_arithmetic3A_2438 : vector<16xi32>
    %mul3A_2440 = arith.constant 1024 : i32
    %mul3A_2441 = vector.broadcast %mul3A_2440 : i32 to vector<16xi32>
    %mul3A_2442 = arith.muli %shift_right_arithmetic3A_2439, %mul3A_2441 : vector<16xi32>
    %add3A_2443 = arith.addi %mul3A_2436, %mul3A_2442 : vector<16xi32>
    %and3A_2444 = arith.constant 7 : i32
    %and3A_2445 = vector.broadcast %and3A_2444 : i32 to vector<16xi32>
    %and3A_2446 = arith.andi %get3A_2422, %and3A_2445 : vector<16xi32>
    %mul3A_2447 = arith.constant 128 : i32
    %mul3A_2448 = vector.broadcast %mul3A_2447 : i32 to vector<16xi32>
    %mul3A_2449 = arith.muli %and3A_2446, %mul3A_2448 : vector<16xi32>
    %add3A_2450 = arith.addi %add3A_2443, %mul3A_2449 : vector<16xi32>
    %and3A_2451 = arith.constant 127 : i32
    %and3A_2452 = vector.broadcast %and3A_2451 : i32 to vector<16xi32>
    %and3A_2453 = arith.andi %add3A_2430, %and3A_2452 : vector<16xi32>
    %add3A_2454 = arith.addi %add3A_2450, %and3A_2453 : vector<16xi32>
    %swap3A_2455 = arith.constant 6 : i32
    %swap3A_2456 = arith.index_cast %swap3A_2455 : i32 to index
    %swap3A_2457 = arith.constant 112 : index
    %swap3A_2458 = tpu.vector_load %arg7[%swap3A_2456, %swap3A_2457] {strides = array<i32>} : memref<8x128xi32, #tpu.memory_space<vmem>>, vector<16xi32>,
    tpu.vector_store %arg7[%swap3A_2456, %swap3A_2457], %add3A_2454 {strides = array<i32>} : memref<8x128xi32, #tpu.memory_space<vmem>>, vector<16xi32>,
    %swap3A_2459 = arith.constant 6 : i32
    %swap3A_2460 = arith.index_cast %swap3A_2459 : i32 to index
    %swap3A_2461 = arith.constant 112 : index
    %swap3A_2462 = tpu.vector_load %arg9[%swap3A_2460, %swap3A_2461] {strides = array<i32>} : memref<8x128xf32, #tpu.memory_space<vmem>>, vector<16xf32>,
    tpu.vector_store %arg9[%swap3A_2460, %swap3A_2461], %broadcast_in_dim3A_2 {strides = array<i32>} : memref<8x128xf32, #tpu.memory_space<vmem>>, vector<16xf32>,
    %get3A_2463 = arith.constant 7 : i32
    %get3A_2464 = arith.index_cast %get3A_2463 : i32 to index
    %get3A_2465 = arith.constant 0 : index
    %get3A_2466 = tpu.vector_load %arg6[%get3A_2464, %get3A_2465] {strides = array<i32>} : memref<8x128xi32, #tpu.memory_space<vmem>>, vector<16xi32>,
    %mul3A_2467 = arith.constant 1024 : i32
    %mul3A_2468 = arith.muli %arg1, %mul3A_2467 : i32
    %add3A_2469 = arith.constant 896 : i32
    %add3A_2470 = arith.addi %mul3A_2468, %add3A_2469 : i32
    %add3A_2471 = arith.constant 0 : i32
    %add3A_2472 = arith.addi %add3A_2470, %add3A_2471 : i32
    %add3A_2473 = vector.broadcast %add3A_2472 : i32 to vector<16xi32>
    %add3A_2474 = arith.addi %add3A_2473, %iota3A : vector<16xi32>
    %shift_right_arithmetic3A_2475 = arith.constant 3 : i32
    %shift_right_arithmetic3A_2476 = vector.broadcast %shift_right_arithmetic3A_2475 : i32 to vector<16xi32>
    %shift_right_arithmetic3A_2477 = arith.shrsi %get3A_2466, %shift_right_arithmetic3A_2476 : vector<16xi32>
    %mul3A_2478 = arith.constant 131072 : i32
    %mul3A_2479 = vector.broadcast %mul3A_2478 : i32 to vector<16xi32>
    %mul3A_2480 = arith.muli %shift_right_arithmetic3A_2477, %mul3A_2479 : vector<16xi32>
    %shift_right_arithmetic3A_2481 = arith.constant 7 : i32
    %shift_right_arithmetic3A_2482 = vector.broadcast %shift_right_arithmetic3A_2481 : i32 to vector<16xi32>
    %shift_right_arithmetic3A_2483 = arith.shrsi %add3A_2474, %shift_right_arithmetic3A_2482 : vector<16xi32>
    %mul3A_2484 = arith.constant 1024 : i32
    %mul3A_2485 = vector.broadcast %mul3A_2484 : i32 to vector<16xi32>
    %mul3A_2486 = arith.muli %shift_right_arithmetic3A_2483, %mul3A_2485 : vector<16xi32>
    %add3A_2487 = arith.addi %mul3A_2480, %mul3A_2486 : vector<16xi32>
    %and3A_2488 = arith.constant 7 : i32
    %and3A_2489 = vector.broadcast %and3A_2488 : i32 to vector<16xi32>
    %and3A_2490 = arith.andi %get3A_2466, %and3A_2489 : vector<16xi32>
    %mul3A_2491 = arith.constant 128 : i32
    %mul3A_2492 = vector.broadcast %mul3A_2491 : i32 to vector<16xi32>
    %mul3A_2493 = arith.muli %and3A_2490, %mul3A_2492 : vector<16xi32>
    %add3A_2494 = arith.addi %add3A_2487, %mul3A_2493 : vector<16xi32>
    %and3A_2495 = arith.constant 127 : i32
    %and3A_2496 = vector.broadcast %and3A_2495 : i32 to vector<16xi32>
    %and3A_2497 = arith.andi %add3A_2474, %and3A_2496 : vector<16xi32>
    %add3A_2498 = arith.addi %add3A_2494, %and3A_2497 : vector<16xi32>
    %swap3A_2499 = arith.constant 7 : i32
    %swap3A_2500 = arith.index_cast %swap3A_2499 : i32 to index
    %swap3A_2501 = arith.constant 0 : index
    %swap3A_2502 = tpu.vector_load %arg7[%swap3A_2500, %swap3A_2501] {strides = array<i32>} : memref<8x128xi32, #tpu.memory_space<vmem>>, vector<16xi32>,
    tpu.vector_store %arg7[%swap3A_2500, %swap3A_2501], %add3A_2498 {strides = array<i32>} : memref<8x128xi32, #tpu.memory_space<vmem>>, vector<16xi32>,
    %swap3A_2503 = arith.constant 7 : i32
    %swap3A_2504 = arith.index_cast %swap3A_2503 : i32 to index
    %swap3A_2505 = arith.constant 0 : index
    %swap3A_2506 = tpu.vector_load %arg9[%swap3A_2504, %swap3A_2505] {strides = array<i32>} : memref<8x128xf32, #tpu.memory_space<vmem>>, vector<16xf32>,
    tpu.vector_store %arg9[%swap3A_2504, %swap3A_2505], %broadcast_in_dim3A_2 {strides = array<i32>} : memref<8x128xf32, #tpu.memory_space<vmem>>, vector<16xf32>,
    %get3A_2507 = arith.constant 7 : i32
    %get3A_2508 = arith.index_cast %get3A_2507 : i32 to index
    %get3A_2509 = arith.constant 16 : index
    %get3A_2510 = tpu.vector_load %arg6[%get3A_2508, %get3A_2509] {strides = array<i32>} : memref<8x128xi32, #tpu.memory_space<vmem>>, vector<16xi32>,
    %mul3A_2511 = arith.constant 1024 : i32
    %mul3A_2512 = arith.muli %arg1, %mul3A_2511 : i32
    %add3A_2513 = arith.constant 896 : i32
    %add3A_2514 = arith.addi %mul3A_2512, %add3A_2513 : i32
    %add3A_2515 = arith.constant 16 : i32
    %add3A_2516 = arith.addi %add3A_2514, %add3A_2515 : i32
    %add3A_2517 = vector.broadcast %add3A_2516 : i32 to vector<16xi32>
    %add3A_2518 = arith.addi %add3A_2517, %iota3A : vector<16xi32>
    %shift_right_arithmetic3A_2519 = arith.constant 3 : i32
    %shift_right_arithmetic3A_2520 = vector.broadcast %shift_right_arithmetic3A_2519 : i32 to vector<16xi32>
    %shift_right_arithmetic3A_2521 = arith.shrsi %get3A_2510, %shift_right_arithmetic3A_2520 : vector<16xi32>
    %mul3A_2522 = arith.constant 131072 : i32
    %mul3A_2523 = vector.broadcast %mul3A_2522 : i32 to vector<16xi32>
    %mul3A_2524 = arith.muli %shift_right_arithmetic3A_2521, %mul3A_2523 : vector<16xi32>
    %shift_right_arithmetic3A_2525 = arith.constant 7 : i32
    %shift_right_arithmetic3A_2526 = vector.broadcast %shift_right_arithmetic3A_2525 : i32 to vector<16xi32>
    %shift_right_arithmetic3A_2527 = arith.shrsi %add3A_2518, %shift_right_arithmetic3A_2526 : vector<16xi32>
    %mul3A_2528 = arith.constant 1024 : i32
    %mul3A_2529 = vector.broadcast %mul3A_2528 : i32 to vector<16xi32>
    %mul3A_2530 = arith.muli %shift_right_arithmetic3A_2527, %mul3A_2529 : vector<16xi32>
    %add3A_2531 = arith.addi %mul3A_2524, %mul3A_2530 : vector<16xi32>
    %and3A_2532 = arith.constant 7 : i32
    %and3A_2533 = vector.broadcast %and3A_2532 : i32 to vector<16xi32>
    %and3A_2534 = arith.andi %get3A_2510, %and3A_2533 : vector<16xi32>
    %mul3A_2535 = arith.constant 128 : i32
    %mul3A_2536 = vector.broadcast %mul3A_2535 : i32 to vector<16xi32>
    %mul3A_2537 = arith.muli %and3A_2534, %mul3A_2536 : vector<16xi32>
    %add3A_2538 = arith.addi %add3A_2531, %mul3A_2537 : vector<16xi32>
    %and3A_2539 = arith.constant 127 : i32
    %and3A_2540 = vector.broadcast %and3A_2539 : i32 to vector<16xi32>
    %and3A_2541 = arith.andi %add3A_2518, %and3A_2540 : vector<16xi32>
    %add3A_2542 = arith.addi %add3A_2538, %and3A_2541 : vector<16xi32>
    %swap3A_2543 = arith.constant 7 : i32
    %swap3A_2544 = arith.index_cast %swap3A_2543 : i32 to index
    %swap3A_2545 = arith.constant 16 : index
    %swap3A_2546 = tpu.vector_load %arg7[%swap3A_2544, %swap3A_2545] {strides = array<i32>} : memref<8x128xi32, #tpu.memory_space<vmem>>, vector<16xi32>,
    tpu.vector_store %arg7[%swap3A_2544, %swap3A_2545], %add3A_2542 {strides = array<i32>} : memref<8x128xi32, #tpu.memory_space<vmem>>, vector<16xi32>,
    %swap3A_2547 = arith.constant 7 : i32
    %swap3A_2548 = arith.index_cast %swap3A_2547 : i32 to index
    %swap3A_2549 = arith.constant 16 : index
    %swap3A_2550 = tpu.vector_load %arg9[%swap3A_2548, %swap3A_2549] {strides = array<i32>} : memref<8x128xf32, #tpu.memory_space<vmem>>, vector<16xf32>,
    tpu.vector_store %arg9[%swap3A_2548, %swap3A_2549], %broadcast_in_dim3A_2 {strides = array<i32>} : memref<8x128xf32, #tpu.memory_space<vmem>>, vector<16xf32>,
    %get3A_2551 = arith.constant 7 : i32
    %get3A_2552 = arith.index_cast %get3A_2551 : i32 to index
    %get3A_2553 = arith.constant 32 : index
    %get3A_2554 = tpu.vector_load %arg6[%get3A_2552, %get3A_2553] {strides = array<i32>} : memref<8x128xi32, #tpu.memory_space<vmem>>, vector<16xi32>,
    %mul3A_2555 = arith.constant 1024 : i32
    %mul3A_2556 = arith.muli %arg1, %mul3A_2555 : i32
    %add3A_2557 = arith.constant 896 : i32
    %add3A_2558 = arith.addi %mul3A_2556, %add3A_2557 : i32
    %add3A_2559 = arith.constant 32 : i32
    %add3A_2560 = arith.addi %add3A_2558, %add3A_2559 : i32
    %add3A_2561 = vector.broadcast %add3A_2560 : i32 to vector<16xi32>
    %add3A_2562 = arith.addi %add3A_2561, %iota3A : vector<16xi32>
    %shift_right_arithmetic3A_2563 = arith.constant 3 : i32
    %shift_right_arithmetic3A_2564 = vector.broadcast %shift_right_arithmetic3A_2563 : i32 to vector<16xi32>
    %shift_right_arithmetic3A_2565 = arith.shrsi %get3A_2554, %shift_right_arithmetic3A_2564 : vector<16xi32>
    %mul3A_2566 = arith.constant 131072 : i32
    %mul3A_2567 = vector.broadcast %mul3A_2566 : i32 to vector<16xi32>
    %mul3A_2568 = arith.muli %shift_right_arithmetic3A_2565, %mul3A_2567 : vector<16xi32>
    %shift_right_arithmetic3A_2569 = arith.constant 7 : i32
    %shift_right_arithmetic3A_2570 = vector.broadcast %shift_right_arithmetic3A_2569 : i32 to vector<16xi32>
    %shift_right_arithmetic3A_2571 = arith.shrsi %add3A_2562, %shift_right_arithmetic3A_2570 : vector<16xi32>
    %mul3A_2572 = arith.constant 1024 : i32
    %mul3A_2573 = vector.broadcast %mul3A_2572 : i32 to vector<16xi32>
    %mul3A_2574 = arith.muli %shift_right_arithmetic3A_2571, %mul3A_2573 : vector<16xi32>
    %add3A_2575 = arith.addi %mul3A_2568, %mul3A_2574 : vector<16xi32>
    %and3A_2576 = arith.constant 7 : i32
    %and3A_2577 = vector.broadcast %and3A_2576 : i32 to vector<16xi32>
    %and3A_2578 = arith.andi %get3A_2554, %and3A_2577 : vector<16xi32>
    %mul3A_2579 = arith.constant 128 : i32
    %mul3A_2580 = vector.broadcast %mul3A_2579 : i32 to vector<16xi32>
    %mul3A_2581 = arith.muli %and3A_2578, %mul3A_2580 : vector<16xi32>
    %add3A_2582 = arith.addi %add3A_2575, %mul3A_2581 : vector<16xi32>
    %and3A_2583 = arith.constant 127 : i32
    %and3A_2584 = vector.broadcast %and3A_2583 : i32 to vector<16xi32>
    %and3A_2585 = arith.andi %add3A_2562, %and3A_2584 : vector<16xi32>
    %add3A_2586 = arith.addi %add3A_2582, %and3A_2585 : vector<16xi32>
    %swap3A_2587 = arith.constant 7 : i32
    %swap3A_2588 = arith.index_cast %swap3A_2587 : i32 to index
    %swap3A_2589 = arith.constant 32 : index
    %swap3A_2590 = tpu.vector_load %arg7[%swap3A_2588, %swap3A_2589] {strides = array<i32>} : memref<8x128xi32, #tpu.memory_space<vmem>>, vector<16xi32>,
    tpu.vector_store %arg7[%swap3A_2588, %swap3A_2589], %add3A_2586 {strides = array<i32>} : memref<8x128xi32, #tpu.memory_space<vmem>>, vector<16xi32>,
    %swap3A_2591 = arith.constant 7 : i32
    %swap3A_2592 = arith.index_cast %swap3A_2591 : i32 to index
    %swap3A_2593 = arith.constant 32 : index
    %swap3A_2594 = tpu.vector_load %arg9[%swap3A_2592, %swap3A_2593] {strides = array<i32>} : memref<8x128xf32, #tpu.memory_space<vmem>>, vector<16xf32>,
    tpu.vector_store %arg9[%swap3A_2592, %swap3A_2593], %broadcast_in_dim3A_2 {strides = array<i32>} : memref<8x128xf32, #tpu.memory_space<vmem>>, vector<16xf32>,
    %get3A_2595 = arith.constant 7 : i32
    %get3A_2596 = arith.index_cast %get3A_2595 : i32 to index
    %get3A_2597 = arith.constant 48 : index
    %get3A_2598 = tpu.vector_load %arg6[%get3A_2596, %get3A_2597] {strides = array<i32>} : memref<8x128xi32, #tpu.memory_space<vmem>>, vector<16xi32>,
    %mul3A_2599 = arith.constant 1024 : i32
    %mul3A_2600 = arith.muli %arg1, %mul3A_2599 : i32
    %add3A_2601 = arith.constant 896 : i32
    %add3A_2602 = arith.addi %mul3A_2600, %add3A_2601 : i32
    %add3A_2603 = arith.constant 48 : i32
    %add3A_2604 = arith.addi %add3A_2602, %add3A_2603 : i32
    %add3A_2605 = vector.broadcast %add3A_2604 : i32 to vector<16xi32>
    %add3A_2606 = arith.addi %add3A_2605, %iota3A : vector<16xi32>
    %shift_right_arithmetic3A_2607 = arith.constant 3 : i32
    %shift_right_arithmetic3A_2608 = vector.broadcast %shift_right_arithmetic3A_2607 : i32 to vector<16xi32>
    %shift_right_arithmetic3A_2609 = arith.shrsi %get3A_2598, %shift_right_arithmetic3A_2608 : vector<16xi32>
    %mul3A_2610 = arith.constant 131072 : i32
    %mul3A_2611 = vector.broadcast %mul3A_2610 : i32 to vector<16xi32>
    %mul3A_2612 = arith.muli %shift_right_arithmetic3A_2609, %mul3A_2611 : vector<16xi32>
    %shift_right_arithmetic3A_2613 = arith.constant 7 : i32
    %shift_right_arithmetic3A_2614 = vector.broadcast %shift_right_arithmetic3A_2613 : i32 to vector<16xi32>
    %shift_right_arithmetic3A_2615 = arith.shrsi %add3A_2606, %shift_right_arithmetic3A_2614 : vector<16xi32>
    %mul3A_2616 = arith.constant 1024 : i32
    %mul3A_2617 = vector.broadcast %mul3A_2616 : i32 to vector<16xi32>
    %mul3A_2618 = arith.muli %shift_right_arithmetic3A_2615, %mul3A_2617 : vector<16xi32>
    %add3A_2619 = arith.addi %mul3A_2612, %mul3A_2618 : vector<16xi32>
    %and3A_2620 = arith.constant 7 : i32
    %and3A_2621 = vector.broadcast %and3A_2620 : i32 to vector<16xi32>
    %and3A_2622 = arith.andi %get3A_2598, %and3A_2621 : vector<16xi32>
    %mul3A_2623 = arith.constant 128 : i32
    %mul3A_2624 = vector.broadcast %mul3A_2623 : i32 to vector<16xi32>
    %mul3A_2625 = arith.muli %and3A_2622, %mul3A_2624 : vector<16xi32>
    %add3A_2626 = arith.addi %add3A_2619, %mul3A_2625 : vector<16xi32>
    %and3A_2627 = arith.constant 127 : i32
    %and3A_2628 = vector.broadcast %and3A_2627 : i32 to vector<16xi32>
    %and3A_2629 = arith.andi %add3A_2606, %and3A_2628 : vector<16xi32>
    %add3A_2630 = arith.addi %add3A_2626, %and3A_2629 : vector<16xi32>
    %swap3A_2631 = arith.constant 7 : i32
    %swap3A_2632 = arith.index_cast %swap3A_2631 : i32 to index
    %swap3A_2633 = arith.constant 48 : index
    %swap3A_2634 = tpu.vector_load %arg7[%swap3A_2632, %swap3A_2633] {strides = array<i32>} : memref<8x128xi32, #tpu.memory_space<vmem>>, vector<16xi32>,
    tpu.vector_store %arg7[%swap3A_2632, %swap3A_2633], %add3A_2630 {strides = array<i32>} : memref<8x128xi32, #tpu.memory_space<vmem>>, vector<16xi32>,
    %swap3A_2635 = arith.constant 7 : i32
    %swap3A_2636 = arith.index_cast %swap3A_2635 : i32 to index
    %swap3A_2637 = arith.constant 48 : index
    %swap3A_2638 = tpu.vector_load %arg9[%swap3A_2636, %swap3A_2637] {strides = array<i32>} : memref<8x128xf32, #tpu.memory_space<vmem>>, vector<16xf32>,
    tpu.vector_store %arg9[%swap3A_2636, %swap3A_2637], %broadcast_in_dim3A_2 {strides = array<i32>} : memref<8x128xf32, #tpu.memory_space<vmem>>, vector<16xf32>,
    %get3A_2639 = arith.constant 7 : i32
    %get3A_2640 = arith.index_cast %get3A_2639 : i32 to index
    %get3A_2641 = arith.constant 64 : index
    %get3A_2642 = tpu.vector_load %arg6[%get3A_2640, %get3A_2641] {strides = array<i32>} : memref<8x128xi32, #tpu.memory_space<vmem>>, vector<16xi32>,
    %mul3A_2643 = arith.constant 1024 : i32
    %mul3A_2644 = arith.muli %arg1, %mul3A_2643 : i32
    %add3A_2645 = arith.constant 896 : i32
    %add3A_2646 = arith.addi %mul3A_2644, %add3A_2645 : i32
    %add3A_2647 = arith.constant 64 : i32
    %add3A_2648 = arith.addi %add3A_2646, %add3A_2647 : i32
    %add3A_2649 = vector.broadcast %add3A_2648 : i32 to vector<16xi32>
    %add3A_2650 = arith.addi %add3A_2649, %iota3A : vector<16xi32>
    %shift_right_arithmetic3A_2651 = arith.constant 3 : i32
    %shift_right_arithmetic3A_2652 = vector.broadcast %shift_right_arithmetic3A_2651 : i32 to vector<16xi32>
    %shift_right_arithmetic3A_2653 = arith.shrsi %get3A_2642, %shift_right_arithmetic3A_2652 : vector<16xi32>
    %mul3A_2654 = arith.constant 131072 : i32
    %mul3A_2655 = vector.broadcast %mul3A_2654 : i32 to vector<16xi32>
    %mul3A_2656 = arith.muli %shift_right_arithmetic3A_2653, %mul3A_2655 : vector<16xi32>
    %shift_right_arithmetic3A_2657 = arith.constant 7 : i32
    %shift_right_arithmetic3A_2658 = vector.broadcast %shift_right_arithmetic3A_2657 : i32 to vector<16xi32>
    %shift_right_arithmetic3A_2659 = arith.shrsi %add3A_2650, %shift_right_arithmetic3A_2658 : vector<16xi32>
    %mul3A_2660 = arith.constant 1024 : i32
    %mul3A_2661 = vector.broadcast %mul3A_2660 : i32 to vector<16xi32>
    %mul3A_2662 = arith.muli %shift_right_arithmetic3A_2659, %mul3A_2661 : vector<16xi32>
    %add3A_2663 = arith.addi %mul3A_2656, %mul3A_2662 : vector<16xi32>
    %and3A_2664 = arith.constant 7 : i32
    %and3A_2665 = vector.broadcast %and3A_2664 : i32 to vector<16xi32>
    %and3A_2666 = arith.andi %get3A_2642, %and3A_2665 : vector<16xi32>
    %mul3A_2667 = arith.constant 128 : i32
    %mul3A_2668 = vector.broadcast %mul3A_2667 : i32 to vector<16xi32>
    %mul3A_2669 = arith.muli %and3A_2666, %mul3A_2668 : vector<16xi32>
    %add3A_2670 = arith.addi %add3A_2663, %mul3A_2669 : vector<16xi32>
    %and3A_2671 = arith.constant 127 : i32
    %and3A_2672 = vector.broadcast %and3A_2671 : i32 to vector<16xi32>
    %and3A_2673 = arith.andi %add3A_2650, %and3A_2672 : vector<16xi32>
    %add3A_2674 = arith.addi %add3A_2670, %and3A_2673 : vector<16xi32>
    %swap3A_2675 = arith.constant 7 : i32
    %swap3A_2676 = arith.index_cast %swap3A_2675 : i32 to index
    %swap3A_2677 = arith.constant 64 : index
    %swap3A_2678 = tpu.vector_load %arg7[%swap3A_2676, %swap3A_2677] {strides = array<i32>} : memref<8x128xi32, #tpu.memory_space<vmem>>, vector<16xi32>,
    tpu.vector_store %arg7[%swap3A_2676, %swap3A_2677], %add3A_2674 {strides = array<i32>} : memref<8x128xi32, #tpu.memory_space<vmem>>, vector<16xi32>,
    %swap3A_2679 = arith.constant 7 : i32
    %swap3A_2680 = arith.index_cast %swap3A_2679 : i32 to index
    %swap3A_2681 = arith.constant 64 : index
    %swap3A_2682 = tpu.vector_load %arg9[%swap3A_2680, %swap3A_2681] {strides = array<i32>} : memref<8x128xf32, #tpu.memory_space<vmem>>, vector<16xf32>,
    tpu.vector_store %arg9[%swap3A_2680, %swap3A_2681], %broadcast_in_dim3A_2 {strides = array<i32>} : memref<8x128xf32, #tpu.memory_space<vmem>>, vector<16xf32>,
    %get3A_2683 = arith.constant 7 : i32
    %get3A_2684 = arith.index_cast %get3A_2683 : i32 to index
    %get3A_2685 = arith.constant 80 : index
    %get3A_2686 = tpu.vector_load %arg6[%get3A_2684, %get3A_2685] {strides = array<i32>} : memref<8x128xi32, #tpu.memory_space<vmem>>, vector<16xi32>,
    %mul3A_2687 = arith.constant 1024 : i32
    %mul3A_2688 = arith.muli %arg1, %mul3A_2687 : i32
    %add3A_2689 = arith.constant 896 : i32
    %add3A_2690 = arith.addi %mul3A_2688, %add3A_2689 : i32
    %add3A_2691 = arith.constant 80 : i32
    %add3A_2692 = arith.addi %add3A_2690, %add3A_2691 : i32
    %add3A_2693 = vector.broadcast %add3A_2692 : i32 to vector<16xi32>
    %add3A_2694 = arith.addi %add3A_2693, %iota3A : vector<16xi32>
    %shift_right_arithmetic3A_2695 = arith.constant 3 : i32
    %shift_right_arithmetic3A_2696 = vector.broadcast %shift_right_arithmetic3A_2695 : i32 to vector<16xi32>
    %shift_right_arithmetic3A_2697 = arith.shrsi %get3A_2686, %shift_right_arithmetic3A_2696 : vector<16xi32>
    %mul3A_2698 = arith.constant 131072 : i32
    %mul3A_2699 = vector.broadcast %mul3A_2698 : i32 to vector<16xi32>
    %mul3A_2700 = arith.muli %shift_right_arithmetic3A_2697, %mul3A_2699 : vector<16xi32>
    %shift_right_arithmetic3A_2701 = arith.constant 7 : i32
    %shift_right_arithmetic3A_2702 = vector.broadcast %shift_right_arithmetic3A_2701 : i32 to vector<16xi32>
    %shift_right_arithmetic3A_2703 = arith.shrsi %add3A_2694, %shift_right_arithmetic3A_2702 : vector<16xi32>
    %mul3A_2704 = arith.constant 1024 : i32
    %mul3A_2705 = vector.broadcast %mul3A_2704 : i32 to vector<16xi32>
    %mul3A_2706 = arith.muli %shift_right_arithmetic3A_2703, %mul3A_2705 : vector<16xi32>
    %add3A_2707 = arith.addi %mul3A_2700, %mul3A_2706 : vector<16xi32>
    %and3A_2708 = arith.constant 7 : i32
    %and3A_2709 = vector.broadcast %and3A_2708 : i32 to vector<16xi32>
    %and3A_2710 = arith.andi %get3A_2686, %and3A_2709 : vector<16xi32>
    %mul3A_2711 = arith.constant 128 : i32
    %mul3A_2712 = vector.broadcast %mul3A_2711 : i32 to vector<16xi32>
    %mul3A_2713 = arith.muli %and3A_2710, %mul3A_2712 : vector<16xi32>
    %add3A_2714 = arith.addi %add3A_2707, %mul3A_2713 : vector<16xi32>
    %and3A_2715 = arith.constant 127 : i32
    %and3A_2716 = vector.broadcast %and3A_2715 : i32 to vector<16xi32>
    %and3A_2717 = arith.andi %add3A_2694, %and3A_2716 : vector<16xi32>
    %add3A_2718 = arith.addi %add3A_2714, %and3A_2717 : vector<16xi32>
    %swap3A_2719 = arith.constant 7 : i32
    %swap3A_2720 = arith.index_cast %swap3A_2719 : i32 to index
    %swap3A_2721 = arith.constant 80 : index
    %swap3A_2722 = tpu.vector_load %arg7[%swap3A_2720, %swap3A_2721] {strides = array<i32>} : memref<8x128xi32, #tpu.memory_space<vmem>>, vector<16xi32>,
    tpu.vector_store %arg7[%swap3A_2720, %swap3A_2721], %add3A_2718 {strides = array<i32>} : memref<8x128xi32, #tpu.memory_space<vmem>>, vector<16xi32>,
    %swap3A_2723 = arith.constant 7 : i32
    %swap3A_2724 = arith.index_cast %swap3A_2723 : i32 to index
    %swap3A_2725 = arith.constant 80 : index
    %swap3A_2726 = tpu.vector_load %arg9[%swap3A_2724, %swap3A_2725] {strides = array<i32>} : memref<8x128xf32, #tpu.memory_space<vmem>>, vector<16xf32>,
    tpu.vector_store %arg9[%swap3A_2724, %swap3A_2725], %broadcast_in_dim3A_2 {strides = array<i32>} : memref<8x128xf32, #tpu.memory_space<vmem>>, vector<16xf32>,
    %get3A_2727 = arith.constant 7 : i32
    %get3A_2728 = arith.index_cast %get3A_2727 : i32 to index
    %get3A_2729 = arith.constant 96 : index
    %get3A_2730 = tpu.vector_load %arg6[%get3A_2728, %get3A_2729] {strides = array<i32>} : memref<8x128xi32, #tpu.memory_space<vmem>>, vector<16xi32>,
    %mul3A_2731 = arith.constant 1024 : i32
    %mul3A_2732 = arith.muli %arg1, %mul3A_2731 : i32
    %add3A_2733 = arith.constant 896 : i32
    %add3A_2734 = arith.addi %mul3A_2732, %add3A_2733 : i32
    %add3A_2735 = arith.constant 96 : i32
    %add3A_2736 = arith.addi %add3A_2734, %add3A_2735 : i32
    %add3A_2737 = vector.broadcast %add3A_2736 : i32 to vector<16xi32>
    %add3A_2738 = arith.addi %add3A_2737, %iota3A : vector<16xi32>
    %shift_right_arithmetic3A_2739 = arith.constant 3 : i32
    %shift_right_arithmetic3A_2740 = vector.broadcast %shift_right_arithmetic3A_2739 : i32 to vector<16xi32>
    %shift_right_arithmetic3A_2741 = arith.shrsi %get3A_2730, %shift_right_arithmetic3A_2740 : vector<16xi32>
    %mul3A_2742 = arith.constant 131072 : i32
    %mul3A_2743 = vector.broadcast %mul3A_2742 : i32 to vector<16xi32>
    %mul3A_2744 = arith.muli %shift_right_arithmetic3A_2741, %mul3A_2743 : vector<16xi32>
    %shift_right_arithmetic3A_2745 = arith.constant 7 : i32
    %shift_right_arithmetic3A_2746 = vector.broadcast %shift_right_arithmetic3A_2745 : i32 to vector<16xi32>
    %shift_right_arithmetic3A_2747 = arith.shrsi %add3A_2738, %shift_right_arithmetic3A_2746 : vector<16xi32>
    %mul3A_2748 = arith.constant 1024 : i32
    %mul3A_2749 = vector.broadcast %mul3A_2748 : i32 to vector<16xi32>
    %mul3A_2750 = arith.muli %shift_right_arithmetic3A_2747, %mul3A_2749 : vector<16xi32>
    %add3A_2751 = arith.addi %mul3A_2744, %mul3A_2750 : vector<16xi32>
    %and3A_2752 = arith.constant 7 : i32
    %and3A_2753 = vector.broadcast %and3A_2752 : i32 to vector<16xi32>
    %and3A_2754 = arith.andi %get3A_2730, %and3A_2753 : vector<16xi32>
    %mul3A_2755 = arith.constant 128 : i32
    %mul3A_2756 = vector.broadcast %mul3A_2755 : i32 to vector<16xi32>
    %mul3A_2757 = arith.muli %and3A_2754, %mul3A_2756 : vector<16xi32>
    %add3A_2758 = arith.addi %add3A_2751, %mul3A_2757 : vector<16xi32>
    %and3A_2759 = arith.constant 127 : i32
    %and3A_2760 = vector.broadcast %and3A_2759 : i32 to vector<16xi32>
    %and3A_2761 = arith.andi %add3A_2738, %and3A_2760 : vector<16xi32>
    %add3A_2762 = arith.addi %add3A_2758, %and3A_2761 : vector<16xi32>
    %swap3A_2763 = arith.constant 7 : i32
    %swap3A_2764 = arith.index_cast %swap3A_2763 : i32 to index
    %swap3A_2765 = arith.constant 96 : index
    %swap3A_2766 = tpu.vector_load %arg7[%swap3A_2764, %swap3A_2765] {strides = array<i32>} : memref<8x128xi32, #tpu.memory_space<vmem>>, vector<16xi32>,
    tpu.vector_store %arg7[%swap3A_2764, %swap3A_2765], %add3A_2762 {strides = array<i32>} : memref<8x128xi32, #tpu.memory_space<vmem>>, vector<16xi32>,
    %swap3A_2767 = arith.constant 7 : i32
    %swap3A_2768 = arith.index_cast %swap3A_2767 : i32 to index
    %swap3A_2769 = arith.constant 96 : index
    %swap3A_2770 = tpu.vector_load %arg9[%swap3A_2768, %swap3A_2769] {strides = array<i32>} : memref<8x128xf32, #tpu.memory_space<vmem>>, vector<16xf32>,
    tpu.vector_store %arg9[%swap3A_2768, %swap3A_2769], %broadcast_in_dim3A_2 {strides = array<i32>} : memref<8x128xf32, #tpu.memory_space<vmem>>, vector<16xf32>,
    %get3A_2771 = arith.constant 7 : i32
    %get3A_2772 = arith.index_cast %get3A_2771 : i32 to index
    %get3A_2773 = arith.constant 112 : index
    %get3A_2774 = tpu.vector_load %arg6[%get3A_2772, %get3A_2773] {strides = array<i32>} : memref<8x128xi32, #tpu.memory_space<vmem>>, vector<16xi32>,
    %mul3A_2775 = arith.constant 1024 : i32
    %mul3A_2776 = arith.muli %arg1, %mul3A_2775 : i32
    %add3A_2777 = arith.constant 896 : i32
    %add3A_2778 = arith.addi %mul3A_2776, %add3A_2777 : i32
    %add3A_2779 = arith.constant 112 : i32
    %add3A_2780 = arith.addi %add3A_2778, %add3A_2779 : i32
    %add3A_2781 = vector.broadcast %add3A_2780 : i32 to vector<16xi32>
    %add3A_2782 = arith.addi %add3A_2781, %iota3A : vector<16xi32>
    %shift_right_arithmetic3A_2783 = arith.constant 3 : i32
    %shift_right_arithmetic3A_2784 = vector.broadcast %shift_right_arithmetic3A_2783 : i32 to vector<16xi32>
    %shift_right_arithmetic3A_2785 = arith.shrsi %get3A_2774, %shift_right_arithmetic3A_2784 : vector<16xi32>
    %mul3A_2786 = arith.constant 131072 : i32
    %mul3A_2787 = vector.broadcast %mul3A_2786 : i32 to vector<16xi32>
    %mul3A_2788 = arith.muli %shift_right_arithmetic3A_2785, %mul3A_2787 : vector<16xi32>
    %shift_right_arithmetic3A_2789 = arith.constant 7 : i32
    %shift_right_arithmetic3A_2790 = vector.broadcast %shift_right_arithmetic3A_2789 : i32 to vector<16xi32>
    %shift_right_arithmetic3A_2791 = arith.shrsi %add3A_2782, %shift_right_arithmetic3A_2790 : vector<16xi32>
    %mul3A_2792 = arith.constant 1024 : i32
    %mul3A_2793 = vector.broadcast %mul3A_2792 : i32 to vector<16xi32>
    %mul3A_2794 = arith.muli %shift_right_arithmetic3A_2791, %mul3A_2793 : vector<16xi32>
    %add3A_2795 = arith.addi %mul3A_2788, %mul3A_2794 : vector<16xi32>
    %and3A_2796 = arith.constant 7 : i32
    %and3A_2797 = vector.broadcast %and3A_2796 : i32 to vector<16xi32>
    %and3A_2798 = arith.andi %get3A_2774, %and3A_2797 : vector<16xi32>
    %mul3A_2799 = arith.constant 128 : i32
    %mul3A_2800 = vector.broadcast %mul3A_2799 : i32 to vector<16xi32>
    %mul3A_2801 = arith.muli %and3A_2798, %mul3A_2800 : vector<16xi32>
    %add3A_2802 = arith.addi %add3A_2795, %mul3A_2801 : vector<16xi32>
    %and3A_2803 = arith.constant 127 : i32
    %and3A_2804 = vector.broadcast %and3A_2803 : i32 to vector<16xi32>
    %and3A_2805 = arith.andi %add3A_2782, %and3A_2804 : vector<16xi32>
    %add3A_2806 = arith.addi %add3A_2802, %and3A_2805 : vector<16xi32>
    %swap3A_2807 = arith.constant 7 : i32
    %swap3A_2808 = arith.index_cast %swap3A_2807 : i32 to index
    %swap3A_2809 = arith.constant 112 : index
    %swap3A_2810 = tpu.vector_load %arg7[%swap3A_2808, %swap3A_2809] {strides = array<i32>} : memref<8x128xi32, #tpu.memory_space<vmem>>, vector<16xi32>,
    tpu.vector_store %arg7[%swap3A_2808, %swap3A_2809], %add3A_2806 {strides = array<i32>} : memref<8x128xi32, #tpu.memory_space<vmem>>, vector<16xi32>,
    %swap3A_2811 = arith.constant 7 : i32
    %swap3A_2812 = arith.index_cast %swap3A_2811 : i32 to index
    %swap3A_2813 = arith.constant 112 : index
    %swap3A_2814 = tpu.vector_load %arg9[%swap3A_2812, %swap3A_2813] {strides = array<i32>} : memref<8x128xf32, #tpu.memory_space<vmem>>, vector<16xf32>,
    tpu.vector_store %arg9[%swap3A_2812, %swap3A_2813], %broadcast_in_dim3A_2 {strides = array<i32>} : memref<8x128xf32, #tpu.memory_space<vmem>>, vector<16xf32>,
    %dma_start3A = arith.constant 0 : i32
    %dma_start3A_2815 = arith.constant 0 : i32
    %dma_start3A_2816 = arith.constant 0 : i32
    %dma_start3A_2817 = arith.constant 0 : i32
    %dma_start3A_2818 = tpu.memref_slice %arg8[%dma_start3A_2815, %dma_start3A_2817] : memref<8x128xf32, #tpu.memory_space<vmem>> -> memref<1x128xf32, #tpu.memory_space<vmem>>
    %dma_start3A_2819 = tpu.memref_squeeze %dma_start3A_2818 : memref<1x128xf32, #tpu.memory_space<vmem>> -> memref<128xf32, #tpu.memory_space<vmem>>
    %dma_start3A_2820 = arith.constant 0 : i32
    %dma_start3A_2821 = tpu.memref_slice %arg7[%dma_start3A, %dma_start3A_2820] : memref<8x128xi32, #tpu.memory_space<vmem>> -> memref<1x128xi32, #tpu.memory_space<vmem>>
    %dma_start3A_2822 = tpu.memref_squeeze %dma_start3A_2821 : memref<1x128xi32, #tpu.memory_space<vmem>> -> memref<128xi32, #tpu.memory_space<vmem>>
    %dma_start3A_2823 = arith.constant 0 : i32
    %dma_start3A_2824 = tpu.memref_slice %arg2[%dma_start3A_2823] : memref<16384000xf32, #tpu.memory_space<hbm>> -> memref<16384000xf32, #tpu.memory_space<hbm>>
    %dma_start3A_2825 = tpu.memref_slice %arg17[%dma_start3A_2816] : memref<8x!tpu.dma_semaphore, #tpu.memory_space<semaphore_mem>> -> memref<1x!tpu.dma_semaphore, #tpu.memory_space<semaphore_mem>>
    %dma_start3A_2826 = tpu.memref_squeeze %dma_start3A_2825 : memref<1x!tpu.dma_semaphore, #tpu.memory_space<semaphore_mem>> -> memref<!tpu.dma_semaphore, #tpu.memory_space<semaphore_mem>>
    tpu.enqueue_indirect_dma source(%dma_start3A_2824 : memref<16384000xf32, #tpu.memory_space<hbm>>) target(%dma_start3A_2819 : memref<128xf32, #tpu.memory_space<vmem>>) offsets(%dma_start3A_2822 : memref<128xi32, #tpu.memory_space<vmem>>) semaphore(%dma_start3A_2826 : memref<!tpu.dma_semaphore, #tpu.memory_space<semaphore_mem>>)
    %dma_start3A_2827 = arith.constant 1 : i32
    %dma_start3A_2828 = arith.constant 1 : i32
    %dma_start3A_2829 = arith.constant 1 : i32
    %dma_start3A_2830 = arith.constant 0 : i32
    %dma_start3A_2831 = tpu.memref_slice %arg8[%dma_start3A_2828, %dma_start3A_2830] : memref<8x128xf32, #tpu.memory_space<vmem>> -> memref<1x128xf32, #tpu.memory_space<vmem>>
    %dma_start3A_2832 = tpu.memref_squeeze %dma_start3A_2831 : memref<1x128xf32, #tpu.memory_space<vmem>> -> memref<128xf32, #tpu.memory_space<vmem>>
    %dma_start3A_2833 = arith.constant 0 : i32
    %dma_start3A_2834 = tpu.memref_slice %arg7[%dma_start3A_2827, %dma_start3A_2833] : memref<8x128xi32, #tpu.memory_space<vmem>> -> memref<1x128xi32, #tpu.memory_space<vmem>>
    %dma_start3A_2835 = tpu.memref_squeeze %dma_start3A_2834 : memref<1x128xi32, #tpu.memory_space<vmem>> -> memref<128xi32, #tpu.memory_space<vmem>>
    %dma_start3A_2836 = arith.constant 0 : i32
    %dma_start3A_2837 = tpu.memref_slice %arg2[%dma_start3A_2836] : memref<16384000xf32, #tpu.memory_space<hbm>> -> memref<16384000xf32, #tpu.memory_space<hbm>>
    %dma_start3A_2838 = tpu.memref_slice %arg17[%dma_start3A_2829] : memref<8x!tpu.dma_semaphore, #tpu.memory_space<semaphore_mem>> -> memref<1x!tpu.dma_semaphore, #tpu.memory_space<semaphore_mem>>
    %dma_start3A_2839 = tpu.memref_squeeze %dma_start3A_2838 : memref<1x!tpu.dma_semaphore, #tpu.memory_space<semaphore_mem>> -> memref<!tpu.dma_semaphore, #tpu.memory_space<semaphore_mem>>
    tpu.enqueue_indirect_dma source(%dma_start3A_2837 : memref<16384000xf32, #tpu.memory_space<hbm>>) target(%dma_start3A_2832 : memref<128xf32, #tpu.memory_space<vmem>>) offsets(%dma_start3A_2835 : memref<128xi32, #tpu.memory_space<vmem>>) semaphore(%dma_start3A_2839 : memref<!tpu.dma_semaphore, #tpu.memory_space<semaphore_mem>>)
    %dma_start3A_2840 = arith.constant 2 : i32
    %dma_start3A_2841 = arith.constant 2 : i32
    %dma_start3A_2842 = arith.constant 2 : i32
    %dma_start3A_2843 = arith.constant 0 : i32
    %dma_start3A_2844 = tpu.memref_slice %arg8[%dma_start3A_2841, %dma_start3A_2843] : memref<8x128xf32, #tpu.memory_space<vmem>> -> memref<1x128xf32, #tpu.memory_space<vmem>>
    %dma_start3A_2845 = tpu.memref_squeeze %dma_start3A_2844 : memref<1x128xf32, #tpu.memory_space<vmem>> -> memref<128xf32, #tpu.memory_space<vmem>>
    %dma_start3A_2846 = arith.constant 0 : i32
    %dma_start3A_2847 = tpu.memref_slice %arg7[%dma_start3A_2840, %dma_start3A_2846] : memref<8x128xi32, #tpu.memory_space<vmem>> -> memref<1x128xi32, #tpu.memory_space<vmem>>
    %dma_start3A_2848 = tpu.memref_squeeze %dma_start3A_2847 : memref<1x128xi32, #tpu.memory_space<vmem>> -> memref<128xi32, #tpu.memory_space<vmem>>
    %dma_start3A_2849 = arith.constant 0 : i32
    %dma_start3A_2850 = tpu.memref_slice %arg2[%dma_start3A_2849] : memref<16384000xf32, #tpu.memory_space<hbm>> -> memref<16384000xf32, #tpu.memory_space<hbm>>
    %dma_start3A_2851 = tpu.memref_slice %arg17[%dma_start3A_2842] : memref<8x!tpu.dma_semaphore, #tpu.memory_space<semaphore_mem>> -> memref<1x!tpu.dma_semaphore, #tpu.memory_space<semaphore_mem>>
    %dma_start3A_2852 = tpu.memref_squeeze %dma_start3A_2851 : memref<1x!tpu.dma_semaphore, #tpu.memory_space<semaphore_mem>> -> memref<!tpu.dma_semaphore, #tpu.memory_space<semaphore_mem>>
    tpu.enqueue_indirect_dma source(%dma_start3A_2850 : memref<16384000xf32, #tpu.memory_space<hbm>>) target(%dma_start3A_2845 : memref<128xf32, #tpu.memory_space<vmem>>) offsets(%dma_start3A_2848 : memref<128xi32, #tpu.memory_space<vmem>>) semaphore(%dma_start3A_2852 : memref<!tpu.dma_semaphore, #tpu.memory_space<semaphore_mem>>)
    %dma_start3A_2853 = arith.constant 3 : i32
    %dma_start3A_2854 = arith.constant 3 : i32
    %dma_start3A_2855 = arith.constant 3 : i32
    %dma_start3A_2856 = arith.constant 0 : i32
    %dma_start3A_2857 = tpu.memref_slice %arg8[%dma_start3A_2854, %dma_start3A_2856] : memref<8x128xf32, #tpu.memory_space<vmem>> -> memref<1x128xf32, #tpu.memory_space<vmem>>
    %dma_start3A_2858 = tpu.memref_squeeze %dma_start3A_2857 : memref<1x128xf32, #tpu.memory_space<vmem>> -> memref<128xf32, #tpu.memory_space<vmem>>
    %dma_start3A_2859 = arith.constant 0 : i32
    %dma_start3A_2860 = tpu.memref_slice %arg7[%dma_start3A_2853, %dma_start3A_2859] : memref<8x128xi32, #tpu.memory_space<vmem>> -> memref<1x128xi32, #tpu.memory_space<vmem>>
    %dma_start3A_2861 = tpu.memref_squeeze %dma_start3A_2860 : memref<1x128xi32, #tpu.memory_space<vmem>> -> memref<128xi32, #tpu.memory_space<vmem>>
    %dma_start3A_2862 = arith.constant 0 : i32
    %dma_start3A_2863 = tpu.memref_slice %arg2[%dma_start3A_2862] : memref<16384000xf32, #tpu.memory_space<hbm>> -> memref<16384000xf32, #tpu.memory_space<hbm>>
    %dma_start3A_2864 = tpu.memref_slice %arg17[%dma_start3A_2855] : memref<8x!tpu.dma_semaphore, #tpu.memory_space<semaphore_mem>> -> memref<1x!tpu.dma_semaphore, #tpu.memory_space<semaphore_mem>>
    %dma_start3A_2865 = tpu.memref_squeeze %dma_start3A_2864 : memref<1x!tpu.dma_semaphore, #tpu.memory_space<semaphore_mem>> -> memref<!tpu.dma_semaphore, #tpu.memory_space<semaphore_mem>>
    tpu.enqueue_indirect_dma source(%dma_start3A_2863 : memref<16384000xf32, #tpu.memory_space<hbm>>) target(%dma_start3A_2858 : memref<128xf32, #tpu.memory_space<vmem>>) offsets(%dma_start3A_2861 : memref<128xi32, #tpu.memory_space<vmem>>) semaphore(%dma_start3A_2865 : memref<!tpu.dma_semaphore, #tpu.memory_space<semaphore_mem>>)
    %dma_start3A_2866 = arith.constant 4 : i32
    %dma_start3A_2867 = arith.constant 4 : i32
    %dma_start3A_2868 = arith.constant 4 : i32
    %dma_start3A_2869 = arith.constant 0 : i32
    %dma_start3A_2870 = tpu.memref_slice %arg8[%dma_start3A_2867, %dma_start3A_2869] : memref<8x128xf32, #tpu.memory_space<vmem>> -> memref<1x128xf32, #tpu.memory_space<vmem>>
    %dma_start3A_2871 = tpu.memref_squeeze %dma_start3A_2870 : memref<1x128xf32, #tpu.memory_space<vmem>> -> memref<128xf32, #tpu.memory_space<vmem>>
    %dma_start3A_2872 = arith.constant 0 : i32
    %dma_start3A_2873 = tpu.memref_slice %arg7[%dma_start3A_2866, %dma_start3A_2872] : memref<8x128xi32, #tpu.memory_space<vmem>> -> memref<1x128xi32, #tpu.memory_space<vmem>>
    %dma_start3A_2874 = tpu.memref_squeeze %dma_start3A_2873 : memref<1x128xi32, #tpu.memory_space<vmem>> -> memref<128xi32, #tpu.memory_space<vmem>>
    %dma_start3A_2875 = arith.constant 0 : i32
    %dma_start3A_2876 = tpu.memref_slice %arg2[%dma_start3A_2875] : memref<16384000xf32, #tpu.memory_space<hbm>> -> memref<16384000xf32, #tpu.memory_space<hbm>>
    %dma_start3A_2877 = tpu.memref_slice %arg17[%dma_start3A_2868] : memref<8x!tpu.dma_semaphore, #tpu.memory_space<semaphore_mem>> -> memref<1x!tpu.dma_semaphore, #tpu.memory_space<semaphore_mem>>
    %dma_start3A_2878 = tpu.memref_squeeze %dma_start3A_2877 : memref<1x!tpu.dma_semaphore, #tpu.memory_space<semaphore_mem>> -> memref<!tpu.dma_semaphore, #tpu.memory_space<semaphore_mem>>
    tpu.enqueue_indirect_dma source(%dma_start3A_2876 : memref<16384000xf32, #tpu.memory_space<hbm>>) target(%dma_start3A_2871 : memref<128xf32, #tpu.memory_space<vmem>>) offsets(%dma_start3A_2874 : memref<128xi32, #tpu.memory_space<vmem>>) semaphore(%dma_start3A_2878 : memref<!tpu.dma_semaphore, #tpu.memory_space<semaphore_mem>>)
    %dma_start3A_2879 = arith.constant 5 : i32
    %dma_start3A_2880 = arith.constant 5 : i32
    %dma_start3A_2881 = arith.constant 5 : i32
    %dma_start3A_2882 = arith.constant 0 : i32
    %dma_start3A_2883 = tpu.memref_slice %arg8[%dma_start3A_2880, %dma_start3A_2882] : memref<8x128xf32, #tpu.memory_space<vmem>> -> memref<1x128xf32, #tpu.memory_space<vmem>>
    %dma_start3A_2884 = tpu.memref_squeeze %dma_start3A_2883 : memref<1x128xf32, #tpu.memory_space<vmem>> -> memref<128xf32, #tpu.memory_space<vmem>>
    %dma_start3A_2885 = arith.constant 0 : i32
    %dma_start3A_2886 = tpu.memref_slice %arg7[%dma_start3A_2879, %dma_start3A_2885] : memref<8x128xi32, #tpu.memory_space<vmem>> -> memref<1x128xi32, #tpu.memory_space<vmem>>
    %dma_start3A_2887 = tpu.memref_squeeze %dma_start3A_2886 : memref<1x128xi32, #tpu.memory_space<vmem>> -> memref<128xi32, #tpu.memory_space<vmem>>
    %dma_start3A_2888 = arith.constant 0 : i32
    %dma_start3A_2889 = tpu.memref_slice %arg2[%dma_start3A_2888] : memref<16384000xf32, #tpu.memory_space<hbm>> -> memref<16384000xf32, #tpu.memory_space<hbm>>
    %dma_start3A_2890 = tpu.memref_slice %arg17[%dma_start3A_2881] : memref<8x!tpu.dma_semaphore, #tpu.memory_space<semaphore_mem>> -> memref<1x!tpu.dma_semaphore, #tpu.memory_space<semaphore_mem>>
    %dma_start3A_2891 = tpu.memref_squeeze %dma_start3A_2890 : memref<1x!tpu.dma_semaphore, #tpu.memory_space<semaphore_mem>> -> memref<!tpu.dma_semaphore, #tpu.memory_space<semaphore_mem>>
    tpu.enqueue_indirect_dma source(%dma_start3A_2889 : memref<16384000xf32, #tpu.memory_space<hbm>>) target(%dma_start3A_2884 : memref<128xf32, #tpu.memory_space<vmem>>) offsets(%dma_start3A_2887 : memref<128xi32, #tpu.memory_space<vmem>>) semaphore(%dma_start3A_2891 : memref<!tpu.dma_semaphore, #tpu.memory_space<semaphore_mem>>)
    %dma_start3A_2892 = arith.constant 6 : i32
    %dma_start3A_2893 = arith.constant 6 : i32
    %dma_start3A_2894 = arith.constant 6 : i32
    %dma_start3A_2895 = arith.constant 0 : i32
    %dma_start3A_2896 = tpu.memref_slice %arg8[%dma_start3A_2893, %dma_start3A_2895] : memref<8x128xf32, #tpu.memory_space<vmem>> -> memref<1x128xf32, #tpu.memory_space<vmem>>
    %dma_start3A_2897 = tpu.memref_squeeze %dma_start3A_2896 : memref<1x128xf32, #tpu.memory_space<vmem>> -> memref<128xf32, #tpu.memory_space<vmem>>
    %dma_start3A_2898 = arith.constant 0 : i32
    %dma_start3A_2899 = tpu.memref_slice %arg7[%dma_start3A_2892, %dma_start3A_2898] : memref<8x128xi32, #tpu.memory_space<vmem>> -> memref<1x128xi32, #tpu.memory_space<vmem>>
    %dma_start3A_2900 = tpu.memref_squeeze %dma_start3A_2899 : memref<1x128xi32, #tpu.memory_space<vmem>> -> memref<128xi32, #tpu.memory_space<vmem>>
    %dma_start3A_2901 = arith.constant 0 : i32
    %dma_start3A_2902 = tpu.memref_slice %arg2[%dma_start3A_2901] : memref<16384000xf32, #tpu.memory_space<hbm>> -> memref<16384000xf32, #tpu.memory_space<hbm>>
    %dma_start3A_2903 = tpu.memref_slice %arg17[%dma_start3A_2894] : memref<8x!tpu.dma_semaphore, #tpu.memory_space<semaphore_mem>> -> memref<1x!tpu.dma_semaphore, #tpu.memory_space<semaphore_mem>>
    %dma_start3A_2904 = tpu.memref_squeeze %dma_start3A_2903 : memref<1x!tpu.dma_semaphore, #tpu.memory_space<semaphore_mem>> -> memref<!tpu.dma_semaphore, #tpu.memory_space<semaphore_mem>>
    tpu.enqueue_indirect_dma source(%dma_start3A_2902 : memref<16384000xf32, #tpu.memory_space<hbm>>) target(%dma_start3A_2897 : memref<128xf32, #tpu.memory_space<vmem>>) offsets(%dma_start3A_2900 : memref<128xi32, #tpu.memory_space<vmem>>) semaphore(%dma_start3A_2904 : memref<!tpu.dma_semaphore, #tpu.memory_space<semaphore_mem>>)
    %dma_start3A_2905 = arith.constant 7 : i32
    %dma_start3A_2906 = arith.constant 7 : i32
    %dma_start3A_2907 = arith.constant 7 : i32
    %dma_start3A_2908 = arith.constant 0 : i32
    %dma_start3A_2909 = tpu.memref_slice %arg8[%dma_start3A_2906, %dma_start3A_2908] : memref<8x128xf32, #tpu.memory_space<vmem>> -> memref<1x128xf32, #tpu.memory_space<vmem>>
    %dma_start3A_2910 = tpu.memref_squeeze %dma_start3A_2909 : memref<1x128xf32, #tpu.memory_space<vmem>> -> memref<128xf32, #tpu.memory_space<vmem>>
    %dma_start3A_2911 = arith.constant 0 : i32
    %dma_start3A_2912 = tpu.memref_slice %arg7[%dma_start3A_2905, %dma_start3A_2911] : memref<8x128xi32, #tpu.memory_space<vmem>> -> memref<1x128xi32, #tpu.memory_space<vmem>>
    %dma_start3A_2913 = tpu.memref_squeeze %dma_start3A_2912 : memref<1x128xi32, #tpu.memory_space<vmem>> -> memref<128xi32, #tpu.memory_space<vmem>>
    %dma_start3A_2914 = arith.constant 0 : i32
    %dma_start3A_2915 = tpu.memref_slice %arg2[%dma_start3A_2914] : memref<16384000xf32, #tpu.memory_space<hbm>> -> memref<16384000xf32, #tpu.memory_space<hbm>>
    %dma_start3A_2916 = tpu.memref_slice %arg17[%dma_start3A_2907] : memref<8x!tpu.dma_semaphore, #tpu.memory_space<semaphore_mem>> -> memref<1x!tpu.dma_semaphore, #tpu.memory_space<semaphore_mem>>
    %dma_start3A_2917 = tpu.memref_squeeze %dma_start3A_2916 : memref<1x!tpu.dma_semaphore, #tpu.memory_space<semaphore_mem>> -> memref<!tpu.dma_semaphore, #tpu.memory_space<semaphore_mem>>
    tpu.enqueue_indirect_dma source(%dma_start3A_2915 : memref<16384000xf32, #tpu.memory_space<hbm>>) target(%dma_start3A_2910 : memref<128xf32, #tpu.memory_space<vmem>>) offsets(%dma_start3A_2913 : memref<128xi32, #tpu.memory_space<vmem>>) semaphore(%dma_start3A_2917 : memref<!tpu.dma_semaphore, #tpu.memory_space<semaphore_mem>>)
    %barrier3A = arith.constant 0 : index
    tpu.barrier barrier_id(%barrier3A)
    %dma_start3A_2918 = arith.constant 0 : i32
    %dma_start3A_2919 = arith.constant 0 : i32
    %dma_start3A_2920 = arith.constant 0 : i32
    %dma_start3A_2921 = tpu.memref_slice %arg9[%dma_start3A_2918, %dma_start3A_2920] : memref<8x128xf32, #tpu.memory_space<vmem>> -> memref<1x128xf32, #tpu.memory_space<vmem>>
    %dma_start3A_2922 = tpu.memref_squeeze %dma_start3A_2921 : memref<1x128xf32, #tpu.memory_space<vmem>> -> memref<128xf32, #tpu.memory_space<vmem>>
    %dma_start3A_2923 = arith.constant 0 : i32
    %dma_start3A_2924 = tpu.memref_slice %arg6[%dma_start3A_2919, %dma_start3A_2923] : memref<8x128xi32, #tpu.memory_space<vmem>> -> memref<1x128xi32, #tpu.memory_space<vmem>>
    %dma_start3A_2925 = tpu.memref_squeeze %dma_start3A_2924 : memref<1x128xi32, #tpu.memory_space<vmem>> -> memref<128xi32, #tpu.memory_space<vmem>>
    %dma_start3A_2926 = arith.constant 0 : i32
    %dma_start3A_2927 = tpu.memref_slice %arg15[%dma_start3A_2926] : memref<1024xf32, #tpu.memory_space<vmem_shared>> -> memref<1024xf32, #tpu.memory_space<vmem_shared>>
    tpu.enqueue_indirect_dma source(%dma_start3A_2922 : memref<128xf32, #tpu.memory_space<vmem>>) target(%dma_start3A_2927 : memref<1024xf32, #tpu.memory_space<vmem_shared>>) offsets(%dma_start3A_2925 : memref<128xi32, #tpu.memory_space<vmem>>) semaphore(%arg18 : memref<!tpu.dma_semaphore, #tpu.memory_space<semaphore_mem>>) {add = true}
    %dma_start3A_2928 = arith.constant 1 : i32
    %dma_start3A_2929 = arith.constant 1 : i32
    %dma_start3A_2930 = arith.constant 0 : i32
    %dma_start3A_2931 = tpu.memref_slice %arg9[%dma_start3A_2928, %dma_start3A_2930] : memref<8x128xf32, #tpu.memory_space<vmem>> -> memref<1x128xf32, #tpu.memory_space<vmem>>
    %dma_start3A_2932 = tpu.memref_squeeze %dma_start3A_2931 : memref<1x128xf32, #tpu.memory_space<vmem>> -> memref<128xf32, #tpu.memory_space<vmem>>
    %dma_start3A_2933 = arith.constant 0 : i32
    %dma_start3A_2934 = tpu.memref_slice %arg6[%dma_start3A_2929, %dma_start3A_2933] : memref<8x128xi32, #tpu.memory_space<vmem>> -> memref<1x128xi32, #tpu.memory_space<vmem>>
    %dma_start3A_2935 = tpu.memref_squeeze %dma_start3A_2934 : memref<1x128xi32, #tpu.memory_space<vmem>> -> memref<128xi32, #tpu.memory_space<vmem>>
    %dma_start3A_2936 = arith.constant 0 : i32
    %dma_start3A_2937 = tpu.memref_slice %arg15[%dma_start3A_2936] : memref<1024xf32, #tpu.memory_space<vmem_shared>> -> memref<1024xf32, #tpu.memory_space<vmem_shared>>
    tpu.enqueue_indirect_dma source(%dma_start3A_2932 : memref<128xf32, #tpu.memory_space<vmem>>) target(%dma_start3A_2937 : memref<1024xf32, #tpu.memory_space<vmem_shared>>) offsets(%dma_start3A_2935 : memref<128xi32, #tpu.memory_space<vmem>>) semaphore(%arg18 : memref<!tpu.dma_semaphore, #tpu.memory_space<semaphore_mem>>) {add = true}
    %dma_start3A_2938 = arith.constant 2 : i32
    %dma_start3A_2939 = arith.constant 2 : i32
    %dma_start3A_2940 = arith.constant 0 : i32
    %dma_start3A_2941 = tpu.memref_slice %arg9[%dma_start3A_2938, %dma_start3A_2940] : memref<8x128xf32, #tpu.memory_space<vmem>> -> memref<1x128xf32, #tpu.memory_space<vmem>>
    %dma_start3A_2942 = tpu.memref_squeeze %dma_start3A_2941 : memref<1x128xf32, #tpu.memory_space<vmem>> -> memref<128xf32, #tpu.memory_space<vmem>>
    %dma_start3A_2943 = arith.constant 0 : i32
    %dma_start3A_2944 = tpu.memref_slice %arg6[%dma_start3A_2939, %dma_start3A_2943] : memref<8x128xi32, #tpu.memory_space<vmem>> -> memref<1x128xi32, #tpu.memory_space<vmem>>
    %dma_start3A_2945 = tpu.memref_squeeze %dma_start3A_2944 : memref<1x128xi32, #tpu.memory_space<vmem>> -> memref<128xi32, #tpu.memory_space<vmem>>
    %dma_start3A_2946 = arith.constant 0 : i32
    %dma_start3A_2947 = tpu.memref_slice %arg15[%dma_start3A_2946] : memref<1024xf32, #tpu.memory_space<vmem_shared>> -> memref<1024xf32, #tpu.memory_space<vmem_shared>>
    tpu.enqueue_indirect_dma source(%dma_start3A_2942 : memref<128xf32, #tpu.memory_space<vmem>>) target(%dma_start3A_2947 : memref<1024xf32, #tpu.memory_space<vmem_shared>>) offsets(%dma_start3A_2945 : memref<128xi32, #tpu.memory_space<vmem>>) semaphore(%arg18 : memref<!tpu.dma_semaphore, #tpu.memory_space<semaphore_mem>>) {add = true}
    %dma_start3A_2948 = arith.constant 3 : i32
    %dma_start3A_2949 = arith.constant 3 : i32
    %dma_start3A_2950 = arith.constant 0 : i32
    %dma_start3A_2951 = tpu.memref_slice %arg9[%dma_start3A_2948, %dma_start3A_2950] : memref<8x128xf32, #tpu.memory_space<vmem>> -> memref<1x128xf32, #tpu.memory_space<vmem>>
    %dma_start3A_2952 = tpu.memref_squeeze %dma_start3A_2951 : memref<1x128xf32, #tpu.memory_space<vmem>> -> memref<128xf32, #tpu.memory_space<vmem>>
    %dma_start3A_2953 = arith.constant 0 : i32
    %dma_start3A_2954 = tpu.memref_slice %arg6[%dma_start3A_2949, %dma_start3A_2953] : memref<8x128xi32, #tpu.memory_space<vmem>> -> memref<1x128xi32, #tpu.memory_space<vmem>>
    %dma_start3A_2955 = tpu.memref_squeeze %dma_start3A_2954 : memref<1x128xi32, #tpu.memory_space<vmem>> -> memref<128xi32, #tpu.memory_space<vmem>>
    %dma_start3A_2956 = arith.constant 0 : i32
    %dma_start3A_2957 = tpu.memref_slice %arg15[%dma_start3A_2956] : memref<1024xf32, #tpu.memory_space<vmem_shared>> -> memref<1024xf32, #tpu.memory_space<vmem_shared>>
    tpu.enqueue_indirect_dma source(%dma_start3A_2952 : memref<128xf32, #tpu.memory_space<vmem>>) target(%dma_start3A_2957 : memref<1024xf32, #tpu.memory_space<vmem_shared>>) offsets(%dma_start3A_2955 : memref<128xi32, #tpu.memory_space<vmem>>) semaphore(%arg18 : memref<!tpu.dma_semaphore, #tpu.memory_space<semaphore_mem>>) {add = true}
    %dma_start3A_2958 = arith.constant 4 : i32
    %dma_start3A_2959 = arith.constant 4 : i32
    %dma_start3A_2960 = arith.constant 0 : i32
    %dma_start3A_2961 = tpu.memref_slice %arg9[%dma_start3A_2958, %dma_start3A_2960] : memref<8x128xf32, #tpu.memory_space<vmem>> -> memref<1x128xf32, #tpu.memory_space<vmem>>
    %dma_start3A_2962 = tpu.memref_squeeze %dma_start3A_2961 : memref<1x128xf32, #tpu.memory_space<vmem>> -> memref<128xf32, #tpu.memory_space<vmem>>
    %dma_start3A_2963 = arith.constant 0 : i32
    %dma_start3A_2964 = tpu.memref_slice %arg6[%dma_start3A_2959, %dma_start3A_2963] : memref<8x128xi32, #tpu.memory_space<vmem>> -> memref<1x128xi32, #tpu.memory_space<vmem>>
    %dma_start3A_2965 = tpu.memref_squeeze %dma_start3A_2964 : memref<1x128xi32, #tpu.memory_space<vmem>> -> memref<128xi32, #tpu.memory_space<vmem>>
    %dma_start3A_2966 = arith.constant 0 : i32
    %dma_start3A_2967 = tpu.memref_slice %arg15[%dma_start3A_2966] : memref<1024xf32, #tpu.memory_space<vmem_shared>> -> memref<1024xf32, #tpu.memory_space<vmem_shared>>
    tpu.enqueue_indirect_dma source(%dma_start3A_2962 : memref<128xf32, #tpu.memory_space<vmem>>) target(%dma_start3A_2967 : memref<1024xf32, #tpu.memory_space<vmem_shared>>) offsets(%dma_start3A_2965 : memref<128xi32, #tpu.memory_space<vmem>>) semaphore(%arg18 : memref<!tpu.dma_semaphore, #tpu.memory_space<semaphore_mem>>) {add = true}
    %dma_start3A_2968 = arith.constant 5 : i32
    %dma_start3A_2969 = arith.constant 5 : i32
    %dma_start3A_2970 = arith.constant 0 : i32
    %dma_start3A_2971 = tpu.memref_slice %arg9[%dma_start3A_2968, %dma_start3A_2970] : memref<8x128xf32, #tpu.memory_space<vmem>> -> memref<1x128xf32, #tpu.memory_space<vmem>>
    %dma_start3A_2972 = tpu.memref_squeeze %dma_start3A_2971 : memref<1x128xf32, #tpu.memory_space<vmem>> -> memref<128xf32, #tpu.memory_space<vmem>>
    %dma_start3A_2973 = arith.constant 0 : i32
    %dma_start3A_2974 = tpu.memref_slice %arg6[%dma_start3A_2969, %dma_start3A_2973] : memref<8x128xi32, #tpu.memory_space<vmem>> -> memref<1x128xi32, #tpu.memory_space<vmem>>
    %dma_start3A_2975 = tpu.memref_squeeze %dma_start3A_2974 : memref<1x128xi32, #tpu.memory_space<vmem>> -> memref<128xi32, #tpu.memory_space<vmem>>
    %dma_start3A_2976 = arith.constant 0 : i32
    %dma_start3A_2977 = tpu.memref_slice %arg15[%dma_start3A_2976] : memref<1024xf32, #tpu.memory_space<vmem_shared>> -> memref<1024xf32, #tpu.memory_space<vmem_shared>>
    tpu.enqueue_indirect_dma source(%dma_start3A_2972 : memref<128xf32, #tpu.memory_space<vmem>>) target(%dma_start3A_2977 : memref<1024xf32, #tpu.memory_space<vmem_shared>>) offsets(%dma_start3A_2975 : memref<128xi32, #tpu.memory_space<vmem>>) semaphore(%arg18 : memref<!tpu.dma_semaphore, #tpu.memory_space<semaphore_mem>>) {add = true}
    %dma_start3A_2978 = arith.constant 6 : i32
    %dma_start3A_2979 = arith.constant 6 : i32
    %dma_start3A_2980 = arith.constant 0 : i32
    %dma_start3A_2981 = tpu.memref_slice %arg9[%dma_start3A_2978, %dma_start3A_2980] : memref<8x128xf32, #tpu.memory_space<vmem>> -> memref<1x128xf32, #tpu.memory_space<vmem>>
    %dma_start3A_2982 = tpu.memref_squeeze %dma_start3A_2981 : memref<1x128xf32, #tpu.memory_space<vmem>> -> memref<128xf32, #tpu.memory_space<vmem>>
    %dma_start3A_2983 = arith.constant 0 : i32
    %dma_start3A_2984 = tpu.memref_slice %arg6[%dma_start3A_2979, %dma_start3A_2983] : memref<8x128xi32, #tpu.memory_space<vmem>> -> memref<1x128xi32, #tpu.memory_space<vmem>>
    %dma_start3A_2985 = tpu.memref_squeeze %dma_start3A_2984 : memref<1x128xi32, #tpu.memory_space<vmem>> -> memref<128xi32, #tpu.memory_space<vmem>>
    %dma_start3A_2986 = arith.constant 0 : i32
    %dma_start3A_2987 = tpu.memref_slice %arg15[%dma_start3A_2986] : memref<1024xf32, #tpu.memory_space<vmem_shared>> -> memref<1024xf32, #tpu.memory_space<vmem_shared>>
    tpu.enqueue_indirect_dma source(%dma_start3A_2982 : memref<128xf32, #tpu.memory_space<vmem>>) target(%dma_start3A_2987 : memref<1024xf32, #tpu.memory_space<vmem_shared>>) offsets(%dma_start3A_2985 : memref<128xi32, #tpu.memory_space<vmem>>) semaphore(%arg18 : memref<!tpu.dma_semaphore, #tpu.memory_space<semaphore_mem>>) {add = true}
    %dma_start3A_2988 = arith.constant 7 : i32
    %dma_start3A_2989 = arith.constant 7 : i32
    %dma_start3A_2990 = arith.constant 0 : i32
    %dma_start3A_2991 = tpu.memref_slice %arg9[%dma_start3A_2988, %dma_start3A_2990] : memref<8x128xf32, #tpu.memory_space<vmem>> -> memref<1x128xf32, #tpu.memory_space<vmem>>
    %dma_start3A_2992 = tpu.memref_squeeze %dma_start3A_2991 : memref<1x128xf32, #tpu.memory_space<vmem>> -> memref<128xf32, #tpu.memory_space<vmem>>
    %dma_start3A_2993 = arith.constant 0 : i32
    %dma_start3A_2994 = tpu.memref_slice %arg6[%dma_start3A_2989, %dma_start3A_2993] : memref<8x128xi32, #tpu.memory_space<vmem>> -> memref<1x128xi32, #tpu.memory_space<vmem>>
    %dma_start3A_2995 = tpu.memref_squeeze %dma_start3A_2994 : memref<1x128xi32, #tpu.memory_space<vmem>> -> memref<128xi32, #tpu.memory_space<vmem>>
    %dma_start3A_2996 = arith.constant 0 : i32
    %dma_start3A_2997 = tpu.memref_slice %arg15[%dma_start3A_2996] : memref<1024xf32, #tpu.memory_space<vmem_shared>> -> memref<1024xf32, #tpu.memory_space<vmem_shared>>
    tpu.enqueue_indirect_dma source(%dma_start3A_2992 : memref<128xf32, #tpu.memory_space<vmem>>) target(%dma_start3A_2997 : memref<1024xf32, #tpu.memory_space<vmem_shared>>) offsets(%dma_start3A_2995 : memref<128xi32, #tpu.memory_space<vmem>>) semaphore(%arg18 : memref<!tpu.dma_semaphore, #tpu.memory_space<semaphore_mem>>) {add = true}
    %dma_wait3A = arith.constant 0 : i32
    %dma_wait3A_2998 = arith.constant 0 : i32
    %dma_wait3A_2999 = arith.constant 0 : i32
    %dma_wait3A_3000 = arith.constant 0 : i32
    %dma_wait3A_3001 = tpu.memref_slice %arg8[%dma_wait3A_2998, %dma_wait3A_3000] : memref<8x128xf32, #tpu.memory_space<vmem>> -> memref<1x128xf32, #tpu.memory_space<vmem>>
    %dma_wait3A_3002 = tpu.memref_squeeze %dma_wait3A_3001 : memref<1x128xf32, #tpu.memory_space<vmem>> -> memref<128xf32, #tpu.memory_space<vmem>>
    %dma_wait3A_3003 = arith.constant 0 : i32
    %dma_wait3A_3004 = tpu.memref_slice %arg7[%dma_wait3A, %dma_wait3A_3003] : memref<8x128xi32, #tpu.memory_space<vmem>> -> memref<1x128xi32, #tpu.memory_space<vmem>>
    %dma_wait3A_3005 = tpu.memref_squeeze %dma_wait3A_3004 : memref<1x128xi32, #tpu.memory_space<vmem>> -> memref<128xi32, #tpu.memory_space<vmem>>
    %dma_wait3A_3006 = arith.constant 0 : i32
    %dma_wait3A_3007 = tpu.memref_slice %arg2[%dma_wait3A_3006] : memref<16384000xf32, #tpu.memory_space<hbm>> -> memref<16384000xf32, #tpu.memory_space<hbm>>
    %dma_wait3A_3008 = tpu.memref_slice %arg17[%dma_wait3A_2999] : memref<8x!tpu.dma_semaphore, #tpu.memory_space<semaphore_mem>> -> memref<1x!tpu.dma_semaphore, #tpu.memory_space<semaphore_mem>>
    %dma_wait3A_3009 = tpu.memref_squeeze %dma_wait3A_3008 : memref<1x!tpu.dma_semaphore, #tpu.memory_space<semaphore_mem>> -> memref<!tpu.dma_semaphore, #tpu.memory_space<semaphore_mem>>
    tpu.wait_indirect_dma semaphore(%dma_wait3A_3009 : memref<!tpu.dma_semaphore, #tpu.memory_space<semaphore_mem>>) src(%dma_wait3A_3007 : memref<16384000xf32, #tpu.memory_space<hbm>>) dst(%dma_wait3A_3002 : memref<128xf32, #tpu.memory_space<vmem>>)
    %dma_start3A_3010 = arith.constant 0 : i32
    %dma_start3A_3011 = arith.constant 0 : i32
    %dma_start3A_3012 = arith.constant 0 : i32
    %dma_start3A_3013 = tpu.memref_slice %arg8[%dma_start3A_3010, %dma_start3A_3012] : memref<8x128xf32, #tpu.memory_space<vmem>> -> memref<1x128xf32, #tpu.memory_space<vmem>>
    %dma_start3A_3014 = tpu.memref_squeeze %dma_start3A_3013 : memref<1x128xf32, #tpu.memory_space<vmem>> -> memref<128xf32, #tpu.memory_space<vmem>>
    %dma_start3A_3015 = arith.constant 0 : i32
    %dma_start3A_3016 = tpu.memref_slice %arg6[%dma_start3A_3011, %dma_start3A_3015] : memref<8x128xi32, #tpu.memory_space<vmem>> -> memref<1x128xi32, #tpu.memory_space<vmem>>
    %dma_start3A_3017 = tpu.memref_squeeze %dma_start3A_3016 : memref<1x128xi32, #tpu.memory_space<vmem>> -> memref<128xi32, #tpu.memory_space<vmem>>
    %dma_start3A_3018 = arith.constant 0 : i32
    %dma_start3A_3019 = tpu.memref_slice %arg16[%dma_start3A_3018] : memref<1024xf32, #tpu.memory_space<vmem_shared>> -> memref<1024xf32, #tpu.memory_space<vmem_shared>>
    tpu.enqueue_indirect_dma source(%dma_start3A_3014 : memref<128xf32, #tpu.memory_space<vmem>>) target(%dma_start3A_3019 : memref<1024xf32, #tpu.memory_space<vmem_shared>>) offsets(%dma_start3A_3017 : memref<128xi32, #tpu.memory_space<vmem>>) semaphore(%arg18 : memref<!tpu.dma_semaphore, #tpu.memory_space<semaphore_mem>>) {add = true}
    %dma_wait3A_3020 = arith.constant 1 : i32
    %dma_wait3A_3021 = arith.constant 1 : i32
    %dma_wait3A_3022 = arith.constant 1 : i32
    %dma_wait3A_3023 = arith.constant 0 : i32
    %dma_wait3A_3024 = tpu.memref_slice %arg8[%dma_wait3A_3021, %dma_wait3A_3023] : memref<8x128xf32, #tpu.memory_space<vmem>> -> memref<1x128xf32, #tpu.memory_space<vmem>>
    %dma_wait3A_3025 = tpu.memref_squeeze %dma_wait3A_3024 : memref<1x128xf32, #tpu.memory_space<vmem>> -> memref<128xf32, #tpu.memory_space<vmem>>
    %dma_wait3A_3026 = arith.constant 0 : i32
    %dma_wait3A_3027 = tpu.memref_slice %arg7[%dma_wait3A_3020, %dma_wait3A_3026] : memref<8x128xi32, #tpu.memory_space<vmem>> -> memref<1x128xi32, #tpu.memory_space<vmem>>
    %dma_wait3A_3028 = tpu.memref_squeeze %dma_wait3A_3027 : memref<1x128xi32, #tpu.memory_space<vmem>> -> memref<128xi32, #tpu.memory_space<vmem>>
    %dma_wait3A_3029 = arith.constant 0 : i32
    %dma_wait3A_3030 = tpu.memref_slice %arg2[%dma_wait3A_3029] : memref<16384000xf32, #tpu.memory_space<hbm>> -> memref<16384000xf32, #tpu.memory_space<hbm>>
    %dma_wait3A_3031 = tpu.memref_slice %arg17[%dma_wait3A_3022] : memref<8x!tpu.dma_semaphore, #tpu.memory_space<semaphore_mem>> -> memref<1x!tpu.dma_semaphore, #tpu.memory_space<semaphore_mem>>
    %dma_wait3A_3032 = tpu.memref_squeeze %dma_wait3A_3031 : memref<1x!tpu.dma_semaphore, #tpu.memory_space<semaphore_mem>> -> memref<!tpu.dma_semaphore, #tpu.memory_space<semaphore_mem>>
    tpu.wait_indirect_dma semaphore(%dma_wait3A_3032 : memref<!tpu.dma_semaphore, #tpu.memory_space<semaphore_mem>>) src(%dma_wait3A_3030 : memref<16384000xf32, #tpu.memory_space<hbm>>) dst(%dma_wait3A_3025 : memref<128xf32, #tpu.memory_space<vmem>>)
    %dma_start3A_3033 = arith.constant 1 : i32
    %dma_start3A_3034 = arith.constant 1 : i32
    %dma_start3A_3035 = arith.constant 0 : i32
    %dma_start3A_3036 = tpu.memref_slice %arg8[%dma_start3A_3033, %dma_start3A_3035] : memref<8x128xf32, #tpu.memory_space<vmem>> -> memref<1x128xf32, #tpu.memory_space<vmem>>
    %dma_start3A_3037 = tpu.memref_squeeze %dma_start3A_3036 : memref<1x128xf32, #tpu.memory_space<vmem>> -> memref<128xf32, #tpu.memory_space<vmem>>
    %dma_start3A_3038 = arith.constant 0 : i32
    %dma_start3A_3039 = tpu.memref_slice %arg6[%dma_start3A_3034, %dma_start3A_3038] : memref<8x128xi32, #tpu.memory_space<vmem>> -> memref<1x128xi32, #tpu.memory_space<vmem>>
    %dma_start3A_3040 = tpu.memref_squeeze %dma_start3A_3039 : memref<1x128xi32, #tpu.memory_space<vmem>> -> memref<128xi32, #tpu.memory_space<vmem>>
    %dma_start3A_3041 = arith.constant 0 : i32
    %dma_start3A_3042 = tpu.memref_slice %arg16[%dma_start3A_3041] : memref<1024xf32, #tpu.memory_space<vmem_shared>> -> memref<1024xf32, #tpu.memory_space<vmem_shared>>
    tpu.enqueue_indirect_dma source(%dma_start3A_3037 : memref<128xf32, #tpu.memory_space<vmem>>) target(%dma_start3A_3042 : memref<1024xf32, #tpu.memory_space<vmem_shared>>) offsets(%dma_start3A_3040 : memref<128xi32, #tpu.memory_space<vmem>>) semaphore(%arg18 : memref<!tpu.dma_semaphore, #tpu.memory_space<semaphore_mem>>) {add = true}
    %dma_wait3A_3043 = arith.constant 2 : i32
    %dma_wait3A_3044 = arith.constant 2 : i32
    %dma_wait3A_3045 = arith.constant 2 : i32
    %dma_wait3A_3046 = arith.constant 0 : i32
    %dma_wait3A_3047 = tpu.memref_slice %arg8[%dma_wait3A_3044, %dma_wait3A_3046] : memref<8x128xf32, #tpu.memory_space<vmem>> -> memref<1x128xf32, #tpu.memory_space<vmem>>
    %dma_wait3A_3048 = tpu.memref_squeeze %dma_wait3A_3047 : memref<1x128xf32, #tpu.memory_space<vmem>> -> memref<128xf32, #tpu.memory_space<vmem>>
    %dma_wait3A_3049 = arith.constant 0 : i32
    %dma_wait3A_3050 = tpu.memref_slice %arg7[%dma_wait3A_3043, %dma_wait3A_3049] : memref<8x128xi32, #tpu.memory_space<vmem>> -> memref<1x128xi32, #tpu.memory_space<vmem>>
    %dma_wait3A_3051 = tpu.memref_squeeze %dma_wait3A_3050 : memref<1x128xi32, #tpu.memory_space<vmem>> -> memref<128xi32, #tpu.memory_space<vmem>>
    %dma_wait3A_3052 = arith.constant 0 : i32
    %dma_wait3A_3053 = tpu.memref_slice %arg2[%dma_wait3A_3052] : memref<16384000xf32, #tpu.memory_space<hbm>> -> memref<16384000xf32, #tpu.memory_space<hbm>>
    %dma_wait3A_3054 = tpu.memref_slice %arg17[%dma_wait3A_3045] : memref<8x!tpu.dma_semaphore, #tpu.memory_space<semaphore_mem>> -> memref<1x!tpu.dma_semaphore, #tpu.memory_space<semaphore_mem>>
    %dma_wait3A_3055 = tpu.memref_squeeze %dma_wait3A_3054 : memref<1x!tpu.dma_semaphore, #tpu.memory_space<semaphore_mem>> -> memref<!tpu.dma_semaphore, #tpu.memory_space<semaphore_mem>>
    tpu.wait_indirect_dma semaphore(%dma_wait3A_3055 : memref<!tpu.dma_semaphore, #tpu.memory_space<semaphore_mem>>) src(%dma_wait3A_3053 : memref<16384000xf32, #tpu.memory_space<hbm>>) dst(%dma_wait3A_3048 : memref<128xf32, #tpu.memory_space<vmem>>)
    %dma_start3A_3056 = arith.constant 2 : i32
    %dma_start3A_3057 = arith.constant 2 : i32
    %dma_start3A_3058 = arith.constant 0 : i32
    %dma_start3A_3059 = tpu.memref_slice %arg8[%dma_start3A_3056, %dma_start3A_3058] : memref<8x128xf32, #tpu.memory_space<vmem>> -> memref<1x128xf32, #tpu.memory_space<vmem>>
    %dma_start3A_3060 = tpu.memref_squeeze %dma_start3A_3059 : memref<1x128xf32, #tpu.memory_space<vmem>> -> memref<128xf32, #tpu.memory_space<vmem>>
    %dma_start3A_3061 = arith.constant 0 : i32
    %dma_start3A_3062 = tpu.memref_slice %arg6[%dma_start3A_3057, %dma_start3A_3061] : memref<8x128xi32, #tpu.memory_space<vmem>> -> memref<1x128xi32, #tpu.memory_space<vmem>>
    %dma_start3A_3063 = tpu.memref_squeeze %dma_start3A_3062 : memref<1x128xi32, #tpu.memory_space<vmem>> -> memref<128xi32, #tpu.memory_space<vmem>>
    %dma_start3A_3064 = arith.constant 0 : i32
    %dma_start3A_3065 = tpu.memref_slice %arg16[%dma_start3A_3064] : memref<1024xf32, #tpu.memory_space<vmem_shared>> -> memref<1024xf32, #tpu.memory_space<vmem_shared>>
    tpu.enqueue_indirect_dma source(%dma_start3A_3060 : memref<128xf32, #tpu.memory_space<vmem>>) target(%dma_start3A_3065 : memref<1024xf32, #tpu.memory_space<vmem_shared>>) offsets(%dma_start3A_3063 : memref<128xi32, #tpu.memory_space<vmem>>) semaphore(%arg18 : memref<!tpu.dma_semaphore, #tpu.memory_space<semaphore_mem>>) {add = true}
    %dma_wait3A_3066 = arith.constant 3 : i32
    %dma_wait3A_3067 = arith.constant 3 : i32
    %dma_wait3A_3068 = arith.constant 3 : i32
    %dma_wait3A_3069 = arith.constant 0 : i32
    %dma_wait3A_3070 = tpu.memref_slice %arg8[%dma_wait3A_3067, %dma_wait3A_3069] : memref<8x128xf32, #tpu.memory_space<vmem>> -> memref<1x128xf32, #tpu.memory_space<vmem>>
    %dma_wait3A_3071 = tpu.memref_squeeze %dma_wait3A_3070 : memref<1x128xf32, #tpu.memory_space<vmem>> -> memref<128xf32, #tpu.memory_space<vmem>>
    %dma_wait3A_3072 = arith.constant 0 : i32
    %dma_wait3A_3073 = tpu.memref_slice %arg7[%dma_wait3A_3066, %dma_wait3A_3072] : memref<8x128xi32, #tpu.memory_space<vmem>> -> memref<1x128xi32, #tpu.memory_space<vmem>>
    %dma_wait3A_3074 = tpu.memref_squeeze %dma_wait3A_3073 : memref<1x128xi32, #tpu.memory_space<vmem>> -> memref<128xi32, #tpu.memory_space<vmem>>
    %dma_wait3A_3075 = arith.constant 0 : i32
    %dma_wait3A_3076 = tpu.memref_slice %arg2[%dma_wait3A_3075] : memref<16384000xf32, #tpu.memory_space<hbm>> -> memref<16384000xf32, #tpu.memory_space<hbm>>
    %dma_wait3A_3077 = tpu.memref_slice %arg17[%dma_wait3A_3068] : memref<8x!tpu.dma_semaphore, #tpu.memory_space<semaphore_mem>> -> memref<1x!tpu.dma_semaphore, #tpu.memory_space<semaphore_mem>>
    %dma_wait3A_3078 = tpu.memref_squeeze %dma_wait3A_3077 : memref<1x!tpu.dma_semaphore, #tpu.memory_space<semaphore_mem>> -> memref<!tpu.dma_semaphore, #tpu.memory_space<semaphore_mem>>
    tpu.wait_indirect_dma semaphore(%dma_wait3A_3078 : memref<!tpu.dma_semaphore, #tpu.memory_space<semaphore_mem>>) src(%dma_wait3A_3076 : memref<16384000xf32, #tpu.memory_space<hbm>>) dst(%dma_wait3A_3071 : memref<128xf32, #tpu.memory_space<vmem>>)
    %dma_start3A_3079 = arith.constant 3 : i32
    %dma_start3A_3080 = arith.constant 3 : i32
    %dma_start3A_3081 = arith.constant 0 : i32
    %dma_start3A_3082 = tpu.memref_slice %arg8[%dma_start3A_3079, %dma_start3A_3081] : memref<8x128xf32, #tpu.memory_space<vmem>> -> memref<1x128xf32, #tpu.memory_space<vmem>>
    %dma_start3A_3083 = tpu.memref_squeeze %dma_start3A_3082 : memref<1x128xf32, #tpu.memory_space<vmem>> -> memref<128xf32, #tpu.memory_space<vmem>>
    %dma_start3A_3084 = arith.constant 0 : i32
    %dma_start3A_3085 = tpu.memref_slice %arg6[%dma_start3A_3080, %dma_start3A_3084] : memref<8x128xi32, #tpu.memory_space<vmem>> -> memref<1x128xi32, #tpu.memory_space<vmem>>
    %dma_start3A_3086 = tpu.memref_squeeze %dma_start3A_3085 : memref<1x128xi32, #tpu.memory_space<vmem>> -> memref<128xi32, #tpu.memory_space<vmem>>
    %dma_start3A_3087 = arith.constant 0 : i32
    %dma_start3A_3088 = tpu.memref_slice %arg16[%dma_start3A_3087] : memref<1024xf32, #tpu.memory_space<vmem_shared>> -> memref<1024xf32, #tpu.memory_space<vmem_shared>>
    tpu.enqueue_indirect_dma source(%dma_start3A_3083 : memref<128xf32, #tpu.memory_space<vmem>>) target(%dma_start3A_3088 : memref<1024xf32, #tpu.memory_space<vmem_shared>>) offsets(%dma_start3A_3086 : memref<128xi32, #tpu.memory_space<vmem>>) semaphore(%arg18 : memref<!tpu.dma_semaphore, #tpu.memory_space<semaphore_mem>>) {add = true}
    %dma_wait3A_3089 = arith.constant 4 : i32
    %dma_wait3A_3090 = arith.constant 4 : i32
    %dma_wait3A_3091 = arith.constant 4 : i32
    %dma_wait3A_3092 = arith.constant 0 : i32
    %dma_wait3A_3093 = tpu.memref_slice %arg8[%dma_wait3A_3090, %dma_wait3A_3092] : memref<8x128xf32, #tpu.memory_space<vmem>> -> memref<1x128xf32, #tpu.memory_space<vmem>>
    %dma_wait3A_3094 = tpu.memref_squeeze %dma_wait3A_3093 : memref<1x128xf32, #tpu.memory_space<vmem>> -> memref<128xf32, #tpu.memory_space<vmem>>
    %dma_wait3A_3095 = arith.constant 0 : i32
    %dma_wait3A_3096 = tpu.memref_slice %arg7[%dma_wait3A_3089, %dma_wait3A_3095] : memref<8x128xi32, #tpu.memory_space<vmem>> -> memref<1x128xi32, #tpu.memory_space<vmem>>
    %dma_wait3A_3097 = tpu.memref_squeeze %dma_wait3A_3096 : memref<1x128xi32, #tpu.memory_space<vmem>> -> memref<128xi32, #tpu.memory_space<vmem>>
    %dma_wait3A_3098 = arith.constant 0 : i32
    %dma_wait3A_3099 = tpu.memref_slice %arg2[%dma_wait3A_3098] : memref<16384000xf32, #tpu.memory_space<hbm>> -> memref<16384000xf32, #tpu.memory_space<hbm>>
    %dma_wait3A_3100 = tpu.memref_slice %arg17[%dma_wait3A_3091] : memref<8x!tpu.dma_semaphore, #tpu.memory_space<semaphore_mem>> -> memref<1x!tpu.dma_semaphore, #tpu.memory_space<semaphore_mem>>
    %dma_wait3A_3101 = tpu.memref_squeeze %dma_wait3A_3100 : memref<1x!tpu.dma_semaphore, #tpu.memory_space<semaphore_mem>> -> memref<!tpu.dma_semaphore, #tpu.memory_space<semaphore_mem>>
    tpu.wait_indirect_dma semaphore(%dma_wait3A_3101 : memref<!tpu.dma_semaphore, #tpu.memory_space<semaphore_mem>>) src(%dma_wait3A_3099 : memref<16384000xf32, #tpu.memory_space<hbm>>) dst(%dma_wait3A_3094 : memref<128xf32, #tpu.memory_space<vmem>>)
    %dma_start3A_3102 = arith.constant 4 : i32
    %dma_start3A_3103 = arith.constant 4 : i32
    %dma_start3A_3104 = arith.constant 0 : i32
    %dma_start3A_3105 = tpu.memref_slice %arg8[%dma_start3A_3102, %dma_start3A_3104] : memref<8x128xf32, #tpu.memory_space<vmem>> -> memref<1x128xf32, #tpu.memory_space<vmem>>
    %dma_start3A_3106 = tpu.memref_squeeze %dma_start3A_3105 : memref<1x128xf32, #tpu.memory_space<vmem>> -> memref<128xf32, #tpu.memory_space<vmem>>
    %dma_start3A_3107 = arith.constant 0 : i32
    %dma_start3A_3108 = tpu.memref_slice %arg6[%dma_start3A_3103, %dma_start3A_3107] : memref<8x128xi32, #tpu.memory_space<vmem>> -> memref<1x128xi32, #tpu.memory_space<vmem>>
    %dma_start3A_3109 = tpu.memref_squeeze %dma_start3A_3108 : memref<1x128xi32, #tpu.memory_space<vmem>> -> memref<128xi32, #tpu.memory_space<vmem>>
    %dma_start3A_3110 = arith.constant 0 : i32
    %dma_start3A_3111 = tpu.memref_slice %arg16[%dma_start3A_3110] : memref<1024xf32, #tpu.memory_space<vmem_shared>> -> memref<1024xf32, #tpu.memory_space<vmem_shared>>
    tpu.enqueue_indirect_dma source(%dma_start3A_3106 : memref<128xf32, #tpu.memory_space<vmem>>) target(%dma_start3A_3111 : memref<1024xf32, #tpu.memory_space<vmem_shared>>) offsets(%dma_start3A_3109 : memref<128xi32, #tpu.memory_space<vmem>>) semaphore(%arg18 : memref<!tpu.dma_semaphore, #tpu.memory_space<semaphore_mem>>) {add = true}
    %dma_wait3A_3112 = arith.constant 5 : i32
    %dma_wait3A_3113 = arith.constant 5 : i32
    %dma_wait3A_3114 = arith.constant 5 : i32
    %dma_wait3A_3115 = arith.constant 0 : i32
    %dma_wait3A_3116 = tpu.memref_slice %arg8[%dma_wait3A_3113, %dma_wait3A_3115] : memref<8x128xf32, #tpu.memory_space<vmem>> -> memref<1x128xf32, #tpu.memory_space<vmem>>
    %dma_wait3A_3117 = tpu.memref_squeeze %dma_wait3A_3116 : memref<1x128xf32, #tpu.memory_space<vmem>> -> memref<128xf32, #tpu.memory_space<vmem>>
    %dma_wait3A_3118 = arith.constant 0 : i32
    %dma_wait3A_3119 = tpu.memref_slice %arg7[%dma_wait3A_3112, %dma_wait3A_3118] : memref<8x128xi32, #tpu.memory_space<vmem>> -> memref<1x128xi32, #tpu.memory_space<vmem>>
    %dma_wait3A_3120 = tpu.memref_squeeze %dma_wait3A_3119 : memref<1x128xi32, #tpu.memory_space<vmem>> -> memref<128xi32, #tpu.memory_space<vmem>>
    %dma_wait3A_3121 = arith.constant 0 : i32
    %dma_wait3A_3122 = tpu.memref_slice %arg2[%dma_wait3A_3121] : memref<16384000xf32, #tpu.memory_space<hbm>> -> memref<16384000xf32, #tpu.memory_space<hbm>>
    %dma_wait3A_3123 = tpu.memref_slice %arg17[%dma_wait3A_3114] : memref<8x!tpu.dma_semaphore, #tpu.memory_space<semaphore_mem>> -> memref<1x!tpu.dma_semaphore, #tpu.memory_space<semaphore_mem>>
    %dma_wait3A_3124 = tpu.memref_squeeze %dma_wait3A_3123 : memref<1x!tpu.dma_semaphore, #tpu.memory_space<semaphore_mem>> -> memref<!tpu.dma_semaphore, #tpu.memory_space<semaphore_mem>>
    tpu.wait_indirect_dma semaphore(%dma_wait3A_3124 : memref<!tpu.dma_semaphore, #tpu.memory_space<semaphore_mem>>) src(%dma_wait3A_3122 : memref<16384000xf32, #tpu.memory_space<hbm>>) dst(%dma_wait3A_3117 : memref<128xf32, #tpu.memory_space<vmem>>)
    %dma_start3A_3125 = arith.constant 5 : i32
    %dma_start3A_3126 = arith.constant 5 : i32
    %dma_start3A_3127 = arith.constant 0 : i32
    %dma_start3A_3128 = tpu.memref_slice %arg8[%dma_start3A_3125, %dma_start3A_3127] : memref<8x128xf32, #tpu.memory_space<vmem>> -> memref<1x128xf32, #tpu.memory_space<vmem>>
    %dma_start3A_3129 = tpu.memref_squeeze %dma_start3A_3128 : memref<1x128xf32, #tpu.memory_space<vmem>> -> memref<128xf32, #tpu.memory_space<vmem>>
    %dma_start3A_3130 = arith.constant 0 : i32
    %dma_start3A_3131 = tpu.memref_slice %arg6[%dma_start3A_3126, %dma_start3A_3130] : memref<8x128xi32, #tpu.memory_space<vmem>> -> memref<1x128xi32, #tpu.memory_space<vmem>>
    %dma_start3A_3132 = tpu.memref_squeeze %dma_start3A_3131 : memref<1x128xi32, #tpu.memory_space<vmem>> -> memref<128xi32, #tpu.memory_space<vmem>>
    %dma_start3A_3133 = arith.constant 0 : i32
    %dma_start3A_3134 = tpu.memref_slice %arg16[%dma_start3A_3133] : memref<1024xf32, #tpu.memory_space<vmem_shared>> -> memref<1024xf32, #tpu.memory_space<vmem_shared>>
    tpu.enqueue_indirect_dma source(%dma_start3A_3129 : memref<128xf32, #tpu.memory_space<vmem>>) target(%dma_start3A_3134 : memref<1024xf32, #tpu.memory_space<vmem_shared>>) offsets(%dma_start3A_3132 : memref<128xi32, #tpu.memory_space<vmem>>) semaphore(%arg18 : memref<!tpu.dma_semaphore, #tpu.memory_space<semaphore_mem>>) {add = true}
    %dma_wait3A_3135 = arith.constant 6 : i32
    %dma_wait3A_3136 = arith.constant 6 : i32
    %dma_wait3A_3137 = arith.constant 6 : i32
    %dma_wait3A_3138 = arith.constant 0 : i32
    %dma_wait3A_3139 = tpu.memref_slice %arg8[%dma_wait3A_3136, %dma_wait3A_3138] : memref<8x128xf32, #tpu.memory_space<vmem>> -> memref<1x128xf32, #tpu.memory_space<vmem>>
    %dma_wait3A_3140 = tpu.memref_squeeze %dma_wait3A_3139 : memref<1x128xf32, #tpu.memory_space<vmem>> -> memref<128xf32, #tpu.memory_space<vmem>>
    %dma_wait3A_3141 = arith.constant 0 : i32
    %dma_wait3A_3142 = tpu.memref_slice %arg7[%dma_wait3A_3135, %dma_wait3A_3141] : memref<8x128xi32, #tpu.memory_space<vmem>> -> memref<1x128xi32, #tpu.memory_space<vmem>>
    %dma_wait3A_3143 = tpu.memref_squeeze %dma_wait3A_3142 : memref<1x128xi32, #tpu.memory_space<vmem>> -> memref<128xi32, #tpu.memory_space<vmem>>
    %dma_wait3A_3144 = arith.constant 0 : i32
    %dma_wait3A_3145 = tpu.memref_slice %arg2[%dma_wait3A_3144] : memref<16384000xf32, #tpu.memory_space<hbm>> -> memref<16384000xf32, #tpu.memory_space<hbm>>
    %dma_wait3A_3146 = tpu.memref_slice %arg17[%dma_wait3A_3137] : memref<8x!tpu.dma_semaphore, #tpu.memory_space<semaphore_mem>> -> memref<1x!tpu.dma_semaphore, #tpu.memory_space<semaphore_mem>>
    %dma_wait3A_3147 = tpu.memref_squeeze %dma_wait3A_3146 : memref<1x!tpu.dma_semaphore, #tpu.memory_space<semaphore_mem>> -> memref<!tpu.dma_semaphore, #tpu.memory_space<semaphore_mem>>
    tpu.wait_indirect_dma semaphore(%dma_wait3A_3147 : memref<!tpu.dma_semaphore, #tpu.memory_space<semaphore_mem>>) src(%dma_wait3A_3145 : memref<16384000xf32, #tpu.memory_space<hbm>>) dst(%dma_wait3A_3140 : memref<128xf32, #tpu.memory_space<vmem>>)
    %dma_start3A_3148 = arith.constant 6 : i32
    %dma_start3A_3149 = arith.constant 6 : i32
    %dma_start3A_3150 = arith.constant 0 : i32
    %dma_start3A_3151 = tpu.memref_slice %arg8[%dma_start3A_3148, %dma_start3A_3150] : memref<8x128xf32, #tpu.memory_space<vmem>> -> memref<1x128xf32, #tpu.memory_space<vmem>>
    %dma_start3A_3152 = tpu.memref_squeeze %dma_start3A_3151 : memref<1x128xf32, #tpu.memory_space<vmem>> -> memref<128xf32, #tpu.memory_space<vmem>>
    %dma_start3A_3153 = arith.constant 0 : i32
    %dma_start3A_3154 = tpu.memref_slice %arg6[%dma_start3A_3149, %dma_start3A_3153] : memref<8x128xi32, #tpu.memory_space<vmem>> -> memref<1x128xi32, #tpu.memory_space<vmem>>
    %dma_start3A_3155 = tpu.memref_squeeze %dma_start3A_3154 : memref<1x128xi32, #tpu.memory_space<vmem>> -> memref<128xi32, #tpu.memory_space<vmem>>
    %dma_start3A_3156 = arith.constant 0 : i32
    %dma_start3A_3157 = tpu.memref_slice %arg16[%dma_start3A_3156] : memref<1024xf32, #tpu.memory_space<vmem_shared>> -> memref<1024xf32, #tpu.memory_space<vmem_shared>>
    tpu.enqueue_indirect_dma source(%dma_start3A_3152 : memref<128xf32, #tpu.memory_space<vmem>>) target(%dma_start3A_3157 : memref<1024xf32, #tpu.memory_space<vmem_shared>>) offsets(%dma_start3A_3155 : memref<128xi32, #tpu.memory_space<vmem>>) semaphore(%arg18 : memref<!tpu.dma_semaphore, #tpu.memory_space<semaphore_mem>>) {add = true}
    %dma_wait3A_3158 = arith.constant 7 : i32
    %dma_wait3A_3159 = arith.constant 7 : i32
    %dma_wait3A_3160 = arith.constant 7 : i32
    %dma_wait3A_3161 = arith.constant 0 : i32
    %dma_wait3A_3162 = tpu.memref_slice %arg8[%dma_wait3A_3159, %dma_wait3A_3161] : memref<8x128xf32, #tpu.memory_space<vmem>> -> memref<1x128xf32, #tpu.memory_space<vmem>>
    %dma_wait3A_3163 = tpu.memref_squeeze %dma_wait3A_3162 : memref<1x128xf32, #tpu.memory_space<vmem>> -> memref<128xf32, #tpu.memory_space<vmem>>
    %dma_wait3A_3164 = arith.constant 0 : i32
    %dma_wait3A_3165 = tpu.memref_slice %arg7[%dma_wait3A_3158, %dma_wait3A_3164] : memref<8x128xi32, #tpu.memory_space<vmem>> -> memref<1x128xi32, #tpu.memory_space<vmem>>
    %dma_wait3A_3166 = tpu.memref_squeeze %dma_wait3A_3165 : memref<1x128xi32, #tpu.memory_space<vmem>> -> memref<128xi32, #tpu.memory_space<vmem>>
    %dma_wait3A_3167 = arith.constant 0 : i32
    %dma_wait3A_3168 = tpu.memref_slice %arg2[%dma_wait3A_3167] : memref<16384000xf32, #tpu.memory_space<hbm>> -> memref<16384000xf32, #tpu.memory_space<hbm>>
    %dma_wait3A_3169 = tpu.memref_slice %arg17[%dma_wait3A_3160] : memref<8x!tpu.dma_semaphore, #tpu.memory_space<semaphore_mem>> -> memref<1x!tpu.dma_semaphore, #tpu.memory_space<semaphore_mem>>
    %dma_wait3A_3170 = tpu.memref_squeeze %dma_wait3A_3169 : memref<1x!tpu.dma_semaphore, #tpu.memory_space<semaphore_mem>> -> memref<!tpu.dma_semaphore, #tpu.memory_space<semaphore_mem>>
    tpu.wait_indirect_dma semaphore(%dma_wait3A_3170 : memref<!tpu.dma_semaphore, #tpu.memory_space<semaphore_mem>>) src(%dma_wait3A_3168 : memref<16384000xf32, #tpu.memory_space<hbm>>) dst(%dma_wait3A_3163 : memref<128xf32, #tpu.memory_space<vmem>>)
    %dma_start3A_3171 = arith.constant 7 : i32
    %dma_start3A_3172 = arith.constant 7 : i32
    %dma_start3A_3173 = arith.constant 0 : i32
    %dma_start3A_3174 = tpu.memref_slice %arg8[%dma_start3A_3171, %dma_start3A_3173] : memref<8x128xf32, #tpu.memory_space<vmem>> -> memref<1x128xf32, #tpu.memory_space<vmem>>
    %dma_start3A_3175 = tpu.memref_squeeze %dma_start3A_3174 : memref<1x128xf32, #tpu.memory_space<vmem>> -> memref<128xf32, #tpu.memory_space<vmem>>
    %dma_start3A_3176 = arith.constant 0 : i32
    %dma_start3A_3177 = tpu.memref_slice %arg6[%dma_start3A_3172, %dma_start3A_3176] : memref<8x128xi32, #tpu.memory_space<vmem>> -> memref<1x128xi32, #tpu.memory_space<vmem>>
    %dma_start3A_3178 = tpu.memref_squeeze %dma_start3A_3177 : memref<1x128xi32, #tpu.memory_space<vmem>> -> memref<128xi32, #tpu.memory_space<vmem>>
    %dma_start3A_3179 = arith.constant 0 : i32
    %dma_start3A_3180 = tpu.memref_slice %arg16[%dma_start3A_3179] : memref<1024xf32, #tpu.memory_space<vmem_shared>> -> memref<1024xf32, #tpu.memory_space<vmem_shared>>
    tpu.enqueue_indirect_dma source(%dma_start3A_3175 : memref<128xf32, #tpu.memory_space<vmem>>) target(%dma_start3A_3180 : memref<1024xf32, #tpu.memory_space<vmem_shared>>) offsets(%dma_start3A_3178 : memref<128xi32, #tpu.memory_space<vmem>>) semaphore(%arg18 : memref<!tpu.dma_semaphore, #tpu.memory_space<semaphore_mem>>) {add = true}
    %dma_wait3A_3181 = arith.constant 0 : i32
    %dma_wait3A_3182 = arith.constant 0 : i32
    %dma_wait3A_3183 = arith.constant 0 : i32
    %dma_wait3A_3184 = tpu.memref_slice %arg9[%dma_wait3A_3181, %dma_wait3A_3183] : memref<8x128xf32, #tpu.memory_space<vmem>> -> memref<1x128xf32, #tpu.memory_space<vmem>>
    %dma_wait3A_3185 = tpu.memref_squeeze %dma_wait3A_3184 : memref<1x128xf32, #tpu.memory_space<vmem>> -> memref<128xf32, #tpu.memory_space<vmem>>
    %dma_wait3A_3186 = arith.constant 0 : i32
    %dma_wait3A_3187 = tpu.memref_slice %arg6[%dma_wait3A_3182, %dma_wait3A_3186] : memref<8x128xi32, #tpu.memory_space<vmem>> -> memref<1x128xi32, #tpu.memory_space<vmem>>
    %dma_wait3A_3188 = tpu.memref_squeeze %dma_wait3A_3187 : memref<1x128xi32, #tpu.memory_space<vmem>> -> memref<128xi32, #tpu.memory_space<vmem>>
    %dma_wait3A_3189 = arith.constant 0 : i32
    %dma_wait3A_3190 = tpu.memref_slice %arg15[%dma_wait3A_3189] : memref<1024xf32, #tpu.memory_space<vmem_shared>> -> memref<1024xf32, #tpu.memory_space<vmem_shared>>
    tpu.wait_indirect_dma semaphore(%arg18 : memref<!tpu.dma_semaphore, #tpu.memory_space<semaphore_mem>>) src(%dma_wait3A_3185 : memref<128xf32, #tpu.memory_space<vmem>>) dst(%dma_wait3A_3190 : memref<1024xf32, #tpu.memory_space<vmem_shared>>)
    %dma_wait3A_3191 = arith.constant 1 : i32
    %dma_wait3A_3192 = arith.constant 1 : i32
    %dma_wait3A_3193 = arith.constant 0 : i32
    %dma_wait3A_3194 = tpu.memref_slice %arg9[%dma_wait3A_3191, %dma_wait3A_3193] : memref<8x128xf32, #tpu.memory_space<vmem>> -> memref<1x128xf32, #tpu.memory_space<vmem>>
    %dma_wait3A_3195 = tpu.memref_squeeze %dma_wait3A_3194 : memref<1x128xf32, #tpu.memory_space<vmem>> -> memref<128xf32, #tpu.memory_space<vmem>>
    %dma_wait3A_3196 = arith.constant 0 : i32
    %dma_wait3A_3197 = tpu.memref_slice %arg6[%dma_wait3A_3192, %dma_wait3A_3196] : memref<8x128xi32, #tpu.memory_space<vmem>> -> memref<1x128xi32, #tpu.memory_space<vmem>>
    %dma_wait3A_3198 = tpu.memref_squeeze %dma_wait3A_3197 : memref<1x128xi32, #tpu.memory_space<vmem>> -> memref<128xi32, #tpu.memory_space<vmem>>
    %dma_wait3A_3199 = arith.constant 0 : i32
    %dma_wait3A_3200 = tpu.memref_slice %arg15[%dma_wait3A_3199] : memref<1024xf32, #tpu.memory_space<vmem_shared>> -> memref<1024xf32, #tpu.memory_space<vmem_shared>>
    tpu.wait_indirect_dma semaphore(%arg18 : memref<!tpu.dma_semaphore, #tpu.memory_space<semaphore_mem>>) src(%dma_wait3A_3195 : memref<128xf32, #tpu.memory_space<vmem>>) dst(%dma_wait3A_3200 : memref<1024xf32, #tpu.memory_space<vmem_shared>>)
    %dma_wait3A_3201 = arith.constant 2 : i32
    %dma_wait3A_3202 = arith.constant 2 : i32
    %dma_wait3A_3203 = arith.constant 0 : i32
    %dma_wait3A_3204 = tpu.memref_slice %arg9[%dma_wait3A_3201, %dma_wait3A_3203] : memref<8x128xf32, #tpu.memory_space<vmem>> -> memref<1x128xf32, #tpu.memory_space<vmem>>
    %dma_wait3A_3205 = tpu.memref_squeeze %dma_wait3A_3204 : memref<1x128xf32, #tpu.memory_space<vmem>> -> memref<128xf32, #tpu.memory_space<vmem>>
    %dma_wait3A_3206 = arith.constant 0 : i32
    %dma_wait3A_3207 = tpu.memref_slice %arg6[%dma_wait3A_3202, %dma_wait3A_3206] : memref<8x128xi32, #tpu.memory_space<vmem>> -> memref<1x128xi32, #tpu.memory_space<vmem>>
    %dma_wait3A_3208 = tpu.memref_squeeze %dma_wait3A_3207 : memref<1x128xi32, #tpu.memory_space<vmem>> -> memref<128xi32, #tpu.memory_space<vmem>>
    %dma_wait3A_3209 = arith.constant 0 : i32
    %dma_wait3A_3210 = tpu.memref_slice %arg15[%dma_wait3A_3209] : memref<1024xf32, #tpu.memory_space<vmem_shared>> -> memref<1024xf32, #tpu.memory_space<vmem_shared>>
    tpu.wait_indirect_dma semaphore(%arg18 : memref<!tpu.dma_semaphore, #tpu.memory_space<semaphore_mem>>) src(%dma_wait3A_3205 : memref<128xf32, #tpu.memory_space<vmem>>) dst(%dma_wait3A_3210 : memref<1024xf32, #tpu.memory_space<vmem_shared>>)
    %dma_wait3A_3211 = arith.constant 3 : i32
    %dma_wait3A_3212 = arith.constant 3 : i32
    %dma_wait3A_3213 = arith.constant 0 : i32
    %dma_wait3A_3214 = tpu.memref_slice %arg9[%dma_wait3A_3211, %dma_wait3A_3213] : memref<8x128xf32, #tpu.memory_space<vmem>> -> memref<1x128xf32, #tpu.memory_space<vmem>>
    %dma_wait3A_3215 = tpu.memref_squeeze %dma_wait3A_3214 : memref<1x128xf32, #tpu.memory_space<vmem>> -> memref<128xf32, #tpu.memory_space<vmem>>
    %dma_wait3A_3216 = arith.constant 0 : i32
    %dma_wait3A_3217 = tpu.memref_slice %arg6[%dma_wait3A_3212, %dma_wait3A_3216] : memref<8x128xi32, #tpu.memory_space<vmem>> -> memref<1x128xi32, #tpu.memory_space<vmem>>
    %dma_wait3A_3218 = tpu.memref_squeeze %dma_wait3A_3217 : memref<1x128xi32, #tpu.memory_space<vmem>> -> memref<128xi32, #tpu.memory_space<vmem>>
    %dma_wait3A_3219 = arith.constant 0 : i32
    %dma_wait3A_3220 = tpu.memref_slice %arg15[%dma_wait3A_3219] : memref<1024xf32, #tpu.memory_space<vmem_shared>> -> memref<1024xf32, #tpu.memory_space<vmem_shared>>
    tpu.wait_indirect_dma semaphore(%arg18 : memref<!tpu.dma_semaphore, #tpu.memory_space<semaphore_mem>>) src(%dma_wait3A_3215 : memref<128xf32, #tpu.memory_space<vmem>>) dst(%dma_wait3A_3220 : memref<1024xf32, #tpu.memory_space<vmem_shared>>)
    %dma_wait3A_3221 = arith.constant 4 : i32
    %dma_wait3A_3222 = arith.constant 4 : i32
    %dma_wait3A_3223 = arith.constant 0 : i32
    %dma_wait3A_3224 = tpu.memref_slice %arg9[%dma_wait3A_3221, %dma_wait3A_3223] : memref<8x128xf32, #tpu.memory_space<vmem>> -> memref<1x128xf32, #tpu.memory_space<vmem>>
    %dma_wait3A_3225 = tpu.memref_squeeze %dma_wait3A_3224 : memref<1x128xf32, #tpu.memory_space<vmem>> -> memref<128xf32, #tpu.memory_space<vmem>>
    %dma_wait3A_3226 = arith.constant 0 : i32
    %dma_wait3A_3227 = tpu.memref_slice %arg6[%dma_wait3A_3222, %dma_wait3A_3226] : memref<8x128xi32, #tpu.memory_space<vmem>> -> memref<1x128xi32, #tpu.memory_space<vmem>>
    %dma_wait3A_3228 = tpu.memref_squeeze %dma_wait3A_3227 : memref<1x128xi32, #tpu.memory_space<vmem>> -> memref<128xi32, #tpu.memory_space<vmem>>
    %dma_wait3A_3229 = arith.constant 0 : i32
    %dma_wait3A_3230 = tpu.memref_slice %arg15[%dma_wait3A_3229] : memref<1024xf32, #tpu.memory_space<vmem_shared>> -> memref<1024xf32, #tpu.memory_space<vmem_shared>>
    tpu.wait_indirect_dma semaphore(%arg18 : memref<!tpu.dma_semaphore, #tpu.memory_space<semaphore_mem>>) src(%dma_wait3A_3225 : memref<128xf32, #tpu.memory_space<vmem>>) dst(%dma_wait3A_3230 : memref<1024xf32, #tpu.memory_space<vmem_shared>>)
    %dma_wait3A_3231 = arith.constant 5 : i32
    %dma_wait3A_3232 = arith.constant 5 : i32
    %dma_wait3A_3233 = arith.constant 0 : i32
    %dma_wait3A_3234 = tpu.memref_slice %arg9[%dma_wait3A_3231, %dma_wait3A_3233] : memref<8x128xf32, #tpu.memory_space<vmem>> -> memref<1x128xf32, #tpu.memory_space<vmem>>
    %dma_wait3A_3235 = tpu.memref_squeeze %dma_wait3A_3234 : memref<1x128xf32, #tpu.memory_space<vmem>> -> memref<128xf32, #tpu.memory_space<vmem>>
    %dma_wait3A_3236 = arith.constant 0 : i32
    %dma_wait3A_3237 = tpu.memref_slice %arg6[%dma_wait3A_3232, %dma_wait3A_3236] : memref<8x128xi32, #tpu.memory_space<vmem>> -> memref<1x128xi32, #tpu.memory_space<vmem>>
    %dma_wait3A_3238 = tpu.memref_squeeze %dma_wait3A_3237 : memref<1x128xi32, #tpu.memory_space<vmem>> -> memref<128xi32, #tpu.memory_space<vmem>>
    %dma_wait3A_3239 = arith.constant 0 : i32
    %dma_wait3A_3240 = tpu.memref_slice %arg15[%dma_wait3A_3239] : memref<1024xf32, #tpu.memory_space<vmem_shared>> -> memref<1024xf32, #tpu.memory_space<vmem_shared>>
    tpu.wait_indirect_dma semaphore(%arg18 : memref<!tpu.dma_semaphore, #tpu.memory_space<semaphore_mem>>) src(%dma_wait3A_3235 : memref<128xf32, #tpu.memory_space<vmem>>) dst(%dma_wait3A_3240 : memref<1024xf32, #tpu.memory_space<vmem_shared>>)
    %dma_wait3A_3241 = arith.constant 6 : i32
    %dma_wait3A_3242 = arith.constant 6 : i32
    %dma_wait3A_3243 = arith.constant 0 : i32
    %dma_wait3A_3244 = tpu.memref_slice %arg9[%dma_wait3A_3241, %dma_wait3A_3243] : memref<8x128xf32, #tpu.memory_space<vmem>> -> memref<1x128xf32, #tpu.memory_space<vmem>>
    %dma_wait3A_3245 = tpu.memref_squeeze %dma_wait3A_3244 : memref<1x128xf32, #tpu.memory_space<vmem>> -> memref<128xf32, #tpu.memory_space<vmem>>
    %dma_wait3A_3246 = arith.constant 0 : i32
    %dma_wait3A_3247 = tpu.memref_slice %arg6[%dma_wait3A_3242, %dma_wait3A_3246] : memref<8x128xi32, #tpu.memory_space<vmem>> -> memref<1x128xi32, #tpu.memory_space<vmem>>
    %dma_wait3A_3248 = tpu.memref_squeeze %dma_wait3A_3247 : memref<1x128xi32, #tpu.memory_space<vmem>> -> memref<128xi32, #tpu.memory_space<vmem>>
    %dma_wait3A_3249 = arith.constant 0 : i32
    %dma_wait3A_3250 = tpu.memref_slice %arg15[%dma_wait3A_3249] : memref<1024xf32, #tpu.memory_space<vmem_shared>> -> memref<1024xf32, #tpu.memory_space<vmem_shared>>
    tpu.wait_indirect_dma semaphore(%arg18 : memref<!tpu.dma_semaphore, #tpu.memory_space<semaphore_mem>>) src(%dma_wait3A_3245 : memref<128xf32, #tpu.memory_space<vmem>>) dst(%dma_wait3A_3250 : memref<1024xf32, #tpu.memory_space<vmem_shared>>)
    %dma_wait3A_3251 = arith.constant 7 : i32
    %dma_wait3A_3252 = arith.constant 7 : i32
    %dma_wait3A_3253 = arith.constant 0 : i32
    %dma_wait3A_3254 = tpu.memref_slice %arg9[%dma_wait3A_3251, %dma_wait3A_3253] : memref<8x128xf32, #tpu.memory_space<vmem>> -> memref<1x128xf32, #tpu.memory_space<vmem>>
    %dma_wait3A_3255 = tpu.memref_squeeze %dma_wait3A_3254 : memref<1x128xf32, #tpu.memory_space<vmem>> -> memref<128xf32, #tpu.memory_space<vmem>>
    %dma_wait3A_3256 = arith.constant 0 : i32
    %dma_wait3A_3257 = tpu.memref_slice %arg6[%dma_wait3A_3252, %dma_wait3A_3256] : memref<8x128xi32, #tpu.memory_space<vmem>> -> memref<1x128xi32, #tpu.memory_space<vmem>>
    %dma_wait3A_3258 = tpu.memref_squeeze %dma_wait3A_3257 : memref<1x128xi32, #tpu.memory_space<vmem>> -> memref<128xi32, #tpu.memory_space<vmem>>
    %dma_wait3A_3259 = arith.constant 0 : i32
    %dma_wait3A_3260 = tpu.memref_slice %arg15[%dma_wait3A_3259] : memref<1024xf32, #tpu.memory_space<vmem_shared>> -> memref<1024xf32, #tpu.memory_space<vmem_shared>>
    tpu.wait_indirect_dma semaphore(%arg18 : memref<!tpu.dma_semaphore, #tpu.memory_space<semaphore_mem>>) src(%dma_wait3A_3255 : memref<128xf32, #tpu.memory_space<vmem>>) dst(%dma_wait3A_3260 : memref<1024xf32, #tpu.memory_space<vmem_shared>>)
    %dma_wait3A_3261 = arith.constant 0 : i32
    %dma_wait3A_3262 = arith.constant 0 : i32
    %dma_wait3A_3263 = arith.constant 0 : i32
    %dma_wait3A_3264 = tpu.memref_slice %arg8[%dma_wait3A_3261, %dma_wait3A_3263] : memref<8x128xf32, #tpu.memory_space<vmem>> -> memref<1x128xf32, #tpu.memory_space<vmem>>
    %dma_wait3A_3265 = tpu.memref_squeeze %dma_wait3A_3264 : memref<1x128xf32, #tpu.memory_space<vmem>> -> memref<128xf32, #tpu.memory_space<vmem>>
    %dma_wait3A_3266 = arith.constant 0 : i32
    %dma_wait3A_3267 = tpu.memref_slice %arg6[%dma_wait3A_3262, %dma_wait3A_3266] : memref<8x128xi32, #tpu.memory_space<vmem>> -> memref<1x128xi32, #tpu.memory_space<vmem>>
    %dma_wait3A_3268 = tpu.memref_squeeze %dma_wait3A_3267 : memref<1x128xi32, #tpu.memory_space<vmem>> -> memref<128xi32, #tpu.memory_space<vmem>>
    %dma_wait3A_3269 = arith.constant 0 : i32
    %dma_wait3A_3270 = tpu.memref_slice %arg16[%dma_wait3A_3269] : memref<1024xf32, #tpu.memory_space<vmem_shared>> -> memref<1024xf32, #tpu.memory_space<vmem_shared>>
    tpu.wait_indirect_dma semaphore(%arg18 : memref<!tpu.dma_semaphore, #tpu.memory_space<semaphore_mem>>) src(%dma_wait3A_3265 : memref<128xf32, #tpu.memory_space<vmem>>) dst(%dma_wait3A_3270 : memref<1024xf32, #tpu.memory_space<vmem_shared>>)
    %dma_wait3A_3271 = arith.constant 1 : i32
    %dma_wait3A_3272 = arith.constant 1 : i32
    %dma_wait3A_3273 = arith.constant 0 : i32
    %dma_wait3A_3274 = tpu.memref_slice %arg8[%dma_wait3A_3271, %dma_wait3A_3273] : memref<8x128xf32, #tpu.memory_space<vmem>> -> memref<1x128xf32, #tpu.memory_space<vmem>>
    %dma_wait3A_3275 = tpu.memref_squeeze %dma_wait3A_3274 : memref<1x128xf32, #tpu.memory_space<vmem>> -> memref<128xf32, #tpu.memory_space<vmem>>
    %dma_wait3A_3276 = arith.constant 0 : i32
    %dma_wait3A_3277 = tpu.memref_slice %arg6[%dma_wait3A_3272, %dma_wait3A_3276] : memref<8x128xi32, #tpu.memory_space<vmem>> -> memref<1x128xi32, #tpu.memory_space<vmem>>
    %dma_wait3A_3278 = tpu.memref_squeeze %dma_wait3A_3277 : memref<1x128xi32, #tpu.memory_space<vmem>> -> memref<128xi32, #tpu.memory_space<vmem>>
    %dma_wait3A_3279 = arith.constant 0 : i32
    %dma_wait3A_3280 = tpu.memref_slice %arg16[%dma_wait3A_3279] : memref<1024xf32, #tpu.memory_space<vmem_shared>> -> memref<1024xf32, #tpu.memory_space<vmem_shared>>
    tpu.wait_indirect_dma semaphore(%arg18 : memref<!tpu.dma_semaphore, #tpu.memory_space<semaphore_mem>>) src(%dma_wait3A_3275 : memref<128xf32, #tpu.memory_space<vmem>>) dst(%dma_wait3A_3280 : memref<1024xf32, #tpu.memory_space<vmem_shared>>)
    %dma_wait3A_3281 = arith.constant 2 : i32
    %dma_wait3A_3282 = arith.constant 2 : i32
    %dma_wait3A_3283 = arith.constant 0 : i32
    %dma_wait3A_3284 = tpu.memref_slice %arg8[%dma_wait3A_3281, %dma_wait3A_3283] : memref<8x128xf32, #tpu.memory_space<vmem>> -> memref<1x128xf32, #tpu.memory_space<vmem>>
    %dma_wait3A_3285 = tpu.memref_squeeze %dma_wait3A_3284 : memref<1x128xf32, #tpu.memory_space<vmem>> -> memref<128xf32, #tpu.memory_space<vmem>>
    %dma_wait3A_3286 = arith.constant 0 : i32
    %dma_wait3A_3287 = tpu.memref_slice %arg6[%dma_wait3A_3282, %dma_wait3A_3286] : memref<8x128xi32, #tpu.memory_space<vmem>> -> memref<1x128xi32, #tpu.memory_space<vmem>>
    %dma_wait3A_3288 = tpu.memref_squeeze %dma_wait3A_3287 : memref<1x128xi32, #tpu.memory_space<vmem>> -> memref<128xi32, #tpu.memory_space<vmem>>
    %dma_wait3A_3289 = arith.constant 0 : i32
    %dma_wait3A_3290 = tpu.memref_slice %arg16[%dma_wait3A_3289] : memref<1024xf32, #tpu.memory_space<vmem_shared>> -> memref<1024xf32, #tpu.memory_space<vmem_shared>>
    tpu.wait_indirect_dma semaphore(%arg18 : memref<!tpu.dma_semaphore, #tpu.memory_space<semaphore_mem>>) src(%dma_wait3A_3285 : memref<128xf32, #tpu.memory_space<vmem>>) dst(%dma_wait3A_3290 : memref<1024xf32, #tpu.memory_space<vmem_shared>>)
    %dma_wait3A_3291 = arith.constant 3 : i32
    %dma_wait3A_3292 = arith.constant 3 : i32
    %dma_wait3A_3293 = arith.constant 0 : i32
    %dma_wait3A_3294 = tpu.memref_slice %arg8[%dma_wait3A_3291, %dma_wait3A_3293] : memref<8x128xf32, #tpu.memory_space<vmem>> -> memref<1x128xf32, #tpu.memory_space<vmem>>
    %dma_wait3A_3295 = tpu.memref_squeeze %dma_wait3A_3294 : memref<1x128xf32, #tpu.memory_space<vmem>> -> memref<128xf32, #tpu.memory_space<vmem>>
    %dma_wait3A_3296 = arith.constant 0 : i32
    %dma_wait3A_3297 = tpu.memref_slice %arg6[%dma_wait3A_3292, %dma_wait3A_3296] : memref<8x128xi32, #tpu.memory_space<vmem>> -> memref<1x128xi32, #tpu.memory_space<vmem>>
    %dma_wait3A_3298 = tpu.memref_squeeze %dma_wait3A_3297 : memref<1x128xi32, #tpu.memory_space<vmem>> -> memref<128xi32, #tpu.memory_space<vmem>>
    %dma_wait3A_3299 = arith.constant 0 : i32
    %dma_wait3A_3300 = tpu.memref_slice %arg16[%dma_wait3A_3299] : memref<1024xf32, #tpu.memory_space<vmem_shared>> -> memref<1024xf32, #tpu.memory_space<vmem_shared>>
    tpu.wait_indirect_dma semaphore(%arg18 : memref<!tpu.dma_semaphore, #tpu.memory_space<semaphore_mem>>) src(%dma_wait3A_3295 : memref<128xf32, #tpu.memory_space<vmem>>) dst(%dma_wait3A_3300 : memref<1024xf32, #tpu.memory_space<vmem_shared>>)
    %dma_wait3A_3301 = arith.constant 4 : i32
    %dma_wait3A_3302 = arith.constant 4 : i32
    %dma_wait3A_3303 = arith.constant 0 : i32
    %dma_wait3A_3304 = tpu.memref_slice %arg8[%dma_wait3A_3301, %dma_wait3A_3303] : memref<8x128xf32, #tpu.memory_space<vmem>> -> memref<1x128xf32, #tpu.memory_space<vmem>>
    %dma_wait3A_3305 = tpu.memref_squeeze %dma_wait3A_3304 : memref<1x128xf32, #tpu.memory_space<vmem>> -> memref<128xf32, #tpu.memory_space<vmem>>
    %dma_wait3A_3306 = arith.constant 0 : i32
    %dma_wait3A_3307 = tpu.memref_slice %arg6[%dma_wait3A_3302, %dma_wait3A_3306] : memref<8x128xi32, #tpu.memory_space<vmem>> -> memref<1x128xi32, #tpu.memory_space<vmem>>
    %dma_wait3A_3308 = tpu.memref_squeeze %dma_wait3A_3307 : memref<1x128xi32, #tpu.memory_space<vmem>> -> memref<128xi32, #tpu.memory_space<vmem>>
    %dma_wait3A_3309 = arith.constant 0 : i32
    %dma_wait3A_3310 = tpu.memref_slice %arg16[%dma_wait3A_3309] : memref<1024xf32, #tpu.memory_space<vmem_shared>> -> memref<1024xf32, #tpu.memory_space<vmem_shared>>
    tpu.wait_indirect_dma semaphore(%arg18 : memref<!tpu.dma_semaphore, #tpu.memory_space<semaphore_mem>>) src(%dma_wait3A_3305 : memref<128xf32, #tpu.memory_space<vmem>>) dst(%dma_wait3A_3310 : memref<1024xf32, #tpu.memory_space<vmem_shared>>)
    %dma_wait3A_3311 = arith.constant 5 : i32
    %dma_wait3A_3312 = arith.constant 5 : i32
    %dma_wait3A_3313 = arith.constant 0 : i32
    %dma_wait3A_3314 = tpu.memref_slice %arg8[%dma_wait3A_3311, %dma_wait3A_3313] : memref<8x128xf32, #tpu.memory_space<vmem>> -> memref<1x128xf32, #tpu.memory_space<vmem>>
    %dma_wait3A_3315 = tpu.memref_squeeze %dma_wait3A_3314 : memref<1x128xf32, #tpu.memory_space<vmem>> -> memref<128xf32, #tpu.memory_space<vmem>>
    %dma_wait3A_3316 = arith.constant 0 : i32
    %dma_wait3A_3317 = tpu.memref_slice %arg6[%dma_wait3A_3312, %dma_wait3A_3316] : memref<8x128xi32, #tpu.memory_space<vmem>> -> memref<1x128xi32, #tpu.memory_space<vmem>>
    %dma_wait3A_3318 = tpu.memref_squeeze %dma_wait3A_3317 : memref<1x128xi32, #tpu.memory_space<vmem>> -> memref<128xi32, #tpu.memory_space<vmem>>
    %dma_wait3A_3319 = arith.constant 0 : i32
    %dma_wait3A_3320 = tpu.memref_slice %arg16[%dma_wait3A_3319] : memref<1024xf32, #tpu.memory_space<vmem_shared>> -> memref<1024xf32, #tpu.memory_space<vmem_shared>>
    tpu.wait_indirect_dma semaphore(%arg18 : memref<!tpu.dma_semaphore, #tpu.memory_space<semaphore_mem>>) src(%dma_wait3A_3315 : memref<128xf32, #tpu.memory_space<vmem>>) dst(%dma_wait3A_3320 : memref<1024xf32, #tpu.memory_space<vmem_shared>>)
    %dma_wait3A_3321 = arith.constant 6 : i32
    %dma_wait3A_3322 = arith.constant 6 : i32
    %dma_wait3A_3323 = arith.constant 0 : i32
    %dma_wait3A_3324 = tpu.memref_slice %arg8[%dma_wait3A_3321, %dma_wait3A_3323] : memref<8x128xf32, #tpu.memory_space<vmem>> -> memref<1x128xf32, #tpu.memory_space<vmem>>
    %dma_wait3A_3325 = tpu.memref_squeeze %dma_wait3A_3324 : memref<1x128xf32, #tpu.memory_space<vmem>> -> memref<128xf32, #tpu.memory_space<vmem>>
    %dma_wait3A_3326 = arith.constant 0 : i32
    %dma_wait3A_3327 = tpu.memref_slice %arg6[%dma_wait3A_3322, %dma_wait3A_3326] : memref<8x128xi32, #tpu.memory_space<vmem>> -> memref<1x128xi32, #tpu.memory_space<vmem>>
    %dma_wait3A_3328 = tpu.memref_squeeze %dma_wait3A_3327 : memref<1x128xi32, #tpu.memory_space<vmem>> -> memref<128xi32, #tpu.memory_space<vmem>>
    %dma_wait3A_3329 = arith.constant 0 : i32
    %dma_wait3A_3330 = tpu.memref_slice %arg16[%dma_wait3A_3329] : memref<1024xf32, #tpu.memory_space<vmem_shared>> -> memref<1024xf32, #tpu.memory_space<vmem_shared>>
    tpu.wait_indirect_dma semaphore(%arg18 : memref<!tpu.dma_semaphore, #tpu.memory_space<semaphore_mem>>) src(%dma_wait3A_3325 : memref<128xf32, #tpu.memory_space<vmem>>) dst(%dma_wait3A_3330 : memref<1024xf32, #tpu.memory_space<vmem_shared>>)
    %dma_wait3A_3331 = arith.constant 7 : i32
    %dma_wait3A_3332 = arith.constant 7 : i32
    %dma_wait3A_3333 = arith.constant 0 : i32
    %dma_wait3A_3334 = tpu.memref_slice %arg8[%dma_wait3A_3331, %dma_wait3A_3333] : memref<8x128xf32, #tpu.memory_space<vmem>> -> memref<1x128xf32, #tpu.memory_space<vmem>>
    %dma_wait3A_3335 = tpu.memref_squeeze %dma_wait3A_3334 : memref<1x128xf32, #tpu.memory_space<vmem>> -> memref<128xf32, #tpu.memory_space<vmem>>
    %dma_wait3A_3336 = arith.constant 0 : i32
    %dma_wait3A_3337 = tpu.memref_slice %arg6[%dma_wait3A_3332, %dma_wait3A_3336] : memref<8x128xi32, #tpu.memory_space<vmem>> -> memref<1x128xi32, #tpu.memory_space<vmem>>
    %dma_wait3A_3338 = tpu.memref_squeeze %dma_wait3A_3337 : memref<1x128xi32, #tpu.memory_space<vmem>> -> memref<128xi32, #tpu.memory_space<vmem>>
    %dma_wait3A_3339 = arith.constant 0 : i32
    %dma_wait3A_3340 = tpu.memref_slice %arg16[%dma_wait3A_3339] : memref<1024xf32, #tpu.memory_space<vmem_shared>> -> memref<1024xf32, #tpu.memory_space<vmem_shared>>
    tpu.wait_indirect_dma semaphore(%arg18 : memref<!tpu.dma_semaphore, #tpu.memory_space<semaphore_mem>>) src(%dma_wait3A_3335 : memref<128xf32, #tpu.memory_space<vmem>>) dst(%dma_wait3A_3340 : memref<1024xf32, #tpu.memory_space<vmem_shared>>)
    %barrier3A_3341 = arith.constant 0 : index
    tpu.barrier barrier_id(%barrier3A_3341)
    %eq3A_3342 = arith.constant 0 : i32
    %eq3A_3343 = arith.cmpi eq, %arg1, %eq3A_3342 : i32
    %convert_element_type3A_3344 = arith.extui %eq3A_3343 : i1 to i32
    %cond3A_3345 = arith.constant 0 : i32
    %cond3A_3346 = arith.cmpi ne, %convert_element_type3A_3344, %cond3A_3345 : i32
    scf.if %cond3A_3346 {
      %dma_start3A_3347 = arith.constant 0 : i32
      %dma_start3A_3348 = tpu.memref_slice %arg17[%dma_start3A_3347] : memref<8x!tpu.dma_semaphore, #tpu.memory_space<semaphore_mem>> -> memref<1x!tpu.dma_semaphore, #tpu.memory_space<semaphore_mem>>
      %dma_start3A_3349 = tpu.memref_squeeze %dma_start3A_3348 : memref<1x!tpu.dma_semaphore, #tpu.memory_space<semaphore_mem>> -> memref<!tpu.dma_semaphore, #tpu.memory_space<semaphore_mem>>
      tpu.enqueue_dma source(%arg15 : memref<1024xf32, #tpu.memory_space<vmem_shared>>) target(%arg11 : memref<1024xf32, #tpu.memory_space<vmem>>) target_semaphore(%dma_start3A_3349 : memref<!tpu.dma_semaphore, #tpu.memory_space<semaphore_mem>>)
      tpu.enqueue_dma source(%arg16 : memref<1024xf32, #tpu.memory_space<vmem_shared>>) target(%arg12 : memref<1024xf32, #tpu.memory_space<vmem>>) target_semaphore(%arg18 : memref<!tpu.dma_semaphore, #tpu.memory_space<semaphore_mem>>)
      %dma_wait3A_3350 = arith.constant 0 : i32
      %dma_wait3A_3351 = tpu.memref_slice %arg17[%dma_wait3A_3350] : memref<8x!tpu.dma_semaphore, #tpu.memory_space<semaphore_mem>> -> memref<1x!tpu.dma_semaphore, #tpu.memory_space<semaphore_mem>>
      %dma_wait3A_3352 = tpu.memref_squeeze %dma_wait3A_3351 : memref<1x!tpu.dma_semaphore, #tpu.memory_space<semaphore_mem>> -> memref<!tpu.dma_semaphore, #tpu.memory_space<semaphore_mem>>
      tpu.wait_dma2 semaphore(%dma_wait3A_3352 : memref<!tpu.dma_semaphore, #tpu.memory_space<semaphore_mem>>) src(%arg15 : memref<1024xf32, #tpu.memory_space<vmem_shared>>) dst(%arg11 : memref<1024xf32, #tpu.memory_space<vmem>>)
      tpu.wait_dma2 semaphore(%arg18 : memref<!tpu.dma_semaphore, #tpu.memory_space<semaphore_mem>>) src(%arg16 : memref<1024xf32, #tpu.memory_space<vmem_shared>>) dst(%arg12 : memref<1024xf32, #tpu.memory_space<vmem>>)
      %get3A_3353 = arith.constant 0 : index
      %get3A_3354 = tpu.vector_load %arg11[%get3A_3353] {strides = array<i32>} : memref<1024xf32, #tpu.memory_space<vmem>>, vector<16xf32>,
      %get3A_3355 = arith.constant 0 : index
      %get3A_3356 = tpu.vector_load %arg12[%get3A_3355] {strides = array<i32>} : memref<1024xf32, #tpu.memory_space<vmem>>, vector<16xf32>,
      %get3A_3357 = arith.constant 0 : index
      %get3A_3358 = tpu.vector_load %arg13[%get3A_3357] {strides = array<i32>} : memref<1024xf32, #tpu.memory_space<vmem>>, vector<16xf32>,
      %add3A_3359 = arith.addf %get3A_3354, %get3A_3358 : vector<16xf32>
      %mul3A_3360 = arith.mulf %add3A_3359, %get3A_3356 : vector<16xf32>
      %add3A_3361 = arith.addf %broadcast_in_dim3A_0, %mul3A_3360 : vector<16xf32>
      %mul3A_3362 = arith.mulf %add3A_3359, %get3A_3354 : vector<16xf32>
      %add3A_3363 = arith.addf %broadcast_in_dim3A_0, %mul3A_3362 : vector<16xf32>
      %get3A_3364 = arith.constant 16 : index
      %get3A_3365 = tpu.vector_load %arg11[%get3A_3364] {strides = array<i32>} : memref<1024xf32, #tpu.memory_space<vmem>>, vector<16xf32>,
      %get3A_3366 = arith.constant 16 : index
      %get3A_3367 = tpu.vector_load %arg12[%get3A_3366] {strides = array<i32>} : memref<1024xf32, #tpu.memory_space<vmem>>, vector<16xf32>,
      %get3A_3368 = arith.constant 16 : index
      %get3A_3369 = tpu.vector_load %arg13[%get3A_3368] {strides = array<i32>} : memref<1024xf32, #tpu.memory_space<vmem>>, vector<16xf32>,
      %add3A_3370 = arith.addf %get3A_3365, %get3A_3369 : vector<16xf32>
      %mul3A_3371 = arith.mulf %add3A_3370, %get3A_3367 : vector<16xf32>
      %add3A_3372 = arith.addf %add3A_3361, %mul3A_3371 : vector<16xf32>
      %mul3A_3373 = arith.mulf %add3A_3370, %get3A_3365 : vector<16xf32>
      %add3A_3374 = arith.addf %add3A_3363, %mul3A_3373 : vector<16xf32>
      %get3A_3375 = arith.constant 32 : index
      %get3A_3376 = tpu.vector_load %arg11[%get3A_3375] {strides = array<i32>} : memref<1024xf32, #tpu.memory_space<vmem>>, vector<16xf32>,
      %get3A_3377 = arith.constant 32 : index
      %get3A_3378 = tpu.vector_load %arg12[%get3A_3377] {strides = array<i32>} : memref<1024xf32, #tpu.memory_space<vmem>>, vector<16xf32>,
      %get3A_3379 = arith.constant 32 : index
      %get3A_3380 = tpu.vector_load %arg13[%get3A_3379] {strides = array<i32>} : memref<1024xf32, #tpu.memory_space<vmem>>, vector<16xf32>,
      %add3A_3381 = arith.addf %get3A_3376, %get3A_3380 : vector<16xf32>
      %mul3A_3382 = arith.mulf %add3A_3381, %get3A_3378 : vector<16xf32>
      %add3A_3383 = arith.addf %add3A_3372, %mul3A_3382 : vector<16xf32>
      %mul3A_3384 = arith.mulf %add3A_3381, %get3A_3376 : vector<16xf32>
      %add3A_3385 = arith.addf %add3A_3374, %mul3A_3384 : vector<16xf32>
      %get3A_3386 = arith.constant 48 : index
      %get3A_3387 = tpu.vector_load %arg11[%get3A_3386] {strides = array<i32>} : memref<1024xf32, #tpu.memory_space<vmem>>, vector<16xf32>,
      %get3A_3388 = arith.constant 48 : index
      %get3A_3389 = tpu.vector_load %arg12[%get3A_3388] {strides = array<i32>} : memref<1024xf32, #tpu.memory_space<vmem>>, vector<16xf32>,
      %get3A_3390 = arith.constant 48 : index
      %get3A_3391 = tpu.vector_load %arg13[%get3A_3390] {strides = array<i32>} : memref<1024xf32, #tpu.memory_space<vmem>>, vector<16xf32>,
      %add3A_3392 = arith.addf %get3A_3387, %get3A_3391 : vector<16xf32>
      %mul3A_3393 = arith.mulf %add3A_3392, %get3A_3389 : vector<16xf32>
      %add3A_3394 = arith.addf %add3A_3383, %mul3A_3393 : vector<16xf32>
      %mul3A_3395 = arith.mulf %add3A_3392, %get3A_3387 : vector<16xf32>
      %add3A_3396 = arith.addf %add3A_3385, %mul3A_3395 : vector<16xf32>
      %get3A_3397 = arith.constant 64 : index
      %get3A_3398 = tpu.vector_load %arg11[%get3A_3397] {strides = array<i32>} : memref<1024xf32, #tpu.memory_space<vmem>>, vector<16xf32>,
      %get3A_3399 = arith.constant 64 : index
      %get3A_3400 = tpu.vector_load %arg12[%get3A_3399] {strides = array<i32>} : memref<1024xf32, #tpu.memory_space<vmem>>, vector<16xf32>,
      %get3A_3401 = arith.constant 64 : index
      %get3A_3402 = tpu.vector_load %arg13[%get3A_3401] {strides = array<i32>} : memref<1024xf32, #tpu.memory_space<vmem>>, vector<16xf32>,
      %add3A_3403 = arith.addf %get3A_3398, %get3A_3402 : vector<16xf32>
      %mul3A_3404 = arith.mulf %add3A_3403, %get3A_3400 : vector<16xf32>
      %add3A_3405 = arith.addf %add3A_3394, %mul3A_3404 : vector<16xf32>
      %mul3A_3406 = arith.mulf %add3A_3403, %get3A_3398 : vector<16xf32>
      %add3A_3407 = arith.addf %add3A_3396, %mul3A_3406 : vector<16xf32>
      %get3A_3408 = arith.constant 80 : index
      %get3A_3409 = tpu.vector_load %arg11[%get3A_3408] {strides = array<i32>} : memref<1024xf32, #tpu.memory_space<vmem>>, vector<16xf32>,
      %get3A_3410 = arith.constant 80 : index
      %get3A_3411 = tpu.vector_load %arg12[%get3A_3410] {strides = array<i32>} : memref<1024xf32, #tpu.memory_space<vmem>>, vector<16xf32>,
      %get3A_3412 = arith.constant 80 : index
      %get3A_3413 = tpu.vector_load %arg13[%get3A_3412] {strides = array<i32>} : memref<1024xf32, #tpu.memory_space<vmem>>, vector<16xf32>,
      %add3A_3414 = arith.addf %get3A_3409, %get3A_3413 : vector<16xf32>
      %mul3A_3415 = arith.mulf %add3A_3414, %get3A_3411 : vector<16xf32>
      %add3A_3416 = arith.addf %add3A_3405, %mul3A_3415 : vector<16xf32>
      %mul3A_3417 = arith.mulf %add3A_3414, %get3A_3409 : vector<16xf32>
      %add3A_3418 = arith.addf %add3A_3407, %mul3A_3417 : vector<16xf32>
      %get3A_3419 = arith.constant 96 : index
      %get3A_3420 = tpu.vector_load %arg11[%get3A_3419] {strides = array<i32>} : memref<1024xf32, #tpu.memory_space<vmem>>, vector<16xf32>,
      %get3A_3421 = arith.constant 96 : index
      %get3A_3422 = tpu.vector_load %arg12[%get3A_3421] {strides = array<i32>} : memref<1024xf32, #tpu.memory_space<vmem>>, vector<16xf32>,
      %get3A_3423 = arith.constant 96 : index
      %get3A_3424 = tpu.vector_load %arg13[%get3A_3423] {strides = array<i32>} : memref<1024xf32, #tpu.memory_space<vmem>>, vector<16xf32>,
      %add3A_3425 = arith.addf %get3A_3420, %get3A_3424 : vector<16xf32>
      %mul3A_3426 = arith.mulf %add3A_3425, %get3A_3422 : vector<16xf32>
      %add3A_3427 = arith.addf %add3A_3416, %mul3A_3426 : vector<16xf32>
      %mul3A_3428 = arith.mulf %add3A_3425, %get3A_3420 : vector<16xf32>
      %add3A_3429 = arith.addf %add3A_3418, %mul3A_3428 : vector<16xf32>
      %get3A_3430 = arith.constant 112 : index
      %get3A_3431 = tpu.vector_load %arg11[%get3A_3430] {strides = array<i32>} : memref<1024xf32, #tpu.memory_space<vmem>>, vector<16xf32>,
      %get3A_3432 = arith.constant 112 : index
      %get3A_3433 = tpu.vector_load %arg12[%get3A_3432] {strides = array<i32>} : memref<1024xf32, #tpu.memory_space<vmem>>, vector<16xf32>,
      %get3A_3434 = arith.constant 112 : index
      %get3A_3435 = tpu.vector_load %arg13[%get3A_3434] {strides = array<i32>} : memref<1024xf32, #tpu.memory_space<vmem>>, vector<16xf32>,
      %add3A_3436 = arith.addf %get3A_3431, %get3A_3435 : vector<16xf32>
      %mul3A_3437 = arith.mulf %add3A_3436, %get3A_3433 : vector<16xf32>
      %add3A_3438 = arith.addf %add3A_3427, %mul3A_3437 : vector<16xf32>
      %mul3A_3439 = arith.mulf %add3A_3436, %get3A_3431 : vector<16xf32>
      %add3A_3440 = arith.addf %add3A_3429, %mul3A_3439 : vector<16xf32>
      %get3A_3441 = arith.constant 128 : index
      %get3A_3442 = tpu.vector_load %arg11[%get3A_3441] {strides = array<i32>} : memref<1024xf32, #tpu.memory_space<vmem>>, vector<16xf32>,
      %get3A_3443 = arith.constant 128 : index
      %get3A_3444 = tpu.vector_load %arg12[%get3A_3443] {strides = array<i32>} : memref<1024xf32, #tpu.memory_space<vmem>>, vector<16xf32>,
      %get3A_3445 = arith.constant 128 : index
      %get3A_3446 = tpu.vector_load %arg13[%get3A_3445] {strides = array<i32>} : memref<1024xf32, #tpu.memory_space<vmem>>, vector<16xf32>,
      %add3A_3447 = arith.addf %get3A_3442, %get3A_3446 : vector<16xf32>
      %mul3A_3448 = arith.mulf %add3A_3447, %get3A_3444 : vector<16xf32>
      %add3A_3449 = arith.addf %add3A_3438, %mul3A_3448 : vector<16xf32>
      %mul3A_3450 = arith.mulf %add3A_3447, %get3A_3442 : vector<16xf32>
      %add3A_3451 = arith.addf %add3A_3440, %mul3A_3450 : vector<16xf32>
      %get3A_3452 = arith.constant 144 : index
      %get3A_3453 = tpu.vector_load %arg11[%get3A_3452] {strides = array<i32>} : memref<1024xf32, #tpu.memory_space<vmem>>, vector<16xf32>,
      %get3A_3454 = arith.constant 144 : index
      %get3A_3455 = tpu.vector_load %arg12[%get3A_3454] {strides = array<i32>} : memref<1024xf32, #tpu.memory_space<vmem>>, vector<16xf32>,
      %get3A_3456 = arith.constant 144 : index
      %get3A_3457 = tpu.vector_load %arg13[%get3A_3456] {strides = array<i32>} : memref<1024xf32, #tpu.memory_space<vmem>>, vector<16xf32>,
      %add3A_3458 = arith.addf %get3A_3453, %get3A_3457 : vector<16xf32>
      %mul3A_3459 = arith.mulf %add3A_3458, %get3A_3455 : vector<16xf32>
      %add3A_3460 = arith.addf %add3A_3449, %mul3A_3459 : vector<16xf32>
      %mul3A_3461 = arith.mulf %add3A_3458, %get3A_3453 : vector<16xf32>
      %add3A_3462 = arith.addf %add3A_3451, %mul3A_3461 : vector<16xf32>
      %get3A_3463 = arith.constant 160 : index
      %get3A_3464 = tpu.vector_load %arg11[%get3A_3463] {strides = array<i32>} : memref<1024xf32, #tpu.memory_space<vmem>>, vector<16xf32>,
      %get3A_3465 = arith.constant 160 : index
      %get3A_3466 = tpu.vector_load %arg12[%get3A_3465] {strides = array<i32>} : memref<1024xf32, #tpu.memory_space<vmem>>, vector<16xf32>,
      %get3A_3467 = arith.constant 160 : index
      %get3A_3468 = tpu.vector_load %arg13[%get3A_3467] {strides = array<i32>} : memref<1024xf32, #tpu.memory_space<vmem>>, vector<16xf32>,
      %add3A_3469 = arith.addf %get3A_3464, %get3A_3468 : vector<16xf32>
      %mul3A_3470 = arith.mulf %add3A_3469, %get3A_3466 : vector<16xf32>
      %add3A_3471 = arith.addf %add3A_3460, %mul3A_3470 : vector<16xf32>
      %mul3A_3472 = arith.mulf %add3A_3469, %get3A_3464 : vector<16xf32>
      %add3A_3473 = arith.addf %add3A_3462, %mul3A_3472 : vector<16xf32>
      %get3A_3474 = arith.constant 176 : index
      %get3A_3475 = tpu.vector_load %arg11[%get3A_3474] {strides = array<i32>} : memref<1024xf32, #tpu.memory_space<vmem>>, vector<16xf32>,
      %get3A_3476 = arith.constant 176 : index
      %get3A_3477 = tpu.vector_load %arg12[%get3A_3476] {strides = array<i32>} : memref<1024xf32, #tpu.memory_space<vmem>>, vector<16xf32>,
      %get3A_3478 = arith.constant 176 : index
      %get3A_3479 = tpu.vector_load %arg13[%get3A_3478] {strides = array<i32>} : memref<1024xf32, #tpu.memory_space<vmem>>, vector<16xf32>,
      %add3A_3480 = arith.addf %get3A_3475, %get3A_3479 : vector<16xf32>
      %mul3A_3481 = arith.mulf %add3A_3480, %get3A_3477 : vector<16xf32>
      %add3A_3482 = arith.addf %add3A_3471, %mul3A_3481 : vector<16xf32>
      %mul3A_3483 = arith.mulf %add3A_3480, %get3A_3475 : vector<16xf32>
      %add3A_3484 = arith.addf %add3A_3473, %mul3A_3483 : vector<16xf32>
      %get3A_3485 = arith.constant 192 : index
      %get3A_3486 = tpu.vector_load %arg11[%get3A_3485] {strides = array<i32>} : memref<1024xf32, #tpu.memory_space<vmem>>, vector<16xf32>,
      %get3A_3487 = arith.constant 192 : index
      %get3A_3488 = tpu.vector_load %arg12[%get3A_3487] {strides = array<i32>} : memref<1024xf32, #tpu.memory_space<vmem>>, vector<16xf32>,
      %get3A_3489 = arith.constant 192 : index
      %get3A_3490 = tpu.vector_load %arg13[%get3A_3489] {strides = array<i32>} : memref<1024xf32, #tpu.memory_space<vmem>>, vector<16xf32>,
      %add3A_3491 = arith.addf %get3A_3486, %get3A_3490 : vector<16xf32>
      %mul3A_3492 = arith.mulf %add3A_3491, %get3A_3488 : vector<16xf32>
      %add3A_3493 = arith.addf %add3A_3482, %mul3A_3492 : vector<16xf32>
      %mul3A_3494 = arith.mulf %add3A_3491, %get3A_3486 : vector<16xf32>
      %add3A_3495 = arith.addf %add3A_3484, %mul3A_3494 : vector<16xf32>
      %get3A_3496 = arith.constant 208 : index
      %get3A_3497 = tpu.vector_load %arg11[%get3A_3496] {strides = array<i32>} : memref<1024xf32, #tpu.memory_space<vmem>>, vector<16xf32>,
      %get3A_3498 = arith.constant 208 : index
      %get3A_3499 = tpu.vector_load %arg12[%get3A_3498] {strides = array<i32>} : memref<1024xf32, #tpu.memory_space<vmem>>, vector<16xf32>,
      %get3A_3500 = arith.constant 208 : index
      %get3A_3501 = tpu.vector_load %arg13[%get3A_3500] {strides = array<i32>} : memref<1024xf32, #tpu.memory_space<vmem>>, vector<16xf32>,
      %add3A_3502 = arith.addf %get3A_3497, %get3A_3501 : vector<16xf32>
      %mul3A_3503 = arith.mulf %add3A_3502, %get3A_3499 : vector<16xf32>
      %add3A_3504 = arith.addf %add3A_3493, %mul3A_3503 : vector<16xf32>
      %mul3A_3505 = arith.mulf %add3A_3502, %get3A_3497 : vector<16xf32>
      %add3A_3506 = arith.addf %add3A_3495, %mul3A_3505 : vector<16xf32>
      %get3A_3507 = arith.constant 224 : index
      %get3A_3508 = tpu.vector_load %arg11[%get3A_3507] {strides = array<i32>} : memref<1024xf32, #tpu.memory_space<vmem>>, vector<16xf32>,
      %get3A_3509 = arith.constant 224 : index
      %get3A_3510 = tpu.vector_load %arg12[%get3A_3509] {strides = array<i32>} : memref<1024xf32, #tpu.memory_space<vmem>>, vector<16xf32>,
      %get3A_3511 = arith.constant 224 : index
      %get3A_3512 = tpu.vector_load %arg13[%get3A_3511] {strides = array<i32>} : memref<1024xf32, #tpu.memory_space<vmem>>, vector<16xf32>,
      %add3A_3513 = arith.addf %get3A_3508, %get3A_3512 : vector<16xf32>
      %mul3A_3514 = arith.mulf %add3A_3513, %get3A_3510 : vector<16xf32>
      %add3A_3515 = arith.addf %add3A_3504, %mul3A_3514 : vector<16xf32>
      %mul3A_3516 = arith.mulf %add3A_3513, %get3A_3508 : vector<16xf32>
      %add3A_3517 = arith.addf %add3A_3506, %mul3A_3516 : vector<16xf32>
      %get3A_3518 = arith.constant 240 : index
      %get3A_3519 = tpu.vector_load %arg11[%get3A_3518] {strides = array<i32>} : memref<1024xf32, #tpu.memory_space<vmem>>, vector<16xf32>,
      %get3A_3520 = arith.constant 240 : index
      %get3A_3521 = tpu.vector_load %arg12[%get3A_3520] {strides = array<i32>} : memref<1024xf32, #tpu.memory_space<vmem>>, vector<16xf32>,
      %get3A_3522 = arith.constant 240 : index
      %get3A_3523 = tpu.vector_load %arg13[%get3A_3522] {strides = array<i32>} : memref<1024xf32, #tpu.memory_space<vmem>>, vector<16xf32>,
      %add3A_3524 = arith.addf %get3A_3519, %get3A_3523 : vector<16xf32>
      %mul3A_3525 = arith.mulf %add3A_3524, %get3A_3521 : vector<16xf32>
      %add3A_3526 = arith.addf %add3A_3515, %mul3A_3525 : vector<16xf32>
      %mul3A_3527 = arith.mulf %add3A_3524, %get3A_3519 : vector<16xf32>
      %add3A_3528 = arith.addf %add3A_3517, %mul3A_3527 : vector<16xf32>
      %get3A_3529 = arith.constant 256 : index
      %get3A_3530 = tpu.vector_load %arg11[%get3A_3529] {strides = array<i32>} : memref<1024xf32, #tpu.memory_space<vmem>>, vector<16xf32>,
      %get3A_3531 = arith.constant 256 : index
      %get3A_3532 = tpu.vector_load %arg12[%get3A_3531] {strides = array<i32>} : memref<1024xf32, #tpu.memory_space<vmem>>, vector<16xf32>,
      %get3A_3533 = arith.constant 256 : index
      %get3A_3534 = tpu.vector_load %arg13[%get3A_3533] {strides = array<i32>} : memref<1024xf32, #tpu.memory_space<vmem>>, vector<16xf32>,
      %add3A_3535 = arith.addf %get3A_3530, %get3A_3534 : vector<16xf32>
      %mul3A_3536 = arith.mulf %add3A_3535, %get3A_3532 : vector<16xf32>
      %add3A_3537 = arith.addf %add3A_3526, %mul3A_3536 : vector<16xf32>
      %mul3A_3538 = arith.mulf %add3A_3535, %get3A_3530 : vector<16xf32>
      %add3A_3539 = arith.addf %add3A_3528, %mul3A_3538 : vector<16xf32>
      %get3A_3540 = arith.constant 272 : index
      %get3A_3541 = tpu.vector_load %arg11[%get3A_3540] {strides = array<i32>} : memref<1024xf32, #tpu.memory_space<vmem>>, vector<16xf32>,
      %get3A_3542 = arith.constant 272 : index
      %get3A_3543 = tpu.vector_load %arg12[%get3A_3542] {strides = array<i32>} : memref<1024xf32, #tpu.memory_space<vmem>>, vector<16xf32>,
      %get3A_3544 = arith.constant 272 : index
      %get3A_3545 = tpu.vector_load %arg13[%get3A_3544] {strides = array<i32>} : memref<1024xf32, #tpu.memory_space<vmem>>, vector<16xf32>,
      %add3A_3546 = arith.addf %get3A_3541, %get3A_3545 : vector<16xf32>
      %mul3A_3547 = arith.mulf %add3A_3546, %get3A_3543 : vector<16xf32>
      %add3A_3548 = arith.addf %add3A_3537, %mul3A_3547 : vector<16xf32>
      %mul3A_3549 = arith.mulf %add3A_3546, %get3A_3541 : vector<16xf32>
      %add3A_3550 = arith.addf %add3A_3539, %mul3A_3549 : vector<16xf32>
      %get3A_3551 = arith.constant 288 : index
      %get3A_3552 = tpu.vector_load %arg11[%get3A_3551] {strides = array<i32>} : memref<1024xf32, #tpu.memory_space<vmem>>, vector<16xf32>,
      %get3A_3553 = arith.constant 288 : index
      %get3A_3554 = tpu.vector_load %arg12[%get3A_3553] {strides = array<i32>} : memref<1024xf32, #tpu.memory_space<vmem>>, vector<16xf32>,
      %get3A_3555 = arith.constant 288 : index
      %get3A_3556 = tpu.vector_load %arg13[%get3A_3555] {strides = array<i32>} : memref<1024xf32, #tpu.memory_space<vmem>>, vector<16xf32>,
      %add3A_3557 = arith.addf %get3A_3552, %get3A_3556 : vector<16xf32>
      %mul3A_3558 = arith.mulf %add3A_3557, %get3A_3554 : vector<16xf32>
      %add3A_3559 = arith.addf %add3A_3548, %mul3A_3558 : vector<16xf32>
      %mul3A_3560 = arith.mulf %add3A_3557, %get3A_3552 : vector<16xf32>
      %add3A_3561 = arith.addf %add3A_3550, %mul3A_3560 : vector<16xf32>
      %get3A_3562 = arith.constant 304 : index
      %get3A_3563 = tpu.vector_load %arg11[%get3A_3562] {strides = array<i32>} : memref<1024xf32, #tpu.memory_space<vmem>>, vector<16xf32>,
      %get3A_3564 = arith.constant 304 : index
      %get3A_3565 = tpu.vector_load %arg12[%get3A_3564] {strides = array<i32>} : memref<1024xf32, #tpu.memory_space<vmem>>, vector<16xf32>,
      %get3A_3566 = arith.constant 304 : index
      %get3A_3567 = tpu.vector_load %arg13[%get3A_3566] {strides = array<i32>} : memref<1024xf32, #tpu.memory_space<vmem>>, vector<16xf32>,
      %add3A_3568 = arith.addf %get3A_3563, %get3A_3567 : vector<16xf32>
      %mul3A_3569 = arith.mulf %add3A_3568, %get3A_3565 : vector<16xf32>
      %add3A_3570 = arith.addf %add3A_3559, %mul3A_3569 : vector<16xf32>
      %mul3A_3571 = arith.mulf %add3A_3568, %get3A_3563 : vector<16xf32>
      %add3A_3572 = arith.addf %add3A_3561, %mul3A_3571 : vector<16xf32>
      %get3A_3573 = arith.constant 320 : index
      %get3A_3574 = tpu.vector_load %arg11[%get3A_3573] {strides = array<i32>} : memref<1024xf32, #tpu.memory_space<vmem>>, vector<16xf32>,
      %get3A_3575 = arith.constant 320 : index
      %get3A_3576 = tpu.vector_load %arg12[%get3A_3575] {strides = array<i32>} : memref<1024xf32, #tpu.memory_space<vmem>>, vector<16xf32>,
      %get3A_3577 = arith.constant 320 : index
      %get3A_3578 = tpu.vector_load %arg13[%get3A_3577] {strides = array<i32>} : memref<1024xf32, #tpu.memory_space<vmem>>, vector<16xf32>,
      %add3A_3579 = arith.addf %get3A_3574, %get3A_3578 : vector<16xf32>
      %mul3A_3580 = arith.mulf %add3A_3579, %get3A_3576 : vector<16xf32>
      %add3A_3581 = arith.addf %add3A_3570, %mul3A_3580 : vector<16xf32>
      %mul3A_3582 = arith.mulf %add3A_3579, %get3A_3574 : vector<16xf32>
      %add3A_3583 = arith.addf %add3A_3572, %mul3A_3582 : vector<16xf32>
      %get3A_3584 = arith.constant 336 : index
      %get3A_3585 = tpu.vector_load %arg11[%get3A_3584] {strides = array<i32>} : memref<1024xf32, #tpu.memory_space<vmem>>, vector<16xf32>,
      %get3A_3586 = arith.constant 336 : index
      %get3A_3587 = tpu.vector_load %arg12[%get3A_3586] {strides = array<i32>} : memref<1024xf32, #tpu.memory_space<vmem>>, vector<16xf32>,
      %get3A_3588 = arith.constant 336 : index
      %get3A_3589 = tpu.vector_load %arg13[%get3A_3588] {strides = array<i32>} : memref<1024xf32, #tpu.memory_space<vmem>>, vector<16xf32>,
      %add3A_3590 = arith.addf %get3A_3585, %get3A_3589 : vector<16xf32>
      %mul3A_3591 = arith.mulf %add3A_3590, %get3A_3587 : vector<16xf32>
      %add3A_3592 = arith.addf %add3A_3581, %mul3A_3591 : vector<16xf32>
      %mul3A_3593 = arith.mulf %add3A_3590, %get3A_3585 : vector<16xf32>
      %add3A_3594 = arith.addf %add3A_3583, %mul3A_3593 : vector<16xf32>
      %get3A_3595 = arith.constant 352 : index
      %get3A_3596 = tpu.vector_load %arg11[%get3A_3595] {strides = array<i32>} : memref<1024xf32, #tpu.memory_space<vmem>>, vector<16xf32>,
      %get3A_3597 = arith.constant 352 : index
      %get3A_3598 = tpu.vector_load %arg12[%get3A_3597] {strides = array<i32>} : memref<1024xf32, #tpu.memory_space<vmem>>, vector<16xf32>,
      %get3A_3599 = arith.constant 352 : index
      %get3A_3600 = tpu.vector_load %arg13[%get3A_3599] {strides = array<i32>} : memref<1024xf32, #tpu.memory_space<vmem>>, vector<16xf32>,
      %add3A_3601 = arith.addf %get3A_3596, %get3A_3600 : vector<16xf32>
      %mul3A_3602 = arith.mulf %add3A_3601, %get3A_3598 : vector<16xf32>
      %add3A_3603 = arith.addf %add3A_3592, %mul3A_3602 : vector<16xf32>
      %mul3A_3604 = arith.mulf %add3A_3601, %get3A_3596 : vector<16xf32>
      %add3A_3605 = arith.addf %add3A_3594, %mul3A_3604 : vector<16xf32>
      %get3A_3606 = arith.constant 368 : index
      %get3A_3607 = tpu.vector_load %arg11[%get3A_3606] {strides = array<i32>} : memref<1024xf32, #tpu.memory_space<vmem>>, vector<16xf32>,
      %get3A_3608 = arith.constant 368 : index
      %get3A_3609 = tpu.vector_load %arg12[%get3A_3608] {strides = array<i32>} : memref<1024xf32, #tpu.memory_space<vmem>>, vector<16xf32>,
      %get3A_3610 = arith.constant 368 : index
      %get3A_3611 = tpu.vector_load %arg13[%get3A_3610] {strides = array<i32>} : memref<1024xf32, #tpu.memory_space<vmem>>, vector<16xf32>,
      %add3A_3612 = arith.addf %get3A_3607, %get3A_3611 : vector<16xf32>
      %mul3A_3613 = arith.mulf %add3A_3612, %get3A_3609 : vector<16xf32>
      %add3A_3614 = arith.addf %add3A_3603, %mul3A_3613 : vector<16xf32>
      %mul3A_3615 = arith.mulf %add3A_3612, %get3A_3607 : vector<16xf32>
      %add3A_3616 = arith.addf %add3A_3605, %mul3A_3615 : vector<16xf32>
      %get3A_3617 = arith.constant 384 : index
      %get3A_3618 = tpu.vector_load %arg11[%get3A_3617] {strides = array<i32>} : memref<1024xf32, #tpu.memory_space<vmem>>, vector<16xf32>,
      %get3A_3619 = arith.constant 384 : index
      %get3A_3620 = tpu.vector_load %arg12[%get3A_3619] {strides = array<i32>} : memref<1024xf32, #tpu.memory_space<vmem>>, vector<16xf32>,
      %get3A_3621 = arith.constant 384 : index
      %get3A_3622 = tpu.vector_load %arg13[%get3A_3621] {strides = array<i32>} : memref<1024xf32, #tpu.memory_space<vmem>>, vector<16xf32>,
      %add3A_3623 = arith.addf %get3A_3618, %get3A_3622 : vector<16xf32>
      %mul3A_3624 = arith.mulf %add3A_3623, %get3A_3620 : vector<16xf32>
      %add3A_3625 = arith.addf %add3A_3614, %mul3A_3624 : vector<16xf32>
      %mul3A_3626 = arith.mulf %add3A_3623, %get3A_3618 : vector<16xf32>
      %add3A_3627 = arith.addf %add3A_3616, %mul3A_3626 : vector<16xf32>
      %get3A_3628 = arith.constant 400 : index
      %get3A_3629 = tpu.vector_load %arg11[%get3A_3628] {strides = array<i32>} : memref<1024xf32, #tpu.memory_space<vmem>>, vector<16xf32>,
      %get3A_3630 = arith.constant 400 : index
      %get3A_3631 = tpu.vector_load %arg12[%get3A_3630] {strides = array<i32>} : memref<1024xf32, #tpu.memory_space<vmem>>, vector<16xf32>,
      %get3A_3632 = arith.constant 400 : index
      %get3A_3633 = tpu.vector_load %arg13[%get3A_3632] {strides = array<i32>} : memref<1024xf32, #tpu.memory_space<vmem>>, vector<16xf32>,
      %add3A_3634 = arith.addf %get3A_3629, %get3A_3633 : vector<16xf32>
      %mul3A_3635 = arith.mulf %add3A_3634, %get3A_3631 : vector<16xf32>
      %add3A_3636 = arith.addf %add3A_3625, %mul3A_3635 : vector<16xf32>
      %mul3A_3637 = arith.mulf %add3A_3634, %get3A_3629 : vector<16xf32>
      %add3A_3638 = arith.addf %add3A_3627, %mul3A_3637 : vector<16xf32>
      %get3A_3639 = arith.constant 416 : index
      %get3A_3640 = tpu.vector_load %arg11[%get3A_3639] {strides = array<i32>} : memref<1024xf32, #tpu.memory_space<vmem>>, vector<16xf32>,
      %get3A_3641 = arith.constant 416 : index
      %get3A_3642 = tpu.vector_load %arg12[%get3A_3641] {strides = array<i32>} : memref<1024xf32, #tpu.memory_space<vmem>>, vector<16xf32>,
      %get3A_3643 = arith.constant 416 : index
      %get3A_3644 = tpu.vector_load %arg13[%get3A_3643] {strides = array<i32>} : memref<1024xf32, #tpu.memory_space<vmem>>, vector<16xf32>,
      %add3A_3645 = arith.addf %get3A_3640, %get3A_3644 : vector<16xf32>
      %mul3A_3646 = arith.mulf %add3A_3645, %get3A_3642 : vector<16xf32>
      %add3A_3647 = arith.addf %add3A_3636, %mul3A_3646 : vector<16xf32>
      %mul3A_3648 = arith.mulf %add3A_3645, %get3A_3640 : vector<16xf32>
      %add3A_3649 = arith.addf %add3A_3638, %mul3A_3648 : vector<16xf32>
      %get3A_3650 = arith.constant 432 : index
      %get3A_3651 = tpu.vector_load %arg11[%get3A_3650] {strides = array<i32>} : memref<1024xf32, #tpu.memory_space<vmem>>, vector<16xf32>,
      %get3A_3652 = arith.constant 432 : index
      %get3A_3653 = tpu.vector_load %arg12[%get3A_3652] {strides = array<i32>} : memref<1024xf32, #tpu.memory_space<vmem>>, vector<16xf32>,
      %get3A_3654 = arith.constant 432 : index
      %get3A_3655 = tpu.vector_load %arg13[%get3A_3654] {strides = array<i32>} : memref<1024xf32, #tpu.memory_space<vmem>>, vector<16xf32>,
      %add3A_3656 = arith.addf %get3A_3651, %get3A_3655 : vector<16xf32>
      %mul3A_3657 = arith.mulf %add3A_3656, %get3A_3653 : vector<16xf32>
      %add3A_3658 = arith.addf %add3A_3647, %mul3A_3657 : vector<16xf32>
      %mul3A_3659 = arith.mulf %add3A_3656, %get3A_3651 : vector<16xf32>
      %add3A_3660 = arith.addf %add3A_3649, %mul3A_3659 : vector<16xf32>
      %get3A_3661 = arith.constant 448 : index
      %get3A_3662 = tpu.vector_load %arg11[%get3A_3661] {strides = array<i32>} : memref<1024xf32, #tpu.memory_space<vmem>>, vector<16xf32>,
      %get3A_3663 = arith.constant 448 : index
      %get3A_3664 = tpu.vector_load %arg12[%get3A_3663] {strides = array<i32>} : memref<1024xf32, #tpu.memory_space<vmem>>, vector<16xf32>,
      %get3A_3665 = arith.constant 448 : index
      %get3A_3666 = tpu.vector_load %arg13[%get3A_3665] {strides = array<i32>} : memref<1024xf32, #tpu.memory_space<vmem>>, vector<16xf32>,
      %add3A_3667 = arith.addf %get3A_3662, %get3A_3666 : vector<16xf32>
      %mul3A_3668 = arith.mulf %add3A_3667, %get3A_3664 : vector<16xf32>
      %add3A_3669 = arith.addf %add3A_3658, %mul3A_3668 : vector<16xf32>
      %mul3A_3670 = arith.mulf %add3A_3667, %get3A_3662 : vector<16xf32>
      %add3A_3671 = arith.addf %add3A_3660, %mul3A_3670 : vector<16xf32>
      %get3A_3672 = arith.constant 464 : index
      %get3A_3673 = tpu.vector_load %arg11[%get3A_3672] {strides = array<i32>} : memref<1024xf32, #tpu.memory_space<vmem>>, vector<16xf32>,
      %get3A_3674 = arith.constant 464 : index
      %get3A_3675 = tpu.vector_load %arg12[%get3A_3674] {strides = array<i32>} : memref<1024xf32, #tpu.memory_space<vmem>>, vector<16xf32>,
      %get3A_3676 = arith.constant 464 : index
      %get3A_3677 = tpu.vector_load %arg13[%get3A_3676] {strides = array<i32>} : memref<1024xf32, #tpu.memory_space<vmem>>, vector<16xf32>,
      %add3A_3678 = arith.addf %get3A_3673, %get3A_3677 : vector<16xf32>
      %mul3A_3679 = arith.mulf %add3A_3678, %get3A_3675 : vector<16xf32>
      %add3A_3680 = arith.addf %add3A_3669, %mul3A_3679 : vector<16xf32>
      %mul3A_3681 = arith.mulf %add3A_3678, %get3A_3673 : vector<16xf32>
      %add3A_3682 = arith.addf %add3A_3671, %mul3A_3681 : vector<16xf32>
      %get3A_3683 = arith.constant 480 : index
      %get3A_3684 = tpu.vector_load %arg11[%get3A_3683] {strides = array<i32>} : memref<1024xf32, #tpu.memory_space<vmem>>, vector<16xf32>,
      %get3A_3685 = arith.constant 480 : index
      %get3A_3686 = tpu.vector_load %arg12[%get3A_3685] {strides = array<i32>} : memref<1024xf32, #tpu.memory_space<vmem>>, vector<16xf32>,
      %get3A_3687 = arith.constant 480 : index
      %get3A_3688 = tpu.vector_load %arg13[%get3A_3687] {strides = array<i32>} : memref<1024xf32, #tpu.memory_space<vmem>>, vector<16xf32>,
      %add3A_3689 = arith.addf %get3A_3684, %get3A_3688 : vector<16xf32>
      %mul3A_3690 = arith.mulf %add3A_3689, %get3A_3686 : vector<16xf32>
      %add3A_3691 = arith.addf %add3A_3680, %mul3A_3690 : vector<16xf32>
      %mul3A_3692 = arith.mulf %add3A_3689, %get3A_3684 : vector<16xf32>
      %add3A_3693 = arith.addf %add3A_3682, %mul3A_3692 : vector<16xf32>
      %get3A_3694 = arith.constant 496 : index
      %get3A_3695 = tpu.vector_load %arg11[%get3A_3694] {strides = array<i32>} : memref<1024xf32, #tpu.memory_space<vmem>>, vector<16xf32>,
      %get3A_3696 = arith.constant 496 : index
      %get3A_3697 = tpu.vector_load %arg12[%get3A_3696] {strides = array<i32>} : memref<1024xf32, #tpu.memory_space<vmem>>, vector<16xf32>,
      %get3A_3698 = arith.constant 496 : index
      %get3A_3699 = tpu.vector_load %arg13[%get3A_3698] {strides = array<i32>} : memref<1024xf32, #tpu.memory_space<vmem>>, vector<16xf32>,
      %add3A_3700 = arith.addf %get3A_3695, %get3A_3699 : vector<16xf32>
      %mul3A_3701 = arith.mulf %add3A_3700, %get3A_3697 : vector<16xf32>
      %add3A_3702 = arith.addf %add3A_3691, %mul3A_3701 : vector<16xf32>
      %mul3A_3703 = arith.mulf %add3A_3700, %get3A_3695 : vector<16xf32>
      %add3A_3704 = arith.addf %add3A_3693, %mul3A_3703 : vector<16xf32>
      %get3A_3705 = arith.constant 512 : index
      %get3A_3706 = tpu.vector_load %arg11[%get3A_3705] {strides = array<i32>} : memref<1024xf32, #tpu.memory_space<vmem>>, vector<16xf32>,
      %get3A_3707 = arith.constant 512 : index
      %get3A_3708 = tpu.vector_load %arg12[%get3A_3707] {strides = array<i32>} : memref<1024xf32, #tpu.memory_space<vmem>>, vector<16xf32>,
      %get3A_3709 = arith.constant 512 : index
      %get3A_3710 = tpu.vector_load %arg13[%get3A_3709] {strides = array<i32>} : memref<1024xf32, #tpu.memory_space<vmem>>, vector<16xf32>,
      %add3A_3711 = arith.addf %get3A_3706, %get3A_3710 : vector<16xf32>
      %mul3A_3712 = arith.mulf %add3A_3711, %get3A_3708 : vector<16xf32>
      %add3A_3713 = arith.addf %add3A_3702, %mul3A_3712 : vector<16xf32>
      %mul3A_3714 = arith.mulf %add3A_3711, %get3A_3706 : vector<16xf32>
      %add3A_3715 = arith.addf %add3A_3704, %mul3A_3714 : vector<16xf32>
      %get3A_3716 = arith.constant 528 : index
      %get3A_3717 = tpu.vector_load %arg11[%get3A_3716] {strides = array<i32>} : memref<1024xf32, #tpu.memory_space<vmem>>, vector<16xf32>,
      %get3A_3718 = arith.constant 528 : index
      %get3A_3719 = tpu.vector_load %arg12[%get3A_3718] {strides = array<i32>} : memref<1024xf32, #tpu.memory_space<vmem>>, vector<16xf32>,
      %get3A_3720 = arith.constant 528 : index
      %get3A_3721 = tpu.vector_load %arg13[%get3A_3720] {strides = array<i32>} : memref<1024xf32, #tpu.memory_space<vmem>>, vector<16xf32>,
      %add3A_3722 = arith.addf %get3A_3717, %get3A_3721 : vector<16xf32>
      %mul3A_3723 = arith.mulf %add3A_3722, %get3A_3719 : vector<16xf32>
      %add3A_3724 = arith.addf %add3A_3713, %mul3A_3723 : vector<16xf32>
      %mul3A_3725 = arith.mulf %add3A_3722, %get3A_3717 : vector<16xf32>
      %add3A_3726 = arith.addf %add3A_3715, %mul3A_3725 : vector<16xf32>
      %get3A_3727 = arith.constant 544 : index
      %get3A_3728 = tpu.vector_load %arg11[%get3A_3727] {strides = array<i32>} : memref<1024xf32, #tpu.memory_space<vmem>>, vector<16xf32>,
      %get3A_3729 = arith.constant 544 : index
      %get3A_3730 = tpu.vector_load %arg12[%get3A_3729] {strides = array<i32>} : memref<1024xf32, #tpu.memory_space<vmem>>, vector<16xf32>,
      %get3A_3731 = arith.constant 544 : index
      %get3A_3732 = tpu.vector_load %arg13[%get3A_3731] {strides = array<i32>} : memref<1024xf32, #tpu.memory_space<vmem>>, vector<16xf32>,
      %add3A_3733 = arith.addf %get3A_3728, %get3A_3732 : vector<16xf32>
      %mul3A_3734 = arith.mulf %add3A_3733, %get3A_3730 : vector<16xf32>
      %add3A_3735 = arith.addf %add3A_3724, %mul3A_3734 : vector<16xf32>
      %mul3A_3736 = arith.mulf %add3A_3733, %get3A_3728 : vector<16xf32>
      %add3A_3737 = arith.addf %add3A_3726, %mul3A_3736 : vector<16xf32>
      %get3A_3738 = arith.constant 560 : index
      %get3A_3739 = tpu.vector_load %arg11[%get3A_3738] {strides = array<i32>} : memref<1024xf32, #tpu.memory_space<vmem>>, vector<16xf32>,
      %get3A_3740 = arith.constant 560 : index
      %get3A_3741 = tpu.vector_load %arg12[%get3A_3740] {strides = array<i32>} : memref<1024xf32, #tpu.memory_space<vmem>>, vector<16xf32>,
      %get3A_3742 = arith.constant 560 : index
      %get3A_3743 = tpu.vector_load %arg13[%get3A_3742] {strides = array<i32>} : memref<1024xf32, #tpu.memory_space<vmem>>, vector<16xf32>,
      %add3A_3744 = arith.addf %get3A_3739, %get3A_3743 : vector<16xf32>
      %mul3A_3745 = arith.mulf %add3A_3744, %get3A_3741 : vector<16xf32>
      %add3A_3746 = arith.addf %add3A_3735, %mul3A_3745 : vector<16xf32>
      %mul3A_3747 = arith.mulf %add3A_3744, %get3A_3739 : vector<16xf32>
      %add3A_3748 = arith.addf %add3A_3737, %mul3A_3747 : vector<16xf32>
      %get3A_3749 = arith.constant 576 : index
      %get3A_3750 = tpu.vector_load %arg11[%get3A_3749] {strides = array<i32>} : memref<1024xf32, #tpu.memory_space<vmem>>, vector<16xf32>,
      %get3A_3751 = arith.constant 576 : index
      %get3A_3752 = tpu.vector_load %arg12[%get3A_3751] {strides = array<i32>} : memref<1024xf32, #tpu.memory_space<vmem>>, vector<16xf32>,
      %get3A_3753 = arith.constant 576 : index
      %get3A_3754 = tpu.vector_load %arg13[%get3A_3753] {strides = array<i32>} : memref<1024xf32, #tpu.memory_space<vmem>>, vector<16xf32>,
      %add3A_3755 = arith.addf %get3A_3750, %get3A_3754 : vector<16xf32>
      %mul3A_3756 = arith.mulf %add3A_3755, %get3A_3752 : vector<16xf32>
      %add3A_3757 = arith.addf %add3A_3746, %mul3A_3756 : vector<16xf32>
      %mul3A_3758 = arith.mulf %add3A_3755, %get3A_3750 : vector<16xf32>
      %add3A_3759 = arith.addf %add3A_3748, %mul3A_3758 : vector<16xf32>
      %get3A_3760 = arith.constant 592 : index
      %get3A_3761 = tpu.vector_load %arg11[%get3A_3760] {strides = array<i32>} : memref<1024xf32, #tpu.memory_space<vmem>>, vector<16xf32>,
      %get3A_3762 = arith.constant 592 : index
      %get3A_3763 = tpu.vector_load %arg12[%get3A_3762] {strides = array<i32>} : memref<1024xf32, #tpu.memory_space<vmem>>, vector<16xf32>,
      %get3A_3764 = arith.constant 592 : index
      %get3A_3765 = tpu.vector_load %arg13[%get3A_3764] {strides = array<i32>} : memref<1024xf32, #tpu.memory_space<vmem>>, vector<16xf32>,
      %add3A_3766 = arith.addf %get3A_3761, %get3A_3765 : vector<16xf32>
      %mul3A_3767 = arith.mulf %add3A_3766, %get3A_3763 : vector<16xf32>
      %add3A_3768 = arith.addf %add3A_3757, %mul3A_3767 : vector<16xf32>
      %mul3A_3769 = arith.mulf %add3A_3766, %get3A_3761 : vector<16xf32>
      %add3A_3770 = arith.addf %add3A_3759, %mul3A_3769 : vector<16xf32>
      %get3A_3771 = arith.constant 608 : index
      %get3A_3772 = tpu.vector_load %arg11[%get3A_3771] {strides = array<i32>} : memref<1024xf32, #tpu.memory_space<vmem>>, vector<16xf32>,
      %get3A_3773 = arith.constant 608 : index
      %get3A_3774 = tpu.vector_load %arg12[%get3A_3773] {strides = array<i32>} : memref<1024xf32, #tpu.memory_space<vmem>>, vector<16xf32>,
      %get3A_3775 = arith.constant 608 : index
      %get3A_3776 = tpu.vector_load %arg13[%get3A_3775] {strides = array<i32>} : memref<1024xf32, #tpu.memory_space<vmem>>, vector<16xf32>,
      %add3A_3777 = arith.addf %get3A_3772, %get3A_3776 : vector<16xf32>
      %mul3A_3778 = arith.mulf %add3A_3777, %get3A_3774 : vector<16xf32>
      %add3A_3779 = arith.addf %add3A_3768, %mul3A_3778 : vector<16xf32>
      %mul3A_3780 = arith.mulf %add3A_3777, %get3A_3772 : vector<16xf32>
      %add3A_3781 = arith.addf %add3A_3770, %mul3A_3780 : vector<16xf32>
      %get3A_3782 = arith.constant 624 : index
      %get3A_3783 = tpu.vector_load %arg11[%get3A_3782] {strides = array<i32>} : memref<1024xf32, #tpu.memory_space<vmem>>, vector<16xf32>,
      %get3A_3784 = arith.constant 624 : index
      %get3A_3785 = tpu.vector_load %arg12[%get3A_3784] {strides = array<i32>} : memref<1024xf32, #tpu.memory_space<vmem>>, vector<16xf32>,
      %get3A_3786 = arith.constant 624 : index
      %get3A_3787 = tpu.vector_load %arg13[%get3A_3786] {strides = array<i32>} : memref<1024xf32, #tpu.memory_space<vmem>>, vector<16xf32>,
      %add3A_3788 = arith.addf %get3A_3783, %get3A_3787 : vector<16xf32>
      %mul3A_3789 = arith.mulf %add3A_3788, %get3A_3785 : vector<16xf32>
      %add3A_3790 = arith.addf %add3A_3779, %mul3A_3789 : vector<16xf32>
      %mul3A_3791 = arith.mulf %add3A_3788, %get3A_3783 : vector<16xf32>
      %add3A_3792 = arith.addf %add3A_3781, %mul3A_3791 : vector<16xf32>
      %get3A_3793 = arith.constant 640 : index
      %get3A_3794 = tpu.vector_load %arg11[%get3A_3793] {strides = array<i32>} : memref<1024xf32, #tpu.memory_space<vmem>>, vector<16xf32>,
      %get3A_3795 = arith.constant 640 : index
      %get3A_3796 = tpu.vector_load %arg12[%get3A_3795] {strides = array<i32>} : memref<1024xf32, #tpu.memory_space<vmem>>, vector<16xf32>,
      %get3A_3797 = arith.constant 640 : index
      %get3A_3798 = tpu.vector_load %arg13[%get3A_3797] {strides = array<i32>} : memref<1024xf32, #tpu.memory_space<vmem>>, vector<16xf32>,
      %add3A_3799 = arith.addf %get3A_3794, %get3A_3798 : vector<16xf32>
      %mul3A_3800 = arith.mulf %add3A_3799, %get3A_3796 : vector<16xf32>
      %add3A_3801 = arith.addf %add3A_3790, %mul3A_3800 : vector<16xf32>
      %mul3A_3802 = arith.mulf %add3A_3799, %get3A_3794 : vector<16xf32>
      %add3A_3803 = arith.addf %add3A_3792, %mul3A_3802 : vector<16xf32>
      %get3A_3804 = arith.constant 656 : index
      %get3A_3805 = tpu.vector_load %arg11[%get3A_3804] {strides = array<i32>} : memref<1024xf32, #tpu.memory_space<vmem>>, vector<16xf32>,
      %get3A_3806 = arith.constant 656 : index
      %get3A_3807 = tpu.vector_load %arg12[%get3A_3806] {strides = array<i32>} : memref<1024xf32, #tpu.memory_space<vmem>>, vector<16xf32>,
      %get3A_3808 = arith.constant 656 : index
      %get3A_3809 = tpu.vector_load %arg13[%get3A_3808] {strides = array<i32>} : memref<1024xf32, #tpu.memory_space<vmem>>, vector<16xf32>,
      %add3A_3810 = arith.addf %get3A_3805, %get3A_3809 : vector<16xf32>
      %mul3A_3811 = arith.mulf %add3A_3810, %get3A_3807 : vector<16xf32>
      %add3A_3812 = arith.addf %add3A_3801, %mul3A_3811 : vector<16xf32>
      %mul3A_3813 = arith.mulf %add3A_3810, %get3A_3805 : vector<16xf32>
      %add3A_3814 = arith.addf %add3A_3803, %mul3A_3813 : vector<16xf32>
      %get3A_3815 = arith.constant 672 : index
      %get3A_3816 = tpu.vector_load %arg11[%get3A_3815] {strides = array<i32>} : memref<1024xf32, #tpu.memory_space<vmem>>, vector<16xf32>,
      %get3A_3817 = arith.constant 672 : index
      %get3A_3818 = tpu.vector_load %arg12[%get3A_3817] {strides = array<i32>} : memref<1024xf32, #tpu.memory_space<vmem>>, vector<16xf32>,
      %get3A_3819 = arith.constant 672 : index
      %get3A_3820 = tpu.vector_load %arg13[%get3A_3819] {strides = array<i32>} : memref<1024xf32, #tpu.memory_space<vmem>>, vector<16xf32>,
      %add3A_3821 = arith.addf %get3A_3816, %get3A_3820 : vector<16xf32>
      %mul3A_3822 = arith.mulf %add3A_3821, %get3A_3818 : vector<16xf32>
      %add3A_3823 = arith.addf %add3A_3812, %mul3A_3822 : vector<16xf32>
      %mul3A_3824 = arith.mulf %add3A_3821, %get3A_3816 : vector<16xf32>
      %add3A_3825 = arith.addf %add3A_3814, %mul3A_3824 : vector<16xf32>
      %get3A_3826 = arith.constant 688 : index
      %get3A_3827 = tpu.vector_load %arg11[%get3A_3826] {strides = array<i32>} : memref<1024xf32, #tpu.memory_space<vmem>>, vector<16xf32>,
      %get3A_3828 = arith.constant 688 : index
      %get3A_3829 = tpu.vector_load %arg12[%get3A_3828] {strides = array<i32>} : memref<1024xf32, #tpu.memory_space<vmem>>, vector<16xf32>,
      %get3A_3830 = arith.constant 688 : index
      %get3A_3831 = tpu.vector_load %arg13[%get3A_3830] {strides = array<i32>} : memref<1024xf32, #tpu.memory_space<vmem>>, vector<16xf32>,
      %add3A_3832 = arith.addf %get3A_3827, %get3A_3831 : vector<16xf32>
      %mul3A_3833 = arith.mulf %add3A_3832, %get3A_3829 : vector<16xf32>
      %add3A_3834 = arith.addf %add3A_3823, %mul3A_3833 : vector<16xf32>
      %mul3A_3835 = arith.mulf %add3A_3832, %get3A_3827 : vector<16xf32>
      %add3A_3836 = arith.addf %add3A_3825, %mul3A_3835 : vector<16xf32>
      %get3A_3837 = arith.constant 704 : index
      %get3A_3838 = tpu.vector_load %arg11[%get3A_3837] {strides = array<i32>} : memref<1024xf32, #tpu.memory_space<vmem>>, vector<16xf32>,
      %get3A_3839 = arith.constant 704 : index
      %get3A_3840 = tpu.vector_load %arg12[%get3A_3839] {strides = array<i32>} : memref<1024xf32, #tpu.memory_space<vmem>>, vector<16xf32>,
      %get3A_3841 = arith.constant 704 : index
      %get3A_3842 = tpu.vector_load %arg13[%get3A_3841] {strides = array<i32>} : memref<1024xf32, #tpu.memory_space<vmem>>, vector<16xf32>,
      %add3A_3843 = arith.addf %get3A_3838, %get3A_3842 : vector<16xf32>
      %mul3A_3844 = arith.mulf %add3A_3843, %get3A_3840 : vector<16xf32>
      %add3A_3845 = arith.addf %add3A_3834, %mul3A_3844 : vector<16xf32>
      %mul3A_3846 = arith.mulf %add3A_3843, %get3A_3838 : vector<16xf32>
      %add3A_3847 = arith.addf %add3A_3836, %mul3A_3846 : vector<16xf32>
      %get3A_3848 = arith.constant 720 : index
      %get3A_3849 = tpu.vector_load %arg11[%get3A_3848] {strides = array<i32>} : memref<1024xf32, #tpu.memory_space<vmem>>, vector<16xf32>,
      %get3A_3850 = arith.constant 720 : index
      %get3A_3851 = tpu.vector_load %arg12[%get3A_3850] {strides = array<i32>} : memref<1024xf32, #tpu.memory_space<vmem>>, vector<16xf32>,
      %get3A_3852 = arith.constant 720 : index
      %get3A_3853 = tpu.vector_load %arg13[%get3A_3852] {strides = array<i32>} : memref<1024xf32, #tpu.memory_space<vmem>>, vector<16xf32>,
      %add3A_3854 = arith.addf %get3A_3849, %get3A_3853 : vector<16xf32>
      %mul3A_3855 = arith.mulf %add3A_3854, %get3A_3851 : vector<16xf32>
      %add3A_3856 = arith.addf %add3A_3845, %mul3A_3855 : vector<16xf32>
      %mul3A_3857 = arith.mulf %add3A_3854, %get3A_3849 : vector<16xf32>
      %add3A_3858 = arith.addf %add3A_3847, %mul3A_3857 : vector<16xf32>
      %get3A_3859 = arith.constant 736 : index
      %get3A_3860 = tpu.vector_load %arg11[%get3A_3859] {strides = array<i32>} : memref<1024xf32, #tpu.memory_space<vmem>>, vector<16xf32>,
      %get3A_3861 = arith.constant 736 : index
      %get3A_3862 = tpu.vector_load %arg12[%get3A_3861] {strides = array<i32>} : memref<1024xf32, #tpu.memory_space<vmem>>, vector<16xf32>,
      %get3A_3863 = arith.constant 736 : index
      %get3A_3864 = tpu.vector_load %arg13[%get3A_3863] {strides = array<i32>} : memref<1024xf32, #tpu.memory_space<vmem>>, vector<16xf32>,
      %add3A_3865 = arith.addf %get3A_3860, %get3A_3864 : vector<16xf32>
      %mul3A_3866 = arith.mulf %add3A_3865, %get3A_3862 : vector<16xf32>
      %add3A_3867 = arith.addf %add3A_3856, %mul3A_3866 : vector<16xf32>
      %mul3A_3868 = arith.mulf %add3A_3865, %get3A_3860 : vector<16xf32>
      %add3A_3869 = arith.addf %add3A_3858, %mul3A_3868 : vector<16xf32>
      %get3A_3870 = arith.constant 752 : index
      %get3A_3871 = tpu.vector_load %arg11[%get3A_3870] {strides = array<i32>} : memref<1024xf32, #tpu.memory_space<vmem>>, vector<16xf32>,
      %get3A_3872 = arith.constant 752 : index
      %get3A_3873 = tpu.vector_load %arg12[%get3A_3872] {strides = array<i32>} : memref<1024xf32, #tpu.memory_space<vmem>>, vector<16xf32>,
      %get3A_3874 = arith.constant 752 : index
      %get3A_3875 = tpu.vector_load %arg13[%get3A_3874] {strides = array<i32>} : memref<1024xf32, #tpu.memory_space<vmem>>, vector<16xf32>,
      %add3A_3876 = arith.addf %get3A_3871, %get3A_3875 : vector<16xf32>
      %mul3A_3877 = arith.mulf %add3A_3876, %get3A_3873 : vector<16xf32>
      %add3A_3878 = arith.addf %add3A_3867, %mul3A_3877 : vector<16xf32>
      %mul3A_3879 = arith.mulf %add3A_3876, %get3A_3871 : vector<16xf32>
      %add3A_3880 = arith.addf %add3A_3869, %mul3A_3879 : vector<16xf32>
      %get3A_3881 = arith.constant 768 : index
      %get3A_3882 = tpu.vector_load %arg11[%get3A_3881] {strides = array<i32>} : memref<1024xf32, #tpu.memory_space<vmem>>, vector<16xf32>,
      %get3A_3883 = arith.constant 768 : index
      %get3A_3884 = tpu.vector_load %arg12[%get3A_3883] {strides = array<i32>} : memref<1024xf32, #tpu.memory_space<vmem>>, vector<16xf32>,
      %get3A_3885 = arith.constant 768 : index
      %get3A_3886 = tpu.vector_load %arg13[%get3A_3885] {strides = array<i32>} : memref<1024xf32, #tpu.memory_space<vmem>>, vector<16xf32>,
      %add3A_3887 = arith.addf %get3A_3882, %get3A_3886 : vector<16xf32>
      %mul3A_3888 = arith.mulf %add3A_3887, %get3A_3884 : vector<16xf32>
      %add3A_3889 = arith.addf %add3A_3878, %mul3A_3888 : vector<16xf32>
      %mul3A_3890 = arith.mulf %add3A_3887, %get3A_3882 : vector<16xf32>
      %add3A_3891 = arith.addf %add3A_3880, %mul3A_3890 : vector<16xf32>
      %get3A_3892 = arith.constant 784 : index
      %get3A_3893 = tpu.vector_load %arg11[%get3A_3892] {strides = array<i32>} : memref<1024xf32, #tpu.memory_space<vmem>>, vector<16xf32>,
      %get3A_3894 = arith.constant 784 : index
      %get3A_3895 = tpu.vector_load %arg12[%get3A_3894] {strides = array<i32>} : memref<1024xf32, #tpu.memory_space<vmem>>, vector<16xf32>,
      %get3A_3896 = arith.constant 784 : index
      %get3A_3897 = tpu.vector_load %arg13[%get3A_3896] {strides = array<i32>} : memref<1024xf32, #tpu.memory_space<vmem>>, vector<16xf32>,
      %add3A_3898 = arith.addf %get3A_3893, %get3A_3897 : vector<16xf32>
      %mul3A_3899 = arith.mulf %add3A_3898, %get3A_3895 : vector<16xf32>
      %add3A_3900 = arith.addf %add3A_3889, %mul3A_3899 : vector<16xf32>
      %mul3A_3901 = arith.mulf %add3A_3898, %get3A_3893 : vector<16xf32>
      %add3A_3902 = arith.addf %add3A_3891, %mul3A_3901 : vector<16xf32>
      %get3A_3903 = arith.constant 800 : index
      %get3A_3904 = tpu.vector_load %arg11[%get3A_3903] {strides = array<i32>} : memref<1024xf32, #tpu.memory_space<vmem>>, vector<16xf32>,
      %get3A_3905 = arith.constant 800 : index
      %get3A_3906 = tpu.vector_load %arg12[%get3A_3905] {strides = array<i32>} : memref<1024xf32, #tpu.memory_space<vmem>>, vector<16xf32>,
      %get3A_3907 = arith.constant 800 : index
      %get3A_3908 = tpu.vector_load %arg13[%get3A_3907] {strides = array<i32>} : memref<1024xf32, #tpu.memory_space<vmem>>, vector<16xf32>,
      %add3A_3909 = arith.addf %get3A_3904, %get3A_3908 : vector<16xf32>
      %mul3A_3910 = arith.mulf %add3A_3909, %get3A_3906 : vector<16xf32>
      %add3A_3911 = arith.addf %add3A_3900, %mul3A_3910 : vector<16xf32>
      %mul3A_3912 = arith.mulf %add3A_3909, %get3A_3904 : vector<16xf32>
      %add3A_3913 = arith.addf %add3A_3902, %mul3A_3912 : vector<16xf32>
      %get3A_3914 = arith.constant 816 : index
      %get3A_3915 = tpu.vector_load %arg11[%get3A_3914] {strides = array<i32>} : memref<1024xf32, #tpu.memory_space<vmem>>, vector<16xf32>,
      %get3A_3916 = arith.constant 816 : index
      %get3A_3917 = tpu.vector_load %arg12[%get3A_3916] {strides = array<i32>} : memref<1024xf32, #tpu.memory_space<vmem>>, vector<16xf32>,
      %get3A_3918 = arith.constant 816 : index
      %get3A_3919 = tpu.vector_load %arg13[%get3A_3918] {strides = array<i32>} : memref<1024xf32, #tpu.memory_space<vmem>>, vector<16xf32>,
      %add3A_3920 = arith.addf %get3A_3915, %get3A_3919 : vector<16xf32>
      %mul3A_3921 = arith.mulf %add3A_3920, %get3A_3917 : vector<16xf32>
      %add3A_3922 = arith.addf %add3A_3911, %mul3A_3921 : vector<16xf32>
      %mul3A_3923 = arith.mulf %add3A_3920, %get3A_3915 : vector<16xf32>
      %add3A_3924 = arith.addf %add3A_3913, %mul3A_3923 : vector<16xf32>
      %get3A_3925 = arith.constant 832 : index
      %get3A_3926 = tpu.vector_load %arg11[%get3A_3925] {strides = array<i32>} : memref<1024xf32, #tpu.memory_space<vmem>>, vector<16xf32>,
      %get3A_3927 = arith.constant 832 : index
      %get3A_3928 = tpu.vector_load %arg12[%get3A_3927] {strides = array<i32>} : memref<1024xf32, #tpu.memory_space<vmem>>, vector<16xf32>,
      %get3A_3929 = arith.constant 832 : index
      %get3A_3930 = tpu.vector_load %arg13[%get3A_3929] {strides = array<i32>} : memref<1024xf32, #tpu.memory_space<vmem>>, vector<16xf32>,
      %add3A_3931 = arith.addf %get3A_3926, %get3A_3930 : vector<16xf32>
      %mul3A_3932 = arith.mulf %add3A_3931, %get3A_3928 : vector<16xf32>
      %add3A_3933 = arith.addf %add3A_3922, %mul3A_3932 : vector<16xf32>
      %mul3A_3934 = arith.mulf %add3A_3931, %get3A_3926 : vector<16xf32>
      %add3A_3935 = arith.addf %add3A_3924, %mul3A_3934 : vector<16xf32>
      %get3A_3936 = arith.constant 848 : index
      %get3A_3937 = tpu.vector_load %arg11[%get3A_3936] {strides = array<i32>} : memref<1024xf32, #tpu.memory_space<vmem>>, vector<16xf32>,
      %get3A_3938 = arith.constant 848 : index
      %get3A_3939 = tpu.vector_load %arg12[%get3A_3938] {strides = array<i32>} : memref<1024xf32, #tpu.memory_space<vmem>>, vector<16xf32>,
      %get3A_3940 = arith.constant 848 : index
      %get3A_3941 = tpu.vector_load %arg13[%get3A_3940] {strides = array<i32>} : memref<1024xf32, #tpu.memory_space<vmem>>, vector<16xf32>,
      %add3A_3942 = arith.addf %get3A_3937, %get3A_3941 : vector<16xf32>
      %mul3A_3943 = arith.mulf %add3A_3942, %get3A_3939 : vector<16xf32>
      %add3A_3944 = arith.addf %add3A_3933, %mul3A_3943 : vector<16xf32>
      %mul3A_3945 = arith.mulf %add3A_3942, %get3A_3937 : vector<16xf32>
      %add3A_3946 = arith.addf %add3A_3935, %mul3A_3945 : vector<16xf32>
      %get3A_3947 = arith.constant 864 : index
      %get3A_3948 = tpu.vector_load %arg11[%get3A_3947] {strides = array<i32>} : memref<1024xf32, #tpu.memory_space<vmem>>, vector<16xf32>,
      %get3A_3949 = arith.constant 864 : index
      %get3A_3950 = tpu.vector_load %arg12[%get3A_3949] {strides = array<i32>} : memref<1024xf32, #tpu.memory_space<vmem>>, vector<16xf32>,
      %get3A_3951 = arith.constant 864 : index
      %get3A_3952 = tpu.vector_load %arg13[%get3A_3951] {strides = array<i32>} : memref<1024xf32, #tpu.memory_space<vmem>>, vector<16xf32>,
      %add3A_3953 = arith.addf %get3A_3948, %get3A_3952 : vector<16xf32>
      %mul3A_3954 = arith.mulf %add3A_3953, %get3A_3950 : vector<16xf32>
      %add3A_3955 = arith.addf %add3A_3944, %mul3A_3954 : vector<16xf32>
      %mul3A_3956 = arith.mulf %add3A_3953, %get3A_3948 : vector<16xf32>
      %add3A_3957 = arith.addf %add3A_3946, %mul3A_3956 : vector<16xf32>
      %get3A_3958 = arith.constant 880 : index
      %get3A_3959 = tpu.vector_load %arg11[%get3A_3958] {strides = array<i32>} : memref<1024xf32, #tpu.memory_space<vmem>>, vector<16xf32>,
      %get3A_3960 = arith.constant 880 : index
      %get3A_3961 = tpu.vector_load %arg12[%get3A_3960] {strides = array<i32>} : memref<1024xf32, #tpu.memory_space<vmem>>, vector<16xf32>,
      %get3A_3962 = arith.constant 880 : index
      %get3A_3963 = tpu.vector_load %arg13[%get3A_3962] {strides = array<i32>} : memref<1024xf32, #tpu.memory_space<vmem>>, vector<16xf32>,
      %add3A_3964 = arith.addf %get3A_3959, %get3A_3963 : vector<16xf32>
      %mul3A_3965 = arith.mulf %add3A_3964, %get3A_3961 : vector<16xf32>
      %add3A_3966 = arith.addf %add3A_3955, %mul3A_3965 : vector<16xf32>
      %mul3A_3967 = arith.mulf %add3A_3964, %get3A_3959 : vector<16xf32>
      %add3A_3968 = arith.addf %add3A_3957, %mul3A_3967 : vector<16xf32>
      %get3A_3969 = arith.constant 896 : index
      %get3A_3970 = tpu.vector_load %arg11[%get3A_3969] {strides = array<i32>} : memref<1024xf32, #tpu.memory_space<vmem>>, vector<16xf32>,
      %get3A_3971 = arith.constant 896 : index
      %get3A_3972 = tpu.vector_load %arg12[%get3A_3971] {strides = array<i32>} : memref<1024xf32, #tpu.memory_space<vmem>>, vector<16xf32>,
      %get3A_3973 = arith.constant 896 : index
      %get3A_3974 = tpu.vector_load %arg13[%get3A_3973] {strides = array<i32>} : memref<1024xf32, #tpu.memory_space<vmem>>, vector<16xf32>,
      %add3A_3975 = arith.addf %get3A_3970, %get3A_3974 : vector<16xf32>
      %mul3A_3976 = arith.mulf %add3A_3975, %get3A_3972 : vector<16xf32>
      %add3A_3977 = arith.addf %add3A_3966, %mul3A_3976 : vector<16xf32>
      %mul3A_3978 = arith.mulf %add3A_3975, %get3A_3970 : vector<16xf32>
      %add3A_3979 = arith.addf %add3A_3968, %mul3A_3978 : vector<16xf32>
      %get3A_3980 = arith.constant 912 : index
      %get3A_3981 = tpu.vector_load %arg11[%get3A_3980] {strides = array<i32>} : memref<1024xf32, #tpu.memory_space<vmem>>, vector<16xf32>,
      %get3A_3982 = arith.constant 912 : index
      %get3A_3983 = tpu.vector_load %arg12[%get3A_3982] {strides = array<i32>} : memref<1024xf32, #tpu.memory_space<vmem>>, vector<16xf32>,
      %get3A_3984 = arith.constant 912 : index
      %get3A_3985 = tpu.vector_load %arg13[%get3A_3984] {strides = array<i32>} : memref<1024xf32, #tpu.memory_space<vmem>>, vector<16xf32>,
      %add3A_3986 = arith.addf %get3A_3981, %get3A_3985 : vector<16xf32>
      %mul3A_3987 = arith.mulf %add3A_3986, %get3A_3983 : vector<16xf32>
      %add3A_3988 = arith.addf %add3A_3977, %mul3A_3987 : vector<16xf32>
      %mul3A_3989 = arith.mulf %add3A_3986, %get3A_3981 : vector<16xf32>
      %add3A_3990 = arith.addf %add3A_3979, %mul3A_3989 : vector<16xf32>
      %get3A_3991 = arith.constant 928 : index
      %get3A_3992 = tpu.vector_load %arg11[%get3A_3991] {strides = array<i32>} : memref<1024xf32, #tpu.memory_space<vmem>>, vector<16xf32>,
      %get3A_3993 = arith.constant 928 : index
      %get3A_3994 = tpu.vector_load %arg12[%get3A_3993] {strides = array<i32>} : memref<1024xf32, #tpu.memory_space<vmem>>, vector<16xf32>,
      %get3A_3995 = arith.constant 928 : index
      %get3A_3996 = tpu.vector_load %arg13[%get3A_3995] {strides = array<i32>} : memref<1024xf32, #tpu.memory_space<vmem>>, vector<16xf32>,
      %add3A_3997 = arith.addf %get3A_3992, %get3A_3996 : vector<16xf32>
      %mul3A_3998 = arith.mulf %add3A_3997, %get3A_3994 : vector<16xf32>
      %add3A_3999 = arith.addf %add3A_3988, %mul3A_3998 : vector<16xf32>
      %mul3A_4000 = arith.mulf %add3A_3997, %get3A_3992 : vector<16xf32>
      %add3A_4001 = arith.addf %add3A_3990, %mul3A_4000 : vector<16xf32>
      %get3A_4002 = arith.constant 944 : index
      %get3A_4003 = tpu.vector_load %arg11[%get3A_4002] {strides = array<i32>} : memref<1024xf32, #tpu.memory_space<vmem>>, vector<16xf32>,
      %get3A_4004 = arith.constant 944 : index
      %get3A_4005 = tpu.vector_load %arg12[%get3A_4004] {strides = array<i32>} : memref<1024xf32, #tpu.memory_space<vmem>>, vector<16xf32>,
      %get3A_4006 = arith.constant 944 : index
      %get3A_4007 = tpu.vector_load %arg13[%get3A_4006] {strides = array<i32>} : memref<1024xf32, #tpu.memory_space<vmem>>, vector<16xf32>,
      %add3A_4008 = arith.addf %get3A_4003, %get3A_4007 : vector<16xf32>
      %mul3A_4009 = arith.mulf %add3A_4008, %get3A_4005 : vector<16xf32>
      %add3A_4010 = arith.addf %add3A_3999, %mul3A_4009 : vector<16xf32>
      %mul3A_4011 = arith.mulf %add3A_4008, %get3A_4003 : vector<16xf32>
      %add3A_4012 = arith.addf %add3A_4001, %mul3A_4011 : vector<16xf32>
      %get3A_4013 = arith.constant 960 : index
      %get3A_4014 = tpu.vector_load %arg11[%get3A_4013] {strides = array<i32>} : memref<1024xf32, #tpu.memory_space<vmem>>, vector<16xf32>,
      %get3A_4015 = arith.constant 960 : index
      %get3A_4016 = tpu.vector_load %arg12[%get3A_4015] {strides = array<i32>} : memref<1024xf32, #tpu.memory_space<vmem>>, vector<16xf32>,
      %get3A_4017 = arith.constant 960 : index
      %get3A_4018 = tpu.vector_load %arg13[%get3A_4017] {strides = array<i32>} : memref<1024xf32, #tpu.memory_space<vmem>>, vector<16xf32>,
      %add3A_4019 = arith.addf %get3A_4014, %get3A_4018 : vector<16xf32>
      %mul3A_4020 = arith.mulf %add3A_4019, %get3A_4016 : vector<16xf32>
      %add3A_4021 = arith.addf %add3A_4010, %mul3A_4020 : vector<16xf32>
      %mul3A_4022 = arith.mulf %add3A_4019, %get3A_4014 : vector<16xf32>
      %add3A_4023 = arith.addf %add3A_4012, %mul3A_4022 : vector<16xf32>
      %get3A_4024 = arith.constant 976 : index
      %get3A_4025 = tpu.vector_load %arg11[%get3A_4024] {strides = array<i32>} : memref<1024xf32, #tpu.memory_space<vmem>>, vector<16xf32>,
      %get3A_4026 = arith.constant 976 : index
      %get3A_4027 = tpu.vector_load %arg12[%get3A_4026] {strides = array<i32>} : memref<1024xf32, #tpu.memory_space<vmem>>, vector<16xf32>,
      %get3A_4028 = arith.constant 976 : index
      %get3A_4029 = tpu.vector_load %arg13[%get3A_4028] {strides = array<i32>} : memref<1024xf32, #tpu.memory_space<vmem>>, vector<16xf32>,
      %add3A_4030 = arith.addf %get3A_4025, %get3A_4029 : vector<16xf32>
      %mul3A_4031 = arith.mulf %add3A_4030, %get3A_4027 : vector<16xf32>
      %add3A_4032 = arith.addf %add3A_4021, %mul3A_4031 : vector<16xf32>
      %mul3A_4033 = arith.mulf %add3A_4030, %get3A_4025 : vector<16xf32>
      %add3A_4034 = arith.addf %add3A_4023, %mul3A_4033 : vector<16xf32>
      %get3A_4035 = arith.constant 992 : index
      %get3A_4036 = tpu.vector_load %arg11[%get3A_4035] {strides = array<i32>} : memref<1024xf32, #tpu.memory_space<vmem>>, vector<16xf32>,
      %get3A_4037 = arith.constant 992 : index
      %get3A_4038 = tpu.vector_load %arg12[%get3A_4037] {strides = array<i32>} : memref<1024xf32, #tpu.memory_space<vmem>>, vector<16xf32>,
      %get3A_4039 = arith.constant 992 : index
      %get3A_4040 = tpu.vector_load %arg13[%get3A_4039] {strides = array<i32>} : memref<1024xf32, #tpu.memory_space<vmem>>, vector<16xf32>,
      %add3A_4041 = arith.addf %get3A_4036, %get3A_4040 : vector<16xf32>
      %mul3A_4042 = arith.mulf %add3A_4041, %get3A_4038 : vector<16xf32>
      %add3A_4043 = arith.addf %add3A_4032, %mul3A_4042 : vector<16xf32>
      %mul3A_4044 = arith.mulf %add3A_4041, %get3A_4036 : vector<16xf32>
      %add3A_4045 = arith.addf %add3A_4034, %mul3A_4044 : vector<16xf32>
      %get3A_4046 = arith.constant 1008 : index
      %get3A_4047 = tpu.vector_load %arg11[%get3A_4046] {strides = array<i32>} : memref<1024xf32, #tpu.memory_space<vmem>>, vector<16xf32>,
      %get3A_4048 = arith.constant 1008 : index
      %get3A_4049 = tpu.vector_load %arg12[%get3A_4048] {strides = array<i32>} : memref<1024xf32, #tpu.memory_space<vmem>>, vector<16xf32>,
      %get3A_4050 = arith.constant 1008 : index
      %get3A_4051 = tpu.vector_load %arg13[%get3A_4050] {strides = array<i32>} : memref<1024xf32, #tpu.memory_space<vmem>>, vector<16xf32>,
      %add3A_4052 = arith.addf %get3A_4047, %get3A_4051 : vector<16xf32>
      %mul3A_4053 = arith.mulf %add3A_4052, %get3A_4049 : vector<16xf32>
      %add3A_4054 = arith.addf %add3A_4043, %mul3A_4053 : vector<16xf32>
      %mul3A_4055 = arith.mulf %add3A_4052, %get3A_4047 : vector<16xf32>
      %add3A_4056 = arith.addf %add3A_4045, %mul3A_4055 : vector<16xf32>
      %reduce_sum3A = arith.constant true
      %reduce_sum3A_4057 = vector.broadcast %reduce_sum3A : i1 to vector<16xi1>
      %reduce_sum3A_4058 = tpu.scan <sum>, %add3A_4054 masked %reduce_sum3A_4057 : vector<16xf32>, vector<16xi1> -> vector<16xf32>
      %reduce_sum3A_4059 = vector.extract %reduce_sum3A_4058[15] : f32 from vector<16xf32>
      %broadcast_in_dim3A_4060 = vector.broadcast %reduce_sum3A_4059 : f32 to vector<16xf32>
      %reduce_sum3A_4061 = arith.constant true
      %reduce_sum3A_4062 = vector.broadcast %reduce_sum3A_4061 : i1 to vector<16xi1>
      %reduce_sum3A_4063 = tpu.scan <sum>, %add3A_4056 masked %reduce_sum3A_4062 : vector<16xf32>, vector<16xi1> -> vector<16xf32>
      %reduce_sum3A_4064 = vector.extract %reduce_sum3A_4063[15] : f32 from vector<16xf32>
      %broadcast_in_dim3A_4065 = vector.broadcast %reduce_sum3A_4064 : f32 to vector<16xf32>
      %div3A = arith.divf %broadcast_in_dim3A_4060, %broadcast_in_dim3A_4065 : vector<16xf32>
      %neg3A = arith.constant 0.000000e+00 : f32
      %neg3A_4066 = vector.broadcast %neg3A : f32 to vector<16xf32>
      %neg3A_4067 = arith.subf %neg3A_4066, %div3A : vector<16xf32>
      %swap3A_4068 = arith.constant 0 : index
      %swap3A_4069 = tpu.vector_load %arg14[%swap3A_4068] {strides = array<i32>} : memref<16xf32, #tpu.memory_space<vmem>>, vector<16xf32>,
      tpu.vector_store %arg14[%swap3A_4068], %neg3A_4067 {strides = array<i32>} : memref<16xf32, #tpu.memory_space<vmem>>, vector<16xf32>,
      "tpu.region"() ({
        %run_scoped3A = tpu.sem_alloc : memref<!tpu.dma_semaphore, #tpu.memory_space<semaphore_mem>>
        tpu.enqueue_dma source(%arg14 : memref<16xf32, #tpu.memory_space<vmem>>) target(%arg5 : memref<16xf32, #tpu.memory_space<hbm>>) target_semaphore(%run_scoped3A : memref<!tpu.dma_semaphore, #tpu.memory_space<semaphore_mem>>)
        tpu.wait_dma2 semaphore(%run_scoped3A : memref<!tpu.dma_semaphore, #tpu.memory_space<semaphore_mem>>) src(%arg14 : memref<16xf32, #tpu.memory_space<vmem>>) dst(%arg5 : memref<16xf32, #tpu.memory_space<hbm>>)
        tpu.yield
      }) : () -> ()
    } else {
    }
    return
  }
}

</mosaic_0001>

<sc_bundles>
// kernel: kernel.3.cloned.1.call-start
scs
__scs_entry_jumppad:
0x0: {  	(pc) =	sbr.rel $0x88, $3  }
0x1: {  	(tag) =	ssettag $0x0;
	lr =	simm.s32 $0x1  }
0x2: {  	[smem:$0x3F9E] =	sst lr;
	_ =	strace $0xD0000000  }
0x3: {  	_ = 	snop  }
0x4: {  	_ = 	snop  }
0x5: {  	_ = 	snop  }
0x6: {  	_ = 	snop  }
0x7: {  	_ = 	snop  }
__scs_overlays_trampoline_lowered:
0x8: {  	[smem:$0x3FAD] =	sst s0  }
0x9: {  	[smem:$0x3FAE] =	sst s1  }
0xa: {  	[smem:$0x3FAF] =	sst s2  }
0xb: {  	[smem:$0x3FB0] =	sst s3  }
0xc: {  	[smem:$0x3FB1] =	sst s4  }
0xd: {  	[smem:$0x3FB2] =	sst s5  }
0xe: {  	[smem:$0x3FB3] =	sst s6  }
0xf: {  	[smem:$0x3FB4] =	sst s7  }
0x10: {  	[smem:$0x3FB5] =	sst s8  }
0x11: {  	[smem:$0x3FB6] =	sst s9;
	s0 =	simm.s32 @!p0 $0x0  }
0x12: {  	s1 =	sld [smem:$0x3F9C];
	s0 =	simm.s32 @p0 $0x1  }
0x13: {  	[smem:$0x3FB7] =	sst s0;
	s0 =	simm.s32 @!p1 $0x0  }
0x14: {  	s2 =	sld [smem:$0x3F9B];
	s0 =	simm.s32 @p1 $0x1  }
0x15: {  	[smem:$0x3FB8] =	sst s0;
	s0 =	simm.s32 @!p2 $0x0  }
0x16: {  	s3 =	sld [smem:$0x3FDB];
	s0 =	simm.s32 @p2 $0x1  }
0x17: {  	s4 =	simm.s32 $0x1BF5;
	[smem:$0x3FBA] =	sst s0  }
0x18: {  	s0 =	sld [smem:$0x3F9D];
	_ =	swait.ge [sflag:s4], $0x0  }
0x19: {  	s7 =	sld [smem:$0x3F9E]  }
0x1a: {  	s8 =	sadd.s32 $0xFFFFE003, lr  }
0x1b: {  	s9 =	sadd.s32 $0xFFFFFEF7, lr;
	s5 =	simm.s32 $0xFFFFFFFF;
	p2 =	slt.u32 s8, $0xFFFFF086  }
0x1c: {  	p1 =	slt.u32 s9, $0xF7A;
	s5 =	simm.s32 @!p2 $0x0  }
0x1d: {  	s5 =	simm.s32 @p1 $0x1;
	p0 =	seq.s32 s7, s2  }
0x1e: {  	s7 =	smul.u32 @!p0 $0xF7A, s2;
	p2 =	seq.s32 @!p0 s5, $0x0  }
0x1f: {  	s9 =	smul.u32 $0xF7A, s1;
	s8 =	simm.s32 @!p0 $0x1BF5;
	p2 =	por !p2, p0  }
0x20: {  	[sflag:s8] =	ssyncset.s32 @!p0 $0xFFFFF086;
	s6 =	sadd.s32 @!p0 s3, s7;
	s7 =	simm.s32 @!p0 $0x108  }
0x21: {  	s3 =	sadd.s32 s3, s9;
	s6 =	sadd.s32 @!p0 $0x88, s6;
	s7 =	simm.s32 @p2 $0x1082  }
0x22: {  	[simem:s7], [sflag:s8] =	dma.local @!p0 [hbm:s6], $0xF7A  }
0x23: {  	s9 =	sor.u32 $0xD0000000, s2;
	s6 =	simm.s32 $0x108;
	_ =	swait.ge @!p0 [sflag:s8], $0x0  }
0x24: {  	s3 =	sadd.s32 $0x88, s3;
	s6 =	simm.s32 @!p1 $0x1082;
	[sflag:s4] =	ssyncset.s32 $0xFFFFF086  }
0x25: {  	[simem:s6], [sflag:s4] =	dma.local [hbm:s3], $0xF7A  }
0x26: {  	[smem:$0x3F9E] =	sst s1;
	(tag) =	ssettag s2;
	_ =	strace s9  }
0x27: {  	s1 =	sld [smem:$0x3FAE]  }
0x28: {  	s2 =	sld [smem:$0x3FAF]  }
0x29: {  	s4 =	sld [smem:$0x3FB1]  }
0x2a: {  	p0 =	seq.s32 s5, $0x0;
	s5 =	sld [smem:$0x3FB2]  }
0x2b: {  	s6 =	sld [smem:$0x3FB3]  }
0x2c: {  	s7 =	sld [smem:$0x3FB4]  }
0x2d: {  	s3 =	simm.s32 $0x108;
	s8 =	sld [smem:$0x3FB5]  }
0x2e: {  	s3 =	simm.s32 @!p0 $0x1082;
	s9 =	sld [smem:$0x3FB6]  }
0x2f: {  	lr =	sadd.s32 s0, s3;
	s0 =	sld [smem:$0x3FAD]  }
0x30: {  	s3 =	sld [smem:$0x3FB0]  }
0x31: {  	[smem:$0x3FB9] =	sst s10  }
0x32: {  	s10 =	sld [smem:$0x3FB7];
	_ =	sdelay $0x3  }
0x33: {  	p0 =	seq.s32 s10, $0x1;
	s10 =	sld [smem:$0x3FB9];
	_ =	sdelay $0x3  }
0x34: {  	[smem:$0x3FB9] =	sst s10  }
0x35: {  	s10 =	sld [smem:$0x3FB8];
	_ =	sdelay $0x3  }
0x36: {  	p1 =	seq.s32 s10, $0x1;
	s10 =	sld [smem:$0x3FB9];
	_ =	sdelay $0x3  }
0x37: {  	[smem:$0x3FB9] =	sst s10  }
0x38: {  	s10 =	sld [smem:$0x3FBA]  }
0x39: {  	_ = 	snop;
	(pc) =	sbr.ind lr, $3  }
0x3a: {  	_ = 	snop  }
0x3b: {  	_ = 	snop  }
0x3c: {  	p2 =	seq.s32 s10, $0x1;
	s10 =	sld [smem:$0x3FB9]  }
0x3d: {  	_ =	shalt  }
0x3e: {  	_ =	shalt  }
0x3f: {  	_ =	shalt  }
0x40: {  	_ =	shalt  }
0x41: {  	_ =	shalt  }
0x42: {  	_ =	shalt  }
0x43: {  	_ =	shalt  }
0x44: {  	_ =	shalt  }
0x45: {  	_ =	shalt  }
0x46: {  	_ =	shalt  }
0x47: {  	_ =	shalt  }
0x48: {  	_ =	shalt  }
0x49: {  	_ =	shalt  }
0x4a: {  	_ =	shalt  }
0x4b: {  	_ =	shalt  }
0x4c: {  	_ =	shalt  }
0x4d: {  	_ =	shalt  }
0x4e: {  	_ =	shalt  }
0x4f: {  	_ =	shalt  }
0x50: {  	_ =	shalt  }
0x51: {  	_ =	shalt  }
0x52: {  	_ =	shalt  }
0x53: {  	_ =	shalt  }
0x54: {  	_ =	shalt  }
0x55: {  	_ =	shalt  }
0x56: {  	_ =	shalt  }
0x57: {  	_ =	shalt  }
0x58: {  	_ =	shalt  }
0x59: {  	_ =	shalt  }
0x5a: {  	_ =	shalt  }
0x5b: {  	_ =	shalt  }
0x5c: {  	_ =	shalt  }
0x5d: {  	_ =	shalt  }
0x5e: {  	_ =	shalt  }
0x5f: {  	_ =	shalt  }
0x60: {  	_ =	shalt  }
0x61: {  	_ =	shalt  }
0x62: {  	_ =	shalt  }
0x63: {  	_ =	shalt  }
0x64: {  	_ =	shalt  }
0x65: {  	_ =	shalt  }
0x66: {  	_ =	shalt  }
0x67: {  	_ =	shalt  }
0x68: {  	_ =	shalt  }
0x69: {  	_ =	shalt  }
0x6a: {  	_ =	shalt  }
0x6b: {  	_ =	shalt  }
0x6c: {  	_ =	shalt  }
0x6d: {  	_ =	shalt  }
0x6e: {  	_ =	shalt  }
0x6f: {  	_ =	shalt  }
0x70: {  	_ =	shalt  }
0x71: {  	_ =	shalt  }
0x72: {  	_ =	shalt  }
0x73: {  	_ =	shalt  }
0x74: {  	_ =	shalt  }
0x75: {  	_ =	shalt  }
0x76: {  	_ =	shalt  }
0x77: {  	_ =	shalt  }
0x78: {  	_ =	shalt  }
0x79: {  	_ =	shalt  }
0x7a: {  	_ =	shalt  }
0x7b: {  	_ =	shalt  }
0x7c: {  	_ =	shalt  }
0x7d: {  	_ =	shalt  }
0x7e: {  	_ =	shalt  }
0x7f: {  	_ =	shalt  }
0x80: {  	_ =	shalt  }
0x81: {  	_ =	shalt  }
0x82: {  	_ =	shalt  }
0x83: {  	_ =	shalt  }
0x84: {  	_ =	shalt  }
0x85: {  	_ =	shalt  }
0x86: {  	_ =	shalt  }
0x87: {  	_ =	shalt  }
.Lfunc_end0:
.L_simem_size_0:
called_computation_lowered:
.L_overlay_start_0:
0x88: {  	s0 =	sld [smem:$0x3FD9]  }
0x89: {  	s1 =	sld [smem:$0x3FFE];
	_ =	sdelay $0x3  }
0x8a: {  	s0 =	sadd.s32 s1, s0  }
0x8b: {  	[smem:$0x3FC5] =	sst s0  }
0x8c: {  	_ = 	snop  }
0x8d: {  	s0 =	sld [smem:$0x3FC9]  }
0x8e: {  	s16 =	sld [smem:$0x3FC8]  }
0x8f: {  	s2 =	sld [smem:$0x3FD0];
	(tm) =	ssettm $0x1  }
0x90: {  	s3 =	sld [smem:$0x3FFB];
	_ =	sdelay $0x3  }
0x91: {  	_ =	strace s3  }
0x92: {  	s3 =	sld [smem:$0x3FFC];
	_ =	sdelay $0x3  }
0x93: {  	_ =	strace s3  }
0x94: {  	s3 =	sld [smem:$0x3FFD];
	_ =	sdelay $0x3  }
0x95: {  	_ =	strace s3  }
0x96: {  	_ =	strace $0x8FFFFFFF  }
0x97: {  	s17 =	sld [smem:$0x3FDB];
	_ =	sdelay $0x1  }
0x98: {  	s4 =	simm.s32 $_scs_section_size  }
0x99: {  	s5 =	simm.s32 $_size__tile_overlayer_lowered;
	s6 =	simm.s32 $_tile_overlayer_lowered  }
0x9a: {  	s20 =	simm.s32 $0x1BFF;
	s19 =	sshll.u32 s6, $0x1;
	s3 =	sadd.s32 s4, s17  }
0x9b: {  	s7 =	simm.s32 $0x0;
	s18 =	sshll.u32 s5, $0x1;
	s5 =	sadd.s32 s19, s3  }
0x9c: {  	[timem:s7], [sflag:s20] =	dma.local [hbm:s5], s18  }
0x9d: {  	_ =	swait.ge [sflag:s20], s18  }
0x9e: {  	s4 =	ssub.s32 $0x0, s18;
	[sflag:s20] =	ssyncset.done $0x0  }
0x9f: {  	[sflag:s20] =	ssyncadd.s32 s4;
	_ =	sdelay $0x1  }
0xa0: {  	s21 =	simm.s32 $0x1B8B  }
0xa1: {  	_ =	swait.ge [sflag:s21], $0x1  }
0xa2: {  	[sflag:s21] =	ssyncset.done $0x0  }
0xa3: {  	s23 =	simm.s32 $0x1B8E;
	s22 =	sld [smem:$0x3FFE];
	[sflag:s21] =	ssyncadd.s32 $0xFFFFFFFF  }
0xa4: {  	s24 =	simm.s32 $execute0_lowered;
	[smem:$0x3FD2] =	sst s23  }
0xa5: {  	s5 =	sshll.u32 s24, $0x1;
	_ =	strace $0x80000046;
	[dreg:$0x1] =	wrdreg $0xFFFFFFFF  }
0xa6: {  	s25 =	simm.s32 $_size_execute0_lowered;
	s3 =	sadd.s32 s3, s5;
	[dreg:$0x0] =	wrdreg $0x0  }
0xa7: {  	s5 =	sshll.u32 s25, $0x1;
	[dreg:$0x2] =	wrdreg s3  }
0xa8: {  	[dreg:$0x3] =	wrdreg s5  }
0xa9: {  	[dreg:$0x4] =	wrdreg $0xC0  }
0xaa: {  	_ =	task [dreg:s7], $0x5FFFF  }
0xab: {  	[dreg:$0x1] =	wrdreg $0xFFFFFFFF  }
0xac: {  	[dreg:$0x0] =	wrdreg $0x60  }
0xad: {  	[dreg:$0x2] =	wrdreg s0  }
0xae: {  	[dreg:$0x3] =	wrdreg s16  }
0xaf: {  	[dreg:$0x4] =	wrdreg s22  }
0xb0: {  	[dreg:$0x5] =	wrdreg s2  }
0xb1: {  	[dreg:$0x6] =	wrdreg $0x20800  }
0xb2: {  	[dreg:$0x7] =	wrdreg $0x20C00  }
0xb3: {  	[dreg:$0x8] =	wrdreg $0x9  }
0xb4: {  	_ =	task.clear_ibuf [dreg:s7], $0x9FFFF;
	_ =	strace $0x90000046  }
0xb5: {  	s26 =	simm.s32 $0x9;
	_ =	strace $0x80000048  }
0xb6: {  	_ =	swait.ge [sflag:s26], $0x1  }
0xb7: {  	[sflag:s26] =	ssyncadd.s32 $0xFFFFFFFF  }
0xb8: {  	_ =	strace $0x90000048  }
0xb9: {  	_ =	sfence  }
0xba: {  	s28 =	sld [smem:$0x0];
	_ =	sdelay $0x1  }
0xbb: {  	s29 =	srdreg.scid  }
0xbc: {  	s30 =	sshll.u32 s29, $0xD;
	s31 =	sshrl.u32 s29, $0x2  }
0xbd: {  	s1 =	sand.u32 $0x1, s29;
	s2 =	sand.u32 $0x4000, s30;
	s0 =	sadd.s32 s31, s28  }
0xbe: {  	s1 =	sor.u32 s2, s1;
	s0 =	sshll.u32 s0, $0x11  }
0xbf: {  	s0 =	sor.u32 s0, s1  }
0xc0: {  	s0 =	sadd.s32 $0x8F2B, s0  }
0xc1: {  	[sflag:s0] =	ssyncadd.remote.s32 $0x1  }
0xc2: {  	_ =	sfence.sel $0xFFFF  }
0xc3: {  	[dreg:$0x0] =	wrdreg $0xFFFFFFFF;
	(pc) =	sbr.abs _section_cstart, $3  }
0xc4: {  	[dreg:$0x1] =	wrdreg $0xFFFFFFFF  }
0xc5: {  	_ =	task.clear_ibuf [dreg:s7], $0x2FFFF;
	_ =	strace $0x9FFFFFFF  }
0xc6: {  	(tm) =	ssettm $0x7FFFFFFF  }
0xc7: {  	_ =	shalt  }
tec
execute0_lowered:
.L_overlay_start_1:
0x0: {  	(tag) =	ssettag $0x1  }
0x1: {  	s2 =	stileid.u32  }
0x2: {  	s1 =	sshll.u32 s2, $0xA  }
0x3: {  	s0 =	sor.u32 $0x80, s1  }
0x4: {  	s8 =	sor.u32 $0x90, s1;
	v1 =	vmov s0  }
0x5: {  	v2 =	vmov s8;
	v1 =	vshll.u32 v1, $0x3  }
0x6: {  	s9 =	sor.u32 $0xA0, s1;
	s3 =	sor.u32 $0xB0, s1;
	v56 =	vbroadcast v1, $0x0;
	v1 =	vshll.u32 v2, $0x3  }
0x7: {  	v3 =	vmov s3;
	v2 =	vmov s9;
	v1 =	vand.u32 $0xFFFFE400, v1  }
0x8: {  	s10 =	sor.u32 $0xC0, s1;
	v57 =	vbroadcast v1, $0x0;
	v1 =	vshll.u32 v2, $0x3;
	v2 =	vshll.u32 v3, $0x3  }
0x9: {  	v3 =	vmov s10;
	v1 =	vand.u32 $0xFFFFE400, v1;
	v2 =	vand.u32 $0xFFFFE400, v2  }
0xa: {  	s11 =	sor.u32 $0xD0, s1;
	s12 =	sor.u32 $0xE0, s1;
	v55 =	vbroadcast v1, $0x0;
	v52 =	vbroadcast v2, $0x0;
	v1 =	vshll.u32 v3, $0x3  }
0xb: {  	v2 =	vmov s11;
	v3 =	vmov s12;
	v1 =	vand.u32 $0xFFFFE400, v1  }
0xc: {  	s13 =	sor.u32 $0xF0, s1;
	v53 =	vbroadcast v1, $0x0;
	v1 =	vshll.u32 v2, $0x3;
	v2 =	vshll.u32 v3, $0x3  }
0xd: {  	v3 =	vmov s13;
	v1 =	vand.u32 $0xFFFFE400, v1;
	v2 =	vand.u32 $0xFFFFE400, v2  }
0xe: {  	s14 =	sor.u32 $0x100, s1;
	s15 =	sor.u32 $0x110, s1;
	v51 =	vbroadcast v1, $0x0;
	v49 =	vbroadcast v2, $0x0;
	v1 =	vshll.u32 v3, $0x3  }
0xf: {  	v2 =	vmov s14;
	v3 =	vmov s15;
	v1 =	vand.u32 $0xFFFFE400, v1  }
0x10: {  	s16 =	sor.u32 $0x120, s1;
	v50 =	vbroadcast v1, $0x0;
	v1 =	vshll.u32 v2, $0x3;
	v2 =	vshll.u32 v3, $0x3  }
0x11: {  	s17 =	sor.u32 $0x130, s1;
	v47 =	vbroadcast v1, $0x0;
	v1 =	vand.u32 $0xFFFFE800, v2;
	v2 =	vmov s16  }
0x12: {  	s18 =	sor.u32 $0x140, s1;
	v46 =	vbroadcast v1, $0x0;
	v1 =	vshll.u32 v2, $0x3;
	v2 =	vmov s17  }
0x13: {  	v3 =	vmov s18;
	v1 =	vand.u32 $0xFFFFE800, v1;
	v2 =	vshll.u32 v2, $0x3  }
0x14: {  	s19 =	sor.u32 $0x150, s1;
	v48 =	vbroadcast v1, $0x0;
	v1 =	vand.u32 $0xFFFFE800, v2;
	v2 =	vshll.u32 v3, $0x3  }
0x15: {  	s20 =	sor.u32 $0x160, s1;
	v44 =	vbroadcast v1, $0x0;
	v1 =	vand.u32 $0xFFFFE800, v2;
	v2 =	vmov s19  }
0x16: {  	s21 =	sor.u32 $0x170, s1;
	v43 =	vbroadcast v1, $0x0;
	v1 =	vshll.u32 v2, $0x3;
	v2 =	vmov s20  }
0x17: {  	v3 =	vmov s21;
	v1 =	vand.u32 $0xFFFFE800, v1;
	v2 =	vshll.u32 v2, $0x3  }
0x18: {  	s22 =	sor.u32 $0x180, s1;
	v45 =	vbroadcast v1, $0x0;
	v1 =	vand.u32 $0xFFFFE800, v2;
	v2 =	vshll.u32 v3, $0x3  }
0x19: {  	s23 =	sor.u32 $0x190, s1;
	v42 =	vbroadcast v1, $0x0;
	v1 =	vand.u32 $0xFFFFE800, v2;
	v2 =	vmov s22  }
0x1a: {  	s24 =	sor.u32 $0x1A0, s1;
	v41 =	vbroadcast v1, $0x0;
	v1 =	vshll.u32 v2, $0x3;
	v2 =	vmov s23  }
0x1b: {  	s25 =	sor.u32 $0x1B0, s1;
	v40 =	vbroadcast v1, $0x0;
	v1 =	vshll.u32 v2, $0x3;
	v2 =	vmov s24  }
0x1c: {  	v3 =	vmov s25;
	v1 =	vand.u32 $0xFFFFEC00, v1;
	v2 =	vshll.u32 v2, $0x3  }
0x1d: {  	s26 =	sor.u32 $0x1C0, s1;
	v39 =	vbroadcast v1, $0x0;
	v1 =	vand.u32 $0xFFFFEC00, v2;
	v2 =	vshll.u32 v3, $0x3  }
0x1e: {  	s28 =	sor.u32 $0x1D0, s1;
	v38 =	vbroadcast v1, $0x0;
	v1 =	vand.u32 $0xFFFFEC00, v2;
	v2 =	vmov s26  }
0x1f: {  	s29 =	sor.u32 $0x1E0, s1;
	v37 =	vbroadcast v1, $0x0;
	v1 =	vshll.u32 v2, $0x3;
	v2 =	vmov s28  }
0x20: {  	v3 =	vmov s29;
	v1 =	vand.u32 $0xFFFFEC00, v1;
	v2 =	vshll.u32 v2, $0x3  }
0x21: {  	s30 =	sor.u32 $0x1F0, s1;
	v36 =	vbroadcast v1, $0x0;
	v1 =	vand.u32 $0xFFFFEC00, v2;
	v2 =	vshll.u32 v3, $0x3  }
0x22: {  	s31 =	sor.u32 $0x200, s1;
	v35 =	vbroadcast v1, $0x0;
	v1 =	vand.u32 $0xFFFFEC00, v2;
	v2 =	vmov s30  }
0x23: {  	s3 =	sor.u32 $0x210, s1;
	v34 =	vbroadcast v1, $0x0;
	v1 =	vshll.u32 v2, $0x3;
	v2 =	vmov s31  }
0x24: {  	v3 =	vmov s3;
	v1 =	vand.u32 $0xFFFFEC00, v1;
	v2 =	vshll.u32 v2, $0x3  }
0x25: {  	s4 =	sor.u32 $0x220, s1;
	s5 =	sor.u32 $0x230, s1;
	v33 =	vbroadcast v1, $0x0;
	v31 =	vbroadcast v2, $0x0;
	v1 =	vshll.u32 v3, $0x3  }
0x26: {  	v2 =	vmov s4;
	v3 =	vmov s5;
	v1 =	vand.u32 $0xFFFFF000, v1  }
0x27: {  	s6 =	sor.u32 $0x240, s1;
	v32 =	vbroadcast v1, $0x0;
	v1 =	vshll.u32 v2, $0x3;
	v2 =	vshll.u32 v3, $0x3  }
0x28: {  	v3 =	vmov s6;
	v1 =	vand.u32 $0xFFFFF000, v1;
	v2 =	vand.u32 $0xFFFFF000, v2  }
0x29: {  	s7 =	sor.u32 $0x250, s1;
	s8 =	sor.u32 $0x260, s1;
	v30 =	vbroadcast v1, $0x0;
	v28 =	vbroadcast v2, $0x0;
	v1 =	vshll.u32 v3, $0x3  }
0x2a: {  	v2 =	vmov s7;
	v3 =	vmov s8;
	v1 =	vand.u32 $0xFFFFF000, v1  }
0x2b: {  	s9 =	sor.u32 $0x270, s1;
	v29 =	vbroadcast v1, $0x0;
	v1 =	vshll.u32 v2, $0x3;
	v2 =	vshll.u32 v3, $0x3  }
0x2c: {  	v3 =	vmov s9;
	v1 =	vand.u32 $0xFFFFF000, v1;
	v2 =	vand.u32 $0xFFFFF000, v2  }
0x2d: {  	s10 =	sor.u32 $0x280, s1;
	s11 =	sor.u32 $0x290, s1;
	v27 =	vbroadcast v1, $0x0;
	v25 =	vbroadcast v2, $0x0;
	v1 =	vshll.u32 v3, $0x3  }
0x2e: {  	v2 =	vmov s10;
	v3 =	vmov s11;
	v1 =	vand.u32 $0xFFFFF000, v1  }
0x2f: {  	s12 =	sor.u32 $0x2A0, s1;
	v26 =	vbroadcast v1, $0x0;
	v1 =	vshll.u32 v2, $0x3;
	v2 =	vshll.u32 v3, $0x3  }
0x30: {  	s13 =	sor.u32 $0x2B0, s1;
	v23 =	vbroadcast v1, $0x0;
	v1 =	vand.u32 $0xFFFFF400, v2;
	v2 =	vmov s12  }
0x31: {  	s14 =	sor.u32 $0x2C0, s1;
	v22 =	vbroadcast v1, $0x0;
	v1 =	vshll.u32 v2, $0x3;
	v2 =	vmov s13  }
0x32: {  	v3 =	vmov s14;
	v1 =	vand.u32 $0xFFFFF400, v1;
	v2 =	vshll.u32 v2, $0x3  }
0x33: {  	s15 =	sor.u32 $0x2D0, s1;
	v24 =	vbroadcast v1, $0x0;
	v1 =	vand.u32 $0xFFFFF400, v2;
	v2 =	vshll.u32 v3, $0x3  }
0x34: {  	s16 =	sor.u32 $0x2E0, s1;
	v21 =	vbroadcast v1, $0x0;
	v1 =	vand.u32 $0xFFFFF400, v2;
	v2 =	vmov s15  }
0x35: {  	s17 =	sor.u32 $0x2F0, s1;
	v20 =	vbroadcast v1, $0x0;
	v1 =	vshll.u32 v2, $0x3;
	v2 =	vmov s16  }
0x36: {  	v3 =	vmov s17;
	v1 =	vand.u32 $0xFFFFF400, v1;
	v2 =	vshll.u32 v2, $0x3  }
0x37: {  	s18 =	sor.u32 $0x300, s1;
	v19 =	vbroadcast v1, $0x0;
	v1 =	vand.u32 $0xFFFFF400, v2;
	v2 =	vshll.u32 v3, $0x3  }
0x38: {  	s19 =	sor.u32 $0x310, s1;
	v18 =	vbroadcast v1, $0x0;
	v1 =	vand.u32 $0xFFFFF400, v2;
	v2 =	vmov s18  }
0x39: {  	s20 =	sor.u32 $0x320, s1;
	v17 =	vbroadcast v1, $0x0;
	v1 =	vshll.u32 v2, $0x3;
	v2 =	vmov s19  }
0x3a: {  	s21 =	sor.u32 $0x330, s1;
	v16 =	vbroadcast v1, $0x0;
	v1 =	vshll.u32 v2, $0x3;
	v2 =	vmov s20  }
0x3b: {  	v3 =	vmov s21;
	v1 =	vand.u32 $0xFFFFF800, v1;
	v2 =	vshll.u32 v2, $0x3  }
0x3c: {  	s22 =	sor.u32 $0x340, s1;
	v15 =	vbroadcast v1, $0x0;
	v1 =	vand.u32 $0xFFFFF800, v2;
	v2 =	vshll.u32 v3, $0x3  }
0x3d: {  	s23 =	sor.u32 $0x350, s1;
	v14 =	vbroadcast v1, $0x0;
	v1 =	vand.u32 $0xFFFFF800, v2;
	v2 =	vmov s22  }
0x3e: {  	s24 =	sor.u32 $0x360, s1;
	v13 =	vbroadcast v1, $0x0;
	v1 =	vshll.u32 v2, $0x3;
	v2 =	vmov s23  }
0x3f: {  	v3 =	vmov s24;
	v1 =	vand.u32 $0xFFFFF800, v1;
	v2 =	vshll.u32 v2, $0x3  }
0x40: {  	s25 =	sor.u32 $0x370, s1;
	v12 =	vbroadcast v1, $0x0;
	v1 =	vand.u32 $0xFFFFF800, v2;
	v2 =	vshll.u32 v3, $0x3  }
0x41: {  	v11 =	vbroadcast v1, $0x0;
	v1 =	vand.u32 $0xFFFFF800, v2;
	v2 =	vmov s25  }
0x42: {  	v10 =	vbroadcast v1, $0x0;
	v1 =	vshll.u32 v2, $0x3  }
0x43: {  	s26 =	sor.u32 $0x390, s1;
	v1 =	vand.u32 $0xFFFFF800, v1  }
0x44: {  	s28 =	sor.u32 $0x380, s1;
	v2 =	vmov s26;
	v1 =	vbroadcast v1, $0x0  }
0x45: {  	v3 =	vmov s28;
	v2 =	vshll.u32 v2, $0x3  }
0x46: {  	v2 =	vand.u32 $0xFFFFFC00, v2;
	[tilespmem:$0x1FF80] =	vst v1;
	v1 =	vshll.u32 v3, $0x3  }
0x47: {  	v9 =	vbroadcast v1, $0x0;
	v1 =	vbroadcast v2, $0x0  }
0x48: {  	s29 =	sor.u32 $0x3A0, s1  }
0x49: {  	[tilespmem:$0x1FF90] =	vst v1;
	v1 =	vmov s29  }
0x4a: {  	v1 =	vshll.u32 v1, $0x3  }
0x4b: {  	s30 =	sor.u32 $0x3B0, s1;
	v1 =	vand.u32 $0xFFFFFC00, v1  }
0x4c: {  	v2 =	vmov s30;
	v1 =	vbroadcast v1, $0x0  }
0x4d: {  	s31 =	sor.u32 $0x3C0, s1;
	v2 =	vshll.u32 v2, $0x3  }
0x4e: {  	v3 =	vmov s31;
	[tilespmem:$0x1FFA0] =	vst v1;
	v1 =	vand.u32 $0xFFFFFC00, v2  }
0x4f: {  	v3 =	vshll.u32 v3, $0x3;
	v1 =	vbroadcast v1, $0x0  }
0x50: {  	v2 =	vand.u32 $0xFFFFFC00, v3  }
0x51: {  	[tilespmem:$0x1FFB0] =	vst v1;
	v1 =	vbroadcast v2, $0x0  }
0x52: {  	s0 =	rddreg [dreg:$0x3];
	s4 =	sor.u32 $0x3D0, s1  }
0x53: {  	s3 =	rddreg [dreg:$0x4];
	s6 =	sor.u32 $0x3E0, s1;
	[tilespmem:$0x1FFC0] =	vst v1;
	v1 =	vmov s4  }
0x54: {  	s5 =	rddreg [dreg:$0x0];
	v2 =	vmov s6;
	v1 =	vshll.u32 v1, $0x3  }
0x55: {  	v0 =	vmov s1;
	s1 =	sor.u32 $0x3F0, s1;
	s8 =	rddreg [dreg:$0x1];
	v2 =	vshll.u32 v2, $0x3;
	v1 =	vand.u32 $0xFFFFFC00, v1  }
0x56: {  	p0 =	sne.s32 s2, $0x0;
	s7 =	rddreg [dreg:$0x2];
	v3 =	vmov s1;
	v2 =	vand.u32 $0xFFFFFC00, v2;
	v1 =	vbroadcast v1, $0x0  }
.Ltmp0:
0x57: {  	s1 =	rddreg [dreg:$0x6];
	v3 =	vshll.u32 v3, $0x3;
	s6 =	simm.s32 $0x0;
	v2 =	vbroadcast v2, $0x0;
	(pc) =	sbr.rel @p0 .LBB2_2-.Ltmp0, $4  }
0x58: {  	v0 =	vshll.u32 v0, $0x3;
	v3 =	vand.u32 $0xFFFFFC00, v3;
	[smem:$0x7FF] =	sst s6;
	[tilespmem:$0x1FFD0] =	vst v1  }
0x59: {  	v54 =	vbroadcast v0, $0x0;
	s4 =	rddreg [dreg:$0x5];
	_ =	strace $0x80000047;
	[tilespmem:$0x1FFE0] =	vst v2;
	v2 =	vbroadcast v3, $0x0  }
0x5a: {  	s2 =	sshll.u32 s2, $0x7;
	v0 =	vlaneseq.u32  }
0x5b: {  	s2 =	sadd.s32 s8, s2;
	v1 =	vor.u32 v0, v54;
	[tilespmem:$0x1FFF0] =	vst v2  }
0x5c: {  	v2 =	vimm.f32 $0.0e+00  }
0x5d: {  	[tilespmem:$0x1000] =	vst v2  }
0x5e: {  	[tilespmem:$0x1010] =	vst v2  }
0x5f: {  	[tilespmem:$0x1020] =	vst v2  }
0x60: {  	[tilespmem:$0x1030] =	vst v2  }
0x61: {  	[tilespmem:$0x1040] =	vst v2  }
0x62: {  	[tilespmem:$0x1050] =	vst v2  }
0x63: {  	[tilespmem:$0x1060] =	vst v2  }
0x64: {  	[tilespmem:$0x1070] =	vst v2  }
0x65: {  	[tilespmem:$0x1080] =	vst v2  }
0x66: {  	[tilespmem:$0x1090] =	vst v2  }
0x67: {  	[tilespmem:$0x10A0] =	vst v2  }
0x68: {  	[tilespmem:$0x10B0] =	vst v2  }
0x69: {  	[tilespmem:$0x10C0] =	vst v2  }
0x6a: {  	[tilespmem:$0x10D0] =	vst v2  }
0x6b: {  	[tilespmem:$0x10E0] =	vst v2  }
0x6c: {  	[tilespmem:$0x10F0] =	vst v2  }
0x6d: {  	[tilespmem:$0x1100] =	vst v2  }
0x6e: {  	[tilespmem:$0x1110] =	vst v2  }
0x6f: {  	[tilespmem:$0x1120] =	vst v2  }
0x70: {  	[tilespmem:$0x1130] =	vst v2  }
0x71: {  	[tilespmem:$0x1140] =	vst v2  }
0x72: {  	[tilespmem:$0x1150] =	vst v2  }
0x73: {  	[tilespmem:$0x1160] =	vst v2  }
0x74: {  	[tilespmem:$0x1170] =	vst v2  }
0x75: {  	[tilespmem:$0x1180] =	vst v2  }
0x76: {  	[tilespmem:$0x1190] =	vst v2  }
0x77: {  	[tilespmem:$0x11A0] =	vst v2  }
0x78: {  	[tilespmem:$0x11B0] =	vst v2  }
0x79: {  	[tilespmem:$0x11C0] =	vst v2  }
0x7a: {  	[tilespmem:$0x11D0] =	vst v2  }
0x7b: {  	[tilespmem:$0x11E0] =	vst v2  }
0x7c: {  	[tilespmem:$0x11F0] =	vst v2  }
0x7d: {  	[tilespmem:$0x1200] =	vst v2  }
0x7e: {  	[tilespmem:$0x1210] =	vst v2  }
0x7f: {  	[tilespmem:$0x1220] =	vst v2  }
0x80: {  	[tilespmem:$0x1230] =	vst v2  }
0x81: {  	[tilespmem:$0x1240] =	vst v2  }
0x82: {  	[tilespmem:$0x1250] =	vst v2  }
0x83: {  	[tilespmem:$0x1260] =	vst v2  }
0x84: {  	[tilespmem:$0x1270] =	vst v2  }
0x85: {  	[tilespmem:$0x1280] =	vst v2  }
0x86: {  	[tilespmem:$0x1290] =	vst v2  }
0x87: {  	[tilespmem:$0x12A0] =	vst v2  }
0x88: {  	[tilespmem:$0x12B0] =	vst v2  }
0x89: {  	[tilespmem:$0x12C0] =	vst v2  }
0x8a: {  	[tilespmem:$0x12D0] =	vst v2  }
0x8b: {  	[tilespmem:$0x12E0] =	vst v2  }
0x8c: {  	[tilespmem:$0x12F0] =	vst v2  }
0x8d: {  	[tilespmem:$0x1300] =	vst v2  }
0x8e: {  	[tilespmem:$0x1310] =	vst v2  }
0x8f: {  	[tilespmem:$0x1320] =	vst v2  }
0x90: {  	[tilespmem:$0x1330] =	vst v2  }
0x91: {  	[tilespmem:$0x1340] =	vst v2  }
0x92: {  	[tilespmem:$0x1350] =	vst v2  }
0x93: {  	[tilespmem:$0x1360] =	vst v2  }
0x94: {  	[tilespmem:$0x1370] =	vst v2  }
0x95: {  	[tilespmem:$0x1380] =	vst v2  }
0x96: {  	[tilespmem:$0x1390] =	vst v2  }
0x97: {  	[tilespmem:$0x13A0] =	vst v2  }
0x98: {  	[tilespmem:$0x13B0] =	vst v2  }
0x99: {  	[tilespmem:$0x13C0] =	vst v2  }
0x9a: {  	[tilespmem:$0x13D0] =	vst v2  }
0x9b: {  	[tilespmem:$0x13E0] =	vst v2  }
0x9c: {  	s8 =	simm.s32 $0x1000;
	s9 =	simm.s32 $0xA;
	[tilespmem:$0x13F0] =	vst v2  }
0x9d: {  	[spmem:s3] =	stream.linear.scatter [tilespmem:s8], [sflag:$0xA], $0x400, $0x38;
	[tilespmem:$0x2100] =	vst v63  }
0x9e: {  	_ =	swait.ge [sflag:s9], $0x400  }
0x9f: {  	[sflag:s9] =	ssyncset.done $0x0  }
0xa0: {  	[sflag:s9] =	ssyncadd.s32 $0xFFFFFC00  }
0xa1: {  	[spmem:s4] =	stream.linear.scatter [tilespmem:s8], [sflag:$0xA], $0x400, $0x38;
	[tilespmem:$0x2100] =	vst v63  }
0xa2: {  	_ =	swait.ge [sflag:s9], $0x400  }
0xa3: {  	[sflag:s9] =	ssyncset.done $0x0  }
0xa4: {  	s31 =	simm.s32 $0x1C00;
	[sflag:s9] =	ssyncadd.s32 $0xFFFFFC00  }
0xa5: {  	[tilespmem:s31], [sflag:$0xA] =	stream.linear.gather [hbm4b:s7+s6], $0x400, $0x38;
	[tilespmem:$0x2100] =	vst v63  }
0xa6: {  	_ =	swait.ge [sflag:s9], $0x400  }
0xa7: {  	[sflag:s9] =	ssyncset.done $0x0  }
0xa8: {  	[sflag:s9] =	ssyncadd.s32 $0xFFFFFC00  }
.LBB2_2:
0xa9: {  	[tilespmem:s6], [sflag:$0xA] =	stream.linear.gather [hbm4b:s2+s6], $0x400, $0x38;
	[tilespmem:$0x2100] =	vst v63  }
0xaa: {  	s2 =	simm.s32 $0xA  }
0xab: {  	_ =	swait.ge [sflag:s2], $0x400  }
0xac: {  	[sflag:s2] =	ssyncset.done $0x0  }
0xad: {  	[sflag:s2] =	ssyncadd.s32 $0xFFFFFC00  }
0xae: {  	v2 =	vld [tilespmem:$0x0]  }
0xaf: {  	v3 =	vld [tilespmem:$0x10]  }
0xb0: {  	v4 =	vld [tilespmem:$0x20]  }
0xb1: {  	v60 =	vld [tilespmem:$0x40];
	_ =	sdelay $0x2  }
0xb2: {  	v59 =	vld [tilespmem:$0x30];
	v5 =	vshll.u32 v2, $0xE  }
0xb3: {  	v2 =	vshll.u32 v2, $0x7;
	v8 =	vshll.u32 v3, $0xE;
	v3 =	vshll.u32 v3, $0x7  }
0xb4: {  	v62 =	vshll.u32 v4, $0xE;
	v63 =	vshll.u32 v4, $0x7;
	v7 =	vshll.u32 v60, $0xE  }
0xb5: {  	v60 =	vshll.u32 v60, $0x7;
	v5 =	vand.u32 $0xFFFE0000, v5;
	v2 =	vand.u32 $0x380, v2  }
0xb6: {  	v4 =	vld [tilespmem:$0x50];
	v8 =	vand.u32 $0xFFFE0000, v8;
	v61 =	vand.u32 $0x380, v3;
	v3 =	vand.u32 $0x380, v63  }
0xb7: {  	v63 =	vshll.u32 v59, $0x7;
	v60 =	vand.u32 $0x380, v60;
	v1 =	vor.u32 v5, v1  }
0xb8: {  	v58 =	vor.u32 v2, v1;
	v1 =	vor.u32 v61, v8;
	v8 =	vshll.u32 v59, $0xE;
	v61 =	vld [tilespmem:$0x60]  }
0xb9: {  	v6 =	vld [tilespmem:$0x80];
	v5 =	vand.u32 $0x380, v63;
	v2 =	vand.u32 $0xFFFE0000, v62;
	v8 =	vand.u32 $0xFFFE0000, v8  }
0xba: {  	v62 =	vld [tilespmem:$0x70];
	v2 =	vor.u32 v3, v2;
	v1 =	vor.u32 v54, v1;
	v3 =	vor.u32 v5, v8  }
0xbb: {  	v8 =	vand.u32 $0xFFFE0000, v7;
	v63 =	vshll.u32 v4, $0xE;
	v4 =	vshll.u32 v4, $0x7  }
0xbc: {  	v5 =	vor.u32 v60, v8;
	v59 =	vand.u32 $0xFFFE0000, v63;
	v4 =	vand.u32 $0x380, v4  }
0xbd: {  	v63 =	vor.u32 v54, v2;
	v60 =	vshll.u32 v61, $0xE;
	v7 =	vshll.u32 v61, $0x7  }
0xbe: {  	v4 =	vor.u32 v4, v59;
	v59 =	vand.u32 $0xFFFE0000, v60;
	v60 =	vand.u32 $0x380, v7;
	v7 =	vld [tilespmem:$0x90]  }
0xbf: {  	v2 =	vshll.u32 v6, $0xE;
	v61 =	vshll.u32 v62, $0xE;
	v62 =	vshll.u32 v62, $0x7  }
0xc0: {  	v6 =	vshll.u32 v6, $0x7;
	v2 =	vand.u32 $0xFFFE0000, v2;
	v8 =	vand.u32 $0x380, v62  }
0xc1: {  	v62 =	vor.u32 v54, v3;
	v3 =	vld [tilespmem:$0xA0];
	v59 =	vor.u32 v60, v59;
	v60 =	vand.u32 $0xFFFE0000, v61  }
0xc2: {  	v2 =	vor.u32 v2, v56;
	v8 =	vor.u32 v8, v60;
	v60 =	vor.u32 v54, v4;
	v4 =	vld [tilespmem:$0xB0]  }
0xc3: {  	v61 =	vor.u32 v54, v5;
	v59 =	vor.u32 v54, v59;
	v56 =	vshll.u32 v7, $0xE  }
0xc4: {  	v54 =	vor.u32 v54, v8;
	v8 =	vld [tilespmem:$0xC0];
	v7 =	vshll.u32 v7, $0x7;
	v5 =	vand.u32 $0xFFFE0000, v56  }
0xc5: {  	v6 =	vand.u32 $0x380, v6;
	v7 =	vand.u32 $0x380, v7;
	v5 =	vadd.s32 v57, v5  }
0xc6: {  	v56 =	vor.u32 v2, v6;
	v57 =	vor.u32 v7, v5;
	v7 =	vshll.u32 v3, $0xE  }
0xc7: {  	v6 =	vld [tilespmem:$0xD0];
	v3 =	vshll.u32 v3, $0x7;
	v5 =	vshll.u32 v4, $0xE;
	v2 =	vand.u32 $0xFFFE0000, v7  }
0xc8: {  	v3 =	vand.u32 $0x380, v3;
	v5 =	vand.u32 $0xFFFE0000, v5;
	v7 =	vld [tilespmem:$0xE0];
	v2 =	vadd.s32 v55, v2  }
0xc9: {  	v55 =	vor.u32 v3, v2;
	v2 =	vadd.s32 v52, v5;
	v52 =	vshll.u32 v8, $0xE  }
0xca: {  	v4 =	vshll.u32 v4, $0x7;
	v3 =	vand.u32 $0xFFFE0000, v52;
	v52 =	vshll.u32 v8, $0x7;
	v8 =	vld [tilespmem:$0xF0]  }
0xcb: {  	v4 =	vand.u32 $0x380, v4;
	v3 =	vadd.s32 v53, v3;
	v5 =	vand.u32 $0x380, v52  }
0xcc: {  	v52 =	vor.u32 v4, v2;
	v53 =	vor.u32 v5, v3;
	v5 =	vshll.u32 v6, $0xE  }
0xcd: {  	v3 =	vshll.u32 v6, $0x7;
	v4 =	vshll.u32 v7, $0xE;
	v2 =	vand.u32 $0xFFFE0000, v5;
	v5 =	vld [tilespmem:$0x100]  }
0xce: {  	v6 =	vld [tilespmem:$0x110];
	v3 =	vand.u32 $0x380, v3;
	v4 =	vand.u32 $0xFFFE0000, v4;
	v2 =	vadd.s32 v51, v2  }
0xcf: {  	v51 =	vor.u32 v3, v2;
	v2 =	vadd.s32 v49, v4;
	v49 =	vshll.u32 v8, $0xE  }
0xd0: {  	v4 =	vshll.u32 v7, $0x7;
	v3 =	vand.u32 $0xFFFE0000, v49;
	v49 =	vshll.u32 v8, $0x7;
	v8 =	vld [tilespmem:$0x120]  }
0xd1: {  	v4 =	vand.u32 $0x380, v4;
	v3 =	vadd.s32 v50, v3;
	v7 =	vand.u32 $0x380, v49  }
0xd2: {  	v50 =	vor.u32 v4, v2;
	v49 =	vor.u32 v7, v3;
	v7 =	vshll.u32 v5, $0xE  }
0xd3: {  	v4 =	vshll.u32 v6, $0xE;
	v3 =	vshll.u32 v5, $0x7;
	v5 =	vld [tilespmem:$0x130];
	v2 =	vand.u32 $0xFFFE0000, v7  }
0xd4: {  	v4 =	vand.u32 $0xFFFE0000, v4;
	v3 =	vand.u32 $0x380, v3;
	v7 =	vld [tilespmem:$0x140];
	v2 =	vor.u32 v2, v47  }
0xd5: {  	v47 =	vor.u32 v2, v3;
	v2 =	vadd.s32 v46, v4;
	v46 =	vshll.u32 v8, $0xE  }
0xd6: {  	v4 =	vshll.u32 v6, $0x7;
	v3 =	vand.u32 $0xFFFE0000, v46;
	v46 =	vshll.u32 v8, $0x7;
	v8 =	vld [tilespmem:$0x150]  }
0xd7: {  	v4 =	vand.u32 $0x380, v4;
	v3 =	vadd.s32 v48, v3;
	v6 =	vand.u32 $0x380, v46  }
0xd8: {  	v48 =	vor.u32 v4, v2;
	v46 =	vor.u32 v6, v3;
	v6 =	vshll.u32 v5, $0xE  }
0xd9: {  	v3 =	vshll.u32 v5, $0x7;
	v4 =	vshll.u32 v7, $0xE;
	v5 =	vld [tilespmem:$0x160];
	v2 =	vand.u32 $0xFFFE0000, v6  }
0xda: {  	v3 =	vand.u32 $0x380, v3;
	v4 =	vand.u32 $0xFFFE0000, v4;
	v6 =	vld [tilespmem:$0x170];
	v2 =	vadd.s32 v44, v2  }
0xdb: {  	v44 =	vor.u32 v3, v2;
	v2 =	vadd.s32 v43, v4;
	v43 =	vshll.u32 v8, $0xE  }
0xdc: {  	v4 =	vshll.u32 v7, $0x7;
	v3 =	vand.u32 $0xFFFE0000, v43;
	v43 =	vshll.u32 v8, $0x7;
	v8 =	vld [tilespmem:$0x180]  }
0xdd: {  	v4 =	vand.u32 $0x380, v4;
	v3 =	vadd.s32 v45, v3;
	v7 =	vand.u32 $0x380, v43  }
0xde: {  	v45 =	vor.u32 v4, v2;
	v43 =	vor.u32 v7, v3;
	v7 =	vshll.u32 v5, $0xE  }
0xdf: {  	v3 =	vshll.u32 v5, $0x7;
	v4 =	vshll.u32 v6, $0xE;
	v5 =	vld [tilespmem:$0x190];
	v2 =	vand.u32 $0xFFFE0000, v7  }
0xe0: {  	v3 =	vand.u32 $0x380, v3;
	v4 =	vand.u32 $0xFFFE0000, v4;
	v7 =	vld [tilespmem:$0x1A0];
	v2 =	vadd.s32 v42, v2  }
0xe1: {  	v42 =	vor.u32 v3, v2;
	v2 =	vadd.s32 v41, v4;
	v41 =	vshll.u32 v8, $0xE  }
0xe2: {  	v4 =	vshll.u32 v6, $0x7;
	v3 =	vand.u32 $0xFFFE0000, v41;
	v41 =	vshll.u32 v8, $0x7;
	v8 =	vld [tilespmem:$0x1B0]  }
0xe3: {  	v4 =	vand.u32 $0x380, v4;
	v3 =	vor.u32 v3, v40;
	v6 =	vand.u32 $0x380, v41  }
0xe4: {  	v41 =	vor.u32 v4, v2;
	v40 =	vor.u32 v3, v6;
	v6 =	vshll.u32 v5, $0xE  }
0xe5: {  	v3 =	vshll.u32 v5, $0x7;
	v4 =	vshll.u32 v7, $0xE;
	v5 =	vld [tilespmem:$0x1C0];
	v2 =	vand.u32 $0xFFFE0000, v6  }
0xe6: {  	v3 =	vand.u32 $0x380, v3;
	v4 =	vand.u32 $0xFFFE0000, v4;
	v6 =	vld [tilespmem:$0x1D0];
	v2 =	vadd.s32 v39, v2  }
0xe7: {  	v39 =	vor.u32 v3, v2;
	v2 =	vadd.s32 v38, v4;
	v38 =	vshll.u32 v8, $0xE  }
0xe8: {  	v4 =	vshll.u32 v7, $0x7;
	v3 =	vand.u32 $0xFFFE0000, v38;
	v38 =	vshll.u32 v8, $0x7;
	v8 =	vld [tilespmem:$0x1E0]  }
0xe9: {  	v4 =	vand.u32 $0x380, v4;
	v3 =	vadd.s32 v37, v3;
	v7 =	vand.u32 $0x380, v38  }
0xea: {  	v38 =	vor.u32 v4, v2;
	v37 =	vor.u32 v7, v3;
	v7 =	vshll.u32 v5, $0xE  }
0xeb: {  	v3 =	vshll.u32 v5, $0x7;
	v4 =	vshll.u32 v6, $0xE;
	v5 =	vld [tilespmem:$0x1F0];
	v2 =	vand.u32 $0xFFFE0000, v7  }
0xec: {  	v3 =	vand.u32 $0x380, v3;
	v4 =	vand.u32 $0xFFFE0000, v4;
	v7 =	vld [tilespmem:$0x200];
	v2 =	vadd.s32 v36, v2  }
0xed: {  	v36 =	vor.u32 v3, v2;
	v2 =	vadd.s32 v35, v4;
	v35 =	vshll.u32 v8, $0xE  }
0xee: {  	v4 =	vshll.u32 v6, $0x7;
	v3 =	vand.u32 $0xFFFE0000, v35;
	v35 =	vshll.u32 v8, $0x7;
	v8 =	vld [tilespmem:$0x210]  }
0xef: {  	v4 =	vand.u32 $0x380, v4;
	v3 =	vadd.s32 v34, v3;
	v6 =	vand.u32 $0x380, v35  }
0xf0: {  	v35 =	vor.u32 v4, v2;
	v34 =	vor.u32 v6, v3;
	v6 =	vshll.u32 v5, $0xE  }
0xf1: {  	v3 =	vshll.u32 v5, $0x7;
	v4 =	vshll.u32 v7, $0xE;
	v5 =	vld [tilespmem:$0x220];
	v2 =	vand.u32 $0xFFFE0000, v6  }
0xf2: {  	v3 =	vand.u32 $0x380, v3;
	v4 =	vand.u32 $0xFFFE0000, v4;
	v6 =	vld [tilespmem:$0x230];
	v2 =	vadd.s32 v33, v2  }
0xf3: {  	v33 =	vor.u32 v3, v2;
	v2 =	vor.u32 v4, v31;
	v31 =	vshll.u32 v8, $0xE  }
0xf4: {  	v4 =	vshll.u32 v7, $0x7;
	v3 =	vand.u32 $0xFFFE0000, v31;
	v31 =	vshll.u32 v8, $0x7;
	v8 =	vld [tilespmem:$0x240]  }
0xf5: {  	v4 =	vand.u32 $0x380, v4;
	v3 =	vadd.s32 v32, v3;
	v7 =	vand.u32 $0x380, v31  }
0xf6: {  	v32 =	vor.u32 v2, v4;
	v31 =	vor.u32 v7, v3;
	v7 =	vshll.u32 v5, $0xE  }
0xf7: {  	v3 =	vshll.u32 v5, $0x7;
	v4 =	vshll.u32 v6, $0xE;
	v5 =	vld [tilespmem:$0x250];
	v2 =	vand.u32 $0xFFFE0000, v7  }
0xf8: {  	v3 =	vand.u32 $0x380, v3;
	v4 =	vand.u32 $0xFFFE0000, v4;
	v2 =	vadd.s32 v30, v2  }
0xf9: {  	v7 =	vld [tilespmem:$0x260];
	v30 =	vor.u32 v3, v2;
	v2 =	vadd.s32 v28, v4;
	v28 =	vshll.u32 v8, $0xE  }
0xfa: {  	v40 =	vor.u32 v0, v40;
	v3 =	vand.u32 $0xFFFE0000, v28;
	v28 =	vshll.u32 v8, $0x7  }
0xfb: {  	v4 =	vshll.u32 v6, $0x7;
	v8 =	vld [tilespmem:$0x270];
	v3 =	vadd.s32 v29, v3;
	v6 =	vand.u32 $0x380, v28  }
0xfc: {  	v4 =	vand.u32 $0x380, v4;
	v28 =	vor.u32 v6, v3;
	v6 =	vshll.u32 v5, $0xE  }
0xfd: {  	v29 =	vor.u32 v4, v2;
	v3 =	vshll.u32 v5, $0x7;
	v2 =	vand.u32 $0xFFFE0000, v6  }
0xfe: {  	v4 =	vshll.u32 v7, $0xE;
	v5 =	vld [tilespmem:$0x280];
	v3 =	vand.u32 $0x380, v3;
	v2 =	vadd.s32 v27, v2  }
0xff: {  	v32 =	vor.u32 v0, v32;
	v4 =	vand.u32 $0xFFFE0000, v4;
	v6 =	vld [tilespmem:$0x290];
	v27 =	vor.u32 v3, v2  }
0x100: {  	v2 =	vadd.s32 v25, v4;
	v25 =	vshll.u32 v8, $0xE;
	v4 =	vshll.u32 v7, $0x7  }
0x101: {  	v3 =	vand.u32 $0xFFFE0000, v25;
	v25 =	vshll.u32 v8, $0x7;
	v8 =	vld [tilespmem:$0x2A0];
	v4 =	vand.u32 $0x380, v4  }
0x102: {  	v3 =	vadd.s32 v26, v3;
	v7 =	vand.u32 $0x380, v25;
	v26 =	vor.u32 v4, v2  }
0x103: {  	v25 =	vor.u32 v7, v3;
	v7 =	vshll.u32 v5, $0xE;
	v3 =	vshll.u32 v5, $0x7  }
0x104: {  	v4 =	vshll.u32 v6, $0xE;
	v5 =	vshll.u32 v6, $0x7;
	v2 =	vand.u32 $0xFFFE0000, v7;
	v7 =	vld [tilespmem:$0x2B0]  }
0x105: {  	v3 =	vand.u32 $0x380, v3;
	v4 =	vand.u32 $0xFFFE0000, v4;
	v2 =	vor.u32 v2, v23;
	v23 =	vld [tilespmem:$0x2C0]  }
0x106: {  	v2 =	vor.u32 v2, v3;
	v3 =	vadd.s32 v22, v4;
	v22 =	vshll.u32 v8, $0xE  }
0x107: {  	v5 =	vand.u32 $0x380, v5;
	v4 =	vand.u32 $0xFFFE0000, v22;
	v22 =	vshll.u32 v8, $0x7  }
0x108: {  	[tilespmem:$0x400] =	vst v58;
	v5 =	vor.u32 v5, v3;
	v4 =	vadd.s32 v24, v4;
	v6 =	vand.u32 $0x380, v22  }
0x109: {  	[tilespmem:$0x580] =	vst v40;
	v2 =	vor.u32 v0, v2;
	v3 =	vor.u32 v6, v4;
	v22 =	vshll.u32 v7, $0x7  }
0x10a: {  	[tilespmem:$0x600] =	vst v32;
	v24 =	vshll.u32 v23, $0xE;
	v58 =	vshll.u32 v23, $0x7;
	v23 =	vor.u32 $0x20, v0  }
0x10b: {  	[tilespmem:$0x680] =	vst v2;
	v6 =	vand.u32 $0x380, v22;
	v22 =	vor.u32 $0x30, v0;
	v63 =	vor.u32 v23, v63  }
0x10c: {  	v52 =	vor.u32 v22, v52;
	[tilespmem:$0x420] =	vst v63  }
0x10d: {  	v46 =	vor.u32 v23, v46;
	[tilespmem:$0x4B0] =	vst v52  }
0x10e: {  	v44 =	vor.u32 v22, v44;
	[tilespmem:$0x520] =	vst v46  }
0x10f: {  	v38 =	vor.u32 v23, v38;
	[tilespmem:$0x530] =	vst v44  }
0x110: {  	v8 =	vshll.u32 v7, $0xE;
	v37 =	vor.u32 v22, v37;
	[tilespmem:$0x5A0] =	vst v38  }
0x111: {  	v4 =	vand.u32 $0xFFFE0000, v8;
	v30 =	vor.u32 v23, v30;
	[tilespmem:$0x5B0] =	vst v37  }
0x112: {  	v7 =	vand.u32 $0xFFFE0000, v24;
	v24 =	vor.u32 $0x10, v0;
	v29 =	vor.u32 v22, v29;
	[tilespmem:$0x620] =	vst v30  }
0x113: {  	v4 =	vadd.s32 v21, v4;
	v21 =	vor.u32 $0x50, v0;
	v1 =	vor.u32 v24, v1;
	[tilespmem:$0x630] =	vst v29  }
0x114: {  	v51 =	vor.u32 v21, v51;
	[tilespmem:$0x410] =	vst v1  }
0x115: {  	v43 =	vor.u32 v21, v43;
	[tilespmem:$0x4D0] =	vst v51  }
0x116: {  	v39 =	vor.u32 v24, v39;
	[tilespmem:$0x550] =	vst v43  }
0x117: {  	v4 =	vor.u32 v6, v4;
	v35 =	vor.u32 v21, v35;
	[tilespmem:$0x590] =	vst v39  }
0x118: {  	v6 =	vadd.s32 v20, v7;
	v7 =	vand.u32 $0x380, v58;
	v5 =	vor.u32 v24, v5;
	[tilespmem:$0x5D0] =	vst v35  }
0x119: {  	v20 =	vor.u32 $0x40, v0;
	v58 =	vor.u32 v7, v6;
	v7 =	vor.u32 v22, v62;
	[tilespmem:$0x690] =	vst v5  }
0x11a: {  	v62 =	vor.u32 v20, v61;
	[tilespmem:$0x430] =	vst v7  }
0x11b: {  	v8 =	vld [tilespmem:$0x2D0];
	v61 =	vor.u32 v21, v60;
	[tilespmem:$0x440] =	vst v62  }
0x11c: {  	v60 =	vor.u32 v0, v56;
	[tilespmem:$0x450] =	vst v61  }
0x11d: {  	v1 =	vor.u32 $0x60, v0;
	v53 =	vor.u32 v20, v53;
	[tilespmem:$0x480] =	vst v60  }
0x11e: {  	v56 =	vor.u32 v24, v48;
	v45 =	vor.u32 v20, v45;
	v43 =	vor.u32 v21, v27;
	[tilespmem:$0x4C0] =	vst v53  }
0x11f: {  	v62 =	vor.u32 v1, v59;
	v61 =	vor.u32 v24, v57;
	v50 =	vor.u32 v1, v50;
	[tilespmem:$0x540] =	vst v45  }
0x120: {  	v59 =	vld [tilespmem:$0x2E0];
	v34 =	vor.u32 v1, v34;
	v63 =	vshll.u32 v8, $0xE;
	[tilespmem:$0x460] =	vst v62;
	v62 =	vor.u32 v23, v55  }
0x121: {  	v8 =	vshll.u32 v8, $0x7;
	[tilespmem:$0x490] =	vst v61;
	v55 =	vor.u32 v0, v47;
	v61 =	vld [tilespmem:$0x310];
	v6 =	vand.u32 $0xFFFE0000, v63  }
0x122: {  	v8 =	vand.u32 $0x380, v8;
	[tilespmem:$0x500] =	vst v55;
	v55 =	vld [tilespmem:$0x320];
	v6 =	vadd.s32 v19, v6;
	v19 =	vor.u32 $0x70, v0  }
0x123: {  	v42 =	vor.u32 v1, v42;
	[tilespmem:$0x5E0] =	vst v34;
	v63 =	vor.u32 v19, v54;
	v47 =	vor.u32 v8, v6;
	v8 =	vld [tilespmem:$0x300]  }
0x124: {  	v45 =	vor.u32 v20, v36;
	v36 =	vor.u32 v20, v28;
	v34 =	vor.u32 v24, v31;
	[tilespmem:$0x470] =	vst v63;
	v63 =	vld [tilespmem:$0x2F0]  }
0x125: {  	[tilespmem:$0x510] =	vst v56;
	v49 =	vor.u32 v19, v49;
	v57 =	vshll.u32 v59, $0xE;
	v59 =	vshll.u32 v59, $0x7  }
0x126: {  	[tilespmem:$0x650] =	vst v43;
	v56 =	vor.u32 v19, v41;
	v6 =	vand.u32 $0xFFFE0000, v57;
	v60 =	vand.u32 $0x380, v59  }
0x127: {  	[tilespmem:$0x4E0] =	vst v50;
	v57 =	vshll.u32 v61, $0xE;
	v59 =	vshll.u32 v61, $0x7;
	v6 =	vadd.s32 v18, v6  }
0x128: {  	[tilespmem:$0x560] =	vst v42;
	v61 =	vshll.u32 v55, $0xE;
	v18 =	vor.u32 v60, v6;
	v53 =	vshll.u32 v8, $0xE  }
0x129: {  	v48 =	vld [tilespmem:$0x350];
	[tilespmem:$0x4A0] =	vst v62;
	v8 =	vshll.u32 v8, $0x7;
	v27 =	vor.u32 v1, v18;
	v62 =	vshll.u32 v63, $0xE  }
0x12a: {  	[tilespmem:$0x5C0] =	vst v45;
	v60 =	vld [tilespmem:$0x330];
	v63 =	vshll.u32 v63, $0x7;
	v54 =	vand.u32 $0xFFFE0000, v53;
	v8 =	vand.u32 $0x380, v8  }
0x12b: {  	[tilespmem:$0x640] =	vst v36;
	v6 =	vand.u32 $0xFFFE0000, v62;
	v52 =	vand.u32 $0x380, v63;
	v16 =	vor.u32 v54, v16  }
0x12c: {  	[tilespmem:$0x610] =	vst v34;
	v63 =	vshll.u32 v55, $0x7;
	v6 =	vadd.s32 v17, v6;
	v17 =	vand.u32 $0xFFFE0000, v57  }
0x12d: {  	[tilespmem:$0x4F0] =	vst v49;
	v8 =	vor.u32 v16, v8;
	v16 =	vand.u32 $0xFFFE0000, v61;
	v46 =	vand.u32 $0x380, v63  }
0x12e: {  	[tilespmem:$0x570] =	vst v56;
	v57 =	vshll.u32 v48, $0xE;
	v6 =	vor.u32 v52, v6;
	v15 =	vadd.s32 v15, v17  }
0x12f: {  	[tilespmem:$0x6E0] =	vst v27;
	v62 =	vld [tilespmem:$0x340];
	v17 =	vand.u32 $0x380, v59;
	v50 =	vshll.u32 v60, $0x7;
	v59 =	vor.u32 v19, v33  }
0x130: {  	v54 =	vld [tilespmem:$0x360];
	v14 =	vadd.s32 v14, v16;
	v51 =	vand.u32 $0x380, v50;
	[tilespmem:$0x5F0] =	vst v59;
	v50 =	vor.u32 v19, v25  }
0x131: {  	v49 =	vshll.u32 v60, $0xE;
	v15 =	vor.u32 v17, v15;
	v25 =	vor.u32 v21, v47;
	[tilespmem:$0x670] =	vst v50  }
0x132: {  	v61 =	vld [tilespmem:$0x370];
	v14 =	vor.u32 v46, v14;
	v16 =	vand.u32 $0xFFFE0000, v49;
	v6 =	vor.u32 v19, v6;
	[tilespmem:$0x6D0] =	vst v25  }
0x133: {  	v13 =	vadd.s32 v13, v16;
	[tilespmem:$0x6F0] =	vst v6;
	v32 =	vor.u32 v24, v15;
	v36 =	vor.u32 v23, v14  }
0x134: {  	v63 =	vld [tilespmem:$0x380];
	v52 =	vshll.u32 v62, $0xE;
	v13 =	vor.u32 v51, v13;
	v17 =	vshll.u32 v62, $0x7;
	[tilespmem:$0x710] =	vst v32  }
0x135: {  	v62 =	vshll.u32 v48, $0x7;
	v35 =	vshll.u32 v54, $0xE;
	v48 =	vor.u32 v1, v26;
	[tilespmem:$0x720] =	vst v36  }
0x136: {  	v46 =	vld [tilespmem:$0x390];
	v38 =	vshll.u32 v54, $0x7;
	v54 =	vor.u32 v0, v8;
	v53 =	vand.u32 $0xFFFE0000, v52;
	[tilespmem:$0x660] =	vst v48  }
0x137: {  	v40 =	vshll.u32 v61, $0xE;
	v16 =	vshll.u32 v61, $0x7;
	v61 =	vor.u32 v22, v4;
	[tilespmem:$0x700] =	vst v54  }
0x138: {  	v56 =	vand.u32 $0x380, v17;
	v39 =	vand.u32 $0x380, v38;
	v37 =	vor.u32 v22, v13;
	[tilespmem:$0x6B0] =	vst v61  }
0x139: {  	v42 =	vshll.u32 v63, $0xE;
	v55 =	vadd.s32 v12, v53;
	v53 =	vor.u32 v23, v3;
	[tilespmem:$0x730] =	vst v37  }
0x13a: {  	v7 =	vor.u32 v56, v55;
	v55 =	vand.u32 $0x380, v16;
	[tilespmem:$0x6A0] =	vst v53;
	v16 =	vor.u32 v20, v58  }
0x13b: {  	v49 =	vshll.u32 v63, $0x7;
	v63 =	vshll.u32 v46, $0x7;
	[tilespmem:$0x6C0] =	vst v16;
	v38 =	vor.u32 v20, v7  }
0x13c: {  	v8 =	vand.u32 $0x380, v63;
	v63 =	vimm.f32 $1.000000000e+00;
	[tilespmem:$0x740] =	vst v38  }
0x13d: {  	[tilespmem:$0xC00] =	vst v63  }
0x13e: {  	[tilespmem:$0xC10] =	vst v63  }
0x13f: {  	[tilespmem:$0xC20] =	vst v63  }
0x140: {  	[tilespmem:$0xC30] =	vst v63  }
0x141: {  	[tilespmem:$0xC40] =	vst v63  }
0x142: {  	[tilespmem:$0xC50] =	vst v63  }
0x143: {  	[tilespmem:$0xC60] =	vst v63  }
0x144: {  	[tilespmem:$0xC70] =	vst v63  }
0x145: {  	[tilespmem:$0xC80] =	vst v63  }
0x146: {  	[tilespmem:$0xC90] =	vst v63  }
0x147: {  	[tilespmem:$0xCA0] =	vst v63  }
0x148: {  	[tilespmem:$0xCB0] =	vst v63  }
0x149: {  	[tilespmem:$0xCC0] =	vst v63  }
0x14a: {  	[tilespmem:$0xCD0] =	vst v63  }
0x14b: {  	[tilespmem:$0xCE0] =	vst v63  }
0x14c: {  	[tilespmem:$0xCF0] =	vst v63  }
0x14d: {  	[tilespmem:$0xD00] =	vst v63  }
0x14e: {  	[tilespmem:$0xD10] =	vst v63  }
0x14f: {  	[tilespmem:$0xD20] =	vst v63  }
0x150: {  	[tilespmem:$0xD30] =	vst v63  }
0x151: {  	[tilespmem:$0xD40] =	vst v63  }
0x152: {  	[tilespmem:$0xD50] =	vst v63  }
0x153: {  	[tilespmem:$0xD60] =	vst v63  }
0x154: {  	[tilespmem:$0xD70] =	vst v63  }
0x155: {  	[tilespmem:$0xD80] =	vst v63  }
0x156: {  	[tilespmem:$0xD90] =	vst v63  }
0x157: {  	[tilespmem:$0xDA0] =	vst v63  }
0x158: {  	[tilespmem:$0xDB0] =	vst v63  }
0x159: {  	[tilespmem:$0xDC0] =	vst v63  }
0x15a: {  	[tilespmem:$0xDD0] =	vst v63  }
0x15b: {  	[tilespmem:$0xDE0] =	vst v63  }
0x15c: {  	[tilespmem:$0xDF0] =	vst v63  }
0x15d: {  	[tilespmem:$0xE00] =	vst v63  }
0x15e: {  	[tilespmem:$0xE10] =	vst v63  }
0x15f: {  	[tilespmem:$0xE20] =	vst v63  }
0x160: {  	[tilespmem:$0xE30] =	vst v63  }
0x161: {  	[tilespmem:$0xE40] =	vst v63  }
0x162: {  	[tilespmem:$0xE50] =	vst v63  }
0x163: {  	[tilespmem:$0xE60] =	vst v63  }
0x164: {  	[tilespmem:$0xE70] =	vst v63  }
0x165: {  	[tilespmem:$0xE80] =	vst v63  }
0x166: {  	[tilespmem:$0xE90] =	vst v63  }
0x167: {  	[tilespmem:$0xEA0] =	vst v63  }
0x168: {  	[tilespmem:$0xEB0] =	vst v63  }
0x169: {  	[tilespmem:$0xEC0] =	vst v63  }
0x16a: {  	[tilespmem:$0xED0] =	vst v63  }
0x16b: {  	[tilespmem:$0xEE0] =	vst v63  }
0x16c: {  	[tilespmem:$0xEF0] =	vst v63  }
0x16d: {  	v31 =	vld [tilespmem:$0x3C0];
	[tilespmem:$0xF00] =	vst v63  }
0x16e: {  	v60 =	vand.u32 $0xFFFE0000, v57;
	[tilespmem:$0xF10] =	vst v63  }
0x16f: {  	v11 =	vadd.s32 v11, v60;
	v60 =	vld [tilespmem:$0x3B0];
	[tilespmem:$0xF20] =	vst v63  }
0x170: {  	v44 =	vld [tilespmem:$0x1FF80];
	[tilespmem:$0xF30] =	vst v63  }
0x171: {  	v12 =	vand.u32 $0x380, v62;
	v41 =	vand.u32 $0xFFFE0000, v40;
	v45 =	vand.u32 $0xFFFE0000, v42;
	[tilespmem:$0xF40] =	vst v63  }
0x172: {  	v52 =	vld [tilespmem:$0x3A0];
	v51 =	vand.u32 $0x380, v49;
	v40 =	vshll.u32 v31, $0xE;
	v11 =	vor.u32 v12, v11;
	[tilespmem:$0xF50] =	vst v63  }
0x173: {  	v12 =	vand.u32 $0xFFFE0000, v35;
	v9 =	vor.u32 v45, v9;
	v59 =	vshll.u32 v46, $0xE;
	v35 =	vld [tilespmem:$0x3D0];
	[tilespmem:$0xF60] =	vst v63  }
0x174: {  	v30 =	vshll.u32 v60, $0xE;
	v45 =	vld [tilespmem:$0x3F0];
	v46 =	vshll.u32 v31, $0x7;
	v10 =	vadd.s32 v10, v12;
	[tilespmem:$0xF70] =	vst v63  }
0x175: {  	v12 =	vadd.s32 v44, v41;
	v9 =	vor.u32 v9, v51;
	v62 =	vand.u32 $0xFFFE0000, v59;
	v41 =	vld [tilespmem:$0x3E0];
	[tilespmem:$0xF80] =	vst v63  }
0x176: {  	v6 =	vand.u32 $0x380, v46;
	v10 =	vor.u32 v39, v10;
	v56 =	vor.u32 v55, v12;
	[tilespmem:$0xF90] =	vst v63  }
0x177: {  	v57 =	vor.u32 v0, v9;
	v12 =	vld [tilespmem:$0x1FF90];
	v9 =	vshll.u32 v60, $0x7;
	v39 =	vor.u32 v21, v11;
	[tilespmem:$0xFA0] =	vst v63  }
0x178: {  	[tilespmem:$0xFB0] =	vst v63;
	v26 =	vshll.u32 v52, $0xE;
	v29 =	vshll.u32 v52, $0x7;
	v9 =	vand.u32 $0x380, v9  }
0x179: {  	v28 =	vld [tilespmem:$0x1FFA0];
	[tilespmem:$0xFC0] =	vst v63;
	v42 =	vor.u32 v1, v10;
	v5 =	vor.u32 v19, v56;
	v44 =	vshll.u32 v35, $0xE  }
0x17a: {  	v34 =	vld [tilespmem:$0x1FFB0];
	[tilespmem:$0x780] =	vst v57;
	v54 =	vshll.u32 v45, $0xE;
	v57 =	vshll.u32 v45, $0x7;
	v49 =	vshll.u32 v41, $0xE  }
0x17b: {  	[tilespmem:$0xFD0] =	vst v63;
	v53 =	vshll.u32 v41, $0x7;
	v56 =	vand.u32 $0xFFFE0000, v54;
	v60 =	vand.u32 $0x380, v57  }
0x17c: {  	v43 =	vld [tilespmem:$0x1FFC0];
	[tilespmem:$0xFE0] =	vst v63;
	v2 =	vadd.s32 v12, v62;
	v12 =	vand.u32 $0xFFFE0000, v30;
	v51 =	vand.u32 $0xFFFE0000, v49  }
0x17d: {  	v47 =	vld [tilespmem:$0x1FFD0];
	[tilespmem:$0xFF0] =	vst v63;
	v55 =	vand.u32 $0x380, v53;
	v2 =	vor.u32 v8, v2;
	v8 =	vand.u32 $0xFFFE0000, v26  }
0x17e: {  	[tilespmem:$0x750] =	vst v39;
	v52 =	vld [tilespmem:$0x1FFE0];
	v4 =	vadd.s32 v28, v8;
	v8 =	vand.u32 $0x380, v29;
	v2 =	vor.u32 v24, v2  }
0x17f: {  	v59 =	vld [tilespmem:$0x1FFF0];
	[tilespmem:$0x760] =	vst v42;
	v33 =	vor.u32 v8, v4;
	v4 =	vadd.s32 v34, v12;
	v8 =	vshll.u32 v35, $0x7  }
0x180: {  	[tilespmem:$0x770] =	vst v5;
	v3 =	vor.u32 v23, v33;
	v4 =	vor.u32 v9, v4;
	v9 =	vand.u32 $0xFFFE0000, v40  }
0x181: {  	[tilespmem:$0x790] =	vst v2;
	v8 =	vand.u32 $0x380, v8;
	v7 =	vadd.s32 v43, v9;
	v9 =	vand.u32 $0xFFFE0000, v44  }
0x182: {  	v4 =	vor.u32 v22, v4;
	[tilespmem:$0x7A0] =	vst v3;
	v5 =	vadd.s32 v47, v9;
	v48 =	vor.u32 v6, v7  }
0x183: {  	v3 =	vadd.s32 v52, v51;
	[tilespmem:$0x7B0] =	vst v4;
	v5 =	vor.u32 v8, v5;
	v0 =	vor.u32 v20, v48  }
0x184: {  	v58 =	vor.u32 v55, v3;
	v3 =	vadd.s32 v59, v56;
	v50 =	vor.u32 v21, v5;
	[tilespmem:$0x7C0] =	vst v0  }
0x185: {  	v61 =	vor.u32 v60, v3;
	v0 =	vor.u32 v1, v58;
	[tilespmem:$0x7D0] =	vst v50  }
0x186: {  	v62 =	vor.u32 v19, v61;
	[tilespmem:$0x7E0] =	vst v0  }
0x187: {  	s7 =	simm.s32 $0x80;
	s8 =	simm.s32 $0x400;
	s9 =	simm.s32 $0x800;
	[tilespmem:$0x7F0] =	vst v62  }
0x188: {  	[tilespmem:s9], [sflag:$0x1] =	stream.indirect.gather [hbm4b:s5+s7], $0x1, s8, s7, $0xb8;
	[tilespmem:$0x2100] =	vst v63  }
0x189: {  	s22 =	simm.s32 $0x480;
	s10 =	simm.s32 $0x880  }
0x18a: {  	[tilespmem:s10], [sflag:$0x2] =	stream.indirect.gather [hbm4b:s5+s7], $0x1, s22, s7, $0xb8;
	[tilespmem:$0x2100] =	vst v63  }
0x18b: {  	s23 =	simm.s32 $0x500;
	s11 =	simm.s32 $0x900  }
0x18c: {  	[tilespmem:s11], [sflag:$0x3] =	stream.indirect.gather [hbm4b:s5+s7], $0x1, s23, s7, $0xb8;
	[tilespmem:$0x2100] =	vst v63  }
0x18d: {  	s24 =	simm.s32 $0x580;
	s12 =	simm.s32 $0x980  }
0x18e: {  	[tilespmem:s12], [sflag:$0x4] =	stream.indirect.gather [hbm4b:s5+s7], $0x1, s24, s7, $0xb8;
	[tilespmem:$0x2100] =	vst v63  }
0x18f: {  	s25 =	simm.s32 $0x600;
	s13 =	simm.s32 $0xA00  }
0x190: {  	[tilespmem:s13], [sflag:$0x5] =	stream.indirect.gather [hbm4b:s5+s7], $0x1, s25, s7, $0xb8;
	[tilespmem:$0x2100] =	vst v63  }
0x191: {  	s26 =	simm.s32 $0x680;
	s14 =	simm.s32 $0xA80  }
0x192: {  	[tilespmem:s14], [sflag:$0x6] =	stream.indirect.gather [hbm4b:s5+s7], $0x1, s26, s7, $0xb8;
	[tilespmem:$0x2100] =	vst v63  }
0x193: {  	s28 =	simm.s32 $0x700;
	s15 =	simm.s32 $0xB00  }
0x194: {  	[tilespmem:s15], [sflag:$0x7] =	stream.indirect.gather [hbm4b:s5+s7], $0x1, s28, s7, $0xb8;
	[tilespmem:$0x2100] =	vst v63  }
0x195: {  	s16 =	simm.s32 $0x780;
	s8 =	simm.s32 $0xB80  }
0x196: {  	[tilespmem:s8], [sflag:$0x8] =	stream.indirect.gather [hbm4b:s5+s7], $0x1, s16, s7, $0xb8;
	[tilespmem:$0x2100] =	vst v63  }
0x197: {  	s29 =	simm.s32 $0xC00;
	[bflag:$0x0] =	sbarrier.arrive $0xFFFF  }
0x198: {  	[spmem:s3] =	stream.indirect.scatter.add.f32 [tilespmem:s29], [sflag:$0x9], $0x1, s6, s7, $0xb8;
	[tilespmem:$0x2100] =	vst v63  }
0x199: {  	s30 =	simm.s32 $0xC80  }
0x19a: {  	[spmem:s3] =	stream.indirect.scatter.add.f32 [tilespmem:s30], [sflag:$0x9], $0x1, s7, s7, $0xb8;
	[tilespmem:$0x2100] =	vst v63  }
0x19b: {  	s31 =	simm.s32 $0x100;
	s18 =	simm.s32 $0xD00  }
0x19c: {  	[spmem:s3] =	stream.indirect.scatter.add.f32 [tilespmem:s18], [sflag:$0x9], $0x1, s31, s7, $0xb8;
	[tilespmem:$0x2100] =	vst v63  }
0x19d: {  	s17 =	simm.s32 $0x180;
	s19 =	simm.s32 $0xD80  }
0x19e: {  	[spmem:s3] =	stream.indirect.scatter.add.f32 [tilespmem:s19], [sflag:$0x9], $0x1, s17, s7, $0xb8;
	[tilespmem:$0x2100] =	vst v63  }
0x19f: {  	s20 =	simm.s32 $0xE00;
	s18 =	simm.s32 $0x200  }
0x1a0: {  	[spmem:s3] =	stream.indirect.scatter.add.f32 [tilespmem:s20], [sflag:$0x9], $0x1, s18, s7, $0xb8;
	[tilespmem:$0x2100] =	vst v63  }
0x1a1: {  	s21 =	simm.s32 $0xE80;
	s19 =	simm.s32 $0x280  }
0x1a2: {  	[spmem:s3] =	stream.indirect.scatter.add.f32 [tilespmem:s21], [sflag:$0x9], $0x1, s19, s7, $0xb8;
	[tilespmem:$0x2100] =	vst v63  }
0x1a3: {  	s22 =	simm.s32 $0xF00;
	s20 =	simm.s32 $0x300  }
0x1a4: {  	[spmem:s3] =	stream.indirect.scatter.add.f32 [tilespmem:s22], [sflag:$0x9], $0x1, s20, s7, $0xb8;
	[tilespmem:$0x2100] =	vst v63  }
0x1a5: {  	s23 =	simm.s32 $0xF80;
	s5 =	simm.s32 $0x1;
	s21 =	simm.s32 $0x380  }
0x1a6: {  	[spmem:s3] =	stream.indirect.scatter.add.f32 [tilespmem:s23], [sflag:$0x9], $0x1, s21, s7, $0xb8;
	[tilespmem:$0x2100] =	vst v63  }
0x1a7: {  	_ =	swait.ge [sflag:s5], $0x80  }
0x1a8: {  	[sflag:s5] =	ssyncset.done $0x0  }
0x1a9: {  	s24 =	simm.s32 $0x2;
	[sflag:s5] =	ssyncadd.s32 $0xFFFFFF80  }
0x1aa: {  	[spmem:s4] =	stream.indirect.scatter.add.f32 [tilespmem:s9], [sflag:$0x9], $0x1, s6, s7, $0xb8;
	[tilespmem:$0x2100] =	vst v63  }
0x1ab: {  	_ =	swait.ge [sflag:s24], $0x80  }
0x1ac: {  	[sflag:s24] =	ssyncset.done $0x0  }
0x1ad: {  	s25 =	simm.s32 $0x3;
	[sflag:s24] =	ssyncadd.s32 $0xFFFFFF80  }
0x1ae: {  	[spmem:s4] =	stream.indirect.scatter.add.f32 [tilespmem:s10], [sflag:$0x9], $0x1, s7, s7, $0xb8;
	[tilespmem:$0x2100] =	vst v63  }
0x1af: {  	_ =	swait.ge [sflag:s25], $0x80  }
0x1b0: {  	[sflag:s25] =	ssyncset.done $0x0  }
0x1b1: {  	s26 =	simm.s32 $0x4;
	[sflag:s25] =	ssyncadd.s32 $0xFFFFFF80  }
0x1b2: {  	[spmem:s4] =	stream.indirect.scatter.add.f32 [tilespmem:s11], [sflag:$0x9], $0x1, s31, s7, $0xb8;
	[tilespmem:$0x2100] =	vst v63  }
0x1b3: {  	_ =	swait.ge [sflag:s26], $0x80  }
0x1b4: {  	[sflag:s26] =	ssyncset.done $0x0  }
0x1b5: {  	s28 =	simm.s32 $0x5;
	[sflag:s26] =	ssyncadd.s32 $0xFFFFFF80  }
0x1b6: {  	[spmem:s4] =	stream.indirect.scatter.add.f32 [tilespmem:s12], [sflag:$0x9], $0x1, s17, s7, $0xb8;
	[tilespmem:$0x2100] =	vst v63  }
0x1b7: {  	_ =	swait.ge [sflag:s28], $0x80  }
0x1b8: {  	[sflag:s28] =	ssyncset.done $0x0  }
0x1b9: {  	s29 =	simm.s32 $0x6;
	[sflag:s28] =	ssyncadd.s32 $0xFFFFFF80  }
0x1ba: {  	[spmem:s4] =	stream.indirect.scatter.add.f32 [tilespmem:s13], [sflag:$0x9], $0x1, s18, s7, $0xb8;
	[tilespmem:$0x2100] =	vst v63  }
0x1bb: {  	_ =	swait.ge [sflag:s29], $0x80  }
0x1bc: {  	[sflag:s29] =	ssyncset.done $0x0  }
0x1bd: {  	s30 =	simm.s32 $0x7;
	[sflag:s29] =	ssyncadd.s32 $0xFFFFFF80  }
0x1be: {  	[spmem:s4] =	stream.indirect.scatter.add.f32 [tilespmem:s14], [sflag:$0x9], $0x1, s19, s7, $0xb8;
	[tilespmem:$0x2100] =	vst v63  }
0x1bf: {  	_ =	swait.ge [sflag:s30], $0x80  }
0x1c0: {  	[sflag:s30] =	ssyncset.done $0x0  }
0x1c1: {  	s31 =	simm.s32 $0x8;
	[sflag:s30] =	ssyncadd.s32 $0xFFFFFF80  }
0x1c2: {  	[spmem:s4] =	stream.indirect.scatter.add.f32 [tilespmem:s15], [sflag:$0x9], $0x1, s20, s7, $0xb8;
	[tilespmem:$0x2100] =	vst v63  }
0x1c3: {  	_ =	swait.ge [sflag:s31], $0x80  }
0x1c4: {  	[sflag:s31] =	ssyncset.done $0x0  }
0x1c5: {  	s6 =	simm.s32 $0x9;
	[sflag:s31] =	ssyncadd.s32 $0xFFFFFF80  }
0x1c6: {  	[spmem:s4] =	stream.indirect.scatter.add.f32 [tilespmem:s8], [sflag:$0x9], $0x1, s21, s7, $0xb8;
	[tilespmem:$0x2100] =	vst v63  }
0x1c7: {  	_ =	swait.ge [sflag:s6], $0x80  }
0x1c8: {  	[sflag:s6] =	ssyncset.done $0x0  }
0x1c9: {  	[sflag:s6] =	ssyncadd.s32 $0xFFFFFF80  }
0x1ca: {  	_ =	swait.ge [sflag:s6], $0x80  }
0x1cb: {  	[sflag:s6] =	ssyncset.done $0x0  }
0x1cc: {  	[sflag:s6] =	ssyncadd.s32 $0xFFFFFF80  }
0x1cd: {  	_ =	swait.ge [sflag:s6], $0x80  }
0x1ce: {  	[sflag:s6] =	ssyncset.done $0x0  }
0x1cf: {  	[sflag:s6] =	ssyncadd.s32 $0xFFFFFF80  }
0x1d0: {  	_ =	swait.ge [sflag:s6], $0x80  }
0x1d1: {  	[sflag:s6] =	ssyncset.done $0x0  }
0x1d2: {  	[sflag:s6] =	ssyncadd.s32 $0xFFFFFF80  }
0x1d3: {  	_ =	swait.ge [sflag:s6], $0x80  }
0x1d4: {  	[sflag:s6] =	ssyncset.done $0x0  }
0x1d5: {  	[sflag:s6] =	ssyncadd.s32 $0xFFFFFF80  }
0x1d6: {  	_ =	swait.ge [sflag:s6], $0x80  }
0x1d7: {  	[sflag:s6] =	ssyncset.done $0x0  }
0x1d8: {  	[sflag:s6] =	ssyncadd.s32 $0xFFFFFF80  }
0x1d9: {  	_ =	swait.ge [sflag:s6], $0x80  }
0x1da: {  	[sflag:s6] =	ssyncset.done $0x0  }
0x1db: {  	[sflag:s6] =	ssyncadd.s32 $0xFFFFFF80  }
0x1dc: {  	_ =	swait.ge [sflag:s6], $0x80  }
0x1dd: {  	[sflag:s6] =	ssyncset.done $0x0  }
0x1de: {  	[sflag:s6] =	ssyncadd.s32 $0xFFFFFF80  }
0x1df: {  	_ =	swait.ge [sflag:s6], $0x80  }
0x1e0: {  	[sflag:s6] =	ssyncset.done $0x0  }
0x1e1: {  	[sflag:s6] =	ssyncadd.s32 $0xFFFFFF80  }
0x1e2: {  	_ =	swait.ge [sflag:s6], $0x80  }
0x1e3: {  	[sflag:s6] =	ssyncset.done $0x0  }
0x1e4: {  	[sflag:s6] =	ssyncadd.s32 $0xFFFFFF80  }
0x1e5: {  	_ =	swait.ge [sflag:s6], $0x80  }
0x1e6: {  	[sflag:s6] =	ssyncset.done $0x0  }
0x1e7: {  	[sflag:s6] =	ssyncadd.s32 $0xFFFFFF80  }
0x1e8: {  	_ =	swait.ge [sflag:s6], $0x80  }
0x1e9: {  	[sflag:s6] =	ssyncset.done $0x0  }
0x1ea: {  	[sflag:s6] =	ssyncadd.s32 $0xFFFFFF80  }
0x1eb: {  	_ =	swait.ge [sflag:s6], $0x80  }
0x1ec: {  	[sflag:s6] =	ssyncset.done $0x0  }
0x1ed: {  	[sflag:s6] =	ssyncadd.s32 $0xFFFFFF80  }
0x1ee: {  	_ =	swait.ge [sflag:s6], $0x80  }
0x1ef: {  	[sflag:s6] =	ssyncset.done $0x0  }
0x1f0: {  	[sflag:s6] =	ssyncadd.s32 $0xFFFFFF80  }
0x1f1: {  	_ =	swait.ge [sflag:s6], $0x80  }
0x1f2: {  	[sflag:s6] =	ssyncset.done $0x0  }
0x1f3: {  	[sflag:s6] =	ssyncadd.s32 $0xFFFFFF80  }
0x1f4: {  	_ =	swait.ge [sflag:s6], $0x80  }
0x1f5: {  	[sflag:s6] =	ssyncset.done $0x0  }
0x1f6: {  	[sflag:s6] =	ssyncadd.s32 $0xFFFFFF80  }
0x1f7: {  	[bflag:$0x0] =	sbarrier.arrive $0xFFFF  }
0x1f8: {  	_ =	sfence.sel @p0 $0x180000  }
0x1f9: {  	[bflag:$0x0] =	sbarrier.arrive @p0 $0xFFFF  }
0x1fa: {  	_ =	strace @p0 $0x90000047  }
0x1fb: {  	[bflag:$0x2] =	sbarrier.arrive @p0 $0xFFFF  }
0x1fc: {  	_ =	shalt @p0  }
.LBB2_3:
0x1fd: {  	s7 =	simm.s32 $0x1400  }
0x1fe: {  	[tilespmem:s7], [sflag:$0x1] =	stream.linear.gather [spmem:s3], $0x400, $0x38;
	[tilespmem:$0x2100] =	vst v63  }
0x1ff: {  	s28 =	simm.s32 $0x1800  }
0x200: {  	[tilespmem:s28], [sflag:$0x9] =	stream.linear.gather [spmem:s4], $0x400, $0x38;
	[tilespmem:$0x2100] =	vst v63  }
0x201: {  	_ =	swait.ge [sflag:s5], $0x400  }
0x202: {  	[sflag:s5] =	ssyncset.done $0x0  }
0x203: {  	[sflag:s5] =	ssyncadd.s32 $0xFFFFFC00  }
0x204: {  	_ =	swait.ge [sflag:s6], $0x400  }
0x205: {  	[sflag:s6] =	ssyncset.done $0x0  }
0x206: {  	[sflag:s6] =	ssyncadd.s32 $0xFFFFFC00  }
0x207: {  	v2 =	vld [tilespmem:$0x1400]  }
0x208: {  	v3 =	vld [tilespmem:$0x1800]  }
0x209: {  	v0 =	vld [tilespmem:$0x1C00]  }
0x20a: {  	v5 =	vld [tilespmem:$0x1410]  }
0x20b: {  	v7 =	vld [tilespmem:$0x1810]  }
0x20c: {  	v9 =	vld [tilespmem:$0x1C10]  }
0x20d: {  	v10 =	vld [tilespmem:$0x1420]  }
0x20e: {  	v13 =	vld [tilespmem:$0x1820]  }
0x20f: {  	v15 =	vld [tilespmem:$0x1C20]  }
0x210: {  	v20 =	vld [tilespmem:$0x1430]  }
0x211: {  	v21 =	vld [tilespmem:$0x1830]  }
0x212: {  	v25 =	vld [tilespmem:$0x1C30]  }
0x213: {  	v26 =	vld [tilespmem:$0x1440]  }
0x214: {  	v27 =	vld [tilespmem:$0x1840]  }
0x215: {  	v30 =	vld [tilespmem:$0x1C40]  }
0x216: {  	v32 =	vld [tilespmem:$0x1450]  }
0x217: {  	v33 =	vld [tilespmem:$0x1850]  }
0x218: {  	v36 =	vld [tilespmem:$0x1C50]  }
0x219: {  	v37 =	vld [tilespmem:$0x1460]  }
0x21a: {  	v39 =	vld [tilespmem:$0x1860]  }
0x21b: {  	v40 =	vld [tilespmem:$0x1C60]  }
0x21c: {  	v43 =	vld [tilespmem:$0x1470]  }
0x21d: {  	v44 =	vld [tilespmem:$0x1870]  }
0x21e: {  	v46 =	vld [tilespmem:$0x1C70]  }
0x21f: {  	v49 =	vld [tilespmem:$0x1480]  }
0x220: {  	v51 =	vld [tilespmem:$0x1880]  }
0x221: {  	v52 =	vld [tilespmem:$0x1C80]  }
0x222: {  	v53 =	vld [tilespmem:$0x1490]  }
0x223: {  	v54 =	vld [tilespmem:$0x1890]  }
0x224: {  	v55 =	vld [tilespmem:$0x1C90]  }
0x225: {  	v56 =	vld [tilespmem:$0x14A0]  }
0x226: {  	v57 =	vld [tilespmem:$0x18A0]  }
0x227: {  	v58 =	vld [tilespmem:$0x1CA0]  }
0x228: {  	v59 =	vld [tilespmem:$0x14B0]  }
0x229: {  	v60 =	vld [tilespmem:$0x18B0]  }
0x22a: {  	v61 =	vld [tilespmem:$0x1CB0]  }
0x22b: {  	v62 =	vld [tilespmem:$0x14C0]  }
0x22c: {  	v63 =	vld [tilespmem:$0x18C0]  }
0x22d: {  	v14 =	vld [tilespmem:$0x1CC0]  }
0x22e: {  	v4 =	vld [tilespmem:$0x14D0]  }
0x22f: {  	v19 =	vld [tilespmem:$0x18D0]  }
0x230: {  	v17 =	vld [tilespmem:$0x1CD0]  }
0x231: {  	v47 =	vld [tilespmem:$0x14E0]  }
0x232: {  	v24 =	vld [tilespmem:$0x18E0]  }
0x233: {  	v18 =	vld [tilespmem:$0x1CE0]  }
0x234: {  	v41 =	vld [tilespmem:$0x14F0]  }
0x235: {  	v50 =	vld [tilespmem:$0x18F0]  }
0x236: {  	v23 =	vld [tilespmem:$0x1CF0]  }
0x237: {  	v34 =	vld [tilespmem:$0x1500]  }
0x238: {  	v45 =	vld [tilespmem:$0x1900]  }
0x239: {  	v29 =	vld [tilespmem:$0x1D00]  }
0x23a: {  	v28 =	vld [tilespmem:$0x1510]  }
0x23b: {  	v38 =	vld [tilespmem:$0x1910]  }
0x23c: {  	v48 =	vld [tilespmem:$0x1D10]  }
0x23d: {  	v22 =	vld [tilespmem:$0x1520]  }
0x23e: {  	v31 =	vld [tilespmem:$0x1920]  }
0x23f: {  	v42 =	vld [tilespmem:$0x1D20]  }
0x240: {  	v16 =	vld [tilespmem:$0x1530]  }
0x241: {  	v1 =	vld [tilespmem:$0x1930]  }
0x242: {  	v6 =	vld [tilespmem:$0x1940]  }
0x243: {  	v8 =	vld [tilespmem:$0x1D40]  }
0x244: {  	v12 =	vld [tilespmem:$0x1950]  }
0x245: {  	v35 =	vld [tilespmem:$0x1D30]  }
0x246: {  	v11 =	vld [tilespmem:$0x1540]  }
0x247: {  	[tilespmem:$0x1FEF0] =	vst v6;
	v6 =	vld [tilespmem:$0x1550]  }
0x248: {  	[tilespmem:$0x1FEE0] =	vst v8;
	v8 =	vld [tilespmem:$0x1D50]  }
0x249: {  	[tilespmem:$0x1FF10] =	vst v12;
	v12 =	vld [tilespmem:$0x1960];
	v0 =	vadd.f32 v0, v2  }
0x24a: {  	[tilespmem:$0x1FED0] =	vst v1;
	v1 =	vld [tilespmem:$0x1970];
	v15 =	vadd.f32 v15, v10  }
0x24b: {  	v17 =	vadd.f32 v17, v4;
	v3 =	vmul.f32 v0, v3;
	v2 =	vmul.f32 v0, v2;
	v0 =	vld [tilespmem:$0x1580]  }
0x24c: {  	v13 =	vmul.f32 v15, v13;
	v10 =	vmul.f32 v15, v10;
	v15 =	vld [tilespmem:$0x1990]  }
0x24d: {  	v19 =	vmul.f32 v17, v19;
	v4 =	vmul.f32 v17, v4;
	v17 =	vld [tilespmem:$0x1E00];
	[tilespmem:$0x1FF00] =	vst v8  }
0x24e: {  	v8 =	vld [tilespmem:$0x1560];
	[tilespmem:$0x1FF30] =	vst v12  }
0x24f: {  	v12 =	vld [tilespmem:$0x1D60];
	[tilespmem:$0x1FF50] =	vst v1;
	v1 =	vadd.f32 v9, v5  }
0x250: {  	v9 =	vld [tilespmem:$0x1D70]  }
0x251: {  	v3 =	vadd.f32 $0.0e+00, v3;
	v7 =	vmul.f32 v1, v7;
	v5 =	vmul.f32 v1, v5;
	v1 =	vld [tilespmem:$0x1D80]  }
0x252: {  	v2 =	vadd.f32 $0.0e+00, v2;
	[tilespmem:$0x1FF70] =	vst v15;
	v15 =	vld [tilespmem:$0x19A0]  }
0x253: {  	v7 =	vadd.f32 v7, v3;
	v3 =	vld [tilespmem:$0x1590]  }
0x254: {  	v5 =	vadd.f32 v5, v2;
	v2 =	vld [tilespmem:$0x1D90]  }
0x255: {  	v25 =	vadd.f32 v25, v20;
	[tilespmem:$0x1FF20] =	vst v12;
	v12 =	vld [tilespmem:$0x1570]  }
0x256: {  	v30 =	vadd.f32 v30, v26;
	[tilespmem:$0x1FF40] =	vst v9;
	v9 =	vld [tilespmem:$0x1980]  }
0x257: {  	v20 =	vmul.f32 v25, v20;
	v10 =	vadd.f32 v10, v5;
	v5 =	vld [tilespmem:$0x15A0]  }
0x258: {  	v7 =	vadd.f32 v13, v7;
	v13 =	vmul.f32 v25, v21;
	v21 =	vmul.f32 v30, v26;
	v26 =	vld [tilespmem:$0x15E0]  }
0x259: {  	v20 =	vadd.f32 v20, v10;
	v10 =	vld [tilespmem:$0x15B0]  }
0x25a: {  	v25 =	vadd.f32 v36, v32;
	v7 =	vadd.f32 v13, v7;
	v13 =	vld [tilespmem:$0x15C0]  }
0x25b: {  	v40 =	vadd.f32 v40, v37;
	[tilespmem:$0x1FF60] =	vst v9;
	v9 =	vmul.f32 v30, v27;
	v30 =	vld [tilespmem:$0x1DA0]  }
0x25c: {  	v36 =	vmul.f32 v25, v33;
	v25 =	vmul.f32 v25, v32;
	v21 =	vadd.f32 v21, v20;
	v20 =	vld [tilespmem:$0x19B0]  }
0x25d: {  	v27 =	vmul.f32 v40, v39;
	v39 =	vld [tilespmem:$0x19E0];
	v7 =	vadd.f32 v9, v7  }
0x25e: {  	v40 =	vmul.f32 v40, v37;
	v37 =	vld [tilespmem:$0x1600];
	v21 =	vadd.f32 v25, v21  }
0x25f: {  	v9 =	vadd.f32 v46, v43;
	v7 =	vadd.f32 v36, v7;
	v36 =	vld [tilespmem:$0x1DB0]  }
0x260: {  	v46 =	vadd.f32 v52, v49;
	v25 =	vadd.f32 v40, v21;
	v40 =	vld [tilespmem:$0x1DC0]  }
0x261: {  	v52 =	vadd.f32 v55, v53;
	v21 =	vld [tilespmem:$0x15D0]  }
0x262: {  	v18 =	vadd.f32 v18, v47;
	v51 =	vmul.f32 v46, v51;
	v33 =	vmul.f32 v46, v49;
	v46 =	vld [tilespmem:$0x1DD0]  }
0x263: {  	v55 =	vadd.f32 v58, v56;
	v54 =	vmul.f32 v52, v54;
	v58 =	vmul.f32 v52, v53;
	v52 =	vld [tilespmem:$0x1DF0]  }
0x264: {  	v44 =	vmul.f32 v9, v44;
	v32 =	vmul.f32 v9, v43;
	v49 =	vld [tilespmem:$0x1A00]  }
0x265: {  	v14 =	vadd.f32 v14, v62;
	v9 =	vmul.f32 v55, v57;
	v57 =	vmul.f32 v18, v24;
	v24 =	vld [tilespmem:$0x1E20]  }
0x266: {  	v43 =	vmul.f32 v55, v56;
	v53 =	vadd.f32 v35, v16;
	v35 =	vld [tilespmem:$0x1A40];
	v7 =	vadd.f32 v27, v7  }
0x267: {  	v56 =	vmul.f32 v14, v63;
	v63 =	vadd.f32 v48, v28;
	v27 =	vld [tilespmem:$0x19C0];
	v25 =	vadd.f32 v32, v25  }
0x268: {  	v32 =	vld [tilespmem:$0x19D0];
	v7 =	vadd.f32 v44, v7  }
0x269: {  	v48 =	vmul.f32 v63, v28;
	v28 =	vld [tilespmem:$0x1A60];
	v25 =	vadd.f32 v33, v25  }
0x26a: {  	v33 =	vld [tilespmem:$0x15F0];
	v7 =	vadd.f32 v51, v7  }
0x26b: {  	v25 =	vadd.f32 v58, v25;
	v51 =	vld [tilespmem:$0x1DE0]  }
0x26c: {  	v58 =	vmul.f32 v18, v47;
	v18 =	vld [tilespmem:$0x1A10];
	v7 =	vadd.f32 v54, v7;
	v54 =	vadd.f32 v61, v59  }
0x26d: {  	v23 =	vadd.f32 v23, v41;
	v47 =	vadd.f32 v42, v22;
	v42 =	vld [tilespmem:$0x1650]  }
0x26e: {  	v25 =	vadd.f32 v43, v25;
	v43 =	vld [tilespmem:$0x19F0];
	v7 =	vadd.f32 v9, v7;
	v55 =	vmul.f32 v54, v60  }
0x26f: {  	v61 =	vmul.f32 v23, v41;
	v41 =	vld [tilespmem:$0x1620];
	v44 =	vmul.f32 v54, v59  }
0x270: {  	v60 =	vadd.f32 v29, v34;
	v29 =	vld [tilespmem:$0x1A20];
	v7 =	vadd.f32 v55, v7  }
0x271: {  	v14 =	vmul.f32 v14, v62;
	v59 =	vmul.f32 v23, v50;
	v23 =	vld [tilespmem:$0x1A30];
	v25 =	vadd.f32 v44, v25  }
0x272: {  	v50 =	vmul.f32 v47, v31;
	v31 =	vld [tilespmem:$0x1E30];
	v7 =	vadd.f32 v56, v7  }
0x273: {  	v54 =	vmul.f32 v47, v22;
	v22 =	vld [tilespmem:$0x1640];
	v14 =	vadd.f32 v14, v25  }
0x274: {  	v47 =	vld [tilespmem:$0x1FF10];
	v7 =	vadd.f32 v19, v7  }
0x275: {  	v44 =	vld [tilespmem:$0x1610];
	v4 =	vadd.f32 v4, v14  }
0x276: {  	v62 =	vmul.f32 v60, v45;
	v45 =	vmul.f32 v63, v38;
	v38 =	vld [tilespmem:$0x1630];
	v7 =	vadd.f32 v57, v7  }
0x277: {  	v55 =	vld [tilespmem:$0x1FED0];
	v4 =	vadd.f32 v58, v4  }
0x278: {  	v9 =	vmul.f32 v60, v34;
	v60 =	vld [tilespmem:$0x1FEF0];
	v7 =	vadd.f32 v59, v7  }
0x279: {  	v34 =	vld [tilespmem:$0x1670];
	v4 =	vadd.f32 v61, v4  }
0x27a: {  	v57 =	vld [tilespmem:$0x1FEE0];
	v7 =	vadd.f32 v62, v7  }
0x27b: {  	v25 =	vld [tilespmem:$0x1E10];
	v4 =	vadd.f32 v9, v4  }
0x27c: {  	v62 =	vld [tilespmem:$0x1FF00];
	v7 =	vadd.f32 v45, v7  }
0x27d: {  	v14 =	vld [tilespmem:$0x1A50];
	v4 =	vadd.f32 v48, v4  }
0x27e: {  	v56 =	vmul.f32 v53, v55;
	v7 =	vadd.f32 v50, v7;
	v50 =	vld [tilespmem:$0x1FF20]  }
0x27f: {  	v58 =	vadd.f32 v57, v11;
	v4 =	vadd.f32 v54, v4;
	v54 =	vld [tilespmem:$0x1FF30]  }
0x280: {  	v59 =	vmul.f32 v53, v16;
	v7 =	vadd.f32 v56, v7;
	v56 =	vld [tilespmem:$0x1FF40]  }
0x281: {  	v16 =	vld [tilespmem:$0x1E40];
	v61 =	vmul.f32 v58, v60;
	v63 =	vadd.f32 v62, v6  }
0x282: {  	v11 =	vmul.f32 v58, v11;
	v58 =	vld [tilespmem:$0x1FF50];
	v4 =	vadd.f32 v59, v4  }
0x283: {  	v45 =	vld [tilespmem:$0x1E50];
	v48 =	vmul.f32 v63, v47;
	v7 =	vadd.f32 v61, v7;
	v53 =	vadd.f32 v50, v8  }
0x284: {  	v1 =	vadd.f32 v1, v0;
	v60 =	vld [tilespmem:$0x1FF60];
	v6 =	vmul.f32 v63, v6;
	v4 =	vadd.f32 v11, v4  }
0x285: {  	v62 =	vld [tilespmem:$0x1FF70];
	v7 =	vadd.f32 v48, v7;
	v55 =	vmul.f32 v53, v54;
	v9 =	vadd.f32 v56, v12  }
0x286: {  	v63 =	vadd.f32 v30, v5;
	v30 =	vld [tilespmem:$0x1A80];
	v4 =	vadd.f32 v6, v4;
	v57 =	vmul.f32 v53, v8  }
0x287: {  	v2 =	vadd.f32 v2, v3;
	v11 =	vld [tilespmem:$0x1660];
	v7 =	vadd.f32 v55, v7;
	v19 =	vmul.f32 v9, v58  }
0x288: {  	v50 =	vadd.f32 v36, v10;
	v36 =	vld [tilespmem:$0x1EB0];
	v4 =	vadd.f32 v57, v4;
	v59 =	vmul.f32 v9, v12  }
0x289: {  	v48 =	vmul.f32 v63, v15;
	v15 =	vld [tilespmem:$0x1690];
	v12 =	vmul.f32 v1, v60;
	v7 =	vadd.f32 v19, v7  }
0x28a: {  	v0 =	vmul.f32 v1, v0;
	v6 =	vld [tilespmem:$0x1730];
	v4 =	vadd.f32 v59, v4  }
0x28b: {  	v17 =	vadd.f32 v17, v37;
	v8 =	vld [tilespmem:$0x1E60];
	v61 =	vadd.f32 v12, v7;
	v7 =	vmul.f32 v2, v62  }
0x28c: {  	v53 =	vmul.f32 v63, v5;
	v5 =	vld [tilespmem:$0x1A90];
	v0 =	vadd.f32 v0, v4;
	v2 =	vmul.f32 v2, v3  }
0x28d: {  	v54 =	vmul.f32 v50, v20;
	v20 =	vld [tilespmem:$0x1E90];
	v47 =	vadd.f32 v7, v61  }
0x28e: {  	v49 =	vmul.f32 v17, v49;
	v56 =	vmul.f32 v50, v10;
	v10 =	vld [tilespmem:$0x1AB0];
	v0 =	vadd.f32 v2, v0  }
0x28f: {  	v50 =	vmul.f32 v17, v37;
	v17 =	vld [tilespmem:$0x1AD0];
	v55 =	vadd.f32 v40, v13;
	v4 =	vadd.f32 v48, v47  }
0x290: {  	v37 =	vld [tilespmem:$0x1EF0];
	v58 =	vadd.f32 v46, v21;
	v0 =	vadd.f32 v53, v0  }
0x291: {  	v9 =	vld [tilespmem:$0x1A70];
	v40 =	vadd.f32 v52, v33;
	v57 =	vmul.f32 v55, v27;
	v4 =	vadd.f32 v54, v4  }
0x292: {  	v1 =	vld [tilespmem:$0x1680];
	v52 =	vadd.f32 v24, v41;
	v59 =	vmul.f32 v55, v13;
	v0 =	vadd.f32 v56, v0  }
0x293: {  	v24 =	vld [tilespmem:$0x1ED0];
	v60 =	vmul.f32 v58, v32;
	v61 =	vadd.f32 v51, v26;
	v4 =	vadd.f32 v57, v4  }
0x294: {  	v19 =	vld [tilespmem:$0x1E70];
	v62 =	vmul.f32 v58, v21;
	v0 =	vadd.f32 v59, v0  }
0x295: {  	v27 =	vld [tilespmem:$0x1AA0];
	v63 =	vmul.f32 v61, v39;
	v4 =	vadd.f32 v60, v4  }
0x296: {  	v32 =	vld [tilespmem:$0x16B0];
	v46 =	vmul.f32 v61, v26;
	v0 =	vadd.f32 v62, v0  }
0x297: {  	v13 =	vld [tilespmem:$0x16C0];
	v47 =	vmul.f32 v40, v43;
	v4 =	vadd.f32 v63, v4  }
0x298: {  	v55 =	vadd.f32 v31, v38;
	v31 =	vld [tilespmem:$0x1AE0];
	v48 =	vmul.f32 v40, v33;
	v0 =	vadd.f32 v46, v0  }
0x299: {  	v25 =	vadd.f32 v25, v44;
	v3 =	vld [tilespmem:$0x1E80];
	v4 =	vadd.f32 v47, v4  }
0x29a: {  	v8 =	vadd.f32 v8, v11;
	v12 =	vld [tilespmem:$0x1EA0];
	v0 =	vadd.f32 v48, v0  }
0x29b: {  	v21 =	vld [tilespmem:$0x1EC0];
	v58 =	vmul.f32 v55, v38;
	v51 =	vmul.f32 v25, v18;
	v4 =	vadd.f32 v49, v4  }
0x29c: {  	v38 =	vmul.f32 v8, v11;
	v11 =	vld [tilespmem:$0x1720];
	v53 =	vmul.f32 v25, v44;
	v0 =	vadd.f32 v50, v0  }
0x29d: {  	v7 =	vld [tilespmem:$0x16A0];
	v54 =	vmul.f32 v52, v29;
	v4 =	vadd.f32 v51, v4  }
0x29e: {  	v18 =	vld [tilespmem:$0x1EE0];
	v56 =	vmul.f32 v52, v41;
	v0 =	vadd.f32 v53, v0  }
0x29f: {  	v16 =	vadd.f32 v16, v22;
	v26 =	vld [tilespmem:$0x1AC0];
	v57 =	vmul.f32 v55, v23;
	v4 =	vadd.f32 v54, v4  }
0x2a0: {  	v33 =	vld [tilespmem:$0x16D0];
	v0 =	vadd.f32 v56, v0  }
0x2a1: {  	v25 =	vld [tilespmem:$0x16E0];
	v59 =	vmul.f32 v16, v35;
	v60 =	vadd.f32 v45, v42;
	v4 =	vadd.f32 v57, v4  }
0x2a2: {  	v61 =	vmul.f32 v16, v22;
	v22 =	vld [tilespmem:$0x1F00];
	v0 =	vadd.f32 v58, v0  }
0x2a3: {  	v19 =	vadd.f32 v19, v34;
	v40 =	vld [tilespmem:$0x1F10];
	v62 =	vmul.f32 v60, v14;
	v4 =	vadd.f32 v59, v4  }
0x2a4: {  	v43 =	vadd.f32 v20, v15;
	v20 =	vld [tilespmem:$0x1B20];
	v63 =	vmul.f32 v60, v42;
	v0 =	vadd.f32 v61, v0  }
0x2a5: {  	v44 =	vld [tilespmem:$0x1F20];
	v35 =	vmul.f32 v8, v28;
	v4 =	vadd.f32 v62, v4  }
0x2a6: {  	v39 =	vmul.f32 v19, v9;
	v29 =	vld [tilespmem:$0x1AF0];
	v0 =	vadd.f32 v63, v0  }
0x2a7: {  	v3 =	vadd.f32 v3, v1;
	v41 =	vmul.f32 v19, v34;
	v34 =	vld [tilespmem:$0x1F60];
	v4 =	vadd.f32 v35, v4  }
0x2a8: {  	v23 =	vld [tilespmem:$0x16F0];
	v0 =	vadd.f32 v38, v0  }
0x2a9: {  	v28 =	vld [tilespmem:$0x1710];
	v42 =	vmul.f32 v3, v30;
	v4 =	vadd.f32 v39, v4  }
0x2aa: {  	v1 =	vmul.f32 v3, v1;
	v16 =	vld [tilespmem:$0x1700];
	v0 =	vadd.f32 v41, v0  }
0x2ab: {  	v8 =	vld [tilespmem:$0x1B10];
	v46 =	vmul.f32 v43, v5;
	v47 =	vadd.f32 v12, v7;
	v45 =	vadd.f32 v42, v4  }
0x2ac: {  	v2 =	vadd.f32 v44, v11;
	v44 =	vld [tilespmem:$0x1B80];
	v48 =	vmul.f32 v43, v15;
	v0 =	vadd.f32 v1, v0  }
0x2ad: {  	v14 =	vld [tilespmem:$0x1B00];
	v49 =	vmul.f32 v47, v27;
	v50 =	vadd.f32 v36, v32;
	v3 =	vadd.f32 v46, v45  }
0x2ae: {  	v5 =	vld [tilespmem:$0x1740];
	v9 =	vadd.f32 v40, v28;
	v52 =	vmul.f32 v47, v7;
	v0 =	vadd.f32 v48, v0  }
0x2af: {  	v40 =	vld [tilespmem:$0x1F70];
	v53 =	vmul.f32 v50, v10;
	v54 =	vadd.f32 v21, v13;
	v3 =	vadd.f32 v49, v3  }
0x2b0: {  	v12 =	vld [tilespmem:$0x1B30];
	v55 =	vmul.f32 v50, v32;
	v0 =	vadd.f32 v52, v0  }
0x2b1: {  	v7 =	vld [tilespmem:$0x1B50];
	v57 =	vmul.f32 v54, v26;
	v58 =	vadd.f32 v24, v33;
	v3 =	vadd.f32 v53, v3  }
0x2b2: {  	v36 =	vld [tilespmem:$0x1770];
	v59 =	vmul.f32 v54, v13;
	v0 =	vadd.f32 v55, v0  }
0x2b3: {  	v27 =	vld [tilespmem:$0x1FB0];
	v60 =	vmul.f32 v58, v17;
	v61 =	vadd.f32 v18, v25;
	v3 =	vadd.f32 v57, v3  }
0x2b4: {  	v51 =	vld [tilespmem:$0x1F30];
	v63 =	vmul.f32 v58, v33;
	v0 =	vadd.f32 v59, v0  }
0x2b5: {  	v10 =	vld [tilespmem:$0x1B40];
	v30 =	vmul.f32 v61, v31;
	v31 =	vadd.f32 v37, v23;
	v3 =	vadd.f32 v60, v3  }
0x2b6: {  	v32 =	vld [tilespmem:$0x1B60];
	v33 =	vmul.f32 v61, v25;
	v0 =	vadd.f32 v63, v0  }
0x2b7: {  	v22 =	vadd.f32 v22, v16;
	v50 =	vld [tilespmem:$0x1B90];
	v35 =	vmul.f32 v31, v29;
	v3 =	vadd.f32 v30, v3  }
0x2b8: {  	v56 =	vld [tilespmem:$0x1F40];
	v37 =	vmul.f32 v31, v23;
	v0 =	vadd.f32 v33, v0  }
0x2b9: {  	v24 =	vld [tilespmem:$0x1750];
	v39 =	vmul.f32 v22, v14;
	v3 =	vadd.f32 v35, v3  }
0x2ba: {  	v26 =	vadd.f32 v40, v36;
	v40 =	vld [tilespmem:$0x1FD0];
	v41 =	vmul.f32 v22, v16;
	v0 =	vadd.f32 v37, v0  }
0x2bb: {  	v43 =	vmul.f32 v9, v8;
	v18 =	vld [tilespmem:$0x1760];
	v3 =	vadd.f32 v39, v3  }
0x2bc: {  	v62 =	vld [tilespmem:$0x1F50];
	v45 =	vmul.f32 v9, v28;
	v0 =	vadd.f32 v41, v0  }
0x2bd: {  	v47 =	vmul.f32 v2, v20;
	v19 =	vadd.f32 v51, v6;
	v58 =	vld [tilespmem:$0x1BA0];
	v3 =	vadd.f32 v43, v3  }
0x2be: {  	v38 =	vld [tilespmem:$0x1B70];
	v49 =	vmul.f32 v2, v11;
	v0 =	vadd.f32 v45, v0  }
0x2bf: {  	v51 =	vmul.f32 v19, v12;
	v23 =	vld [tilespmem:$0x1BB0];
	v52 =	vadd.f32 v56, v5;
	v3 =	vadd.f32 v47, v3  }
0x2c0: {  	v54 =	vmul.f32 v19, v6;
	v29 =	vld [tilespmem:$0x17C0];
	v0 =	vadd.f32 v49, v0  }
0x2c1: {  	v42 =	vld [tilespmem:$0x1780];
	v56 =	vmul.f32 v52, v10;
	v57 =	vadd.f32 v62, v24;
	v3 =	vadd.f32 v51, v3  }
0x2c2: {  	v46 =	vld [tilespmem:$0x1F80];
	v59 =	vmul.f32 v52, v5;
	v0 =	vadd.f32 v54, v0  }
0x2c3: {  	v48 =	vld [tilespmem:$0x1790];
	v62 =	vadd.f32 v34, v18;
	v61 =	vmul.f32 v57, v7;
	v3 =	vadd.f32 v56, v3  }
0x2c4: {  	v53 =	vld [tilespmem:$0x1F90];
	v22 =	vmul.f32 v57, v24;
	v0 =	vadd.f32 v59, v0  }
0x2c5: {  	v55 =	vld [tilespmem:$0x17A0];
	v24 =	vmul.f32 v62, v32;
	v3 =	vadd.f32 v61, v3  }
0x2c6: {  	v60 =	vld [tilespmem:$0x1FA0];
	v28 =	vmul.f32 v62, v18;
	v0 =	vadd.f32 v22, v0  }
0x2c7: {  	v31 =	vld [tilespmem:$0x1BC0];
	v9 =	vadd.f32 v46, v42;
	v30 =	vmul.f32 v26, v38;
	v3 =	vadd.f32 v24, v3  }
0x2c8: {  	v63 =	vld [tilespmem:$0x17B0];
	v32 =	vmul.f32 v26, v36;
	v0 =	vadd.f32 v28, v0  }
0x2c9: {  	v46 =	vld [tilespmem:$0x1FE0];
	v34 =	vmul.f32 v9, v44;
	v35 =	vadd.f32 v53, v48;
	v3 =	vadd.f32 v30, v3  }
0x2ca: {  	v33 =	vld [tilespmem:$0x1FC0];
	v37 =	vmul.f32 v9, v42;
	v0 =	vadd.f32 v32, v0  }
0x2cb: {  	v44 =	vld [tilespmem:$0x1BE0];
	v2 =	vmul.f32 v35, v50;
	v39 =	vadd.f32 v60, v55;
	v3 =	vadd.f32 v34, v3  }
0x2cc: {  	v36 =	vld [tilespmem:$0x17D0];
	v41 =	vmul.f32 v35, v48;
	v0 =	vadd.f32 v37, v0  }
0x2cd: {  	v38 =	vld [tilespmem:$0x1BD0];
	v14 =	vadd.f32 v27, v63;
	v43 =	vmul.f32 v39, v58;
	v2 =	vadd.f32 v2, v3  }
0x2ce: {  	v42 =	vld [tilespmem:$0x17E0];
	v45 =	vmul.f32 v39, v55;
	v0 =	vadd.f32 v41, v0  }
0x2cf: {  	v48 =	vadd.f32 v33, v29;
	v47 =	vmul.f32 v14, v23;
	v49 =	vld [tilespmem:$0x17F0];
	v2 =	vadd.f32 v43, v2  }
0x2d0: {  	v50 =	vmul.f32 v14, v63;
	v51 =	vld [tilespmem:$0x1FF0];
	v0 =	vadd.f32 v45, v0  }
0x2d1: {  	v5 =	vadd.f32 v40, v36;
	v52 =	vmul.f32 v48, v31;
	v2 =	vadd.f32 v47, v2  }
0x2d2: {  	v53 =	vmul.f32 v48, v29;
	v54 =	vld [tilespmem:$0x1BF0];
	v0 =	vadd.f32 v50, v0  }
0x2d3: {  	v55 =	vmul.f32 v5, v38;
	v4 =	vadd.f32 v46, v42;
	v2 =	vadd.f32 v52, v2  }
0x2d4: {  	v56 =	vmul.f32 v5, v36;
	v0 =	vadd.f32 v53, v0  }
0x2d5: {  	v57 =	vmul.f32 v4, v44;
	v58 =	vadd.f32 v51, v49;
	v2 =	vadd.f32 v55, v2  }
0x2d6: {  	v59 =	vmul.f32 v4, v42;
	v0 =	vadd.f32 v56, v0  }
0x2d7: {  	v60 =	vmul.f32 v58, v54;
	v2 =	vadd.f32 v57, v2  }
0x2d8: {  	v61 =	vmul.f32 v58, v49;
	v0 =	vadd.f32 v59, v0  }
0x2d9: {  	v2 =	vadd.f32 v60, v2  }
0x2da: {  	v0 =	vadd.f32 v61, v0  }
0x2db: {  	(xrf2) =	vadd.scan.msk.f32 $0xffff, v2  }
0x2dc: {  	(xrf2) =	vadd.scan.msk.f32 $0xffff, v0;
	_ =	sdelay $0x8  }
0x2dd: {  	v62, _, _ =	vpop (xrf2)  }
0x2de: {  	v63, _, _ =	vpop (xrf2)  }
0x2df: {  	v1 =	vbroadcast v63, $0xF;
	_ =	sdelay $0x1  }
0x2e0: {  	(erf) = vrcp.f32 v1;
	_ =	sdelay $0x7  }
0x2e1: {  	v0 =	vbroadcast v62, $0xF  }
0x2e2: {  	v1 =	vpop (erf)  }
0x2e3: {  	v0 =	vmul.f32 v1, v0;
	_ =	sdelay $0x1  }
0x2e4: {  	v0 =	vsub.f32 $0.0e+00, v0;
	_ =	sdelay $0x1  }
0x2e5: {  	s29 =	simm.s32 $0x0;
	s30 =	simm.s32 $0x2000;
	[tilespmem:$0x2000] =	vst v0  }
0x2e6: {  	[hbm4b:s0+s29] =	stream.linear.scatter [tilespmem:s30], [sflag:$0xA], $0x80, $0x38;
	[tilespmem:$0x2100] =	vst v63  }
0x2e7: {  	_ =	swait.ge [sflag:s2], $0x80  }
0x2e8: {  	[sflag:s2] =	ssyncset.done $0x0  }
0x2e9: {  	[sflag:s2] =	ssyncadd.s32 $0xFFFFFF80  }
0x2ea: {  	_ =	sfence.sel $0x180000  }
0x2eb: {  	[bflag:$0x0] =	sbarrier.arrive $0xFFFF  }
0x2ec: {  	_ =	strace $0x90000047  }
0x2ed: {  	s31 =	sadd.s32 $0x100000, s1;
	[bflag:$0x2] =	sbarrier.arrive $0xFFFF  }
0x2ee: {  	[sflag:s31] =	ssyncadd.tile.s32 $0x1;
	_ =	shalt  }
.Lfunc_end2:
_tile_overlayer_lowered:
.L_overlay_start_2:
0x2ef: {  	(tag) =	ssettag $0x2  }
0x2f0: {  	s0 =	rddreg [dreg:$0x0];
	s2 =	stileid.u32  }
0x2f1: {  	s1 =	rddreg [dreg:$0x1];
	p0 =	sne.s32 s2, $0x0  }
0x2f2: {  	s3 =	rddreg [dreg:$0x2];
	[bflag:$0x3] =	sbarrier.arrive $0xFFFF;
	s2 =	simm.s32 @!p0 $0x1C0A  }
0x2f3: {  	[timem:s3], [sflag:s2] =	dma.local @!p0 [hbm:s0], s1  }
0x2f4: {  	s0 =	simm.s32 @!p0 $0xA  }
0x2f5: {  	_ =	swait.ge @!p0 [sflag:s0], s1  }
0x2f6: {  	s1 =	ssub.s32 @!p0 $0x0, s1;
	[sflag:s0] =	ssyncset.done @!p0 $0x0  }
0x2f7: {  	[sflag:s0] =	ssyncadd.s32 @!p0 s1  }
0x2f8: {  	[bflag:$0x3] =	sbarrier.arrive $0xFFFF  }
0x2f9: {  	_ =	shalt  }

</sc_bundles>
